<compile_context>
chip_gen: v7x
topology: tpu7x:2x2x1
jax: 0.10.2.dev20260603
libtpu: 0.0.44.dev20260713+nightly
codegen_flags: <defaults>
</compile_context>

<pallas_src>
import functools

import jax
import jax.numpy as jnp
from jax import lax
from jax.experimental import pallas as pl
from jax.experimental.pallas import tpu as pltpu
from jax.experimental.pallas import tpu_sc as plsc

_NC = 2
_NS = 16
_NW = _NC * _NS
_IPG = 128
_CHUNK = 256
_HALF = _CHUNK // 2
_PBLK = 1024
_BBLK = 16384


@functools.lru_cache(maxsize=None)
def _make_gather(n_rows: int, n_pairs: int, d: int):
    assert n_rows % (_NW * _CHUNK) == 0
    b_per_w = n_rows // _NW
    n_chunks = b_per_w // _CHUNK
    n_sub = _CHUNK // _IPG
    idx_rows_per_w = b_per_w // _IPG
    mesh = plsc.VectorSubcoreMesh(core_axis_name="c", subcore_axis_name="s")

    @functools.partial(
        pl.kernel,
        mesh=mesh,
        out_type=jax.ShapeDtypeStruct((n_rows // 2, 2 * d), jnp.float32),
        scratch_types=[
            pltpu.VMEM((2, n_sub, _IPG), jnp.int32),
            pltpu.VMEM((2, _CHUNK, d), jnp.float32),
            pltpu.SemaphoreType.DMA,
            pltpu.SemaphoreType.DMA,
            pltpu.SemaphoreType.DMA,
        ],
        compiler_params=pltpu.CompilerParams(use_tc_tiling_on_sc=False),
    )
    def gather_kernel(table_hbm, idx_hbm, out_hbm, idx_v, rows_v,
                      gsem, osem0, osem1):
        wid = lax.axis_index("s") * _NC + lax.axis_index("c")
        row_base = wid * b_per_w
        idx_row_base = wid * idx_rows_per_w
        osems = (osem0, osem1)

        def step(g, k):
            row0 = (row_base + g * _CHUNK) // 2
            outA = out_hbm.at[pl.ds(row0, _HALF), pl.ds(0, d)]
            outB = out_hbm.at[pl.ds(row0, _HALF), pl.ds(d, d)]

            @pl.when(g >= 2)
            def _drain():
                pltpu.make_async_copy(rows_v.at[k, pl.ds(0, _HALF)],
                                      outA, osems[k]).wait()
                pltpu.make_async_copy(rows_v.at[k, pl.ds(_HALF, _HALF)],
                                      outB, osems[k]).wait()

            pltpu.sync_copy(idx_hbm.at[pl.ds(idx_row_base + g * n_sub, n_sub)],
                            idx_v.at[k])
            copies = [
                pltpu.async_copy(table_hbm.at[idx_v.at[k, j]],
                                 rows_v.at[k, pl.ds(j * _IPG, _IPG)], gsem)
                for j in range(n_sub)
            ]
            for c in copies:
                c.wait()
            pltpu.async_copy(rows_v.at[k, pl.ds(0, _HALF)], outA, osems[k])
            pltpu.async_copy(rows_v.at[k, pl.ds(_HALF, _HALF)], outB,
                             osems[k])

        def body(h, carry):
            step(2 * h, 0)
            step(2 * h + 1, 1)
            return carry

        lax.fori_loop(0, n_chunks // 2, body, 0)
        for k in range(2):
            row0 = (row_base + (n_chunks - 2 + k) * _CHUNK) // 2
            pltpu.make_async_copy(
                rows_v.at[k, pl.ds(0, _HALF)],
                out_hbm.at[pl.ds(row0, _HALF), pl.ds(0, d)], osems[k]).wait()
            pltpu.make_async_copy(
                rows_v.at[k, pl.ds(_HALF, _HALF)],
                out_hbm.at[pl.ds(row0, _HALF), pl.ds(d, d)], osems[k]).wait()

    return gather_kernel


def _combine_body(n_valid, n_pairs, x1_ref, x2_ref, sp_ref, o_ref):
    i = pl.program_id(0)
    halves = []
    for h in range(_PBLK // 128):
        a = x1_ref[:, pl.ds(128 * h, 128)].T
        b = x2_ref[:, pl.ds(128 * h, 128)].T
        rows_b = (lax.broadcasted_iota(jnp.int32, (128, 1), 0)
                  + (n_pairs + i * _PBLK + 128 * h))
        s_idx = jnp.clip(rows_b - n_valid, 0, 4)
        for k in range(1, 5):
            b = b + jnp.where(s_idx == k, 1.0, 0.0) * sp_ref[k, :][None, :]
        halves.append(jnp.concatenate([a, b], axis=1))
    o_ref[...] = jnp.concatenate(halves, axis=0)


@functools.lru_cache(maxsize=None)
def _make_combine(vocab: int, d: int, n_valid: int, n_pairs: int):
    n_blk = n_pairs // _PBLK
    return pl.pallas_call(
        functools.partial(_combine_body, n_valid, n_pairs),
        grid=(n_blk,),
        in_specs=[
            pl.BlockSpec((d, _PBLK), lambda i: (0, i)),
            pl.BlockSpec((d, _PBLK), lambda i: (0, n_blk + i)),
            pl.BlockSpec((8, d), lambda i: (0, 0)),
        ],
        out_specs=pl.BlockSpec((_PBLK, 2 * d), lambda i: (i, 0)),
        out_shape=jax.ShapeDtypeStruct((n_pairs, 2 * d), jnp.float32),
    )


def _tpose_body(x_ref, o_ref):
    x = x_ref[...]
    for h in range(_BBLK // 256):
        sq = x[128 * h:128 * (h + 1), :].T
        o_ref[0, :, pl.ds(256 * h, 128)] = sq[0:64, :]
        o_ref[0, :, pl.ds(256 * h + _HALF, 128)] = sq[64:128, :]


def _tpose_alias_body(x_ref, prev_ref, o_ref):
    del prev_ref
    _tpose_body(x_ref, o_ref)


@functools.lru_cache(maxsize=None)
def _make_tpose(seq: int, batch: int, d: int, n_seq: int, s_off: int,
                alias: bool):
    n_b = batch // _BBLK
    g_spec = pl.BlockSpec((_BBLK // 2, 128), lambda s, b: (s * n_b + b, 0))
    out_spec = pl.BlockSpec((1, d, _BBLK), lambda s, b: (s + s_off, 0, b))
    out_shape = jax.ShapeDtypeStruct((seq, d, batch), jnp.float32)
    if not alias:
        return pl.pallas_call(_tpose_body, grid=(n_seq, n_b),
                              in_specs=[g_spec], out_specs=out_spec,
                              out_shape=out_shape)
    return pl.pallas_call(
        _tpose_alias_body,
        grid=(n_seq, n_b),
        in_specs=[g_spec, pl.BlockSpec(memory_space=pl.ANY)],
        out_specs=out_spec,
        out_shape=out_shape,
        input_output_aliases={1: 0},
    )


def _mask_body(x_ref, o_ref):
    o_ref[...] = (x_ref[...] != 0).astype(jnp.int8)


@functools.lru_cache(maxsize=None)
def _make_mask(seq: int, batch: int):
    return pl.pallas_call(
        _mask_body,
        out_shape=jax.ShapeDtypeStruct((seq, batch), jnp.int8),
    )


def kernel(inputs, emb_table, special_table):
    batch, seq = inputs.shape
    vocab, d = emb_table.shape
    nsp = special_table.shape[0]
    n_valid = vocab - nsp
    n_pairs = ((vocab + 2 * _PBLK - 1) // (2 * _PBLK)) * _PBLK

    emb_t = emb_table.T
    sp8 = jnp.zeros((8, d), special_table.dtype).at[:nsp].set(special_table)
    t128 = _make_combine(vocab, d, n_valid, n_pairs)(emb_t, emb_t, sp8)
    table_lin = t128.reshape(2 * n_pairs, d)

    idx_t = inputs.T
    phys = jnp.where(idx_t < n_pairs, 2 * idx_t, 2 * (idx_t - n_pairs) + 1)
    idx_sc = phys.reshape(seq * batch // _IPG, _IPG).astype(jnp.int32)

    half_seq = seq // 2
    n_half_rows = (batch * half_seq) // _IPG
    g1 = _make_gather(batch * half_seq, n_pairs, d)(
        table_lin, idx_sc[:n_half_rows])
    g2 = _make_gather(batch * half_seq, n_pairs, d)(
        table_lin, idx_sc[n_half_rows:])
    out3a = _make_tpose(seq, batch, d, half_seq, 0, False)(g1)
    out3 = _make_tpose(seq, batch, d, half_seq, half_seq, True)(g2, out3a)
    out = out3.transpose(2, 0, 1)

    mask_i8 = _make_mask(seq, batch)(idx_t)
    mask = mask_i8.T.astype(jnp.bool_)
    return out, mask

# --- scband reference (transcript-rebuilt; emitter-appended) ---
"""Pipeline reference for scband-word-embedding-layer-15470472200795 (READ-ONLY COPY).

The authoritative reference and input builder live on the scoring server;
editing this copy changes nothing except your own understanding.
"""

import jax, jax.numpy as jnp
import numpy as np

EMB_SIZE = 64
VOCAB_SIZE = 100000
N_SPECIAL = 4
BATCH = 16384
SEQ_LEN = 50


def setup_inputs(seed: int = 0) -> dict:
    key = jax.random.key(seed)
    k1, k2 = jax.random.split(key, 2)
    inputs = jax.random.randint(k1, (BATCH, SEQ_LEN), 0, VOCAB_SIZE).astype(jnp.int64 if jax.config.jax_enable_x64 else jnp.int32)
    # pretrained_weights: [vocab_size, emb_size]
    pretrained = (jax.random.normal(k2, (VOCAB_SIZE, EMB_SIZE), dtype=jnp.float32) * 0.02)
    zero = jnp.zeros((1, EMB_SIZE), dtype=jnp.float32)
    # _set_weights logic:
    # emb table: [0-row] + pretrained[:-n_special] + n_special zero rows -> (vocab_size+1, emb)
    emb_table = jnp.concatenate([zero, pretrained[:-N_SPECIAL], jnp.zeros((N_SPECIAL, EMB_SIZE), dtype=jnp.float32)], axis=0)
    # special table: [0-row] + pretrained[-n_special:] -> (n_special+1, emb)
    special_table = jnp.concatenate([zero, pretrained[-N_SPECIAL:]], axis=0)
    return {"inputs": inputs, "emb_table": emb_table, "special_table": special_table}


def reference(inputs, emb_table, special_table):
    n_valid_tokens = VOCAB_SIZE - N_SPECIAL
    # Lambda(x - n_valid) then ReLU -> maps special tokens to 1..n_special, others to 0 (masked)
    special_tokens_input = jnp.maximum(inputs - n_valid_tokens, 0)
    embedded_sequences = jnp.take(emb_table, inputs, axis=0)
    embedded_special = jnp.take(special_table, special_tokens_input, axis=0)
    mask = inputs != 0  # mask_zero=True keras mask
    embedded_sequences = embedded_sequences + embedded_special
    # dropout rate = 0.0 -> identity at inference
    return (embedded_sequences, mask)

if __name__ == "__main__":
    import jax
    _d = setup_inputs()
    print(jax.jit(kernel)(*tuple(_d.values())))

</pallas_src>

<mosaic_0001>
#map = affine_map<(d0, d1) -> (0, 0)>
module attributes {stable_mosaic.version = 14 : i64} {
  func.func @gather_kernel(%arg0: i32, %arg1: i32, %arg2: memref<100352x64xf32, #tpu.memory_space<hbm>>, %arg3: memref<3200x128xi32, #tpu.memory_space<hbm>>, %arg4: memref<204800x128xf32, #tpu.memory_space<hbm>>, %arg5: memref<2x2x128xi32, #tpu.memory_space<vmem>>, %arg6: memref<2x256x64xf32, #tpu.memory_space<vmem>>, %arg7: memref<!tpu.dma_semaphore, #tpu.memory_space<semaphore_mem>>, %arg8: memref<!tpu.dma_semaphore, #tpu.memory_space<semaphore_mem>>, %arg9: memref<!tpu.dma_semaphore, #tpu.memory_space<semaphore_mem>>) attributes {dimension_semantics = [#tpu.dimension_semantics<core_parallel>, #tpu.dimension_semantics<subcore_parallel>], iteration_bounds = array<i64: 2, 16>, scalar_prefetch = 0 : i64, scratch_operands = 5 : i64, tpu.core_type = #tpu.core_type<sc_vector_subcore>, window_params = [{transform_indices = #map}, {transform_indices = #map}, {transform_indices = #map}]} {
    %mul3A = arith.constant 2 : i32
    %mul3A_0 = arith.muli %arg1, %mul3A : i32
    %add3A = arith.addi %mul3A_0, %arg0 : i32
    %mul3A_1 = arith.constant 12800 : i32
    %mul3A_2 = arith.muli %add3A, %mul3A_1 : i32
    %mul3A_3 = arith.constant 100 : i32
    %mul3A_4 = arith.muli %add3A, %mul3A_3 : i32
    %scan3A = arith.constant 0 : i32
    %scan3A_5 = arith.constant 0 : i32
    %scan3A_6 = arith.constant 25 : i32
    %scan3A_7 = arith.addi %scan3A_5, %scan3A_6 : i32
    %scan3A_8 = arith.constant 1 : i32
    scf.for %scan3A_105 = %scan3A_5 to %scan3A_7 step %scan3A_8  : i32 {
      %mul3A_106 = arith.constant 2 : i32
      %mul3A_107 = arith.muli %mul3A_106, %scan3A_105 : i32
      %mul3A_108 = arith.constant 256 : i32
      %mul3A_109 = arith.muli %mul3A_107, %mul3A_108 : i32
      %add3A_110 = arith.addi %mul3A_2, %mul3A_109 : i32
      %jit3A_111 = arith.constant 2 : i32
      %div3A_112 = arith.divsi %add3A_110, %jit3A_111 : i32
      %sign3A_113 = arith.constant 0 : i32
      %sign3A_114 = arith.cmpi sgt, %add3A_110, %sign3A_113 : i32
      %sign3A_115 = arith.extui %sign3A_114 : i1 to i32
      %sign3A_116 = arith.constant 0 : i32
      %sign3A_117 = arith.cmpi slt, %add3A_110, %sign3A_116 : i32
      %sign3A_118 = arith.extui %sign3A_117 : i1 to i32
      %sign3A_119 = arith.subi %sign3A_115, %sign3A_118 : i32
      %sign3A_120 = arith.constant 0 : i32
      %sign3A_121 = arith.cmpi sgt, %jit3A_111, %sign3A_120 : i32
      %sign3A_122 = arith.extui %sign3A_121 : i1 to i32
      %sign3A_123 = arith.constant 0 : i32
      %sign3A_124 = arith.cmpi slt, %jit3A_111, %sign3A_123 : i32
      %sign3A_125 = arith.extui %sign3A_124 : i1 to i32
      %sign3A_126 = arith.subi %sign3A_122, %sign3A_125 : i32
      %ne3A_127 = arith.cmpi ne, %sign3A_119, %sign3A_126 : i32
      %rem3A_128 = arith.remsi %add3A_110, %jit3A_111 : i32
      %ne3A_129 = arith.constant 0 : i32
      %ne3A_130 = arith.cmpi ne, %rem3A_128, %ne3A_129 : i32
      %and3A_131 = arith.andi %ne3A_127, %ne3A_130 : i1
      %sub3A_132 = arith.constant 1 : i32
      %sub3A_133 = arith.subi %div3A_112, %sub3A_132 : i32
      %select_n3A_134 = arith.select %and3A_131, %sub3A_133, %div3A_112 : i32
      %ge3A = arith.constant 2 : i32
      %ge3A_135 = arith.cmpi sge, %mul3A_107, %ge3A : i32
      %convert_element_type3A = arith.extui %ge3A_135 : i1 to i32
      %cond3A = arith.constant 0 : i32
      %cond3A_136 = arith.cmpi ne, %convert_element_type3A, %cond3A : i32
      scf.if %cond3A_136 {
        %dma_wait3A_335 = arith.constant 0 : i32
        %dma_wait3A_336 = arith.constant 0 : i32
        %dma_wait3A_337 = arith.constant 0 : i32
        %dma_wait3A_338 = tpu.memref_slice %arg6[%dma_wait3A_335, %dma_wait3A_336, %dma_wait3A_337] : memref<2x256x64xf32, #tpu.memory_space<vmem>> -> memref<1x128x64xf32, #tpu.memory_space<vmem>>
        %dma_wait3A_339 = tpu.memref_squeeze %dma_wait3A_338 : memref<1x128x64xf32, #tpu.memory_space<vmem>> -> memref<128x64xf32, #tpu.memory_space<vmem>>
        %dma_wait3A_340 = arith.constant 0 : i32
        %dma_wait3A_341 = tpu.memref_slice %arg4[%select_n3A_134, %dma_wait3A_340] : memref<204800x128xf32, #tpu.memory_space<hbm>> -> memref<128x64xf32, #tpu.memory_space<hbm>>
        %dma_wait3A_342 = arith.constant 0 : i32
        %dma_wait3A_343 = tpu.memref_slice %arg4[%select_n3A_134, %dma_wait3A_342] : memref<204800x128xf32, #tpu.memory_space<hbm>> -> memref<128x64xf32, #tpu.memory_space<hbm>>
        %dma_wait3A_344 = arith.constant 0 : i32
        %dma_wait3A_345 = arith.constant 0 : i32
        %dma_wait3A_346 = tpu.memref_slice %arg6[%dma_wait3A_335, %dma_wait3A_344, %dma_wait3A_345] : memref<2x256x64xf32, #tpu.memory_space<vmem>> -> memref<1x128x64xf32, #tpu.memory_space<vmem>>
        %dma_wait3A_347 = tpu.memref_squeeze %dma_wait3A_346 : memref<1x128x64xf32, #tpu.memory_space<vmem>> -> memref<128x64xf32, #tpu.memory_space<vmem>>
        tpu.wait_dma2 semaphore(%arg8 : memref<!tpu.dma_semaphore, #tpu.memory_space<semaphore_mem>>) src(%dma_wait3A_347 : memref<128x64xf32, #tpu.memory_space<vmem>>) dst(%dma_wait3A_343 : memref<128x64xf32, #tpu.memory_space<hbm>>)
        %dma_wait3A_348 = arith.constant 0 : i32
        %dma_wait3A_349 = arith.constant 128 : i32
        %dma_wait3A_350 = arith.constant 0 : i32
        %dma_wait3A_351 = tpu.memref_slice %arg6[%dma_wait3A_348, %dma_wait3A_349, %dma_wait3A_350] : memref<2x256x64xf32, #tpu.memory_space<vmem>> -> memref<1x128x64xf32, #tpu.memory_space<vmem>>
        %dma_wait3A_352 = tpu.memref_squeeze %dma_wait3A_351 : memref<1x128x64xf32, #tpu.memory_space<vmem>> -> memref<128x64xf32, #tpu.memory_space<vmem>>
        %dma_wait3A_353 = arith.constant 64 : i32
        %dma_wait3A_354 = tpu.memref_slice %arg4[%select_n3A_134, %dma_wait3A_353] : memref<204800x128xf32, #tpu.memory_space<hbm>> -> memref<128x64xf32, #tpu.memory_space<hbm>>
        %dma_wait3A_355 = arith.constant 64 : i32
        %dma_wait3A_356 = tpu.memref_slice %arg4[%select_n3A_134, %dma_wait3A_355] : memref<204800x128xf32, #tpu.memory_space<hbm>> -> memref<128x64xf32, #tpu.memory_space<hbm>>
        %dma_wait3A_357 = arith.constant 128 : i32
        %dma_wait3A_358 = arith.constant 0 : i32
        %dma_wait3A_359 = tpu.memref_slice %arg6[%dma_wait3A_348, %dma_wait3A_357, %dma_wait3A_358] : memref<2x256x64xf32, #tpu.memory_space<vmem>> -> memref<1x128x64xf32, #tpu.memory_space<vmem>>
        %dma_wait3A_360 = tpu.memref_squeeze %dma_wait3A_359 : memref<1x128x64xf32, #tpu.memory_space<vmem>> -> memref<128x64xf32, #tpu.memory_space<vmem>>
        tpu.wait_dma2 semaphore(%arg8 : memref<!tpu.dma_semaphore, #tpu.memory_space<semaphore_mem>>) src(%dma_wait3A_360 : memref<128x64xf32, #tpu.memory_space<vmem>>) dst(%dma_wait3A_356 : memref<128x64xf32, #tpu.memory_space<hbm>>)
      } else {
      }
      %mul3A_137 = arith.constant 2 : i32
      %mul3A_138 = arith.muli %mul3A_107, %mul3A_137 : i32
      %add3A_139 = arith.addi %mul3A_4, %mul3A_138 : i32
      %run_scoped3A = arith.constant 0 : i32
      "tpu.region"() ({
        %run_scoped3A_335 = tpu.sem_alloc : memref<!tpu.dma_semaphore, #tpu.memory_space<semaphore_mem>>
        %dma_start3A_336 = arith.constant 0 : i32
        %dma_start3A_337 = arith.constant 0 : i32
        %dma_start3A_338 = tpu.memref_slice %arg5[%run_scoped3A, %dma_start3A_336, %dma_start3A_337] : memref<2x2x128xi32, #tpu.memory_space<vmem>> -> memref<1x2x128xi32, #tpu.memory_space<vmem>>
        %dma_start3A_339 = tpu.memref_squeeze %dma_start3A_338 : memref<1x2x128xi32, #tpu.memory_space<vmem>> -> memref<2x128xi32, #tpu.memory_space<vmem>>
        %dma_start3A_340 = arith.constant 0 : i32
        %dma_start3A_341 = tpu.memref_slice %arg3[%add3A_139, %dma_start3A_340] : memref<3200x128xi32, #tpu.memory_space<hbm>> -> memref<2x128xi32, #tpu.memory_space<hbm>>
        %dma_start3A_342 = arith.constant 0 : i32
        %dma_start3A_343 = arith.constant 0 : i32
        %dma_start3A_344 = tpu.memref_slice %arg5[%run_scoped3A, %dma_start3A_342, %dma_start3A_343] : memref<2x2x128xi32, #tpu.memory_space<vmem>> -> memref<1x2x128xi32, #tpu.memory_space<vmem>>
        %dma_start3A_345 = tpu.memref_squeeze %dma_start3A_344 : memref<1x2x128xi32, #tpu.memory_space<vmem>> -> memref<2x128xi32, #tpu.memory_space<vmem>>
        %dma_start3A_346 = arith.constant 0 : i32
        %dma_start3A_347 = tpu.memref_slice %arg3[%add3A_139, %dma_start3A_346] : memref<3200x128xi32, #tpu.memory_space<hbm>> -> memref<2x128xi32, #tpu.memory_space<hbm>>
        tpu.enqueue_dma source(%dma_start3A_347 : memref<2x128xi32, #tpu.memory_space<hbm>>) target(%dma_start3A_345 : memref<2x128xi32, #tpu.memory_space<vmem>>) target_semaphore(%run_scoped3A_335 : memref<!tpu.dma_semaphore, #tpu.memory_space<semaphore_mem>>)
        %dma_wait3A_348 = arith.constant 0 : i32
        %dma_wait3A_349 = arith.constant 0 : i32
        %dma_wait3A_350 = tpu.memref_slice %arg5[%run_scoped3A, %dma_wait3A_348, %dma_wait3A_349] : memref<2x2x128xi32, #tpu.memory_space<vmem>> -> memref<1x2x128xi32, #tpu.memory_space<vmem>>
        %dma_wait3A_351 = tpu.memref_squeeze %dma_wait3A_350 : memref<1x2x128xi32, #tpu.memory_space<vmem>> -> memref<2x128xi32, #tpu.memory_space<vmem>>
        %dma_wait3A_352 = arith.constant 0 : i32
        %dma_wait3A_353 = tpu.memref_slice %arg3[%add3A_139, %dma_wait3A_352] : memref<3200x128xi32, #tpu.memory_space<hbm>> -> memref<2x128xi32, #tpu.memory_space<hbm>>
        %dma_wait3A_354 = arith.constant 0 : i32
        %dma_wait3A_355 = arith.constant 0 : i32
        %dma_wait3A_356 = tpu.memref_slice %arg5[%run_scoped3A, %dma_wait3A_354, %dma_wait3A_355] : memref<2x2x128xi32, #tpu.memory_space<vmem>> -> memref<1x2x128xi32, #tpu.memory_space<vmem>>
        %dma_wait3A_357 = tpu.memref_squeeze %dma_wait3A_356 : memref<1x2x128xi32, #tpu.memory_space<vmem>> -> memref<2x128xi32, #tpu.memory_space<vmem>>
        %dma_wait3A_358 = arith.constant 0 : i32
        %dma_wait3A_359 = tpu.memref_slice %arg3[%add3A_139, %dma_wait3A_358] : memref<3200x128xi32, #tpu.memory_space<hbm>> -> memref<2x128xi32, #tpu.memory_space<hbm>>
        tpu.wait_dma2 semaphore(%run_scoped3A_335 : memref<!tpu.dma_semaphore, #tpu.memory_space<semaphore_mem>>) src(%dma_wait3A_359 : memref<2x128xi32, #tpu.memory_space<hbm>>) dst(%dma_wait3A_357 : memref<2x128xi32, #tpu.memory_space<vmem>>)
        tpu.yield
      }) : () -> ()
      %dma_start3A = arith.constant 0 : i32
      %dma_start3A_140 = arith.constant 0 : i32
      %dma_start3A_141 = arith.constant 0 : i32
      %dma_start3A_142 = arith.constant 0 : i32
      %dma_start3A_143 = arith.constant 0 : i32
      %dma_start3A_144 = tpu.memref_slice %arg6[%dma_start3A_141, %dma_start3A_142, %dma_start3A_143] : memref<2x256x64xf32, #tpu.memory_space<vmem>> -> memref<1x128x64xf32, #tpu.memory_space<vmem>>
      %dma_start3A_145 = tpu.memref_squeeze %dma_start3A_144 : memref<1x128x64xf32, #tpu.memory_space<vmem>> -> memref<128x64xf32, #tpu.memory_space<vmem>>
      %dma_start3A_146 = arith.constant 0 : i32
      %dma_start3A_147 = tpu.memref_slice %arg5[%dma_start3A, %dma_start3A_140, %dma_start3A_146] : memref<2x2x128xi32, #tpu.memory_space<vmem>> -> memref<1x1x128xi32, #tpu.memory_space<vmem>>
      %dma_start3A_148 = tpu.memref_squeeze %dma_start3A_147 : memref<1x1x128xi32, #tpu.memory_space<vmem>> -> memref<128xi32, #tpu.memory_space<vmem>>
      %dma_start3A_149 = arith.constant 0 : i32
      %dma_start3A_150 = arith.constant 0 : i32
      %dma_start3A_151 = tpu.memref_slice %arg2[%dma_start3A_149, %dma_start3A_150] : memref<100352x64xf32, #tpu.memory_space<hbm>> -> memref<100352x64xf32, #tpu.memory_space<hbm>>
      tpu.enqueue_indirect_dma source(%dma_start3A_151 : memref<100352x64xf32, #tpu.memory_space<hbm>>) target(%dma_start3A_145 : memref<128x64xf32, #tpu.memory_space<vmem>>) offsets(%dma_start3A_148 : memref<128xi32, #tpu.memory_space<vmem>>) semaphore(%arg7 : memref<!tpu.dma_semaphore, #tpu.memory_space<semaphore_mem>>)
      %dma_start3A_152 = arith.constant 0 : i32
      %dma_start3A_153 = arith.constant 1 : i32
      %dma_start3A_154 = arith.constant 0 : i32
      %dma_start3A_155 = arith.constant 128 : i32
      %dma_start3A_156 = arith.constant 0 : i32
      %dma_start3A_157 = tpu.memref_slice %arg6[%dma_start3A_154, %dma_start3A_155, %dma_start3A_156] : memref<2x256x64xf32, #tpu.memory_space<vmem>> -> memref<1x128x64xf32, #tpu.memory_space<vmem>>
      %dma_start3A_158 = tpu.memref_squeeze %dma_start3A_157 : memref<1x128x64xf32, #tpu.memory_space<vmem>> -> memref<128x64xf32, #tpu.memory_space<vmem>>
      %dma_start3A_159 = arith.constant 0 : i32
      %dma_start3A_160 = tpu.memref_slice %arg5[%dma_start3A_152, %dma_start3A_153, %dma_start3A_159] : memref<2x2x128xi32, #tpu.memory_space<vmem>> -> memref<1x1x128xi32, #tpu.memory_space<vmem>>
      %dma_start3A_161 = tpu.memref_squeeze %dma_start3A_160 : memref<1x1x128xi32, #tpu.memory_space<vmem>> -> memref<128xi32, #tpu.memory_space<vmem>>
      %dma_start3A_162 = arith.constant 0 : i32
      %dma_start3A_163 = arith.constant 0 : i32
      %dma_start3A_164 = tpu.memref_slice %arg2[%dma_start3A_162, %dma_start3A_163] : memref<100352x64xf32, #tpu.memory_space<hbm>> -> memref<100352x64xf32, #tpu.memory_space<hbm>>
      tpu.enqueue_indirect_dma source(%dma_start3A_164 : memref<100352x64xf32, #tpu.memory_space<hbm>>) target(%dma_start3A_158 : memref<128x64xf32, #tpu.memory_space<vmem>>) offsets(%dma_start3A_161 : memref<128xi32, #tpu.memory_space<vmem>>) semaphore(%arg7 : memref<!tpu.dma_semaphore, #tpu.memory_space<semaphore_mem>>)
      %dma_wait3A_165 = arith.constant 0 : i32
      %dma_wait3A_166 = arith.constant 0 : i32
      %dma_wait3A_167 = arith.constant 0 : i32
      %dma_wait3A_168 = arith.constant 0 : i32
      %dma_wait3A_169 = arith.constant 0 : i32
      %dma_wait3A_170 = tpu.memref_slice %arg6[%dma_wait3A_167, %dma_wait3A_168, %dma_wait3A_169] : memref<2x256x64xf32, #tpu.memory_space<vmem>> -> memref<1x128x64xf32, #tpu.memory_space<vmem>>
      %dma_wait3A_171 = tpu.memref_squeeze %dma_wait3A_170 : memref<1x128x64xf32, #tpu.memory_space<vmem>> -> memref<128x64xf32, #tpu.memory_space<vmem>>
      %dma_wait3A_172 = arith.constant 0 : i32
      %dma_wait3A_173 = tpu.memref_slice %arg5[%dma_wait3A_165, %dma_wait3A_166, %dma_wait3A_172] : memref<2x2x128xi32, #tpu.memory_space<vmem>> -> memref<1x1x128xi32, #tpu.memory_space<vmem>>
      %dma_wait3A_174 = tpu.memref_squeeze %dma_wait3A_173 : memref<1x1x128xi32, #tpu.memory_space<vmem>> -> memref<128xi32, #tpu.memory_space<vmem>>
      %dma_wait3A_175 = arith.constant 0 : i32
      %dma_wait3A_176 = arith.constant 0 : i32
      %dma_wait3A_177 = tpu.memref_slice %arg2[%dma_wait3A_175, %dma_wait3A_176] : memref<100352x64xf32, #tpu.memory_space<hbm>> -> memref<100352x64xf32, #tpu.memory_space<hbm>>
      tpu.wait_indirect_dma semaphore(%arg7 : memref<!tpu.dma_semaphore, #tpu.memory_space<semaphore_mem>>) src(%dma_wait3A_177 : memref<100352x64xf32, #tpu.memory_space<hbm>>) dst(%dma_wait3A_171 : memref<128x64xf32, #tpu.memory_space<vmem>>)
      %dma_wait3A_178 = arith.constant 0 : i32
      %dma_wait3A_179 = arith.constant 1 : i32
      %dma_wait3A_180 = arith.constant 0 : i32
      %dma_wait3A_181 = arith.constant 128 : i32
      %dma_wait3A_182 = arith.constant 0 : i32
      %dma_wait3A_183 = tpu.memref_slice %arg6[%dma_wait3A_180, %dma_wait3A_181, %dma_wait3A_182] : memref<2x256x64xf32, #tpu.memory_space<vmem>> -> memref<1x128x64xf32, #tpu.memory_space<vmem>>
      %dma_wait3A_184 = tpu.memref_squeeze %dma_wait3A_183 : memref<1x128x64xf32, #tpu.memory_space<vmem>> -> memref<128x64xf32, #tpu.memory_space<vmem>>
      %dma_wait3A_185 = arith.constant 0 : i32
      %dma_wait3A_186 = tpu.memref_slice %arg5[%dma_wait3A_178, %dma_wait3A_179, %dma_wait3A_185] : memref<2x2x128xi32, #tpu.memory_space<vmem>> -> memref<1x1x128xi32, #tpu.memory_space<vmem>>
      %dma_wait3A_187 = tpu.memref_squeeze %dma_wait3A_186 : memref<1x1x128xi32, #tpu.memory_space<vmem>> -> memref<128xi32, #tpu.memory_space<vmem>>
      %dma_wait3A_188 = arith.constant 0 : i32
      %dma_wait3A_189 = arith.constant 0 : i32
      %dma_wait3A_190 = tpu.memref_slice %arg2[%dma_wait3A_188, %dma_wait3A_189] : memref<100352x64xf32, #tpu.memory_space<hbm>> -> memref<100352x64xf32, #tpu.memory_space<hbm>>
      tpu.wait_indirect_dma semaphore(%arg7 : memref<!tpu.dma_semaphore, #tpu.memory_space<semaphore_mem>>) src(%dma_wait3A_190 : memref<100352x64xf32, #tpu.memory_space<hbm>>) dst(%dma_wait3A_184 : memref<128x64xf32, #tpu.memory_space<vmem>>)
      %dma_start3A_191 = arith.constant 0 : i32
      %dma_start3A_192 = arith.constant 0 : i32
      %dma_start3A_193 = arith.constant 0 : i32
      %dma_start3A_194 = tpu.memref_slice %arg6[%dma_start3A_191, %dma_start3A_192, %dma_start3A_193] : memref<2x256x64xf32, #tpu.memory_space<vmem>> -> memref<1x128x64xf32, #tpu.memory_space<vmem>>
      %dma_start3A_195 = tpu.memref_squeeze %dma_start3A_194 : memref<1x128x64xf32, #tpu.memory_space<vmem>> -> memref<128x64xf32, #tpu.memory_space<vmem>>
      %dma_start3A_196 = arith.constant 0 : i32
      %dma_start3A_197 = tpu.memref_slice %arg4[%select_n3A_134, %dma_start3A_196] : memref<204800x128xf32, #tpu.memory_space<hbm>> -> memref<128x64xf32, #tpu.memory_space<hbm>>
      %dma_start3A_198 = arith.constant 0 : i32
      %dma_start3A_199 = tpu.memref_slice %arg4[%select_n3A_134, %dma_start3A_198] : memref<204800x128xf32, #tpu.memory_space<hbm>> -> memref<128x64xf32, #tpu.memory_space<hbm>>
      %dma_start3A_200 = arith.constant 0 : i32
      %dma_start3A_201 = arith.constant 0 : i32
      %dma_start3A_202 = tpu.memref_slice %arg6[%dma_start3A_191, %dma_start3A_200, %dma_start3A_201] : memref<2x256x64xf32, #tpu.memory_space<vmem>> -> memref<1x128x64xf32, #tpu.memory_space<vmem>>
      %dma_start3A_203 = tpu.memref_squeeze %dma_start3A_202 : memref<1x128x64xf32, #tpu.memory_space<vmem>> -> memref<128x64xf32, #tpu.memory_space<vmem>>
      tpu.enqueue_dma source(%dma_start3A_203 : memref<128x64xf32, #tpu.memory_space<vmem>>) target(%dma_start3A_199 : memref<128x64xf32, #tpu.memory_space<hbm>>) target_semaphore(%arg8 : memref<!tpu.dma_semaphore, #tpu.memory_space<semaphore_mem>>)
      %dma_start3A_204 = arith.constant 0 : i32
      %dma_start3A_205 = arith.constant 128 : i32
      %dma_start3A_206 = arith.constant 0 : i32
      %dma_start3A_207 = tpu.memref_slice %arg6[%dma_start3A_204, %dma_start3A_205, %dma_start3A_206] : memref<2x256x64xf32, #tpu.memory_space<vmem>> -> memref<1x128x64xf32, #tpu.memory_space<vmem>>
      %dma_start3A_208 = tpu.memref_squeeze %dma_start3A_207 : memref<1x128x64xf32, #tpu.memory_space<vmem>> -> memref<128x64xf32, #tpu.memory_space<vmem>>
      %dma_start3A_209 = arith.constant 64 : i32
      %dma_start3A_210 = tpu.memref_slice %arg4[%select_n3A_134, %dma_start3A_209] : memref<204800x128xf32, #tpu.memory_space<hbm>> -> memref<128x64xf32, #tpu.memory_space<hbm>>
      %dma_start3A_211 = arith.constant 64 : i32
      %dma_start3A_212 = tpu.memref_slice %arg4[%select_n3A_134, %dma_start3A_211] : memref<204800x128xf32, #tpu.memory_space<hbm>> -> memref<128x64xf32, #tpu.memory_space<hbm>>
      %dma_start3A_213 = arith.constant 128 : i32
      %dma_start3A_214 = arith.constant 0 : i32
      %dma_start3A_215 = tpu.memref_slice %arg6[%dma_start3A_204, %dma_start3A_213, %dma_start3A_214] : memref<2x256x64xf32, #tpu.memory_space<vmem>> -> memref<1x128x64xf32, #tpu.memory_space<vmem>>
      %dma_start3A_216 = tpu.memref_squeeze %dma_start3A_215 : memref<1x128x64xf32, #tpu.memory_space<vmem>> -> memref<128x64xf32, #tpu.memory_space<vmem>>
      tpu.enqueue_dma source(%dma_start3A_216 : memref<128x64xf32, #tpu.memory_space<vmem>>) target(%dma_start3A_212 : memref<128x64xf32, #tpu.memory_space<hbm>>) target_semaphore(%arg8 : memref<!tpu.dma_semaphore, #tpu.memory_space<semaphore_mem>>)
      %mul3A_217 = arith.constant 2 : i32
      %mul3A_218 = arith.muli %mul3A_217, %scan3A_105 : i32
      %add3A_219 = arith.constant 1 : i32
      %add3A_220 = arith.addi %mul3A_218, %add3A_219 : i32
      %mul3A_221 = arith.constant 256 : i32
      %mul3A_222 = arith.muli %add3A_220, %mul3A_221 : i32
      %add3A_223 = arith.addi %mul3A_2, %mul3A_222 : i32
      %jit3A_224 = arith.constant 2 : i32
      %div3A_225 = arith.divsi %add3A_223, %jit3A_224 : i32
      %sign3A_226 = arith.constant 0 : i32
      %sign3A_227 = arith.cmpi sgt, %add3A_223, %sign3A_226 : i32
      %sign3A_228 = arith.extui %sign3A_227 : i1 to i32
      %sign3A_229 = arith.constant 0 : i32
      %sign3A_230 = arith.cmpi slt, %add3A_223, %sign3A_229 : i32
      %sign3A_231 = arith.extui %sign3A_230 : i1 to i32
      %sign3A_232 = arith.subi %sign3A_228, %sign3A_231 : i32
      %sign3A_233 = arith.constant 0 : i32
      %sign3A_234 = arith.cmpi sgt, %jit3A_224, %sign3A_233 : i32
      %sign3A_235 = arith.extui %sign3A_234 : i1 to i32
      %sign3A_236 = arith.constant 0 : i32
      %sign3A_237 = arith.cmpi slt, %jit3A_224, %sign3A_236 : i32
      %sign3A_238 = arith.extui %sign3A_237 : i1 to i32
      %sign3A_239 = arith.subi %sign3A_235, %sign3A_238 : i32
      %ne3A_240 = arith.cmpi ne, %sign3A_232, %sign3A_239 : i32
      %rem3A_241 = arith.remsi %add3A_223, %jit3A_224 : i32
      %ne3A_242 = arith.constant 0 : i32
      %ne3A_243 = arith.cmpi ne, %rem3A_241, %ne3A_242 : i32
      %and3A_244 = arith.andi %ne3A_240, %ne3A_243 : i1
      %sub3A_245 = arith.constant 1 : i32
      %sub3A_246 = arith.subi %div3A_225, %sub3A_245 : i32
      %select_n3A_247 = arith.select %and3A_244, %sub3A_246, %div3A_225 : i32
      %ge3A_248 = arith.constant 2 : i32
      %ge3A_249 = arith.cmpi sge, %add3A_220, %ge3A_248 : i32
      %convert_element_type3A_250 = arith.extui %ge3A_249 : i1 to i32
      %cond3A_251 = arith.constant 0 : i32
      %cond3A_252 = arith.cmpi ne, %convert_element_type3A_250, %cond3A_251 : i32
      scf.if %cond3A_252 {
        %dma_wait3A_335 = arith.constant 1 : i32
        %dma_wait3A_336 = arith.constant 0 : i32
        %dma_wait3A_337 = arith.constant 0 : i32
        %dma_wait3A_338 = tpu.memref_slice %arg6[%dma_wait3A_335, %dma_wait3A_336, %dma_wait3A_337] : memref<2x256x64xf32, #tpu.memory_space<vmem>> -> memref<1x128x64xf32, #tpu.memory_space<vmem>>
        %dma_wait3A_339 = tpu.memref_squeeze %dma_wait3A_338 : memref<1x128x64xf32, #tpu.memory_space<vmem>> -> memref<128x64xf32, #tpu.memory_space<vmem>>
        %dma_wait3A_340 = arith.constant 0 : i32
        %dma_wait3A_341 = tpu.memref_slice %arg4[%select_n3A_247, %dma_wait3A_340] : memref<204800x128xf32, #tpu.memory_space<hbm>> -> memref<128x64xf32, #tpu.memory_space<hbm>>
        %dma_wait3A_342 = arith.constant 0 : i32
        %dma_wait3A_343 = tpu.memref_slice %arg4[%select_n3A_247, %dma_wait3A_342] : memref<204800x128xf32, #tpu.memory_space<hbm>> -> memref<128x64xf32, #tpu.memory_space<hbm>>
        %dma_wait3A_344 = arith.constant 0 : i32
        %dma_wait3A_345 = arith.constant 0 : i32
        %dma_wait3A_346 = tpu.memref_slice %arg6[%dma_wait3A_335, %dma_wait3A_344, %dma_wait3A_345] : memref<2x256x64xf32, #tpu.memory_space<vmem>> -> memref<1x128x64xf32, #tpu.memory_space<vmem>>
        %dma_wait3A_347 = tpu.memref_squeeze %dma_wait3A_346 : memref<1x128x64xf32, #tpu.memory_space<vmem>> -> memref<128x64xf32, #tpu.memory_space<vmem>>
        tpu.wait_dma2 semaphore(%arg9 : memref<!tpu.dma_semaphore, #tpu.memory_space<semaphore_mem>>) src(%dma_wait3A_347 : memref<128x64xf32, #tpu.memory_space<vmem>>) dst(%dma_wait3A_343 : memref<128x64xf32, #tpu.memory_space<hbm>>)
        %dma_wait3A_348 = arith.constant 1 : i32
        %dma_wait3A_349 = arith.constant 128 : i32
        %dma_wait3A_350 = arith.constant 0 : i32
        %dma_wait3A_351 = tpu.memref_slice %arg6[%dma_wait3A_348, %dma_wait3A_349, %dma_wait3A_350] : memref<2x256x64xf32, #tpu.memory_space<vmem>> -> memref<1x128x64xf32, #tpu.memory_space<vmem>>
        %dma_wait3A_352 = tpu.memref_squeeze %dma_wait3A_351 : memref<1x128x64xf32, #tpu.memory_space<vmem>> -> memref<128x64xf32, #tpu.memory_space<vmem>>
        %dma_wait3A_353 = arith.constant 64 : i32
        %dma_wait3A_354 = tpu.memref_slice %arg4[%select_n3A_247, %dma_wait3A_353] : memref<204800x128xf32, #tpu.memory_space<hbm>> -> memref<128x64xf32, #tpu.memory_space<hbm>>
        %dma_wait3A_355 = arith.constant 64 : i32
        %dma_wait3A_356 = tpu.memref_slice %arg4[%select_n3A_247, %dma_wait3A_355] : memref<204800x128xf32, #tpu.memory_space<hbm>> -> memref<128x64xf32, #tpu.memory_space<hbm>>
        %dma_wait3A_357 = arith.constant 128 : i32
        %dma_wait3A_358 = arith.constant 0 : i32
        %dma_wait3A_359 = tpu.memref_slice %arg6[%dma_wait3A_348, %dma_wait3A_357, %dma_wait3A_358] : memref<2x256x64xf32, #tpu.memory_space<vmem>> -> memref<1x128x64xf32, #tpu.memory_space<vmem>>
        %dma_wait3A_360 = tpu.memref_squeeze %dma_wait3A_359 : memref<1x128x64xf32, #tpu.memory_space<vmem>> -> memref<128x64xf32, #tpu.memory_space<vmem>>
        tpu.wait_dma2 semaphore(%arg9 : memref<!tpu.dma_semaphore, #tpu.memory_space<semaphore_mem>>) src(%dma_wait3A_360 : memref<128x64xf32, #tpu.memory_space<vmem>>) dst(%dma_wait3A_356 : memref<128x64xf32, #tpu.memory_space<hbm>>)
      } else {
      }
      %mul3A_253 = arith.constant 2 : i32
      %mul3A_254 = arith.muli %add3A_220, %mul3A_253 : i32
      %add3A_255 = arith.addi %mul3A_4, %mul3A_254 : i32
      %run_scoped3A_256 = arith.constant 1 : i32
      "tpu.region"() ({
        %run_scoped3A_335 = tpu.sem_alloc : memref<!tpu.dma_semaphore, #tpu.memory_space<semaphore_mem>>
        %dma_start3A_336 = arith.constant 0 : i32
        %dma_start3A_337 = arith.constant 0 : i32
        %dma_start3A_338 = tpu.memref_slice %arg5[%run_scoped3A_256, %dma_start3A_336, %dma_start3A_337] : memref<2x2x128xi32, #tpu.memory_space<vmem>> -> memref<1x2x128xi32, #tpu.memory_space<vmem>>
        %dma_start3A_339 = tpu.memref_squeeze %dma_start3A_338 : memref<1x2x128xi32, #tpu.memory_space<vmem>> -> memref<2x128xi32, #tpu.memory_space<vmem>>
        %dma_start3A_340 = arith.constant 0 : i32
        %dma_start3A_341 = tpu.memref_slice %arg3[%add3A_255, %dma_start3A_340] : memref<3200x128xi32, #tpu.memory_space<hbm>> -> memref<2x128xi32, #tpu.memory_space<hbm>>
        %dma_start3A_342 = arith.constant 0 : i32
        %dma_start3A_343 = arith.constant 0 : i32
        %dma_start3A_344 = tpu.memref_slice %arg5[%run_scoped3A_256, %dma_start3A_342, %dma_start3A_343] : memref<2x2x128xi32, #tpu.memory_space<vmem>> -> memref<1x2x128xi32, #tpu.memory_space<vmem>>
        %dma_start3A_345 = tpu.memref_squeeze %dma_start3A_344 : memref<1x2x128xi32, #tpu.memory_space<vmem>> -> memref<2x128xi32, #tpu.memory_space<vmem>>
        %dma_start3A_346 = arith.constant 0 : i32
        %dma_start3A_347 = tpu.memref_slice %arg3[%add3A_255, %dma_start3A_346] : memref<3200x128xi32, #tpu.memory_space<hbm>> -> memref<2x128xi32, #tpu.memory_space<hbm>>
        tpu.enqueue_dma source(%dma_start3A_347 : memref<2x128xi32, #tpu.memory_space<hbm>>) target(%dma_start3A_345 : memref<2x128xi32, #tpu.memory_space<vmem>>) target_semaphore(%run_scoped3A_335 : memref<!tpu.dma_semaphore, #tpu.memory_space<semaphore_mem>>)
        %dma_wait3A_348 = arith.constant 0 : i32
        %dma_wait3A_349 = arith.constant 0 : i32
        %dma_wait3A_350 = tpu.memref_slice %arg5[%run_scoped3A_256, %dma_wait3A_348, %dma_wait3A_349] : memref<2x2x128xi32, #tpu.memory_space<vmem>> -> memref<1x2x128xi32, #tpu.memory_space<vmem>>
        %dma_wait3A_351 = tpu.memref_squeeze %dma_wait3A_350 : memref<1x2x128xi32, #tpu.memory_space<vmem>> -> memref<2x128xi32, #tpu.memory_space<vmem>>
        %dma_wait3A_352 = arith.constant 0 : i32
        %dma_wait3A_353 = tpu.memref_slice %arg3[%add3A_255, %dma_wait3A_352] : memref<3200x128xi32, #tpu.memory_space<hbm>> -> memref<2x128xi32, #tpu.memory_space<hbm>>
        %dma_wait3A_354 = arith.constant 0 : i32
        %dma_wait3A_355 = arith.constant 0 : i32
        %dma_wait3A_356 = tpu.memref_slice %arg5[%run_scoped3A_256, %dma_wait3A_354, %dma_wait3A_355] : memref<2x2x128xi32, #tpu.memory_space<vmem>> -> memref<1x2x128xi32, #tpu.memory_space<vmem>>
        %dma_wait3A_357 = tpu.memref_squeeze %dma_wait3A_356 : memref<1x2x128xi32, #tpu.memory_space<vmem>> -> memref<2x128xi32, #tpu.memory_space<vmem>>
        %dma_wait3A_358 = arith.constant 0 : i32
        %dma_wait3A_359 = tpu.memref_slice %arg3[%add3A_255, %dma_wait3A_358] : memref<3200x128xi32, #tpu.memory_space<hbm>> -> memref<2x128xi32, #tpu.memory_space<hbm>>
        tpu.wait_dma2 semaphore(%run_scoped3A_335 : memref<!tpu.dma_semaphore, #tpu.memory_space<semaphore_mem>>) src(%dma_wait3A_359 : memref<2x128xi32, #tpu.memory_space<hbm>>) dst(%dma_wait3A_357 : memref<2x128xi32, #tpu.memory_space<vmem>>)
        tpu.yield
      }) : () -> ()
      %dma_start3A_257 = arith.constant 1 : i32
      %dma_start3A_258 = arith.constant 0 : i32
      %dma_start3A_259 = arith.constant 1 : i32
      %dma_start3A_260 = arith.constant 0 : i32
      %dma_start3A_261 = arith.constant 0 : i32
      %dma_start3A_262 = tpu.memref_slice %arg6[%dma_start3A_259, %dma_start3A_260, %dma_start3A_261] : memref<2x256x64xf32, #tpu.memory_space<vmem>> -> memref<1x128x64xf32, #tpu.memory_space<vmem>>
      %dma_start3A_263 = tpu.memref_squeeze %dma_start3A_262 : memref<1x128x64xf32, #tpu.memory_space<vmem>> -> memref<128x64xf32, #tpu.memory_space<vmem>>
      %dma_start3A_264 = arith.constant 0 : i32
      %dma_start3A_265 = tpu.memref_slice %arg5[%dma_start3A_257, %dma_start3A_258, %dma_start3A_264] : memref<2x2x128xi32, #tpu.memory_space<vmem>> -> memref<1x1x128xi32, #tpu.memory_space<vmem>>
      %dma_start3A_266 = tpu.memref_squeeze %dma_start3A_265 : memref<1x1x128xi32, #tpu.memory_space<vmem>> -> memref<128xi32, #tpu.memory_space<vmem>>
      %dma_start3A_267 = arith.constant 0 : i32
      %dma_start3A_268 = arith.constant 0 : i32
      %dma_start3A_269 = tpu.memref_slice %arg2[%dma_start3A_267, %dma_start3A_268] : memref<100352x64xf32, #tpu.memory_space<hbm>> -> memref<100352x64xf32, #tpu.memory_space<hbm>>
      tpu.enqueue_indirect_dma source(%dma_start3A_269 : memref<100352x64xf32, #tpu.memory_space<hbm>>) target(%dma_start3A_263 : memref<128x64xf32, #tpu.memory_space<vmem>>) offsets(%dma_start3A_266 : memref<128xi32, #tpu.memory_space<vmem>>) semaphore(%arg7 : memref<!tpu.dma_semaphore, #tpu.memory_space<semaphore_mem>>)
      %dma_start3A_270 = arith.constant 1 : i32
      %dma_start3A_271 = arith.constant 1 : i32
      %dma_start3A_272 = arith.constant 1 : i32
      %dma_start3A_273 = arith.constant 128 : i32
      %dma_start3A_274 = arith.constant 0 : i32
      %dma_start3A_275 = tpu.memref_slice %arg6[%dma_start3A_272, %dma_start3A_273, %dma_start3A_274] : memref<2x256x64xf32, #tpu.memory_space<vmem>> -> memref<1x128x64xf32, #tpu.memory_space<vmem>>
      %dma_start3A_276 = tpu.memref_squeeze %dma_start3A_275 : memref<1x128x64xf32, #tpu.memory_space<vmem>> -> memref<128x64xf32, #tpu.memory_space<vmem>>
      %dma_start3A_277 = arith.constant 0 : i32
      %dma_start3A_278 = tpu.memref_slice %arg5[%dma_start3A_270, %dma_start3A_271, %dma_start3A_277] : memref<2x2x128xi32, #tpu.memory_space<vmem>> -> memref<1x1x128xi32, #tpu.memory_space<vmem>>
      %dma_start3A_279 = tpu.memref_squeeze %dma_start3A_278 : memref<1x1x128xi32, #tpu.memory_space<vmem>> -> memref<128xi32, #tpu.memory_space<vmem>>
      %dma_start3A_280 = arith.constant 0 : i32
      %dma_start3A_281 = arith.constant 0 : i32
      %dma_start3A_282 = tpu.memref_slice %arg2[%dma_start3A_280, %dma_start3A_281] : memref<100352x64xf32, #tpu.memory_space<hbm>> -> memref<100352x64xf32, #tpu.memory_space<hbm>>
      tpu.enqueue_indirect_dma source(%dma_start3A_282 : memref<100352x64xf32, #tpu.memory_space<hbm>>) target(%dma_start3A_276 : memref<128x64xf32, #tpu.memory_space<vmem>>) offsets(%dma_start3A_279 : memref<128xi32, #tpu.memory_space<vmem>>) semaphore(%arg7 : memref<!tpu.dma_semaphore, #tpu.memory_space<semaphore_mem>>)
      %dma_wait3A_283 = arith.constant 1 : i32
      %dma_wait3A_284 = arith.constant 0 : i32
      %dma_wait3A_285 = arith.constant 1 : i32
      %dma_wait3A_286 = arith.constant 0 : i32
      %dma_wait3A_287 = arith.constant 0 : i32
      %dma_wait3A_288 = tpu.memref_slice %arg6[%dma_wait3A_285, %dma_wait3A_286, %dma_wait3A_287] : memref<2x256x64xf32, #tpu.memory_space<vmem>> -> memref<1x128x64xf32, #tpu.memory_space<vmem>>
      %dma_wait3A_289 = tpu.memref_squeeze %dma_wait3A_288 : memref<1x128x64xf32, #tpu.memory_space<vmem>> -> memref<128x64xf32, #tpu.memory_space<vmem>>
      %dma_wait3A_290 = arith.constant 0 : i32
      %dma_wait3A_291 = tpu.memref_slice %arg5[%dma_wait3A_283, %dma_wait3A_284, %dma_wait3A_290] : memref<2x2x128xi32, #tpu.memory_space<vmem>> -> memref<1x1x128xi32, #tpu.memory_space<vmem>>
      %dma_wait3A_292 = tpu.memref_squeeze %dma_wait3A_291 : memref<1x1x128xi32, #tpu.memory_space<vmem>> -> memref<128xi32, #tpu.memory_space<vmem>>
      %dma_wait3A_293 = arith.constant 0 : i32
      %dma_wait3A_294 = arith.constant 0 : i32
      %dma_wait3A_295 = tpu.memref_slice %arg2[%dma_wait3A_293, %dma_wait3A_294] : memref<100352x64xf32, #tpu.memory_space<hbm>> -> memref<100352x64xf32, #tpu.memory_space<hbm>>
      tpu.wait_indirect_dma semaphore(%arg7 : memref<!tpu.dma_semaphore, #tpu.memory_space<semaphore_mem>>) src(%dma_wait3A_295 : memref<100352x64xf32, #tpu.memory_space<hbm>>) dst(%dma_wait3A_289 : memref<128x64xf32, #tpu.memory_space<vmem>>)
      %dma_wait3A_296 = arith.constant 1 : i32
      %dma_wait3A_297 = arith.constant 1 : i32
      %dma_wait3A_298 = arith.constant 1 : i32
      %dma_wait3A_299 = arith.constant 128 : i32
      %dma_wait3A_300 = arith.constant 0 : i32
      %dma_wait3A_301 = tpu.memref_slice %arg6[%dma_wait3A_298, %dma_wait3A_299, %dma_wait3A_300] : memref<2x256x64xf32, #tpu.memory_space<vmem>> -> memref<1x128x64xf32, #tpu.memory_space<vmem>>
      %dma_wait3A_302 = tpu.memref_squeeze %dma_wait3A_301 : memref<1x128x64xf32, #tpu.memory_space<vmem>> -> memref<128x64xf32, #tpu.memory_space<vmem>>
      %dma_wait3A_303 = arith.constant 0 : i32
      %dma_wait3A_304 = tpu.memref_slice %arg5[%dma_wait3A_296, %dma_wait3A_297, %dma_wait3A_303] : memref<2x2x128xi32, #tpu.memory_space<vmem>> -> memref<1x1x128xi32, #tpu.memory_space<vmem>>
      %dma_wait3A_305 = tpu.memref_squeeze %dma_wait3A_304 : memref<1x1x128xi32, #tpu.memory_space<vmem>> -> memref<128xi32, #tpu.memory_space<vmem>>
      %dma_wait3A_306 = arith.constant 0 : i32
      %dma_wait3A_307 = arith.constant 0 : i32
      %dma_wait3A_308 = tpu.memref_slice %arg2[%dma_wait3A_306, %dma_wait3A_307] : memref<100352x64xf32, #tpu.memory_space<hbm>> -> memref<100352x64xf32, #tpu.memory_space<hbm>>
      tpu.wait_indirect_dma semaphore(%arg7 : memref<!tpu.dma_semaphore, #tpu.memory_space<semaphore_mem>>) src(%dma_wait3A_308 : memref<100352x64xf32, #tpu.memory_space<hbm>>) dst(%dma_wait3A_302 : memref<128x64xf32, #tpu.memory_space<vmem>>)
      %dma_start3A_309 = arith.constant 1 : i32
      %dma_start3A_310 = arith.constant 0 : i32
      %dma_start3A_311 = arith.constant 0 : i32
      %dma_start3A_312 = tpu.memref_slice %arg6[%dma_start3A_309, %dma_start3A_310, %dma_start3A_311] : memref<2x256x64xf32, #tpu.memory_space<vmem>> -> memref<1x128x64xf32, #tpu.memory_space<vmem>>
      %dma_start3A_313 = tpu.memref_squeeze %dma_start3A_312 : memref<1x128x64xf32, #tpu.memory_space<vmem>> -> memref<128x64xf32, #tpu.memory_space<vmem>>
      %dma_start3A_314 = arith.constant 0 : i32
      %dma_start3A_315 = tpu.memref_slice %arg4[%select_n3A_247, %dma_start3A_314] : memref<204800x128xf32, #tpu.memory_space<hbm>> -> memref<128x64xf32, #tpu.memory_space<hbm>>
      %dma_start3A_316 = arith.constant 0 : i32
      %dma_start3A_317 = tpu.memref_slice %arg4[%select_n3A_247, %dma_start3A_316] : memref<204800x128xf32, #tpu.memory_space<hbm>> -> memref<128x64xf32, #tpu.memory_space<hbm>>
      %dma_start3A_318 = arith.constant 0 : i32
      %dma_start3A_319 = arith.constant 0 : i32
      %dma_start3A_320 = tpu.memref_slice %arg6[%dma_start3A_309, %dma_start3A_318, %dma_start3A_319] : memref<2x256x64xf32, #tpu.memory_space<vmem>> -> memref<1x128x64xf32, #tpu.memory_space<vmem>>
      %dma_start3A_321 = tpu.memref_squeeze %dma_start3A_320 : memref<1x128x64xf32, #tpu.memory_space<vmem>> -> memref<128x64xf32, #tpu.memory_space<vmem>>
      tpu.enqueue_dma source(%dma_start3A_321 : memref<128x64xf32, #tpu.memory_space<vmem>>) target(%dma_start3A_317 : memref<128x64xf32, #tpu.memory_space<hbm>>) target_semaphore(%arg9 : memref<!tpu.dma_semaphore, #tpu.memory_space<semaphore_mem>>)
      %dma_start3A_322 = arith.constant 1 : i32
      %dma_start3A_323 = arith.constant 128 : i32
      %dma_start3A_324 = arith.constant 0 : i32
      %dma_start3A_325 = tpu.memref_slice %arg6[%dma_start3A_322, %dma_start3A_323, %dma_start3A_324] : memref<2x256x64xf32, #tpu.memory_space<vmem>> -> memref<1x128x64xf32, #tpu.memory_space<vmem>>
      %dma_start3A_326 = tpu.memref_squeeze %dma_start3A_325 : memref<1x128x64xf32, #tpu.memory_space<vmem>> -> memref<128x64xf32, #tpu.memory_space<vmem>>
      %dma_start3A_327 = arith.constant 64 : i32
      %dma_start3A_328 = tpu.memref_slice %arg4[%select_n3A_247, %dma_start3A_327] : memref<204800x128xf32, #tpu.memory_space<hbm>> -> memref<128x64xf32, #tpu.memory_space<hbm>>
      %dma_start3A_329 = arith.constant 64 : i32
      %dma_start3A_330 = tpu.memref_slice %arg4[%select_n3A_247, %dma_start3A_329] : memref<204800x128xf32, #tpu.memory_space<hbm>> -> memref<128x64xf32, #tpu.memory_space<hbm>>
      %dma_start3A_331 = arith.constant 128 : i32
      %dma_start3A_332 = arith.constant 0 : i32
      %dma_start3A_333 = tpu.memref_slice %arg6[%dma_start3A_322, %dma_start3A_331, %dma_start3A_332] : memref<2x256x64xf32, #tpu.memory_space<vmem>> -> memref<1x128x64xf32, #tpu.memory_space<vmem>>
      %dma_start3A_334 = tpu.memref_squeeze %dma_start3A_333 : memref<1x128x64xf32, #tpu.memory_space<vmem>> -> memref<128x64xf32, #tpu.memory_space<vmem>>
      tpu.enqueue_dma source(%dma_start3A_334 : memref<128x64xf32, #tpu.memory_space<vmem>>) target(%dma_start3A_330 : memref<128x64xf32, #tpu.memory_space<hbm>>) target_semaphore(%arg9 : memref<!tpu.dma_semaphore, #tpu.memory_space<semaphore_mem>>)
    }
    %scan3A_9 = arith.constant 25 : i32
    %add3A_10 = arith.constant 12288 : i32
    %add3A_11 = arith.addi %mul3A_2, %add3A_10 : i32
    %jit3A = arith.constant 2 : i32
    %div3A = arith.divsi %add3A_11, %jit3A : i32
    %sign3A = arith.constant 0 : i32
    %sign3A_12 = arith.cmpi sgt, %add3A_11, %sign3A : i32
    %sign3A_13 = arith.extui %sign3A_12 : i1 to i32
    %sign3A_14 = arith.constant 0 : i32
    %sign3A_15 = arith.cmpi slt, %add3A_11, %sign3A_14 : i32
    %sign3A_16 = arith.extui %sign3A_15 : i1 to i32
    %sign3A_17 = arith.subi %sign3A_13, %sign3A_16 : i32
    %sign3A_18 = arith.constant 0 : i32
    %sign3A_19 = arith.cmpi sgt, %jit3A, %sign3A_18 : i32
    %sign3A_20 = arith.extui %sign3A_19 : i1 to i32
    %sign3A_21 = arith.constant 0 : i32
    %sign3A_22 = arith.cmpi slt, %jit3A, %sign3A_21 : i32
    %sign3A_23 = arith.extui %sign3A_22 : i1 to i32
    %sign3A_24 = arith.subi %sign3A_20, %sign3A_23 : i32
    %ne3A = arith.cmpi ne, %sign3A_17, %sign3A_24 : i32
    %rem3A = arith.remsi %add3A_11, %jit3A : i32
    %ne3A_25 = arith.constant 0 : i32
    %ne3A_26 = arith.cmpi ne, %rem3A, %ne3A_25 : i32
    %and3A = arith.andi %ne3A, %ne3A_26 : i1
    %sub3A = arith.constant 1 : i32
    %sub3A_27 = arith.subi %div3A, %sub3A : i32
    %select_n3A = arith.select %and3A, %sub3A_27, %div3A : i32
    %dma_wait3A = arith.constant 0 : i32
    %dma_wait3A_28 = arith.constant 0 : i32
    %dma_wait3A_29 = arith.constant 0 : i32
    %dma_wait3A_30 = tpu.memref_slice %arg6[%dma_wait3A, %dma_wait3A_28, %dma_wait3A_29] : memref<2x256x64xf32, #tpu.memory_space<vmem>> -> memref<1x128x64xf32, #tpu.memory_space<vmem>>
    %dma_wait3A_31 = tpu.memref_squeeze %dma_wait3A_30 : memref<1x128x64xf32, #tpu.memory_space<vmem>> -> memref<128x64xf32, #tpu.memory_space<vmem>>
    %dma_wait3A_32 = arith.constant 0 : i32
    %dma_wait3A_33 = tpu.memref_slice %arg4[%select_n3A, %dma_wait3A_32] : memref<204800x128xf32, #tpu.memory_space<hbm>> -> memref<128x64xf32, #tpu.memory_space<hbm>>
    %dma_wait3A_34 = arith.constant 0 : i32
    %dma_wait3A_35 = tpu.memref_slice %arg4[%select_n3A, %dma_wait3A_34] : memref<204800x128xf32, #tpu.memory_space<hbm>> -> memref<128x64xf32, #tpu.memory_space<hbm>>
    %dma_wait3A_36 = arith.constant 0 : i32
    %dma_wait3A_37 = arith.constant 0 : i32
    %dma_wait3A_38 = tpu.memref_slice %arg6[%dma_wait3A, %dma_wait3A_36, %dma_wait3A_37] : memref<2x256x64xf32, #tpu.memory_space<vmem>> -> memref<1x128x64xf32, #tpu.memory_space<vmem>>
    %dma_wait3A_39 = tpu.memref_squeeze %dma_wait3A_38 : memref<1x128x64xf32, #tpu.memory_space<vmem>> -> memref<128x64xf32, #tpu.memory_space<vmem>>
    tpu.wait_dma2 semaphore(%arg8 : memref<!tpu.dma_semaphore, #tpu.memory_space<semaphore_mem>>) src(%dma_wait3A_39 : memref<128x64xf32, #tpu.memory_space<vmem>>) dst(%dma_wait3A_35 : memref<128x64xf32, #tpu.memory_space<hbm>>)
    %dma_wait3A_40 = arith.constant 0 : i32
    %dma_wait3A_41 = arith.constant 128 : i32
    %dma_wait3A_42 = arith.constant 0 : i32
    %dma_wait3A_43 = tpu.memref_slice %arg6[%dma_wait3A_40, %dma_wait3A_41, %dma_wait3A_42] : memref<2x256x64xf32, #tpu.memory_space<vmem>> -> memref<1x128x64xf32, #tpu.memory_space<vmem>>
    %dma_wait3A_44 = tpu.memref_squeeze %dma_wait3A_43 : memref<1x128x64xf32, #tpu.memory_space<vmem>> -> memref<128x64xf32, #tpu.memory_space<vmem>>
    %dma_wait3A_45 = arith.constant 64 : i32
    %dma_wait3A_46 = tpu.memref_slice %arg4[%select_n3A, %dma_wait3A_45] : memref<204800x128xf32, #tpu.memory_space<hbm>> -> memref<128x64xf32, #tpu.memory_space<hbm>>
    %dma_wait3A_47 = arith.constant 64 : i32
    %dma_wait3A_48 = tpu.memref_slice %arg4[%select_n3A, %dma_wait3A_47] : memref<204800x128xf32, #tpu.memory_space<hbm>> -> memref<128x64xf32, #tpu.memory_space<hbm>>
    %dma_wait3A_49 = arith.constant 128 : i32
    %dma_wait3A_50 = arith.constant 0 : i32
    %dma_wait3A_51 = tpu.memref_slice %arg6[%dma_wait3A_40, %dma_wait3A_49, %dma_wait3A_50] : memref<2x256x64xf32, #tpu.memory_space<vmem>> -> memref<1x128x64xf32, #tpu.memory_space<vmem>>
    %dma_wait3A_52 = tpu.memref_squeeze %dma_wait3A_51 : memref<1x128x64xf32, #tpu.memory_space<vmem>> -> memref<128x64xf32, #tpu.memory_space<vmem>>
    tpu.wait_dma2 semaphore(%arg8 : memref<!tpu.dma_semaphore, #tpu.memory_space<semaphore_mem>>) src(%dma_wait3A_52 : memref<128x64xf32, #tpu.memory_space<vmem>>) dst(%dma_wait3A_48 : memref<128x64xf32, #tpu.memory_space<hbm>>)
    %add3A_53 = arith.constant 12544 : i32
    %add3A_54 = arith.addi %mul3A_2, %add3A_53 : i32
    %jit3A_55 = arith.constant 2 : i32
    %div3A_56 = arith.divsi %add3A_54, %jit3A_55 : i32
    %sign3A_57 = arith.constant 0 : i32
    %sign3A_58 = arith.cmpi sgt, %add3A_54, %sign3A_57 : i32
    %sign3A_59 = arith.extui %sign3A_58 : i1 to i32
    %sign3A_60 = arith.constant 0 : i32
    %sign3A_61 = arith.cmpi slt, %add3A_54, %sign3A_60 : i32
    %sign3A_62 = arith.extui %sign3A_61 : i1 to i32
    %sign3A_63 = arith.subi %sign3A_59, %sign3A_62 : i32
    %sign3A_64 = arith.constant 0 : i32
    %sign3A_65 = arith.cmpi sgt, %jit3A_55, %sign3A_64 : i32
    %sign3A_66 = arith.extui %sign3A_65 : i1 to i32
    %sign3A_67 = arith.constant 0 : i32
    %sign3A_68 = arith.cmpi slt, %jit3A_55, %sign3A_67 : i32
    %sign3A_69 = arith.extui %sign3A_68 : i1 to i32
    %sign3A_70 = arith.subi %sign3A_66, %sign3A_69 : i32
    %ne3A_71 = arith.cmpi ne, %sign3A_63, %sign3A_70 : i32
    %rem3A_72 = arith.remsi %add3A_54, %jit3A_55 : i32
    %ne3A_73 = arith.constant 0 : i32
    %ne3A_74 = arith.cmpi ne, %rem3A_72, %ne3A_73 : i32
    %and3A_75 = arith.andi %ne3A_71, %ne3A_74 : i1
    %sub3A_76 = arith.constant 1 : i32
    %sub3A_77 = arith.subi %div3A_56, %sub3A_76 : i32
    %select_n3A_78 = arith.select %and3A_75, %sub3A_77, %div3A_56 : i32
    %dma_wait3A_79 = arith.constant 1 : i32
    %dma_wait3A_80 = arith.constant 0 : i32
    %dma_wait3A_81 = arith.constant 0 : i32
    %dma_wait3A_82 = tpu.memref_slice %arg6[%dma_wait3A_79, %dma_wait3A_80, %dma_wait3A_81] : memref<2x256x64xf32, #tpu.memory_space<vmem>> -> memref<1x128x64xf32, #tpu.memory_space<vmem>>
    %dma_wait3A_83 = tpu.memref_squeeze %dma_wait3A_82 : memref<1x128x64xf32, #tpu.memory_space<vmem>> -> memref<128x64xf32, #tpu.memory_space<vmem>>
    %dma_wait3A_84 = arith.constant 0 : i32
    %dma_wait3A_85 = tpu.memref_slice %arg4[%select_n3A_78, %dma_wait3A_84] : memref<204800x128xf32, #tpu.memory_space<hbm>> -> memref<128x64xf32, #tpu.memory_space<hbm>>
    %dma_wait3A_86 = arith.constant 0 : i32
    %dma_wait3A_87 = tpu.memref_slice %arg4[%select_n3A_78, %dma_wait3A_86] : memref<204800x128xf32, #tpu.memory_space<hbm>> -> memref<128x64xf32, #tpu.memory_space<hbm>>
    %dma_wait3A_88 = arith.constant 0 : i32
    %dma_wait3A_89 = arith.constant 0 : i32
    %dma_wait3A_90 = tpu.memref_slice %arg6[%dma_wait3A_79, %dma_wait3A_88, %dma_wait3A_89] : memref<2x256x64xf32, #tpu.memory_space<vmem>> -> memref<1x128x64xf32, #tpu.memory_space<vmem>>
    %dma_wait3A_91 = tpu.memref_squeeze %dma_wait3A_90 : memref<1x128x64xf32, #tpu.memory_space<vmem>> -> memref<128x64xf32, #tpu.memory_space<vmem>>
    tpu.wait_dma2 semaphore(%arg9 : memref<!tpu.dma_semaphore, #tpu.memory_space<semaphore_mem>>) src(%dma_wait3A_91 : memref<128x64xf32, #tpu.memory_space<vmem>>) dst(%dma_wait3A_87 : memref<128x64xf32, #tpu.memory_space<hbm>>)
    %dma_wait3A_92 = arith.constant 1 : i32
    %dma_wait3A_93 = arith.constant 128 : i32
    %dma_wait3A_94 = arith.constant 0 : i32
    %dma_wait3A_95 = tpu.memref_slice %arg6[%dma_wait3A_92, %dma_wait3A_93, %dma_wait3A_94] : memref<2x256x64xf32, #tpu.memory_space<vmem>> -> memref<1x128x64xf32, #tpu.memory_space<vmem>>
    %dma_wait3A_96 = tpu.memref_squeeze %dma_wait3A_95 : memref<1x128x64xf32, #tpu.memory_space<vmem>> -> memref<128x64xf32, #tpu.memory_space<vmem>>
    %dma_wait3A_97 = arith.constant 64 : i32
    %dma_wait3A_98 = tpu.memref_slice %arg4[%select_n3A_78, %dma_wait3A_97] : memref<204800x128xf32, #tpu.memory_space<hbm>> -> memref<128x64xf32, #tpu.memory_space<hbm>>
    %dma_wait3A_99 = arith.constant 64 : i32
    %dma_wait3A_100 = tpu.memref_slice %arg4[%select_n3A_78, %dma_wait3A_99] : memref<204800x128xf32, #tpu.memory_space<hbm>> -> memref<128x64xf32, #tpu.memory_space<hbm>>
    %dma_wait3A_101 = arith.constant 128 : i32
    %dma_wait3A_102 = arith.constant 0 : i32
    %dma_wait3A_103 = tpu.memref_slice %arg6[%dma_wait3A_92, %dma_wait3A_101, %dma_wait3A_102] : memref<2x256x64xf32, #tpu.memory_space<vmem>> -> memref<1x128x64xf32, #tpu.memory_space<vmem>>
    %dma_wait3A_104 = tpu.memref_squeeze %dma_wait3A_103 : memref<1x128x64xf32, #tpu.memory_space<vmem>> -> memref<128x64xf32, #tpu.memory_space<vmem>>
    tpu.wait_dma2 semaphore(%arg9 : memref<!tpu.dma_semaphore, #tpu.memory_space<semaphore_mem>>) src(%dma_wait3A_104 : memref<128x64xf32, #tpu.memory_space<vmem>>) dst(%dma_wait3A_100 : memref<128x64xf32, #tpu.memory_space<hbm>>)
    return
  }
}

#map = affine_map<(d0, d1) -> (0, 0)>
module attributes {stable_mosaic.version = 14 : i64} {
  func.func @gather_kernel(%arg0: i32, %arg1: i32, %arg2: memref<100352x64xf32, #tpu.memory_space<hbm>>, %arg3: memref<3200x128xi32, #tpu.memory_space<hbm>>, %arg4: memref<204800x128xf32, #tpu.memory_space<hbm>>, %arg5: memref<2x2x128xi32, #tpu.memory_space<vmem>>, %arg6: memref<2x256x64xf32, #tpu.memory_space<vmem>>, %arg7: memref<!tpu.dma_semaphore, #tpu.memory_space<semaphore_mem>>, %arg8: memref<!tpu.dma_semaphore, #tpu.memory_space<semaphore_mem>>, %arg9: memref<!tpu.dma_semaphore, #tpu.memory_space<semaphore_mem>>) attributes {dimension_semantics = [#tpu.dimension_semantics<core_parallel>, #tpu.dimension_semantics<subcore_parallel>], iteration_bounds = array<i64: 2, 16>, scalar_prefetch = 0 : i64, scratch_operands = 5 : i64, tpu.core_type = #tpu.core_type<sc_vector_subcore>, window_params = [{transform_indices = #map}, {transform_indices = #map}, {transform_indices = #map}]} {
    %mul3A = arith.constant 2 : i32
    %mul3A_0 = arith.muli %arg1, %mul3A : i32
    %add3A = arith.addi %mul3A_0, %arg0 : i32
    %mul3A_1 = arith.constant 12800 : i32
    %mul3A_2 = arith.muli %add3A, %mul3A_1 : i32
    %mul3A_3 = arith.constant 100 : i32
    %mul3A_4 = arith.muli %add3A, %mul3A_3 : i32
    %scan3A = arith.constant 0 : i32
    %scan3A_5 = arith.constant 0 : i32
    %scan3A_6 = arith.constant 25 : i32
    %scan3A_7 = arith.addi %scan3A_5, %scan3A_6 : i32
    %scan3A_8 = arith.constant 1 : i32
    scf.for %scan3A_105 = %scan3A_5 to %scan3A_7 step %scan3A_8  : i32 {
      %mul3A_106 = arith.constant 2 : i32
      %mul3A_107 = arith.muli %mul3A_106, %scan3A_105 : i32
      %mul3A_108 = arith.constant 256 : i32
      %mul3A_109 = arith.muli %mul3A_107, %mul3A_108 : i32
      %add3A_110 = arith.addi %mul3A_2, %mul3A_109 : i32
      %jit3A_111 = arith.constant 2 : i32
      %div3A_112 = arith.divsi %add3A_110, %jit3A_111 : i32
      %sign3A_113 = arith.constant 0 : i32
      %sign3A_114 = arith.cmpi sgt, %add3A_110, %sign3A_113 : i32
      %sign3A_115 = arith.extui %sign3A_114 : i1 to i32
      %sign3A_116 = arith.constant 0 : i32
      %sign3A_117 = arith.cmpi slt, %add3A_110, %sign3A_116 : i32
      %sign3A_118 = arith.extui %sign3A_117 : i1 to i32
      %sign3A_119 = arith.subi %sign3A_115, %sign3A_118 : i32
      %sign3A_120 = arith.constant 0 : i32
      %sign3A_121 = arith.cmpi sgt, %jit3A_111, %sign3A_120 : i32
      %sign3A_122 = arith.extui %sign3A_121 : i1 to i32
      %sign3A_123 = arith.constant 0 : i32
      %sign3A_124 = arith.cmpi slt, %jit3A_111, %sign3A_123 : i32
      %sign3A_125 = arith.extui %sign3A_124 : i1 to i32
      %sign3A_126 = arith.subi %sign3A_122, %sign3A_125 : i32
      %ne3A_127 = arith.cmpi ne, %sign3A_119, %sign3A_126 : i32
      %rem3A_128 = arith.remsi %add3A_110, %jit3A_111 : i32
      %ne3A_129 = arith.constant 0 : i32
      %ne3A_130 = arith.cmpi ne, %rem3A_128, %ne3A_129 : i32
      %and3A_131 = arith.andi %ne3A_127, %ne3A_130 : i1
      %sub3A_132 = arith.constant 1 : i32
      %sub3A_133 = arith.subi %div3A_112, %sub3A_132 : i32
      %select_n3A_134 = arith.select %and3A_131, %sub3A_133, %div3A_112 : i32
      %ge3A = arith.constant 2 : i32
      %ge3A_135 = arith.cmpi sge, %mul3A_107, %ge3A : i32
      %convert_element_type3A = arith.extui %ge3A_135 : i1 to i32
      %cond3A = arith.constant 0 : i32
      %cond3A_136 = arith.cmpi ne, %convert_element_type3A, %cond3A : i32
      scf.if %cond3A_136 {
        %dma_wait3A_335 = arith.constant 0 : i32
        %dma_wait3A_336 = arith.constant 0 : i32
        %dma_wait3A_337 = arith.constant 0 : i32
        %dma_wait3A_338 = tpu.memref_slice %arg6[%dma_wait3A_335, %dma_wait3A_336, %dma_wait3A_337] : memref<2x256x64xf32, #tpu.memory_space<vmem>> -> memref<1x128x64xf32, #tpu.memory_space<vmem>>
        %dma_wait3A_339 = tpu.memref_squeeze %dma_wait3A_338 : memref<1x128x64xf32, #tpu.memory_space<vmem>> -> memref<128x64xf32, #tpu.memory_space<vmem>>
        %dma_wait3A_340 = arith.constant 0 : i32
        %dma_wait3A_341 = tpu.memref_slice %arg4[%select_n3A_134, %dma_wait3A_340] : memref<204800x128xf32, #tpu.memory_space<hbm>> -> memref<128x64xf32, #tpu.memory_space<hbm>>
        %dma_wait3A_342 = arith.constant 0 : i32
        %dma_wait3A_343 = tpu.memref_slice %arg4[%select_n3A_134, %dma_wait3A_342] : memref<204800x128xf32, #tpu.memory_space<hbm>> -> memref<128x64xf32, #tpu.memory_space<hbm>>
        %dma_wait3A_344 = arith.constant 0 : i32
        %dma_wait3A_345 = arith.constant 0 : i32
        %dma_wait3A_346 = tpu.memref_slice %arg6[%dma_wait3A_335, %dma_wait3A_344, %dma_wait3A_345] : memref<2x256x64xf32, #tpu.memory_space<vmem>> -> memref<1x128x64xf32, #tpu.memory_space<vmem>>
        %dma_wait3A_347 = tpu.memref_squeeze %dma_wait3A_346 : memref<1x128x64xf32, #tpu.memory_space<vmem>> -> memref<128x64xf32, #tpu.memory_space<vmem>>
        tpu.wait_dma2 semaphore(%arg8 : memref<!tpu.dma_semaphore, #tpu.memory_space<semaphore_mem>>) src(%dma_wait3A_347 : memref<128x64xf32, #tpu.memory_space<vmem>>) dst(%dma_wait3A_343 : memref<128x64xf32, #tpu.memory_space<hbm>>)
        %dma_wait3A_348 = arith.constant 0 : i32
        %dma_wait3A_349 = arith.constant 128 : i32
        %dma_wait3A_350 = arith.constant 0 : i32
        %dma_wait3A_351 = tpu.memref_slice %arg6[%dma_wait3A_348, %dma_wait3A_349, %dma_wait3A_350] : memref<2x256x64xf32, #tpu.memory_space<vmem>> -> memref<1x128x64xf32, #tpu.memory_space<vmem>>
        %dma_wait3A_352 = tpu.memref_squeeze %dma_wait3A_351 : memref<1x128x64xf32, #tpu.memory_space<vmem>> -> memref<128x64xf32, #tpu.memory_space<vmem>>
        %dma_wait3A_353 = arith.constant 64 : i32
        %dma_wait3A_354 = tpu.memref_slice %arg4[%select_n3A_134, %dma_wait3A_353] : memref<204800x128xf32, #tpu.memory_space<hbm>> -> memref<128x64xf32, #tpu.memory_space<hbm>>
        %dma_wait3A_355 = arith.constant 64 : i32
        %dma_wait3A_356 = tpu.memref_slice %arg4[%select_n3A_134, %dma_wait3A_355] : memref<204800x128xf32, #tpu.memory_space<hbm>> -> memref<128x64xf32, #tpu.memory_space<hbm>>
        %dma_wait3A_357 = arith.constant 128 : i32
        %dma_wait3A_358 = arith.constant 0 : i32
        %dma_wait3A_359 = tpu.memref_slice %arg6[%dma_wait3A_348, %dma_wait3A_357, %dma_wait3A_358] : memref<2x256x64xf32, #tpu.memory_space<vmem>> -> memref<1x128x64xf32, #tpu.memory_space<vmem>>
        %dma_wait3A_360 = tpu.memref_squeeze %dma_wait3A_359 : memref<1x128x64xf32, #tpu.memory_space<vmem>> -> memref<128x64xf32, #tpu.memory_space<vmem>>
        tpu.wait_dma2 semaphore(%arg8 : memref<!tpu.dma_semaphore, #tpu.memory_space<semaphore_mem>>) src(%dma_wait3A_360 : memref<128x64xf32, #tpu.memory_space<vmem>>) dst(%dma_wait3A_356 : memref<128x64xf32, #tpu.memory_space<hbm>>)
      } else {
      }
      %mul3A_137 = arith.constant 2 : i32
      %mul3A_138 = arith.muli %mul3A_107, %mul3A_137 : i32
      %add3A_139 = arith.addi %mul3A_4, %mul3A_138 : i32
      %run_scoped3A = arith.constant 0 : i32
      "tpu.region"() ({
        %run_scoped3A_335 = tpu.sem_alloc : memref<!tpu.dma_semaphore, #tpu.memory_space<semaphore_mem>>
        %dma_start3A_336 = arith.constant 0 : i32
        %dma_start3A_337 = arith.constant 0 : i32
        %dma_start3A_338 = tpu.memref_slice %arg5[%run_scoped3A, %dma_start3A_336, %dma_start3A_337] : memref<2x2x128xi32, #tpu.memory_space<vmem>> -> memref<1x2x128xi32, #tpu.memory_space<vmem>>
        %dma_start3A_339 = tpu.memref_squeeze %dma_start3A_338 : memref<1x2x128xi32, #tpu.memory_space<vmem>> -> memref<2x128xi32, #tpu.memory_space<vmem>>
        %dma_start3A_340 = arith.constant 0 : i32
        %dma_start3A_341 = tpu.memref_slice %arg3[%add3A_139, %dma_start3A_340] : memref<3200x128xi32, #tpu.memory_space<hbm>> -> memref<2x128xi32, #tpu.memory_space<hbm>>
        %dma_start3A_342 = arith.constant 0 : i32
        %dma_start3A_343 = arith.constant 0 : i32
        %dma_start3A_344 = tpu.memref_slice %arg5[%run_scoped3A, %dma_start3A_342, %dma_start3A_343] : memref<2x2x128xi32, #tpu.memory_space<vmem>> -> memref<1x2x128xi32, #tpu.memory_space<vmem>>
        %dma_start3A_345 = tpu.memref_squeeze %dma_start3A_344 : memref<1x2x128xi32, #tpu.memory_space<vmem>> -> memref<2x128xi32, #tpu.memory_space<vmem>>
        %dma_start3A_346 = arith.constant 0 : i32
        %dma_start3A_347 = tpu.memref_slice %arg3[%add3A_139, %dma_start3A_346] : memref<3200x128xi32, #tpu.memory_space<hbm>> -> memref<2x128xi32, #tpu.memory_space<hbm>>
        tpu.enqueue_dma source(%dma_start3A_347 : memref<2x128xi32, #tpu.memory_space<hbm>>) target(%dma_start3A_345 : memref<2x128xi32, #tpu.memory_space<vmem>>) target_semaphore(%run_scoped3A_335 : memref<!tpu.dma_semaphore, #tpu.memory_space<semaphore_mem>>)
        %dma_wait3A_348 = arith.constant 0 : i32
        %dma_wait3A_349 = arith.constant 0 : i32
        %dma_wait3A_350 = tpu.memref_slice %arg5[%run_scoped3A, %dma_wait3A_348, %dma_wait3A_349] : memref<2x2x128xi32, #tpu.memory_space<vmem>> -> memref<1x2x128xi32, #tpu.memory_space<vmem>>
        %dma_wait3A_351 = tpu.memref_squeeze %dma_wait3A_350 : memref<1x2x128xi32, #tpu.memory_space<vmem>> -> memref<2x128xi32, #tpu.memory_space<vmem>>
        %dma_wait3A_352 = arith.constant 0 : i32
        %dma_wait3A_353 = tpu.memref_slice %arg3[%add3A_139, %dma_wait3A_352] : memref<3200x128xi32, #tpu.memory_space<hbm>> -> memref<2x128xi32, #tpu.memory_space<hbm>>
        %dma_wait3A_354 = arith.constant 0 : i32
        %dma_wait3A_355 = arith.constant 0 : i32
        %dma_wait3A_356 = tpu.memref_slice %arg5[%run_scoped3A, %dma_wait3A_354, %dma_wait3A_355] : memref<2x2x128xi32, #tpu.memory_space<vmem>> -> memref<1x2x128xi32, #tpu.memory_space<vmem>>
        %dma_wait3A_357 = tpu.memref_squeeze %dma_wait3A_356 : memref<1x2x128xi32, #tpu.memory_space<vmem>> -> memref<2x128xi32, #tpu.memory_space<vmem>>
        %dma_wait3A_358 = arith.constant 0 : i32
        %dma_wait3A_359 = tpu.memref_slice %arg3[%add3A_139, %dma_wait3A_358] : memref<3200x128xi32, #tpu.memory_space<hbm>> -> memref<2x128xi32, #tpu.memory_space<hbm>>
        tpu.wait_dma2 semaphore(%run_scoped3A_335 : memref<!tpu.dma_semaphore, #tpu.memory_space<semaphore_mem>>) src(%dma_wait3A_359 : memref<2x128xi32, #tpu.memory_space<hbm>>) dst(%dma_wait3A_357 : memref<2x128xi32, #tpu.memory_space<vmem>>)
        tpu.yield
      }) : () -> ()
      %dma_start3A = arith.constant 0 : i32
      %dma_start3A_140 = arith.constant 0 : i32
      %dma_start3A_141 = arith.constant 0 : i32
      %dma_start3A_142 = arith.constant 0 : i32
      %dma_start3A_143 = arith.constant 0 : i32
      %dma_start3A_144 = tpu.memref_slice %arg6[%dma_start3A_141, %dma_start3A_142, %dma_start3A_143] : memref<2x256x64xf32, #tpu.memory_space<vmem>> -> memref<1x128x64xf32, #tpu.memory_space<vmem>>
      %dma_start3A_145 = tpu.memref_squeeze %dma_start3A_144 : memref<1x128x64xf32, #tpu.memory_space<vmem>> -> memref<128x64xf32, #tpu.memory_space<vmem>>
      %dma_start3A_146 = arith.constant 0 : i32
      %dma_start3A_147 = tpu.memref_slice %arg5[%dma_start3A, %dma_start3A_140, %dma_start3A_146] : memref<2x2x128xi32, #tpu.memory_space<vmem>> -> memref<1x1x128xi32, #tpu.memory_space<vmem>>
      %dma_start3A_148 = tpu.memref_squeeze %dma_start3A_147 : memref<1x1x128xi32, #tpu.memory_space<vmem>> -> memref<128xi32, #tpu.memory_space<vmem>>
      %dma_start3A_149 = arith.constant 0 : i32
      %dma_start3A_150 = arith.constant 0 : i32
      %dma_start3A_151 = tpu.memref_slice %arg2[%dma_start3A_149, %dma_start3A_150] : memref<100352x64xf32, #tpu.memory_space<hbm>> -> memref<100352x64xf32, #tpu.memory_space<hbm>>
      tpu.enqueue_indirect_dma source(%dma_start3A_151 : memref<100352x64xf32, #tpu.memory_space<hbm>>) target(%dma_start3A_145 : memref<128x64xf32, #tpu.memory_space<vmem>>) offsets(%dma_start3A_148 : memref<128xi32, #tpu.memory_space<vmem>>) semaphore(%arg7 : memref<!tpu.dma_semaphore, #tpu.memory_space<semaphore_mem>>)
      %dma_start3A_152 = arith.constant 0 : i32
      %dma_start3A_153 = arith.constant 1 : i32
      %dma_start3A_154 = arith.constant 0 : i32
      %dma_start3A_155 = arith.constant 128 : i32
      %dma_start3A_156 = arith.constant 0 : i32
      %dma_start3A_157 = tpu.memref_slice %arg6[%dma_start3A_154, %dma_start3A_155, %dma_start3A_156] : memref<2x256x64xf32, #tpu.memory_space<vmem>> -> memref<1x128x64xf32, #tpu.memory_space<vmem>>
      %dma_start3A_158 = tpu.memref_squeeze %dma_start3A_157 : memref<1x128x64xf32, #tpu.memory_space<vmem>> -> memref<128x64xf32, #tpu.memory_space<vmem>>
      %dma_start3A_159 = arith.constant 0 : i32
      %dma_start3A_160 = tpu.memref_slice %arg5[%dma_start3A_152, %dma_start3A_153, %dma_start3A_159] : memref<2x2x128xi32, #tpu.memory_space<vmem>> -> memref<1x1x128xi32, #tpu.memory_space<vmem>>
      %dma_start3A_161 = tpu.memref_squeeze %dma_start3A_160 : memref<1x1x128xi32, #tpu.memory_space<vmem>> -> memref<128xi32, #tpu.memory_space<vmem>>
      %dma_start3A_162 = arith.constant 0 : i32
      %dma_start3A_163 = arith.constant 0 : i32
      %dma_start3A_164 = tpu.memref_slice %arg2[%dma_start3A_162, %dma_start3A_163] : memref<100352x64xf32, #tpu.memory_space<hbm>> -> memref<100352x64xf32, #tpu.memory_space<hbm>>
      tpu.enqueue_indirect_dma source(%dma_start3A_164 : memref<100352x64xf32, #tpu.memory_space<hbm>>) target(%dma_start3A_158 : memref<128x64xf32, #tpu.memory_space<vmem>>) offsets(%dma_start3A_161 : memref<128xi32, #tpu.memory_space<vmem>>) semaphore(%arg7 : memref<!tpu.dma_semaphore, #tpu.memory_space<semaphore_mem>>)
      %dma_wait3A_165 = arith.constant 0 : i32
      %dma_wait3A_166 = arith.constant 0 : i32
      %dma_wait3A_167 = arith.constant 0 : i32
      %dma_wait3A_168 = arith.constant 0 : i32
      %dma_wait3A_169 = arith.constant 0 : i32
      %dma_wait3A_170 = tpu.memref_slice %arg6[%dma_wait3A_167, %dma_wait3A_168, %dma_wait3A_169] : memref<2x256x64xf32, #tpu.memory_space<vmem>> -> memref<1x128x64xf32, #tpu.memory_space<vmem>>
      %dma_wait3A_171 = tpu.memref_squeeze %dma_wait3A_170 : memref<1x128x64xf32, #tpu.memory_space<vmem>> -> memref<128x64xf32, #tpu.memory_space<vmem>>
      %dma_wait3A_172 = arith.constant 0 : i32
      %dma_wait3A_173 = tpu.memref_slice %arg5[%dma_wait3A_165, %dma_wait3A_166, %dma_wait3A_172] : memref<2x2x128xi32, #tpu.memory_space<vmem>> -> memref<1x1x128xi32, #tpu.memory_space<vmem>>
      %dma_wait3A_174 = tpu.memref_squeeze %dma_wait3A_173 : memref<1x1x128xi32, #tpu.memory_space<vmem>> -> memref<128xi32, #tpu.memory_space<vmem>>
      %dma_wait3A_175 = arith.constant 0 : i32
      %dma_wait3A_176 = arith.constant 0 : i32
      %dma_wait3A_177 = tpu.memref_slice %arg2[%dma_wait3A_175, %dma_wait3A_176] : memref<100352x64xf32, #tpu.memory_space<hbm>> -> memref<100352x64xf32, #tpu.memory_space<hbm>>
      tpu.wait_indirect_dma semaphore(%arg7 : memref<!tpu.dma_semaphore, #tpu.memory_space<semaphore_mem>>) src(%dma_wait3A_177 : memref<100352x64xf32, #tpu.memory_space<hbm>>) dst(%dma_wait3A_171 : memref<128x64xf32, #tpu.memory_space<vmem>>)
      %dma_wait3A_178 = arith.constant 0 : i32
      %dma_wait3A_179 = arith.constant 1 : i32
      %dma_wait3A_180 = arith.constant 0 : i32
      %dma_wait3A_181 = arith.constant 128 : i32
      %dma_wait3A_182 = arith.constant 0 : i32
      %dma_wait3A_183 = tpu.memref_slice %arg6[%dma_wait3A_180, %dma_wait3A_181, %dma_wait3A_182] : memref<2x256x64xf32, #tpu.memory_space<vmem>> -> memref<1x128x64xf32, #tpu.memory_space<vmem>>
      %dma_wait3A_184 = tpu.memref_squeeze %dma_wait3A_183 : memref<1x128x64xf32, #tpu.memory_space<vmem>> -> memref<128x64xf32, #tpu.memory_space<vmem>>
      %dma_wait3A_185 = arith.constant 0 : i32
      %dma_wait3A_186 = tpu.memref_slice %arg5[%dma_wait3A_178, %dma_wait3A_179, %dma_wait3A_185] : memref<2x2x128xi32, #tpu.memory_space<vmem>> -> memref<1x1x128xi32, #tpu.memory_space<vmem>>
      %dma_wait3A_187 = tpu.memref_squeeze %dma_wait3A_186 : memref<1x1x128xi32, #tpu.memory_space<vmem>> -> memref<128xi32, #tpu.memory_space<vmem>>
      %dma_wait3A_188 = arith.constant 0 : i32
      %dma_wait3A_189 = arith.constant 0 : i32
      %dma_wait3A_190 = tpu.memref_slice %arg2[%dma_wait3A_188, %dma_wait3A_189] : memref<100352x64xf32, #tpu.memory_space<hbm>> -> memref<100352x64xf32, #tpu.memory_space<hbm>>
      tpu.wait_indirect_dma semaphore(%arg7 : memref<!tpu.dma_semaphore, #tpu.memory_space<semaphore_mem>>) src(%dma_wait3A_190 : memref<100352x64xf32, #tpu.memory_space<hbm>>) dst(%dma_wait3A_184 : memref<128x64xf32, #tpu.memory_space<vmem>>)
      %dma_start3A_191 = arith.constant 0 : i32
      %dma_start3A_192 = arith.constant 0 : i32
      %dma_start3A_193 = arith.constant 0 : i32
      %dma_start3A_194 = tpu.memref_slice %arg6[%dma_start3A_191, %dma_start3A_192, %dma_start3A_193] : memref<2x256x64xf32, #tpu.memory_space<vmem>> -> memref<1x128x64xf32, #tpu.memory_space<vmem>>
      %dma_start3A_195 = tpu.memref_squeeze %dma_start3A_194 : memref<1x128x64xf32, #tpu.memory_space<vmem>> -> memref<128x64xf32, #tpu.memory_space<vmem>>
      %dma_start3A_196 = arith.constant 0 : i32
      %dma_start3A_197 = tpu.memref_slice %arg4[%select_n3A_134, %dma_start3A_196] : memref<204800x128xf32, #tpu.memory_space<hbm>> -> memref<128x64xf32, #tpu.memory_space<hbm>>
      %dma_start3A_198 = arith.constant 0 : i32
      %dma_start3A_199 = tpu.memref_slice %arg4[%select_n3A_134, %dma_start3A_198] : memref<204800x128xf32, #tpu.memory_space<hbm>> -> memref<128x64xf32, #tpu.memory_space<hbm>>
      %dma_start3A_200 = arith.constant 0 : i32
      %dma_start3A_201 = arith.constant 0 : i32
      %dma_start3A_202 = tpu.memref_slice %arg6[%dma_start3A_191, %dma_start3A_200, %dma_start3A_201] : memref<2x256x64xf32, #tpu.memory_space<vmem>> -> memref<1x128x64xf32, #tpu.memory_space<vmem>>
      %dma_start3A_203 = tpu.memref_squeeze %dma_start3A_202 : memref<1x128x64xf32, #tpu.memory_space<vmem>> -> memref<128x64xf32, #tpu.memory_space<vmem>>
      tpu.enqueue_dma source(%dma_start3A_203 : memref<128x64xf32, #tpu.memory_space<vmem>>) target(%dma_start3A_199 : memref<128x64xf32, #tpu.memory_space<hbm>>) target_semaphore(%arg8 : memref<!tpu.dma_semaphore, #tpu.memory_space<semaphore_mem>>)
      %dma_start3A_204 = arith.constant 0 : i32
      %dma_start3A_205 = arith.constant 128 : i32
      %dma_start3A_206 = arith.constant 0 : i32
      %dma_start3A_207 = tpu.memref_slice %arg6[%dma_start3A_204, %dma_start3A_205, %dma_start3A_206] : memref<2x256x64xf32, #tpu.memory_space<vmem>> -> memref<1x128x64xf32, #tpu.memory_space<vmem>>
      %dma_start3A_208 = tpu.memref_squeeze %dma_start3A_207 : memref<1x128x64xf32, #tpu.memory_space<vmem>> -> memref<128x64xf32, #tpu.memory_space<vmem>>
      %dma_start3A_209 = arith.constant 64 : i32
      %dma_start3A_210 = tpu.memref_slice %arg4[%select_n3A_134, %dma_start3A_209] : memref<204800x128xf32, #tpu.memory_space<hbm>> -> memref<128x64xf32, #tpu.memory_space<hbm>>
      %dma_start3A_211 = arith.constant 64 : i32
      %dma_start3A_212 = tpu.memref_slice %arg4[%select_n3A_134, %dma_start3A_211] : memref<204800x128xf32, #tpu.memory_space<hbm>> -> memref<128x64xf32, #tpu.memory_space<hbm>>
      %dma_start3A_213 = arith.constant 128 : i32
      %dma_start3A_214 = arith.constant 0 : i32
      %dma_start3A_215 = tpu.memref_slice %arg6[%dma_start3A_204, %dma_start3A_213, %dma_start3A_214] : memref<2x256x64xf32, #tpu.memory_space<vmem>> -> memref<1x128x64xf32, #tpu.memory_space<vmem>>
      %dma_start3A_216 = tpu.memref_squeeze %dma_start3A_215 : memref<1x128x64xf32, #tpu.memory_space<vmem>> -> memref<128x64xf32, #tpu.memory_space<vmem>>
      tpu.enqueue_dma source(%dma_start3A_216 : memref<128x64xf32, #tpu.memory_space<vmem>>) target(%dma_start3A_212 : memref<128x64xf32, #tpu.memory_space<hbm>>) target_semaphore(%arg8 : memref<!tpu.dma_semaphore, #tpu.memory_space<semaphore_mem>>)
      %mul3A_217 = arith.constant 2 : i32
      %mul3A_218 = arith.muli %mul3A_217, %scan3A_105 : i32
      %add3A_219 = arith.constant 1 : i32
      %add3A_220 = arith.addi %mul3A_218, %add3A_219 : i32
      %mul3A_221 = arith.constant 256 : i32
      %mul3A_222 = arith.muli %add3A_220, %mul3A_221 : i32
      %add3A_223 = arith.addi %mul3A_2, %mul3A_222 : i32
      %jit3A_224 = arith.constant 2 : i32
      %div3A_225 = arith.divsi %add3A_223, %jit3A_224 : i32
      %sign3A_226 = arith.constant 0 : i32
      %sign3A_227 = arith.cmpi sgt, %add3A_223, %sign3A_226 : i32
      %sign3A_228 = arith.extui %sign3A_227 : i1 to i32
      %sign3A_229 = arith.constant 0 : i32
      %sign3A_230 = arith.cmpi slt, %add3A_223, %sign3A_229 : i32
      %sign3A_231 = arith.extui %sign3A_230 : i1 to i32
      %sign3A_232 = arith.subi %sign3A_228, %sign3A_231 : i32
      %sign3A_233 = arith.constant 0 : i32
      %sign3A_234 = arith.cmpi sgt, %jit3A_224, %sign3A_233 : i32
      %sign3A_235 = arith.extui %sign3A_234 : i1 to i32
      %sign3A_236 = arith.constant 0 : i32
      %sign3A_237 = arith.cmpi slt, %jit3A_224, %sign3A_236 : i32
      %sign3A_238 = arith.extui %sign3A_237 : i1 to i32
      %sign3A_239 = arith.subi %sign3A_235, %sign3A_238 : i32
      %ne3A_240 = arith.cmpi ne, %sign3A_232, %sign3A_239 : i32
      %rem3A_241 = arith.remsi %add3A_223, %jit3A_224 : i32
      %ne3A_242 = arith.constant 0 : i32
      %ne3A_243 = arith.cmpi ne, %rem3A_241, %ne3A_242 : i32
      %and3A_244 = arith.andi %ne3A_240, %ne3A_243 : i1
      %sub3A_245 = arith.constant 1 : i32
      %sub3A_246 = arith.subi %div3A_225, %sub3A_245 : i32
      %select_n3A_247 = arith.select %and3A_244, %sub3A_246, %div3A_225 : i32
      %ge3A_248 = arith.constant 2 : i32
      %ge3A_249 = arith.cmpi sge, %add3A_220, %ge3A_248 : i32
      %convert_element_type3A_250 = arith.extui %ge3A_249 : i1 to i32
      %cond3A_251 = arith.constant 0 : i32
      %cond3A_252 = arith.cmpi ne, %convert_element_type3A_250, %cond3A_251 : i32
      scf.if %cond3A_252 {
        %dma_wait3A_335 = arith.constant 1 : i32
        %dma_wait3A_336 = arith.constant 0 : i32
        %dma_wait3A_337 = arith.constant 0 : i32
        %dma_wait3A_338 = tpu.memref_slice %arg6[%dma_wait3A_335, %dma_wait3A_336, %dma_wait3A_337] : memref<2x256x64xf32, #tpu.memory_space<vmem>> -> memref<1x128x64xf32, #tpu.memory_space<vmem>>
        %dma_wait3A_339 = tpu.memref_squeeze %dma_wait3A_338 : memref<1x128x64xf32, #tpu.memory_space<vmem>> -> memref<128x64xf32, #tpu.memory_space<vmem>>
        %dma_wait3A_340 = arith.constant 0 : i32
        %dma_wait3A_341 = tpu.memref_slice %arg4[%select_n3A_247, %dma_wait3A_340] : memref<204800x128xf32, #tpu.memory_space<hbm>> -> memref<128x64xf32, #tpu.memory_space<hbm>>
        %dma_wait3A_342 = arith.constant 0 : i32
        %dma_wait3A_343 = tpu.memref_slice %arg4[%select_n3A_247, %dma_wait3A_342] : memref<204800x128xf32, #tpu.memory_space<hbm>> -> memref<128x64xf32, #tpu.memory_space<hbm>>
        %dma_wait3A_344 = arith.constant 0 : i32
        %dma_wait3A_345 = arith.constant 0 : i32
        %dma_wait3A_346 = tpu.memref_slice %arg6[%dma_wait3A_335, %dma_wait3A_344, %dma_wait3A_345] : memref<2x256x64xf32, #tpu.memory_space<vmem>> -> memref<1x128x64xf32, #tpu.memory_space<vmem>>
        %dma_wait3A_347 = tpu.memref_squeeze %dma_wait3A_346 : memref<1x128x64xf32, #tpu.memory_space<vmem>> -> memref<128x64xf32, #tpu.memory_space<vmem>>
        tpu.wait_dma2 semaphore(%arg9 : memref<!tpu.dma_semaphore, #tpu.memory_space<semaphore_mem>>) src(%dma_wait3A_347 : memref<128x64xf32, #tpu.memory_space<vmem>>) dst(%dma_wait3A_343 : memref<128x64xf32, #tpu.memory_space<hbm>>)
        %dma_wait3A_348 = arith.constant 1 : i32
        %dma_wait3A_349 = arith.constant 128 : i32
        %dma_wait3A_350 = arith.constant 0 : i32
        %dma_wait3A_351 = tpu.memref_slice %arg6[%dma_wait3A_348, %dma_wait3A_349, %dma_wait3A_350] : memref<2x256x64xf32, #tpu.memory_space<vmem>> -> memref<1x128x64xf32, #tpu.memory_space<vmem>>
        %dma_wait3A_352 = tpu.memref_squeeze %dma_wait3A_351 : memref<1x128x64xf32, #tpu.memory_space<vmem>> -> memref<128x64xf32, #tpu.memory_space<vmem>>
        %dma_wait3A_353 = arith.constant 64 : i32
        %dma_wait3A_354 = tpu.memref_slice %arg4[%select_n3A_247, %dma_wait3A_353] : memref<204800x128xf32, #tpu.memory_space<hbm>> -> memref<128x64xf32, #tpu.memory_space<hbm>>
        %dma_wait3A_355 = arith.constant 64 : i32
        %dma_wait3A_356 = tpu.memref_slice %arg4[%select_n3A_247, %dma_wait3A_355] : memref<204800x128xf32, #tpu.memory_space<hbm>> -> memref<128x64xf32, #tpu.memory_space<hbm>>
        %dma_wait3A_357 = arith.constant 128 : i32
        %dma_wait3A_358 = arith.constant 0 : i32
        %dma_wait3A_359 = tpu.memref_slice %arg6[%dma_wait3A_348, %dma_wait3A_357, %dma_wait3A_358] : memref<2x256x64xf32, #tpu.memory_space<vmem>> -> memref<1x128x64xf32, #tpu.memory_space<vmem>>
        %dma_wait3A_360 = tpu.memref_squeeze %dma_wait3A_359 : memref<1x128x64xf32, #tpu.memory_space<vmem>> -> memref<128x64xf32, #tpu.memory_space<vmem>>
        tpu.wait_dma2 semaphore(%arg9 : memref<!tpu.dma_semaphore, #tpu.memory_space<semaphore_mem>>) src(%dma_wait3A_360 : memref<128x64xf32, #tpu.memory_space<vmem>>) dst(%dma_wait3A_356 : memref<128x64xf32, #tpu.memory_space<hbm>>)
      } else {
      }
      %mul3A_253 = arith.constant 2 : i32
      %mul3A_254 = arith.muli %add3A_220, %mul3A_253 : i32
      %add3A_255 = arith.addi %mul3A_4, %mul3A_254 : i32
      %run_scoped3A_256 = arith.constant 1 : i32
      "tpu.region"() ({
        %run_scoped3A_335 = tpu.sem_alloc : memref<!tpu.dma_semaphore, #tpu.memory_space<semaphore_mem>>
        %dma_start3A_336 = arith.constant 0 : i32
        %dma_start3A_337 = arith.constant 0 : i32
        %dma_start3A_338 = tpu.memref_slice %arg5[%run_scoped3A_256, %dma_start3A_336, %dma_start3A_337] : memref<2x2x128xi32, #tpu.memory_space<vmem>> -> memref<1x2x128xi32, #tpu.memory_space<vmem>>
        %dma_start3A_339 = tpu.memref_squeeze %dma_start3A_338 : memref<1x2x128xi32, #tpu.memory_space<vmem>> -> memref<2x128xi32, #tpu.memory_space<vmem>>
        %dma_start3A_340 = arith.constant 0 : i32
        %dma_start3A_341 = tpu.memref_slice %arg3[%add3A_255, %dma_start3A_340] : memref<3200x128xi32, #tpu.memory_space<hbm>> -> memref<2x128xi32, #tpu.memory_space<hbm>>
        %dma_start3A_342 = arith.constant 0 : i32
        %dma_start3A_343 = arith.constant 0 : i32
        %dma_start3A_344 = tpu.memref_slice %arg5[%run_scoped3A_256, %dma_start3A_342, %dma_start3A_343] : memref<2x2x128xi32, #tpu.memory_space<vmem>> -> memref<1x2x128xi32, #tpu.memory_space<vmem>>
        %dma_start3A_345 = tpu.memref_squeeze %dma_start3A_344 : memref<1x2x128xi32, #tpu.memory_space<vmem>> -> memref<2x128xi32, #tpu.memory_space<vmem>>
        %dma_start3A_346 = arith.constant 0 : i32
        %dma_start3A_347 = tpu.memref_slice %arg3[%add3A_255, %dma_start3A_346] : memref<3200x128xi32, #tpu.memory_space<hbm>> -> memref<2x128xi32, #tpu.memory_space<hbm>>
        tpu.enqueue_dma source(%dma_start3A_347 : memref<2x128xi32, #tpu.memory_space<hbm>>) target(%dma_start3A_345 : memref<2x128xi32, #tpu.memory_space<vmem>>) target_semaphore(%run_scoped3A_335 : memref<!tpu.dma_semaphore, #tpu.memory_space<semaphore_mem>>)
        %dma_wait3A_348 = arith.constant 0 : i32
        %dma_wait3A_349 = arith.constant 0 : i32
        %dma_wait3A_350 = tpu.memref_slice %arg5[%run_scoped3A_256, %dma_wait3A_348, %dma_wait3A_349] : memref<2x2x128xi32, #tpu.memory_space<vmem>> -> memref<1x2x128xi32, #tpu.memory_space<vmem>>
        %dma_wait3A_351 = tpu.memref_squeeze %dma_wait3A_350 : memref<1x2x128xi32, #tpu.memory_space<vmem>> -> memref<2x128xi32, #tpu.memory_space<vmem>>
        %dma_wait3A_352 = arith.constant 0 : i32
        %dma_wait3A_353 = tpu.memref_slice %arg3[%add3A_255, %dma_wait3A_352] : memref<3200x128xi32, #tpu.memory_space<hbm>> -> memref<2x128xi32, #tpu.memory_space<hbm>>
        %dma_wait3A_354 = arith.constant 0 : i32
        %dma_wait3A_355 = arith.constant 0 : i32
        %dma_wait3A_356 = tpu.memref_slice %arg5[%run_scoped3A_256, %dma_wait3A_354, %dma_wait3A_355] : memref<2x2x128xi32, #tpu.memory_space<vmem>> -> memref<1x2x128xi32, #tpu.memory_space<vmem>>
        %dma_wait3A_357 = tpu.memref_squeeze %dma_wait3A_356 : memref<1x2x128xi32, #tpu.memory_space<vmem>> -> memref<2x128xi32, #tpu.memory_space<vmem>>
        %dma_wait3A_358 = arith.constant 0 : i32
        %dma_wait3A_359 = tpu.memref_slice %arg3[%add3A_255, %dma_wait3A_358] : memref<3200x128xi32, #tpu.memory_space<hbm>> -> memref<2x128xi32, #tpu.memory_space<hbm>>
        tpu.wait_dma2 semaphore(%run_scoped3A_335 : memref<!tpu.dma_semaphore, #tpu.memory_space<semaphore_mem>>) src(%dma_wait3A_359 : memref<2x128xi32, #tpu.memory_space<hbm>>) dst(%dma_wait3A_357 : memref<2x128xi32, #tpu.memory_space<vmem>>)
        tpu.yield
      }) : () -> ()
      %dma_start3A_257 = arith.constant 1 : i32
      %dma_start3A_258 = arith.constant 0 : i32
      %dma_start3A_259 = arith.constant 1 : i32
      %dma_start3A_260 = arith.constant 0 : i32
      %dma_start3A_261 = arith.constant 0 : i32
      %dma_start3A_262 = tpu.memref_slice %arg6[%dma_start3A_259, %dma_start3A_260, %dma_start3A_261] : memref<2x256x64xf32, #tpu.memory_space<vmem>> -> memref<1x128x64xf32, #tpu.memory_space<vmem>>
      %dma_start3A_263 = tpu.memref_squeeze %dma_start3A_262 : memref<1x128x64xf32, #tpu.memory_space<vmem>> -> memref<128x64xf32, #tpu.memory_space<vmem>>
      %dma_start3A_264 = arith.constant 0 : i32
      %dma_start3A_265 = tpu.memref_slice %arg5[%dma_start3A_257, %dma_start3A_258, %dma_start3A_264] : memref<2x2x128xi32, #tpu.memory_space<vmem>> -> memref<1x1x128xi32, #tpu.memory_space<vmem>>
      %dma_start3A_266 = tpu.memref_squeeze %dma_start3A_265 : memref<1x1x128xi32, #tpu.memory_space<vmem>> -> memref<128xi32, #tpu.memory_space<vmem>>
      %dma_start3A_267 = arith.constant 0 : i32
      %dma_start3A_268 = arith.constant 0 : i32
      %dma_start3A_269 = tpu.memref_slice %arg2[%dma_start3A_267, %dma_start3A_268] : memref<100352x64xf32, #tpu.memory_space<hbm>> -> memref<100352x64xf32, #tpu.memory_space<hbm>>
      tpu.enqueue_indirect_dma source(%dma_start3A_269 : memref<100352x64xf32, #tpu.memory_space<hbm>>) target(%dma_start3A_263 : memref<128x64xf32, #tpu.memory_space<vmem>>) offsets(%dma_start3A_266 : memref<128xi32, #tpu.memory_space<vmem>>) semaphore(%arg7 : memref<!tpu.dma_semaphore, #tpu.memory_space<semaphore_mem>>)
      %dma_start3A_270 = arith.constant 1 : i32
      %dma_start3A_271 = arith.constant 1 : i32
      %dma_start3A_272 = arith.constant 1 : i32
      %dma_start3A_273 = arith.constant 128 : i32
      %dma_start3A_274 = arith.constant 0 : i32
      %dma_start3A_275 = tpu.memref_slice %arg6[%dma_start3A_272, %dma_start3A_273, %dma_start3A_274] : memref<2x256x64xf32, #tpu.memory_space<vmem>> -> memref<1x128x64xf32, #tpu.memory_space<vmem>>
      %dma_start3A_276 = tpu.memref_squeeze %dma_start3A_275 : memref<1x128x64xf32, #tpu.memory_space<vmem>> -> memref<128x64xf32, #tpu.memory_space<vmem>>
      %dma_start3A_277 = arith.constant 0 : i32
      %dma_start3A_278 = tpu.memref_slice %arg5[%dma_start3A_270, %dma_start3A_271, %dma_start3A_277] : memref<2x2x128xi32, #tpu.memory_space<vmem>> -> memref<1x1x128xi32, #tpu.memory_space<vmem>>
      %dma_start3A_279 = tpu.memref_squeeze %dma_start3A_278 : memref<1x1x128xi32, #tpu.memory_space<vmem>> -> memref<128xi32, #tpu.memory_space<vmem>>
      %dma_start3A_280 = arith.constant 0 : i32
      %dma_start3A_281 = arith.constant 0 : i32
      %dma_start3A_282 = tpu.memref_slice %arg2[%dma_start3A_280, %dma_start3A_281] : memref<100352x64xf32, #tpu.memory_space<hbm>> -> memref<100352x64xf32, #tpu.memory_space<hbm>>
      tpu.enqueue_indirect_dma source(%dma_start3A_282 : memref<100352x64xf32, #tpu.memory_space<hbm>>) target(%dma_start3A_276 : memref<128x64xf32, #tpu.memory_space<vmem>>) offsets(%dma_start3A_279 : memref<128xi32, #tpu.memory_space<vmem>>) semaphore(%arg7 : memref<!tpu.dma_semaphore, #tpu.memory_space<semaphore_mem>>)
      %dma_wait3A_283 = arith.constant 1 : i32
      %dma_wait3A_284 = arith.constant 0 : i32
      %dma_wait3A_285 = arith.constant 1 : i32
      %dma_wait3A_286 = arith.constant 0 : i32
      %dma_wait3A_287 = arith.constant 0 : i32
      %dma_wait3A_288 = tpu.memref_slice %arg6[%dma_wait3A_285, %dma_wait3A_286, %dma_wait3A_287] : memref<2x256x64xf32, #tpu.memory_space<vmem>> -> memref<1x128x64xf32, #tpu.memory_space<vmem>>
      %dma_wait3A_289 = tpu.memref_squeeze %dma_wait3A_288 : memref<1x128x64xf32, #tpu.memory_space<vmem>> -> memref<128x64xf32, #tpu.memory_space<vmem>>
      %dma_wait3A_290 = arith.constant 0 : i32
      %dma_wait3A_291 = tpu.memref_slice %arg5[%dma_wait3A_283, %dma_wait3A_284, %dma_wait3A_290] : memref<2x2x128xi32, #tpu.memory_space<vmem>> -> memref<1x1x128xi32, #tpu.memory_space<vmem>>
      %dma_wait3A_292 = tpu.memref_squeeze %dma_wait3A_291 : memref<1x1x128xi32, #tpu.memory_space<vmem>> -> memref<128xi32, #tpu.memory_space<vmem>>
      %dma_wait3A_293 = arith.constant 0 : i32
      %dma_wait3A_294 = arith.constant 0 : i32
      %dma_wait3A_295 = tpu.memref_slice %arg2[%dma_wait3A_293, %dma_wait3A_294] : memref<100352x64xf32, #tpu.memory_space<hbm>> -> memref<100352x64xf32, #tpu.memory_space<hbm>>
      tpu.wait_indirect_dma semaphore(%arg7 : memref<!tpu.dma_semaphore, #tpu.memory_space<semaphore_mem>>) src(%dma_wait3A_295 : memref<100352x64xf32, #tpu.memory_space<hbm>>) dst(%dma_wait3A_289 : memref<128x64xf32, #tpu.memory_space<vmem>>)
      %dma_wait3A_296 = arith.constant 1 : i32
      %dma_wait3A_297 = arith.constant 1 : i32
      %dma_wait3A_298 = arith.constant 1 : i32
      %dma_wait3A_299 = arith.constant 128 : i32
      %dma_wait3A_300 = arith.constant 0 : i32
      %dma_wait3A_301 = tpu.memref_slice %arg6[%dma_wait3A_298, %dma_wait3A_299, %dma_wait3A_300] : memref<2x256x64xf32, #tpu.memory_space<vmem>> -> memref<1x128x64xf32, #tpu.memory_space<vmem>>
      %dma_wait3A_302 = tpu.memref_squeeze %dma_wait3A_301 : memref<1x128x64xf32, #tpu.memory_space<vmem>> -> memref<128x64xf32, #tpu.memory_space<vmem>>
      %dma_wait3A_303 = arith.constant 0 : i32
      %dma_wait3A_304 = tpu.memref_slice %arg5[%dma_wait3A_296, %dma_wait3A_297, %dma_wait3A_303] : memref<2x2x128xi32, #tpu.memory_space<vmem>> -> memref<1x1x128xi32, #tpu.memory_space<vmem>>
      %dma_wait3A_305 = tpu.memref_squeeze %dma_wait3A_304 : memref<1x1x128xi32, #tpu.memory_space<vmem>> -> memref<128xi32, #tpu.memory_space<vmem>>
      %dma_wait3A_306 = arith.constant 0 : i32
      %dma_wait3A_307 = arith.constant 0 : i32
      %dma_wait3A_308 = tpu.memref_slice %arg2[%dma_wait3A_306, %dma_wait3A_307] : memref<100352x64xf32, #tpu.memory_space<hbm>> -> memref<100352x64xf32, #tpu.memory_space<hbm>>
      tpu.wait_indirect_dma semaphore(%arg7 : memref<!tpu.dma_semaphore, #tpu.memory_space<semaphore_mem>>) src(%dma_wait3A_308 : memref<100352x64xf32, #tpu.memory_space<hbm>>) dst(%dma_wait3A_302 : memref<128x64xf32, #tpu.memory_space<vmem>>)
      %dma_start3A_309 = arith.constant 1 : i32
      %dma_start3A_310 = arith.constant 0 : i32
      %dma_start3A_311 = arith.constant 0 : i32
      %dma_start3A_312 = tpu.memref_slice %arg6[%dma_start3A_309, %dma_start3A_310, %dma_start3A_311] : memref<2x256x64xf32, #tpu.memory_space<vmem>> -> memref<1x128x64xf32, #tpu.memory_space<vmem>>
      %dma_start3A_313 = tpu.memref_squeeze %dma_start3A_312 : memref<1x128x64xf32, #tpu.memory_space<vmem>> -> memref<128x64xf32, #tpu.memory_space<vmem>>
      %dma_start3A_314 = arith.constant 0 : i32
      %dma_start3A_315 = tpu.memref_slice %arg4[%select_n3A_247, %dma_start3A_314] : memref<204800x128xf32, #tpu.memory_space<hbm>> -> memref<128x64xf32, #tpu.memory_space<hbm>>
      %dma_start3A_316 = arith.constant 0 : i32
      %dma_start3A_317 = tpu.memref_slice %arg4[%select_n3A_247, %dma_start3A_316] : memref<204800x128xf32, #tpu.memory_space<hbm>> -> memref<128x64xf32, #tpu.memory_space<hbm>>
      %dma_start3A_318 = arith.constant 0 : i32
      %dma_start3A_319 = arith.constant 0 : i32
      %dma_start3A_320 = tpu.memref_slice %arg6[%dma_start3A_309, %dma_start3A_318, %dma_start3A_319] : memref<2x256x64xf32, #tpu.memory_space<vmem>> -> memref<1x128x64xf32, #tpu.memory_space<vmem>>
      %dma_start3A_321 = tpu.memref_squeeze %dma_start3A_320 : memref<1x128x64xf32, #tpu.memory_space<vmem>> -> memref<128x64xf32, #tpu.memory_space<vmem>>
      tpu.enqueue_dma source(%dma_start3A_321 : memref<128x64xf32, #tpu.memory_space<vmem>>) target(%dma_start3A_317 : memref<128x64xf32, #tpu.memory_space<hbm>>) target_semaphore(%arg9 : memref<!tpu.dma_semaphore, #tpu.memory_space<semaphore_mem>>)
      %dma_start3A_322 = arith.constant 1 : i32
      %dma_start3A_323 = arith.constant 128 : i32
      %dma_start3A_324 = arith.constant 0 : i32
      %dma_start3A_325 = tpu.memref_slice %arg6[%dma_start3A_322, %dma_start3A_323, %dma_start3A_324] : memref<2x256x64xf32, #tpu.memory_space<vmem>> -> memref<1x128x64xf32, #tpu.memory_space<vmem>>
      %dma_start3A_326 = tpu.memref_squeeze %dma_start3A_325 : memref<1x128x64xf32, #tpu.memory_space<vmem>> -> memref<128x64xf32, #tpu.memory_space<vmem>>
      %dma_start3A_327 = arith.constant 64 : i32
      %dma_start3A_328 = tpu.memref_slice %arg4[%select_n3A_247, %dma_start3A_327] : memref<204800x128xf32, #tpu.memory_space<hbm>> -> memref<128x64xf32, #tpu.memory_space<hbm>>
      %dma_start3A_329 = arith.constant 64 : i32
      %dma_start3A_330 = tpu.memref_slice %arg4[%select_n3A_247, %dma_start3A_329] : memref<204800x128xf32, #tpu.memory_space<hbm>> -> memref<128x64xf32, #tpu.memory_space<hbm>>
      %dma_start3A_331 = arith.constant 128 : i32
      %dma_start3A_332 = arith.constant 0 : i32
      %dma_start3A_333 = tpu.memref_slice %arg6[%dma_start3A_322, %dma_start3A_331, %dma_start3A_332] : memref<2x256x64xf32, #tpu.memory_space<vmem>> -> memref<1x128x64xf32, #tpu.memory_space<vmem>>
      %dma_start3A_334 = tpu.memref_squeeze %dma_start3A_333 : memref<1x128x64xf32, #tpu.memory_space<vmem>> -> memref<128x64xf32, #tpu.memory_space<vmem>>
      tpu.enqueue_dma source(%dma_start3A_334 : memref<128x64xf32, #tpu.memory_space<vmem>>) target(%dma_start3A_330 : memref<128x64xf32, #tpu.memory_space<hbm>>) target_semaphore(%arg9 : memref<!tpu.dma_semaphore, #tpu.memory_space<semaphore_mem>>)
    }
    %scan3A_9 = arith.constant 25 : i32
    %add3A_10 = arith.constant 12288 : i32
    %add3A_11 = arith.addi %mul3A_2, %add3A_10 : i32
    %jit3A = arith.constant 2 : i32
    %div3A = arith.divsi %add3A_11, %jit3A : i32
    %sign3A = arith.constant 0 : i32
    %sign3A_12 = arith.cmpi sgt, %add3A_11, %sign3A : i32
    %sign3A_13 = arith.extui %sign3A_12 : i1 to i32
    %sign3A_14 = arith.constant 0 : i32
    %sign3A_15 = arith.cmpi slt, %add3A_11, %sign3A_14 : i32
    %sign3A_16 = arith.extui %sign3A_15 : i1 to i32
    %sign3A_17 = arith.subi %sign3A_13, %sign3A_16 : i32
    %sign3A_18 = arith.constant 0 : i32
    %sign3A_19 = arith.cmpi sgt, %jit3A, %sign3A_18 : i32
    %sign3A_20 = arith.extui %sign3A_19 : i1 to i32
    %sign3A_21 = arith.constant 0 : i32
    %sign3A_22 = arith.cmpi slt, %jit3A, %sign3A_21 : i32
    %sign3A_23 = arith.extui %sign3A_22 : i1 to i32
    %sign3A_24 = arith.subi %sign3A_20, %sign3A_23 : i32
    %ne3A = arith.cmpi ne, %sign3A_17, %sign3A_24 : i32
    %rem3A = arith.remsi %add3A_11, %jit3A : i32
    %ne3A_25 = arith.constant 0 : i32
    %ne3A_26 = arith.cmpi ne, %rem3A, %ne3A_25 : i32
    %and3A = arith.andi %ne3A, %ne3A_26 : i1
    %sub3A = arith.constant 1 : i32
    %sub3A_27 = arith.subi %div3A, %sub3A : i32
    %select_n3A = arith.select %and3A, %sub3A_27, %div3A : i32
    %dma_wait3A = arith.constant 0 : i32
    %dma_wait3A_28 = arith.constant 0 : i32
    %dma_wait3A_29 = arith.constant 0 : i32
    %dma_wait3A_30 = tpu.memref_slice %arg6[%dma_wait3A, %dma_wait3A_28, %dma_wait3A_29] : memref<2x256x64xf32, #tpu.memory_space<vmem>> -> memref<1x128x64xf32, #tpu.memory_space<vmem>>
    %dma_wait3A_31 = tpu.memref_squeeze %dma_wait3A_30 : memref<1x128x64xf32, #tpu.memory_space<vmem>> -> memref<128x64xf32, #tpu.memory_space<vmem>>
    %dma_wait3A_32 = arith.constant 0 : i32
    %dma_wait3A_33 = tpu.memref_slice %arg4[%select_n3A, %dma_wait3A_32] : memref<204800x128xf32, #tpu.memory_space<hbm>> -> memref<128x64xf32, #tpu.memory_space<hbm>>
    %dma_wait3A_34 = arith.constant 0 : i32
    %dma_wait3A_35 = tpu.memref_slice %arg4[%select_n3A, %dma_wait3A_34] : memref<204800x128xf32, #tpu.memory_space<hbm>> -> memref<128x64xf32, #tpu.memory_space<hbm>>
    %dma_wait3A_36 = arith.constant 0 : i32
    %dma_wait3A_37 = arith.constant 0 : i32
    %dma_wait3A_38 = tpu.memref_slice %arg6[%dma_wait3A, %dma_wait3A_36, %dma_wait3A_37] : memref<2x256x64xf32, #tpu.memory_space<vmem>> -> memref<1x128x64xf32, #tpu.memory_space<vmem>>
    %dma_wait3A_39 = tpu.memref_squeeze %dma_wait3A_38 : memref<1x128x64xf32, #tpu.memory_space<vmem>> -> memref<128x64xf32, #tpu.memory_space<vmem>>
    tpu.wait_dma2 semaphore(%arg8 : memref<!tpu.dma_semaphore, #tpu.memory_space<semaphore_mem>>) src(%dma_wait3A_39 : memref<128x64xf32, #tpu.memory_space<vmem>>) dst(%dma_wait3A_35 : memref<128x64xf32, #tpu.memory_space<hbm>>)
    %dma_wait3A_40 = arith.constant 0 : i32
    %dma_wait3A_41 = arith.constant 128 : i32
    %dma_wait3A_42 = arith.constant 0 : i32
    %dma_wait3A_43 = tpu.memref_slice %arg6[%dma_wait3A_40, %dma_wait3A_41, %dma_wait3A_42] : memref<2x256x64xf32, #tpu.memory_space<vmem>> -> memref<1x128x64xf32, #tpu.memory_space<vmem>>
    %dma_wait3A_44 = tpu.memref_squeeze %dma_wait3A_43 : memref<1x128x64xf32, #tpu.memory_space<vmem>> -> memref<128x64xf32, #tpu.memory_space<vmem>>
    %dma_wait3A_45 = arith.constant 64 : i32
    %dma_wait3A_46 = tpu.memref_slice %arg4[%select_n3A, %dma_wait3A_45] : memref<204800x128xf32, #tpu.memory_space<hbm>> -> memref<128x64xf32, #tpu.memory_space<hbm>>
    %dma_wait3A_47 = arith.constant 64 : i32
    %dma_wait3A_48 = tpu.memref_slice %arg4[%select_n3A, %dma_wait3A_47] : memref<204800x128xf32, #tpu.memory_space<hbm>> -> memref<128x64xf32, #tpu.memory_space<hbm>>
    %dma_wait3A_49 = arith.constant 128 : i32
    %dma_wait3A_50 = arith.constant 0 : i32
    %dma_wait3A_51 = tpu.memref_slice %arg6[%dma_wait3A_40, %dma_wait3A_49, %dma_wait3A_50] : memref<2x256x64xf32, #tpu.memory_space<vmem>> -> memref<1x128x64xf32, #tpu.memory_space<vmem>>
    %dma_wait3A_52 = tpu.memref_squeeze %dma_wait3A_51 : memref<1x128x64xf32, #tpu.memory_space<vmem>> -> memref<128x64xf32, #tpu.memory_space<vmem>>
    tpu.wait_dma2 semaphore(%arg8 : memref<!tpu.dma_semaphore, #tpu.memory_space<semaphore_mem>>) src(%dma_wait3A_52 : memref<128x64xf32, #tpu.memory_space<vmem>>) dst(%dma_wait3A_48 : memref<128x64xf32, #tpu.memory_space<hbm>>)
    %add3A_53 = arith.constant 12544 : i32
    %add3A_54 = arith.addi %mul3A_2, %add3A_53 : i32
    %jit3A_55 = arith.constant 2 : i32
    %div3A_56 = arith.divsi %add3A_54, %jit3A_55 : i32
    %sign3A_57 = arith.constant 0 : i32
    %sign3A_58 = arith.cmpi sgt, %add3A_54, %sign3A_57 : i32
    %sign3A_59 = arith.extui %sign3A_58 : i1 to i32
    %sign3A_60 = arith.constant 0 : i32
    %sign3A_61 = arith.cmpi slt, %add3A_54, %sign3A_60 : i32
    %sign3A_62 = arith.extui %sign3A_61 : i1 to i32
    %sign3A_63 = arith.subi %sign3A_59, %sign3A_62 : i32
    %sign3A_64 = arith.constant 0 : i32
    %sign3A_65 = arith.cmpi sgt, %jit3A_55, %sign3A_64 : i32
    %sign3A_66 = arith.extui %sign3A_65 : i1 to i32
    %sign3A_67 = arith.constant 0 : i32
    %sign3A_68 = arith.cmpi slt, %jit3A_55, %sign3A_67 : i32
    %sign3A_69 = arith.extui %sign3A_68 : i1 to i32
    %sign3A_70 = arith.subi %sign3A_66, %sign3A_69 : i32
    %ne3A_71 = arith.cmpi ne, %sign3A_63, %sign3A_70 : i32
    %rem3A_72 = arith.remsi %add3A_54, %jit3A_55 : i32
    %ne3A_73 = arith.constant 0 : i32
    %ne3A_74 = arith.cmpi ne, %rem3A_72, %ne3A_73 : i32
    %and3A_75 = arith.andi %ne3A_71, %ne3A_74 : i1
    %sub3A_76 = arith.constant 1 : i32
    %sub3A_77 = arith.subi %div3A_56, %sub3A_76 : i32
    %select_n3A_78 = arith.select %and3A_75, %sub3A_77, %div3A_56 : i32
    %dma_wait3A_79 = arith.constant 1 : i32
    %dma_wait3A_80 = arith.constant 0 : i32
    %dma_wait3A_81 = arith.constant 0 : i32
    %dma_wait3A_82 = tpu.memref_slice %arg6[%dma_wait3A_79, %dma_wait3A_80, %dma_wait3A_81] : memref<2x256x64xf32, #tpu.memory_space<vmem>> -> memref<1x128x64xf32, #tpu.memory_space<vmem>>
    %dma_wait3A_83 = tpu.memref_squeeze %dma_wait3A_82 : memref<1x128x64xf32, #tpu.memory_space<vmem>> -> memref<128x64xf32, #tpu.memory_space<vmem>>
    %dma_wait3A_84 = arith.constant 0 : i32
    %dma_wait3A_85 = tpu.memref_slice %arg4[%select_n3A_78, %dma_wait3A_84] : memref<204800x128xf32, #tpu.memory_space<hbm>> -> memref<128x64xf32, #tpu.memory_space<hbm>>
    %dma_wait3A_86 = arith.constant 0 : i32
    %dma_wait3A_87 = tpu.memref_slice %arg4[%select_n3A_78, %dma_wait3A_86] : memref<204800x128xf32, #tpu.memory_space<hbm>> -> memref<128x64xf32, #tpu.memory_space<hbm>>
    %dma_wait3A_88 = arith.constant 0 : i32
    %dma_wait3A_89 = arith.constant 0 : i32
    %dma_wait3A_90 = tpu.memref_slice %arg6[%dma_wait3A_79, %dma_wait3A_88, %dma_wait3A_89] : memref<2x256x64xf32, #tpu.memory_space<vmem>> -> memref<1x128x64xf32, #tpu.memory_space<vmem>>
    %dma_wait3A_91 = tpu.memref_squeeze %dma_wait3A_90 : memref<1x128x64xf32, #tpu.memory_space<vmem>> -> memref<128x64xf32, #tpu.memory_space<vmem>>
    tpu.wait_dma2 semaphore(%arg9 : memref<!tpu.dma_semaphore, #tpu.memory_space<semaphore_mem>>) src(%dma_wait3A_91 : memref<128x64xf32, #tpu.memory_space<vmem>>) dst(%dma_wait3A_87 : memref<128x64xf32, #tpu.memory_space<hbm>>)
    %dma_wait3A_92 = arith.constant 1 : i32
    %dma_wait3A_93 = arith.constant 128 : i32
    %dma_wait3A_94 = arith.constant 0 : i32
    %dma_wait3A_95 = tpu.memref_slice %arg6[%dma_wait3A_92, %dma_wait3A_93, %dma_wait3A_94] : memref<2x256x64xf32, #tpu.memory_space<vmem>> -> memref<1x128x64xf32, #tpu.memory_space<vmem>>
    %dma_wait3A_96 = tpu.memref_squeeze %dma_wait3A_95 : memref<1x128x64xf32, #tpu.memory_space<vmem>> -> memref<128x64xf32, #tpu.memory_space<vmem>>
    %dma_wait3A_97 = arith.constant 64 : i32
    %dma_wait3A_98 = tpu.memref_slice %arg4[%select_n3A_78, %dma_wait3A_97] : memref<204800x128xf32, #tpu.memory_space<hbm>> -> memref<128x64xf32, #tpu.memory_space<hbm>>
    %dma_wait3A_99 = arith.constant 64 : i32
    %dma_wait3A_100 = tpu.memref_slice %arg4[%select_n3A_78, %dma_wait3A_99] : memref<204800x128xf32, #tpu.memory_space<hbm>> -> memref<128x64xf32, #tpu.memory_space<hbm>>
    %dma_wait3A_101 = arith.constant 128 : i32
    %dma_wait3A_102 = arith.constant 0 : i32
    %dma_wait3A_103 = tpu.memref_slice %arg6[%dma_wait3A_92, %dma_wait3A_101, %dma_wait3A_102] : memref<2x256x64xf32, #tpu.memory_space<vmem>> -> memref<1x128x64xf32, #tpu.memory_space<vmem>>
    %dma_wait3A_104 = tpu.memref_squeeze %dma_wait3A_103 : memref<1x128x64xf32, #tpu.memory_space<vmem>> -> memref<128x64xf32, #tpu.memory_space<vmem>>
    tpu.wait_dma2 semaphore(%arg9 : memref<!tpu.dma_semaphore, #tpu.memory_space<semaphore_mem>>) src(%dma_wait3A_104 : memref<128x64xf32, #tpu.memory_space<vmem>>) dst(%dma_wait3A_100 : memref<128x64xf32, #tpu.memory_space<hbm>>)
    return
  }
}

module attributes {stable_mosaic.version = 14 : i64} {
  func.func @_combine_body(%arg0: i32, %arg1: memref<64x1024xf32, #tpu.memory_space<vmem>>, %arg2: memref<64x1024xf32, #tpu.memory_space<vmem>>, %arg3: memref<8x64xf32, #tpu.memory_space<vmem>>, %arg4: memref<1024x128xf32, #tpu.memory_space<vmem>>) attributes {dimension_semantics = [#tpu.dimension_semantics<arbitrary>], iteration_bounds = array<i64: 49>, scalar_prefetch = 0 : i64, scratch_operands = 0 : i64, tpu.core_type = #tpu.core_type<tc>, window_params = [{transform_indices = @transform_0, window_bounds = array<i64: 64, 1024>}, {transform_indices = @transform_1, window_bounds = array<i64: 64, 1024>}, {pipeline_mode = #tpu.pipeline_mode<synchronous>, transform_indices = @transform_2, window_bounds = array<i64: 8, 64>}, {transform_indices = @transform_3, window_bounds = array<i64: 1024, 128>}]} {
    %get3A = arith.constant 0 : index
    %get3A_0 = arith.constant 0 : index
    %get3A_1 = vector.load %arg1[%get3A, %get3A_0] : memref<64x1024xf32, #tpu.memory_space<vmem>>, vector<64x128xf32>
    %transpose3A = tpu.transpose %get3A_1, [1, 0] : vector<64x128xf32> -> vector<128x64xf32>
    %get3A_2 = arith.constant 0 : index
    %get3A_3 = arith.constant 0 : index
    %get3A_4 = vector.load %arg2[%get3A_2, %get3A_3] : memref<64x1024xf32, #tpu.memory_space<vmem>>, vector<64x128xf32>
    %transpose3A_5 = tpu.transpose %get3A_4, [1, 0] : vector<64x128xf32> -> vector<128x64xf32>
    %iota3A = tpu.iota {dimensions = array<i32: 0>} : vector<128x1xi32>
    %mul3A = arith.constant 1024 : i32
    %mul3A_6 = arith.muli %arg0, %mul3A : i32
    %add3A = arith.constant 50176 : i32
    %add3A_7 = arith.addi %add3A, %mul3A_6 : i32
    %add3A_8 = arith.constant 0 : i32
    %add3A_9 = arith.addi %add3A_7, %add3A_8 : i32
    %add3A_10 = vector.broadcast %add3A_9 : i32 to vector<128x1xi32>
    %add3A_11 = arith.addi %iota3A, %add3A_10 : vector<128x1xi32>
    %sub3A = arith.constant 99996 : i32
    %sub3A_12 = vector.broadcast %sub3A : i32 to vector<128x1xi32>
    %sub3A_13 = arith.subi %add3A_11, %sub3A_12 : vector<128x1xi32>
    %jit3A = arith.constant 0 : i32
    %jit3A_14 = arith.constant 4 : i32
    %max3A = vector.broadcast %jit3A : i32 to vector<128x1xi32>
    %max3A_15 = arith.maxsi %max3A, %sub3A_13 : vector<128x1xi32>
    %min3A = vector.broadcast %jit3A_14 : i32 to vector<128x1xi32>
    %min3A_16 = arith.minsi %min3A, %max3A_15 : vector<128x1xi32>
    %eq3A = arith.constant 1 : i32
    %eq3A_17 = vector.broadcast %eq3A : i32 to vector<128x1xi32>
    %eq3A_18 = arith.cmpi eq, %min3A_16, %eq3A_17 : vector<128x1xi32>
    %jit3A_19 = arith.constant 1.000000e+00 : f32
    %jit3A_20 = arith.constant 0.000000e+00 : f32
    %broadcast_in_dim3A = vector.broadcast %jit3A_19 : f32 to vector<128x1xf32>
    %broadcast_in_dim3A_21 = vector.broadcast %jit3A_20 : f32 to vector<128x1xf32>
    %select_n3A = arith.select %eq3A_18, %broadcast_in_dim3A, %broadcast_in_dim3A_21 : vector<128x1xi1>, vector<128x1xf32>
    %get3A_22 = arith.constant 1 : index
    %get3A_23 = arith.constant 0 : index
    %get3A_24 = vector.load %arg3[%get3A_22, %get3A_23] : memref<8x64xf32, #tpu.memory_space<vmem>>, vector<1x64xf32>
    %get3A_25 = vector.shape_cast %get3A_24 : vector<1x64xf32> to vector<64xf32>
    %broadcast_in_dim3A_26 = vector.shape_cast %get3A_25 : vector<64xf32> to vector<1x64xf32>
    %mul3A_27 = vector.broadcast %select_n3A : vector<128x1xf32> to vector<128x64xf32>
    %mul3A_28 = vector.broadcast %broadcast_in_dim3A_26 : vector<1x64xf32> to vector<128x64xf32>
    %mul3A_29 = arith.mulf %mul3A_27, %mul3A_28 : vector<128x64xf32>
    %add3A_30 = arith.addf %transpose3A_5, %mul3A_29 : vector<128x64xf32>
    %eq3A_31 = arith.constant 2 : i32
    %eq3A_32 = vector.broadcast %eq3A_31 : i32 to vector<128x1xi32>
    %eq3A_33 = arith.cmpi eq, %min3A_16, %eq3A_32 : vector<128x1xi32>
    %jit3A_34 = arith.constant 1.000000e+00 : f32
    %jit3A_35 = arith.constant 0.000000e+00 : f32
    %broadcast_in_dim3A_36 = vector.broadcast %jit3A_34 : f32 to vector<128x1xf32>
    %broadcast_in_dim3A_37 = vector.broadcast %jit3A_35 : f32 to vector<128x1xf32>
    %select_n3A_38 = arith.select %eq3A_33, %broadcast_in_dim3A_36, %broadcast_in_dim3A_37 : vector<128x1xi1>, vector<128x1xf32>
    %get3A_39 = arith.constant 2 : index
    %get3A_40 = arith.constant 0 : index
    %get3A_41 = vector.load %arg3[%get3A_39, %get3A_40] : memref<8x64xf32, #tpu.memory_space<vmem>>, vector<1x64xf32>
    %get3A_42 = vector.shape_cast %get3A_41 : vector<1x64xf32> to vector<64xf32>
    %broadcast_in_dim3A_43 = vector.shape_cast %get3A_42 : vector<64xf32> to vector<1x64xf32>
    %mul3A_44 = vector.broadcast %select_n3A_38 : vector<128x1xf32> to vector<128x64xf32>
    %mul3A_45 = vector.broadcast %broadcast_in_dim3A_43 : vector<1x64xf32> to vector<128x64xf32>
    %mul3A_46 = arith.mulf %mul3A_44, %mul3A_45 : vector<128x64xf32>
    %add3A_47 = arith.addf %add3A_30, %mul3A_46 : vector<128x64xf32>
    %eq3A_48 = arith.constant 3 : i32
    %eq3A_49 = vector.broadcast %eq3A_48 : i32 to vector<128x1xi32>
    %eq3A_50 = arith.cmpi eq, %min3A_16, %eq3A_49 : vector<128x1xi32>
    %jit3A_51 = arith.constant 1.000000e+00 : f32
    %jit3A_52 = arith.constant 0.000000e+00 : f32
    %broadcast_in_dim3A_53 = vector.broadcast %jit3A_51 : f32 to vector<128x1xf32>
    %broadcast_in_dim3A_54 = vector.broadcast %jit3A_52 : f32 to vector<128x1xf32>
    %select_n3A_55 = arith.select %eq3A_50, %broadcast_in_dim3A_53, %broadcast_in_dim3A_54 : vector<128x1xi1>, vector<128x1xf32>
    %get3A_56 = arith.constant 3 : index
    %get3A_57 = arith.constant 0 : index
    %get3A_58 = vector.load %arg3[%get3A_56, %get3A_57] : memref<8x64xf32, #tpu.memory_space<vmem>>, vector<1x64xf32>
    %get3A_59 = vector.shape_cast %get3A_58 : vector<1x64xf32> to vector<64xf32>
    %broadcast_in_dim3A_60 = vector.shape_cast %get3A_59 : vector<64xf32> to vector<1x64xf32>
    %mul3A_61 = vector.broadcast %select_n3A_55 : vector<128x1xf32> to vector<128x64xf32>
    %mul3A_62 = vector.broadcast %broadcast_in_dim3A_60 : vector<1x64xf32> to vector<128x64xf32>
    %mul3A_63 = arith.mulf %mul3A_61, %mul3A_62 : vector<128x64xf32>
    %add3A_64 = arith.addf %add3A_47, %mul3A_63 : vector<128x64xf32>
    %eq3A_65 = arith.constant 4 : i32
    %eq3A_66 = vector.broadcast %eq3A_65 : i32 to vector<128x1xi32>
    %eq3A_67 = arith.cmpi eq, %min3A_16, %eq3A_66 : vector<128x1xi32>
    %jit3A_68 = arith.constant 1.000000e+00 : f32
    %jit3A_69 = arith.constant 0.000000e+00 : f32
    %broadcast_in_dim3A_70 = vector.broadcast %jit3A_68 : f32 to vector<128x1xf32>
    %broadcast_in_dim3A_71 = vector.broadcast %jit3A_69 : f32 to vector<128x1xf32>
    %select_n3A_72 = arith.select %eq3A_67, %broadcast_in_dim3A_70, %broadcast_in_dim3A_71 : vector<128x1xi1>, vector<128x1xf32>
    %get3A_73 = arith.constant 4 : index
    %get3A_74 = arith.constant 0 : index
    %get3A_75 = vector.load %arg3[%get3A_73, %get3A_74] : memref<8x64xf32, #tpu.memory_space<vmem>>, vector<1x64xf32>
    %get3A_76 = vector.shape_cast %get3A_75 : vector<1x64xf32> to vector<64xf32>
    %broadcast_in_dim3A_77 = vector.shape_cast %get3A_76 : vector<64xf32> to vector<1x64xf32>
    %mul3A_78 = vector.broadcast %select_n3A_72 : vector<128x1xf32> to vector<128x64xf32>
    %mul3A_79 = vector.broadcast %broadcast_in_dim3A_77 : vector<1x64xf32> to vector<128x64xf32>
    %mul3A_80 = arith.mulf %mul3A_78, %mul3A_79 : vector<128x64xf32>
    %add3A_81 = arith.addf %add3A_64, %mul3A_80 : vector<128x64xf32>
    %concatenate3A = tpu.concatenate %transpose3A, %add3A_81 in 1 : vector<128x64xf32>, vector<128x64xf32> -> vector<128x128xf32>
    %get3A_82 = arith.constant 0 : index
    %get3A_83 = arith.constant 128 : index
    %get3A_84 = vector.load %arg1[%get3A_82, %get3A_83] : memref<64x1024xf32, #tpu.memory_space<vmem>>, vector<64x128xf32>
    %transpose3A_85 = tpu.transpose %get3A_84, [1, 0] : vector<64x128xf32> -> vector<128x64xf32>
    %get3A_86 = arith.constant 0 : index
    %get3A_87 = arith.constant 128 : index
    %get3A_88 = vector.load %arg2[%get3A_86, %get3A_87] : memref<64x1024xf32, #tpu.memory_space<vmem>>, vector<64x128xf32>
    %transpose3A_89 = tpu.transpose %get3A_88, [1, 0] : vector<64x128xf32> -> vector<128x64xf32>
    %iota3A_90 = tpu.iota {dimensions = array<i32: 0>} : vector<128x1xi32>
    %mul3A_91 = arith.constant 1024 : i32
    %mul3A_92 = arith.muli %arg0, %mul3A_91 : i32
    %add3A_93 = arith.constant 50176 : i32
    %add3A_94 = arith.addi %add3A_93, %mul3A_92 : i32
    %add3A_95 = arith.constant 128 : i32
    %add3A_96 = arith.addi %add3A_94, %add3A_95 : i32
    %add3A_97 = vector.broadcast %add3A_96 : i32 to vector<128x1xi32>
    %add3A_98 = arith.addi %iota3A_90, %add3A_97 : vector<128x1xi32>
    %sub3A_99 = arith.constant 99996 : i32
    %sub3A_100 = vector.broadcast %sub3A_99 : i32 to vector<128x1xi32>
    %sub3A_101 = arith.subi %add3A_98, %sub3A_100 : vector<128x1xi32>
    %jit3A_102 = arith.constant 0 : i32
    %jit3A_103 = arith.constant 4 : i32
    %max3A_104 = vector.broadcast %jit3A_102 : i32 to vector<128x1xi32>
    %max3A_105 = arith.maxsi %max3A_104, %sub3A_101 : vector<128x1xi32>
    %min3A_106 = vector.broadcast %jit3A_103 : i32 to vector<128x1xi32>
    %min3A_107 = arith.minsi %min3A_106, %max3A_105 : vector<128x1xi32>
    %eq3A_108 = arith.constant 1 : i32
    %eq3A_109 = vector.broadcast %eq3A_108 : i32 to vector<128x1xi32>
    %eq3A_110 = arith.cmpi eq, %min3A_107, %eq3A_109 : vector<128x1xi32>
    %jit3A_111 = arith.constant 1.000000e+00 : f32
    %jit3A_112 = arith.constant 0.000000e+00 : f32
    %broadcast_in_dim3A_113 = vector.broadcast %jit3A_111 : f32 to vector<128x1xf32>
    %broadcast_in_dim3A_114 = vector.broadcast %jit3A_112 : f32 to vector<128x1xf32>
    %select_n3A_115 = arith.select %eq3A_110, %broadcast_in_dim3A_113, %broadcast_in_dim3A_114 : vector<128x1xi1>, vector<128x1xf32>
    %get3A_116 = arith.constant 1 : index
    %get3A_117 = arith.constant 0 : index
    %get3A_118 = vector.load %arg3[%get3A_116, %get3A_117] : memref<8x64xf32, #tpu.memory_space<vmem>>, vector<1x64xf32>
    %get3A_119 = vector.shape_cast %get3A_118 : vector<1x64xf32> to vector<64xf32>
    %broadcast_in_dim3A_120 = vector.shape_cast %get3A_119 : vector<64xf32> to vector<1x64xf32>
    %mul3A_121 = vector.broadcast %select_n3A_115 : vector<128x1xf32> to vector<128x64xf32>
    %mul3A_122 = vector.broadcast %broadcast_in_dim3A_120 : vector<1x64xf32> to vector<128x64xf32>
    %mul3A_123 = arith.mulf %mul3A_121, %mul3A_122 : vector<128x64xf32>
    %add3A_124 = arith.addf %transpose3A_89, %mul3A_123 : vector<128x64xf32>
    %eq3A_125 = arith.constant 2 : i32
    %eq3A_126 = vector.broadcast %eq3A_125 : i32 to vector<128x1xi32>
    %eq3A_127 = arith.cmpi eq, %min3A_107, %eq3A_126 : vector<128x1xi32>
    %jit3A_128 = arith.constant 1.000000e+00 : f32
    %jit3A_129 = arith.constant 0.000000e+00 : f32
    %broadcast_in_dim3A_130 = vector.broadcast %jit3A_128 : f32 to vector<128x1xf32>
    %broadcast_in_dim3A_131 = vector.broadcast %jit3A_129 : f32 to vector<128x1xf32>
    %select_n3A_132 = arith.select %eq3A_127, %broadcast_in_dim3A_130, %broadcast_in_dim3A_131 : vector<128x1xi1>, vector<128x1xf32>
    %get3A_133 = arith.constant 2 : index
    %get3A_134 = arith.constant 0 : index
    %get3A_135 = vector.load %arg3[%get3A_133, %get3A_134] : memref<8x64xf32, #tpu.memory_space<vmem>>, vector<1x64xf32>
    %get3A_136 = vector.shape_cast %get3A_135 : vector<1x64xf32> to vector<64xf32>
    %broadcast_in_dim3A_137 = vector.shape_cast %get3A_136 : vector<64xf32> to vector<1x64xf32>
    %mul3A_138 = vector.broadcast %select_n3A_132 : vector<128x1xf32> to vector<128x64xf32>
    %mul3A_139 = vector.broadcast %broadcast_in_dim3A_137 : vector<1x64xf32> to vector<128x64xf32>
    %mul3A_140 = arith.mulf %mul3A_138, %mul3A_139 : vector<128x64xf32>
    %add3A_141 = arith.addf %add3A_124, %mul3A_140 : vector<128x64xf32>
    %eq3A_142 = arith.constant 3 : i32
    %eq3A_143 = vector.broadcast %eq3A_142 : i32 to vector<128x1xi32>
    %eq3A_144 = arith.cmpi eq, %min3A_107, %eq3A_143 : vector<128x1xi32>
    %jit3A_145 = arith.constant 1.000000e+00 : f32
    %jit3A_146 = arith.constant 0.000000e+00 : f32
    %broadcast_in_dim3A_147 = vector.broadcast %jit3A_145 : f32 to vector<128x1xf32>
    %broadcast_in_dim3A_148 = vector.broadcast %jit3A_146 : f32 to vector<128x1xf32>
    %select_n3A_149 = arith.select %eq3A_144, %broadcast_in_dim3A_147, %broadcast_in_dim3A_148 : vector<128x1xi1>, vector<128x1xf32>
    %get3A_150 = arith.constant 3 : index
    %get3A_151 = arith.constant 0 : index
    %get3A_152 = vector.load %arg3[%get3A_150, %get3A_151] : memref<8x64xf32, #tpu.memory_space<vmem>>, vector<1x64xf32>
    %get3A_153 = vector.shape_cast %get3A_152 : vector<1x64xf32> to vector<64xf32>
    %broadcast_in_dim3A_154 = vector.shape_cast %get3A_153 : vector<64xf32> to vector<1x64xf32>
    %mul3A_155 = vector.broadcast %select_n3A_149 : vector<128x1xf32> to vector<128x64xf32>
    %mul3A_156 = vector.broadcast %broadcast_in_dim3A_154 : vector<1x64xf32> to vector<128x64xf32>
    %mul3A_157 = arith.mulf %mul3A_155, %mul3A_156 : vector<128x64xf32>
    %add3A_158 = arith.addf %add3A_141, %mul3A_157 : vector<128x64xf32>
    %eq3A_159 = arith.constant 4 : i32
    %eq3A_160 = vector.broadcast %eq3A_159 : i32 to vector<128x1xi32>
    %eq3A_161 = arith.cmpi eq, %min3A_107, %eq3A_160 : vector<128x1xi32>
    %jit3A_162 = arith.constant 1.000000e+00 : f32
    %jit3A_163 = arith.constant 0.000000e+00 : f32
    %broadcast_in_dim3A_164 = vector.broadcast %jit3A_162 : f32 to vector<128x1xf32>
    %broadcast_in_dim3A_165 = vector.broadcast %jit3A_163 : f32 to vector<128x1xf32>
    %select_n3A_166 = arith.select %eq3A_161, %broadcast_in_dim3A_164, %broadcast_in_dim3A_165 : vector<128x1xi1>, vector<128x1xf32>
    %get3A_167 = arith.constant 4 : index
    %get3A_168 = arith.constant 0 : index
    %get3A_169 = vector.load %arg3[%get3A_167, %get3A_168] : memref<8x64xf32, #tpu.memory_space<vmem>>, vector<1x64xf32>
    %get3A_170 = vector.shape_cast %get3A_169 : vector<1x64xf32> to vector<64xf32>
    %broadcast_in_dim3A_171 = vector.shape_cast %get3A_170 : vector<64xf32> to vector<1x64xf32>
    %mul3A_172 = vector.broadcast %select_n3A_166 : vector<128x1xf32> to vector<128x64xf32>
    %mul3A_173 = vector.broadcast %broadcast_in_dim3A_171 : vector<1x64xf32> to vector<128x64xf32>
    %mul3A_174 = arith.mulf %mul3A_172, %mul3A_173 : vector<128x64xf32>
    %add3A_175 = arith.addf %add3A_158, %mul3A_174 : vector<128x64xf32>
    %concatenate3A_176 = tpu.concatenate %transpose3A_85, %add3A_175 in 1 : vector<128x64xf32>, vector<128x64xf32> -> vector<128x128xf32>
    %get3A_177 = arith.constant 0 : index
    %get3A_178 = arith.constant 256 : index
    %get3A_179 = vector.load %arg1[%get3A_177, %get3A_178] : memref<64x1024xf32, #tpu.memory_space<vmem>>, vector<64x128xf32>
    %transpose3A_180 = tpu.transpose %get3A_179, [1, 0] : vector<64x128xf32> -> vector<128x64xf32>
    %get3A_181 = arith.constant 0 : index
    %get3A_182 = arith.constant 256 : index
    %get3A_183 = vector.load %arg2[%get3A_181, %get3A_182] : memref<64x1024xf32, #tpu.memory_space<vmem>>, vector<64x128xf32>
    %transpose3A_184 = tpu.transpose %get3A_183, [1, 0] : vector<64x128xf32> -> vector<128x64xf32>
    %iota3A_185 = tpu.iota {dimensions = array<i32: 0>} : vector<128x1xi32>
    %mul3A_186 = arith.constant 1024 : i32
    %mul3A_187 = arith.muli %arg0, %mul3A_186 : i32
    %add3A_188 = arith.constant 50176 : i32
    %add3A_189 = arith.addi %add3A_188, %mul3A_187 : i32
    %add3A_190 = arith.constant 256 : i32
    %add3A_191 = arith.addi %add3A_189, %add3A_190 : i32
    %add3A_192 = vector.broadcast %add3A_191 : i32 to vector<128x1xi32>
    %add3A_193 = arith.addi %iota3A_185, %add3A_192 : vector<128x1xi32>
    %sub3A_194 = arith.constant 99996 : i32
    %sub3A_195 = vector.broadcast %sub3A_194 : i32 to vector<128x1xi32>
    %sub3A_196 = arith.subi %add3A_193, %sub3A_195 : vector<128x1xi32>
    %jit3A_197 = arith.constant 0 : i32
    %jit3A_198 = arith.constant 4 : i32
    %max3A_199 = vector.broadcast %jit3A_197 : i32 to vector<128x1xi32>
    %max3A_200 = arith.maxsi %max3A_199, %sub3A_196 : vector<128x1xi32>
    %min3A_201 = vector.broadcast %jit3A_198 : i32 to vector<128x1xi32>
    %min3A_202 = arith.minsi %min3A_201, %max3A_200 : vector<128x1xi32>
    %eq3A_203 = arith.constant 1 : i32
    %eq3A_204 = vector.broadcast %eq3A_203 : i32 to vector<128x1xi32>
    %eq3A_205 = arith.cmpi eq, %min3A_202, %eq3A_204 : vector<128x1xi32>
    %jit3A_206 = arith.constant 1.000000e+00 : f32
    %jit3A_207 = arith.constant 0.000000e+00 : f32
    %broadcast_in_dim3A_208 = vector.broadcast %jit3A_206 : f32 to vector<128x1xf32>
    %broadcast_in_dim3A_209 = vector.broadcast %jit3A_207 : f32 to vector<128x1xf32>
    %select_n3A_210 = arith.select %eq3A_205, %broadcast_in_dim3A_208, %broadcast_in_dim3A_209 : vector<128x1xi1>, vector<128x1xf32>
    %get3A_211 = arith.constant 1 : index
    %get3A_212 = arith.constant 0 : index
    %get3A_213 = vector.load %arg3[%get3A_211, %get3A_212] : memref<8x64xf32, #tpu.memory_space<vmem>>, vector<1x64xf32>
    %get3A_214 = vector.shape_cast %get3A_213 : vector<1x64xf32> to vector<64xf32>
    %broadcast_in_dim3A_215 = vector.shape_cast %get3A_214 : vector<64xf32> to vector<1x64xf32>
    %mul3A_216 = vector.broadcast %select_n3A_210 : vector<128x1xf32> to vector<128x64xf32>
    %mul3A_217 = vector.broadcast %broadcast_in_dim3A_215 : vector<1x64xf32> to vector<128x64xf32>
    %mul3A_218 = arith.mulf %mul3A_216, %mul3A_217 : vector<128x64xf32>
    %add3A_219 = arith.addf %transpose3A_184, %mul3A_218 : vector<128x64xf32>
    %eq3A_220 = arith.constant 2 : i32
    %eq3A_221 = vector.broadcast %eq3A_220 : i32 to vector<128x1xi32>
    %eq3A_222 = arith.cmpi eq, %min3A_202, %eq3A_221 : vector<128x1xi32>
    %jit3A_223 = arith.constant 1.000000e+00 : f32
    %jit3A_224 = arith.constant 0.000000e+00 : f32
    %broadcast_in_dim3A_225 = vector.broadcast %jit3A_223 : f32 to vector<128x1xf32>
    %broadcast_in_dim3A_226 = vector.broadcast %jit3A_224 : f32 to vector<128x1xf32>
    %select_n3A_227 = arith.select %eq3A_222, %broadcast_in_dim3A_225, %broadcast_in_dim3A_226 : vector<128x1xi1>, vector<128x1xf32>
    %get3A_228 = arith.constant 2 : index
    %get3A_229 = arith.constant 0 : index
    %get3A_230 = vector.load %arg3[%get3A_228, %get3A_229] : memref<8x64xf32, #tpu.memory_space<vmem>>, vector<1x64xf32>
    %get3A_231 = vector.shape_cast %get3A_230 : vector<1x64xf32> to vector<64xf32>
    %broadcast_in_dim3A_232 = vector.shape_cast %get3A_231 : vector<64xf32> to vector<1x64xf32>
    %mul3A_233 = vector.broadcast %select_n3A_227 : vector<128x1xf32> to vector<128x64xf32>
    %mul3A_234 = vector.broadcast %broadcast_in_dim3A_232 : vector<1x64xf32> to vector<128x64xf32>
    %mul3A_235 = arith.mulf %mul3A_233, %mul3A_234 : vector<128x64xf32>
    %add3A_236 = arith.addf %add3A_219, %mul3A_235 : vector<128x64xf32>
    %eq3A_237 = arith.constant 3 : i32
    %eq3A_238 = vector.broadcast %eq3A_237 : i32 to vector<128x1xi32>
    %eq3A_239 = arith.cmpi eq, %min3A_202, %eq3A_238 : vector<128x1xi32>
    %jit3A_240 = arith.constant 1.000000e+00 : f32
    %jit3A_241 = arith.constant 0.000000e+00 : f32
    %broadcast_in_dim3A_242 = vector.broadcast %jit3A_240 : f32 to vector<128x1xf32>
    %broadcast_in_dim3A_243 = vector.broadcast %jit3A_241 : f32 to vector<128x1xf32>
    %select_n3A_244 = arith.select %eq3A_239, %broadcast_in_dim3A_242, %broadcast_in_dim3A_243 : vector<128x1xi1>, vector<128x1xf32>
    %get3A_245 = arith.constant 3 : index
    %get3A_246 = arith.constant 0 : index
    %get3A_247 = vector.load %arg3[%get3A_245, %get3A_246] : memref<8x64xf32, #tpu.memory_space<vmem>>, vector<1x64xf32>
    %get3A_248 = vector.shape_cast %get3A_247 : vector<1x64xf32> to vector<64xf32>
    %broadcast_in_dim3A_249 = vector.shape_cast %get3A_248 : vector<64xf32> to vector<1x64xf32>
    %mul3A_250 = vector.broadcast %select_n3A_244 : vector<128x1xf32> to vector<128x64xf32>
    %mul3A_251 = vector.broadcast %broadcast_in_dim3A_249 : vector<1x64xf32> to vector<128x64xf32>
    %mul3A_252 = arith.mulf %mul3A_250, %mul3A_251 : vector<128x64xf32>
    %add3A_253 = arith.addf %add3A_236, %mul3A_252 : vector<128x64xf32>
    %eq3A_254 = arith.constant 4 : i32
    %eq3A_255 = vector.broadcast %eq3A_254 : i32 to vector<128x1xi32>
    %eq3A_256 = arith.cmpi eq, %min3A_202, %eq3A_255 : vector<128x1xi32>
    %jit3A_257 = arith.constant 1.000000e+00 : f32
    %jit3A_258 = arith.constant 0.000000e+00 : f32
    %broadcast_in_dim3A_259 = vector.broadcast %jit3A_257 : f32 to vector<128x1xf32>
    %broadcast_in_dim3A_260 = vector.broadcast %jit3A_258 : f32 to vector<128x1xf32>
    %select_n3A_261 = arith.select %eq3A_256, %broadcast_in_dim3A_259, %broadcast_in_dim3A_260 : vector<128x1xi1>, vector<128x1xf32>
    %get3A_262 = arith.constant 4 : index
    %get3A_263 = arith.constant 0 : index
    %get3A_264 = vector.load %arg3[%get3A_262, %get3A_263] : memref<8x64xf32, #tpu.memory_space<vmem>>, vector<1x64xf32>
    %get3A_265 = vector.shape_cast %get3A_264 : vector<1x64xf32> to vector<64xf32>
    %broadcast_in_dim3A_266 = vector.shape_cast %get3A_265 : vector<64xf32> to vector<1x64xf32>
    %mul3A_267 = vector.broadcast %select_n3A_261 : vector<128x1xf32> to vector<128x64xf32>
    %mul3A_268 = vector.broadcast %broadcast_in_dim3A_266 : vector<1x64xf32> to vector<128x64xf32>
    %mul3A_269 = arith.mulf %mul3A_267, %mul3A_268 : vector<128x64xf32>
    %add3A_270 = arith.addf %add3A_253, %mul3A_269 : vector<128x64xf32>
    %concatenate3A_271 = tpu.concatenate %transpose3A_180, %add3A_270 in 1 : vector<128x64xf32>, vector<128x64xf32> -> vector<128x128xf32>
    %get3A_272 = arith.constant 0 : index
    %get3A_273 = arith.constant 384 : index
    %get3A_274 = vector.load %arg1[%get3A_272, %get3A_273] : memref<64x1024xf32, #tpu.memory_space<vmem>>, vector<64x128xf32>
    %transpose3A_275 = tpu.transpose %get3A_274, [1, 0] : vector<64x128xf32> -> vector<128x64xf32>
    %get3A_276 = arith.constant 0 : index
    %get3A_277 = arith.constant 384 : index
    %get3A_278 = vector.load %arg2[%get3A_276, %get3A_277] : memref<64x1024xf32, #tpu.memory_space<vmem>>, vector<64x128xf32>
    %transpose3A_279 = tpu.transpose %get3A_278, [1, 0] : vector<64x128xf32> -> vector<128x64xf32>
    %iota3A_280 = tpu.iota {dimensions = array<i32: 0>} : vector<128x1xi32>
    %mul3A_281 = arith.constant 1024 : i32
    %mul3A_282 = arith.muli %arg0, %mul3A_281 : i32
    %add3A_283 = arith.constant 50176 : i32
    %add3A_284 = arith.addi %add3A_283, %mul3A_282 : i32
    %add3A_285 = arith.constant 384 : i32
    %add3A_286 = arith.addi %add3A_284, %add3A_285 : i32
    %add3A_287 = vector.broadcast %add3A_286 : i32 to vector<128x1xi32>
    %add3A_288 = arith.addi %iota3A_280, %add3A_287 : vector<128x1xi32>
    %sub3A_289 = arith.constant 99996 : i32
    %sub3A_290 = vector.broadcast %sub3A_289 : i32 to vector<128x1xi32>
    %sub3A_291 = arith.subi %add3A_288, %sub3A_290 : vector<128x1xi32>
    %jit3A_292 = arith.constant 0 : i32
    %jit3A_293 = arith.constant 4 : i32
    %max3A_294 = vector.broadcast %jit3A_292 : i32 to vector<128x1xi32>
    %max3A_295 = arith.maxsi %max3A_294, %sub3A_291 : vector<128x1xi32>
    %min3A_296 = vector.broadcast %jit3A_293 : i32 to vector<128x1xi32>
    %min3A_297 = arith.minsi %min3A_296, %max3A_295 : vector<128x1xi32>
    %eq3A_298 = arith.constant 1 : i32
    %eq3A_299 = vector.broadcast %eq3A_298 : i32 to vector<128x1xi32>
    %eq3A_300 = arith.cmpi eq, %min3A_297, %eq3A_299 : vector<128x1xi32>
    %jit3A_301 = arith.constant 1.000000e+00 : f32
    %jit3A_302 = arith.constant 0.000000e+00 : f32
    %broadcast_in_dim3A_303 = vector.broadcast %jit3A_301 : f32 to vector<128x1xf32>
    %broadcast_in_dim3A_304 = vector.broadcast %jit3A_302 : f32 to vector<128x1xf32>
    %select_n3A_305 = arith.select %eq3A_300, %broadcast_in_dim3A_303, %broadcast_in_dim3A_304 : vector<128x1xi1>, vector<128x1xf32>
    %get3A_306 = arith.constant 1 : index
    %get3A_307 = arith.constant 0 : index
    %get3A_308 = vector.load %arg3[%get3A_306, %get3A_307] : memref<8x64xf32, #tpu.memory_space<vmem>>, vector<1x64xf32>
    %get3A_309 = vector.shape_cast %get3A_308 : vector<1x64xf32> to vector<64xf32>
    %broadcast_in_dim3A_310 = vector.shape_cast %get3A_309 : vector<64xf32> to vector<1x64xf32>
    %mul3A_311 = vector.broadcast %select_n3A_305 : vector<128x1xf32> to vector<128x64xf32>
    %mul3A_312 = vector.broadcast %broadcast_in_dim3A_310 : vector<1x64xf32> to vector<128x64xf32>
    %mul3A_313 = arith.mulf %mul3A_311, %mul3A_312 : vector<128x64xf32>
    %add3A_314 = arith.addf %transpose3A_279, %mul3A_313 : vector<128x64xf32>
    %eq3A_315 = arith.constant 2 : i32
    %eq3A_316 = vector.broadcast %eq3A_315 : i32 to vector<128x1xi32>
    %eq3A_317 = arith.cmpi eq, %min3A_297, %eq3A_316 : vector<128x1xi32>
    %jit3A_318 = arith.constant 1.000000e+00 : f32
    %jit3A_319 = arith.constant 0.000000e+00 : f32
    %broadcast_in_dim3A_320 = vector.broadcast %jit3A_318 : f32 to vector<128x1xf32>
    %broadcast_in_dim3A_321 = vector.broadcast %jit3A_319 : f32 to vector<128x1xf32>
    %select_n3A_322 = arith.select %eq3A_317, %broadcast_in_dim3A_320, %broadcast_in_dim3A_321 : vector<128x1xi1>, vector<128x1xf32>
    %get3A_323 = arith.constant 2 : index
    %get3A_324 = arith.constant 0 : index
    %get3A_325 = vector.load %arg3[%get3A_323, %get3A_324] : memref<8x64xf32, #tpu.memory_space<vmem>>, vector<1x64xf32>
    %get3A_326 = vector.shape_cast %get3A_325 : vector<1x64xf32> to vector<64xf32>
    %broadcast_in_dim3A_327 = vector.shape_cast %get3A_326 : vector<64xf32> to vector<1x64xf32>
    %mul3A_328 = vector.broadcast %select_n3A_322 : vector<128x1xf32> to vector<128x64xf32>
    %mul3A_329 = vector.broadcast %broadcast_in_dim3A_327 : vector<1x64xf32> to vector<128x64xf32>
    %mul3A_330 = arith.mulf %mul3A_328, %mul3A_329 : vector<128x64xf32>
    %add3A_331 = arith.addf %add3A_314, %mul3A_330 : vector<128x64xf32>
    %eq3A_332 = arith.constant 3 : i32
    %eq3A_333 = vector.broadcast %eq3A_332 : i32 to vector<128x1xi32>
    %eq3A_334 = arith.cmpi eq, %min3A_297, %eq3A_333 : vector<128x1xi32>
    %jit3A_335 = arith.constant 1.000000e+00 : f32
    %jit3A_336 = arith.constant 0.000000e+00 : f32
    %broadcast_in_dim3A_337 = vector.broadcast %jit3A_335 : f32 to vector<128x1xf32>
    %broadcast_in_dim3A_338 = vector.broadcast %jit3A_336 : f32 to vector<128x1xf32>
    %select_n3A_339 = arith.select %eq3A_334, %broadcast_in_dim3A_337, %broadcast_in_dim3A_338 : vector<128x1xi1>, vector<128x1xf32>
    %get3A_340 = arith.constant 3 : index
    %get3A_341 = arith.constant 0 : index
    %get3A_342 = vector.load %arg3[%get3A_340, %get3A_341] : memref<8x64xf32, #tpu.memory_space<vmem>>, vector<1x64xf32>
    %get3A_343 = vector.shape_cast %get3A_342 : vector<1x64xf32> to vector<64xf32>
    %broadcast_in_dim3A_344 = vector.shape_cast %get3A_343 : vector<64xf32> to vector<1x64xf32>
    %mul3A_345 = vector.broadcast %select_n3A_339 : vector<128x1xf32> to vector<128x64xf32>
    %mul3A_346 = vector.broadcast %broadcast_in_dim3A_344 : vector<1x64xf32> to vector<128x64xf32>
    %mul3A_347 = arith.mulf %mul3A_345, %mul3A_346 : vector<128x64xf32>
    %add3A_348 = arith.addf %add3A_331, %mul3A_347 : vector<128x64xf32>
    %eq3A_349 = arith.constant 4 : i32
    %eq3A_350 = vector.broadcast %eq3A_349 : i32 to vector<128x1xi32>
    %eq3A_351 = arith.cmpi eq, %min3A_297, %eq3A_350 : vector<128x1xi32>
    %jit3A_352 = arith.constant 1.000000e+00 : f32
    %jit3A_353 = arith.constant 0.000000e+00 : f32
    %broadcast_in_dim3A_354 = vector.broadcast %jit3A_352 : f32 to vector<128x1xf32>
    %broadcast_in_dim3A_355 = vector.broadcast %jit3A_353 : f32 to vector<128x1xf32>
    %select_n3A_356 = arith.select %eq3A_351, %broadcast_in_dim3A_354, %broadcast_in_dim3A_355 : vector<128x1xi1>, vector<128x1xf32>
    %get3A_357 = arith.constant 4 : index
    %get3A_358 = arith.constant 0 : index
    %get3A_359 = vector.load %arg3[%get3A_357, %get3A_358] : memref<8x64xf32, #tpu.memory_space<vmem>>, vector<1x64xf32>
    %get3A_360 = vector.shape_cast %get3A_359 : vector<1x64xf32> to vector<64xf32>
    %broadcast_in_dim3A_361 = vector.shape_cast %get3A_360 : vector<64xf32> to vector<1x64xf32>
    %mul3A_362 = vector.broadcast %select_n3A_356 : vector<128x1xf32> to vector<128x64xf32>
    %mul3A_363 = vector.broadcast %broadcast_in_dim3A_361 : vector<1x64xf32> to vector<128x64xf32>
    %mul3A_364 = arith.mulf %mul3A_362, %mul3A_363 : vector<128x64xf32>
    %add3A_365 = arith.addf %add3A_348, %mul3A_364 : vector<128x64xf32>
    %concatenate3A_366 = tpu.concatenate %transpose3A_275, %add3A_365 in 1 : vector<128x64xf32>, vector<128x64xf32> -> vector<128x128xf32>
    %get3A_367 = arith.constant 0 : index
    %get3A_368 = arith.constant 512 : index
    %get3A_369 = vector.load %arg1[%get3A_367, %get3A_368] : memref<64x1024xf32, #tpu.memory_space<vmem>>, vector<64x128xf32>
    %transpose3A_370 = tpu.transpose %get3A_369, [1, 0] : vector<64x128xf32> -> vector<128x64xf32>
    %get3A_371 = arith.constant 0 : index
    %get3A_372 = arith.constant 512 : index
    %get3A_373 = vector.load %arg2[%get3A_371, %get3A_372] : memref<64x1024xf32, #tpu.memory_space<vmem>>, vector<64x128xf32>
    %transpose3A_374 = tpu.transpose %get3A_373, [1, 0] : vector<64x128xf32> -> vector<128x64xf32>
    %iota3A_375 = tpu.iota {dimensions = array<i32: 0>} : vector<128x1xi32>
    %mul3A_376 = arith.constant 1024 : i32
    %mul3A_377 = arith.muli %arg0, %mul3A_376 : i32
    %add3A_378 = arith.constant 50176 : i32
    %add3A_379 = arith.addi %add3A_378, %mul3A_377 : i32
    %add3A_380 = arith.constant 512 : i32
    %add3A_381 = arith.addi %add3A_379, %add3A_380 : i32
    %add3A_382 = vector.broadcast %add3A_381 : i32 to vector<128x1xi32>
    %add3A_383 = arith.addi %iota3A_375, %add3A_382 : vector<128x1xi32>
    %sub3A_384 = arith.constant 99996 : i32
    %sub3A_385 = vector.broadcast %sub3A_384 : i32 to vector<128x1xi32>
    %sub3A_386 = arith.subi %add3A_383, %sub3A_385 : vector<128x1xi32>
    %jit3A_387 = arith.constant 0 : i32
    %jit3A_388 = arith.constant 4 : i32
    %max3A_389 = vector.broadcast %jit3A_387 : i32 to vector<128x1xi32>
    %max3A_390 = arith.maxsi %max3A_389, %sub3A_386 : vector<128x1xi32>
    %min3A_391 = vector.broadcast %jit3A_388 : i32 to vector<128x1xi32>
    %min3A_392 = arith.minsi %min3A_391, %max3A_390 : vector<128x1xi32>
    %eq3A_393 = arith.constant 1 : i32
    %eq3A_394 = vector.broadcast %eq3A_393 : i32 to vector<128x1xi32>
    %eq3A_395 = arith.cmpi eq, %min3A_392, %eq3A_394 : vector<128x1xi32>
    %jit3A_396 = arith.constant 1.000000e+00 : f32
    %jit3A_397 = arith.constant 0.000000e+00 : f32
    %broadcast_in_dim3A_398 = vector.broadcast %jit3A_396 : f32 to vector<128x1xf32>
    %broadcast_in_dim3A_399 = vector.broadcast %jit3A_397 : f32 to vector<128x1xf32>
    %select_n3A_400 = arith.select %eq3A_395, %broadcast_in_dim3A_398, %broadcast_in_dim3A_399 : vector<128x1xi1>, vector<128x1xf32>
    %get3A_401 = arith.constant 1 : index
    %get3A_402 = arith.constant 0 : index
    %get3A_403 = vector.load %arg3[%get3A_401, %get3A_402] : memref<8x64xf32, #tpu.memory_space<vmem>>, vector<1x64xf32>
    %get3A_404 = vector.shape_cast %get3A_403 : vector<1x64xf32> to vector<64xf32>
    %broadcast_in_dim3A_405 = vector.shape_cast %get3A_404 : vector<64xf32> to vector<1x64xf32>
    %mul3A_406 = vector.broadcast %select_n3A_400 : vector<128x1xf32> to vector<128x64xf32>
    %mul3A_407 = vector.broadcast %broadcast_in_dim3A_405 : vector<1x64xf32> to vector<128x64xf32>
    %mul3A_408 = arith.mulf %mul3A_406, %mul3A_407 : vector<128x64xf32>
    %add3A_409 = arith.addf %transpose3A_374, %mul3A_408 : vector<128x64xf32>
    %eq3A_410 = arith.constant 2 : i32
    %eq3A_411 = vector.broadcast %eq3A_410 : i32 to vector<128x1xi32>
    %eq3A_412 = arith.cmpi eq, %min3A_392, %eq3A_411 : vector<128x1xi32>
    %jit3A_413 = arith.constant 1.000000e+00 : f32
    %jit3A_414 = arith.constant 0.000000e+00 : f32
    %broadcast_in_dim3A_415 = vector.broadcast %jit3A_413 : f32 to vector<128x1xf32>
    %broadcast_in_dim3A_416 = vector.broadcast %jit3A_414 : f32 to vector<128x1xf32>
    %select_n3A_417 = arith.select %eq3A_412, %broadcast_in_dim3A_415, %broadcast_in_dim3A_416 : vector<128x1xi1>, vector<128x1xf32>
    %get3A_418 = arith.constant 2 : index
    %get3A_419 = arith.constant 0 : index
    %get3A_420 = vector.load %arg3[%get3A_418, %get3A_419] : memref<8x64xf32, #tpu.memory_space<vmem>>, vector<1x64xf32>
    %get3A_421 = vector.shape_cast %get3A_420 : vector<1x64xf32> to vector<64xf32>
    %broadcast_in_dim3A_422 = vector.shape_cast %get3A_421 : vector<64xf32> to vector<1x64xf32>
    %mul3A_423 = vector.broadcast %select_n3A_417 : vector<128x1xf32> to vector<128x64xf32>
    %mul3A_424 = vector.broadcast %broadcast_in_dim3A_422 : vector<1x64xf32> to vector<128x64xf32>
    %mul3A_425 = arith.mulf %mul3A_423, %mul3A_424 : vector<128x64xf32>
    %add3A_426 = arith.addf %add3A_409, %mul3A_425 : vector<128x64xf32>
    %eq3A_427 = arith.constant 3 : i32
    %eq3A_428 = vector.broadcast %eq3A_427 : i32 to vector<128x1xi32>
    %eq3A_429 = arith.cmpi eq, %min3A_392, %eq3A_428 : vector<128x1xi32>
    %jit3A_430 = arith.constant 1.000000e+00 : f32
    %jit3A_431 = arith.constant 0.000000e+00 : f32
    %broadcast_in_dim3A_432 = vector.broadcast %jit3A_430 : f32 to vector<128x1xf32>
    %broadcast_in_dim3A_433 = vector.broadcast %jit3A_431 : f32 to vector<128x1xf32>
    %select_n3A_434 = arith.select %eq3A_429, %broadcast_in_dim3A_432, %broadcast_in_dim3A_433 : vector<128x1xi1>, vector<128x1xf32>
    %get3A_435 = arith.constant 3 : index
    %get3A_436 = arith.constant 0 : index
    %get3A_437 = vector.load %arg3[%get3A_435, %get3A_436] : memref<8x64xf32, #tpu.memory_space<vmem>>, vector<1x64xf32>
    %get3A_438 = vector.shape_cast %get3A_437 : vector<1x64xf32> to vector<64xf32>
    %broadcast_in_dim3A_439 = vector.shape_cast %get3A_438 : vector<64xf32> to vector<1x64xf32>
    %mul3A_440 = vector.broadcast %select_n3A_434 : vector<128x1xf32> to vector<128x64xf32>
    %mul3A_441 = vector.broadcast %broadcast_in_dim3A_439 : vector<1x64xf32> to vector<128x64xf32>
    %mul3A_442 = arith.mulf %mul3A_440, %mul3A_441 : vector<128x64xf32>
    %add3A_443 = arith.addf %add3A_426, %mul3A_442 : vector<128x64xf32>
    %eq3A_444 = arith.constant 4 : i32
    %eq3A_445 = vector.broadcast %eq3A_444 : i32 to vector<128x1xi32>
    %eq3A_446 = arith.cmpi eq, %min3A_392, %eq3A_445 : vector<128x1xi32>
    %jit3A_447 = arith.constant 1.000000e+00 : f32
    %jit3A_448 = arith.constant 0.000000e+00 : f32
    %broadcast_in_dim3A_449 = vector.broadcast %jit3A_447 : f32 to vector<128x1xf32>
    %broadcast_in_dim3A_450 = vector.broadcast %jit3A_448 : f32 to vector<128x1xf32>
    %select_n3A_451 = arith.select %eq3A_446, %broadcast_in_dim3A_449, %broadcast_in_dim3A_450 : vector<128x1xi1>, vector<128x1xf32>
    %get3A_452 = arith.constant 4 : index
    %get3A_453 = arith.constant 0 : index
    %get3A_454 = vector.load %arg3[%get3A_452, %get3A_453] : memref<8x64xf32, #tpu.memory_space<vmem>>, vector<1x64xf32>
    %get3A_455 = vector.shape_cast %get3A_454 : vector<1x64xf32> to vector<64xf32>
    %broadcast_in_dim3A_456 = vector.shape_cast %get3A_455 : vector<64xf32> to vector<1x64xf32>
    %mul3A_457 = vector.broadcast %select_n3A_451 : vector<128x1xf32> to vector<128x64xf32>
    %mul3A_458 = vector.broadcast %broadcast_in_dim3A_456 : vector<1x64xf32> to vector<128x64xf32>
    %mul3A_459 = arith.mulf %mul3A_457, %mul3A_458 : vector<128x64xf32>
    %add3A_460 = arith.addf %add3A_443, %mul3A_459 : vector<128x64xf32>
    %concatenate3A_461 = tpu.concatenate %transpose3A_370, %add3A_460 in 1 : vector<128x64xf32>, vector<128x64xf32> -> vector<128x128xf32>
    %get3A_462 = arith.constant 0 : index
    %get3A_463 = arith.constant 640 : index
    %get3A_464 = vector.load %arg1[%get3A_462, %get3A_463] : memref<64x1024xf32, #tpu.memory_space<vmem>>, vector<64x128xf32>
    %transpose3A_465 = tpu.transpose %get3A_464, [1, 0] : vector<64x128xf32> -> vector<128x64xf32>
    %get3A_466 = arith.constant 0 : index
    %get3A_467 = arith.constant 640 : index
    %get3A_468 = vector.load %arg2[%get3A_466, %get3A_467] : memref<64x1024xf32, #tpu.memory_space<vmem>>, vector<64x128xf32>
    %transpose3A_469 = tpu.transpose %get3A_468, [1, 0] : vector<64x128xf32> -> vector<128x64xf32>
    %iota3A_470 = tpu.iota {dimensions = array<i32: 0>} : vector<128x1xi32>
    %mul3A_471 = arith.constant 1024 : i32
    %mul3A_472 = arith.muli %arg0, %mul3A_471 : i32
    %add3A_473 = arith.constant 50176 : i32
    %add3A_474 = arith.addi %add3A_473, %mul3A_472 : i32
    %add3A_475 = arith.constant 640 : i32
    %add3A_476 = arith.addi %add3A_474, %add3A_475 : i32
    %add3A_477 = vector.broadcast %add3A_476 : i32 to vector<128x1xi32>
    %add3A_478 = arith.addi %iota3A_470, %add3A_477 : vector<128x1xi32>
    %sub3A_479 = arith.constant 99996 : i32
    %sub3A_480 = vector.broadcast %sub3A_479 : i32 to vector<128x1xi32>
    %sub3A_481 = arith.subi %add3A_478, %sub3A_480 : vector<128x1xi32>
    %jit3A_482 = arith.constant 0 : i32
    %jit3A_483 = arith.constant 4 : i32
    %max3A_484 = vector.broadcast %jit3A_482 : i32 to vector<128x1xi32>
    %max3A_485 = arith.maxsi %max3A_484, %sub3A_481 : vector<128x1xi32>
    %min3A_486 = vector.broadcast %jit3A_483 : i32 to vector<128x1xi32>
    %min3A_487 = arith.minsi %min3A_486, %max3A_485 : vector<128x1xi32>
    %eq3A_488 = arith.constant 1 : i32
    %eq3A_489 = vector.broadcast %eq3A_488 : i32 to vector<128x1xi32>
    %eq3A_490 = arith.cmpi eq, %min3A_487, %eq3A_489 : vector<128x1xi32>
    %jit3A_491 = arith.constant 1.000000e+00 : f32
    %jit3A_492 = arith.constant 0.000000e+00 : f32
    %broadcast_in_dim3A_493 = vector.broadcast %jit3A_491 : f32 to vector<128x1xf32>
    %broadcast_in_dim3A_494 = vector.broadcast %jit3A_492 : f32 to vector<128x1xf32>
    %select_n3A_495 = arith.select %eq3A_490, %broadcast_in_dim3A_493, %broadcast_in_dim3A_494 : vector<128x1xi1>, vector<128x1xf32>
    %get3A_496 = arith.constant 1 : index
    %get3A_497 = arith.constant 0 : index
    %get3A_498 = vector.load %arg3[%get3A_496, %get3A_497] : memref<8x64xf32, #tpu.memory_space<vmem>>, vector<1x64xf32>
    %get3A_499 = vector.shape_cast %get3A_498 : vector<1x64xf32> to vector<64xf32>
    %broadcast_in_dim3A_500 = vector.shape_cast %get3A_499 : vector<64xf32> to vector<1x64xf32>
    %mul3A_501 = vector.broadcast %select_n3A_495 : vector<128x1xf32> to vector<128x64xf32>
    %mul3A_502 = vector.broadcast %broadcast_in_dim3A_500 : vector<1x64xf32> to vector<128x64xf32>
    %mul3A_503 = arith.mulf %mul3A_501, %mul3A_502 : vector<128x64xf32>
    %add3A_504 = arith.addf %transpose3A_469, %mul3A_503 : vector<128x64xf32>
    %eq3A_505 = arith.constant 2 : i32
    %eq3A_506 = vector.broadcast %eq3A_505 : i32 to vector<128x1xi32>
    %eq3A_507 = arith.cmpi eq, %min3A_487, %eq3A_506 : vector<128x1xi32>
    %jit3A_508 = arith.constant 1.000000e+00 : f32
    %jit3A_509 = arith.constant 0.000000e+00 : f32
    %broadcast_in_dim3A_510 = vector.broadcast %jit3A_508 : f32 to vector<128x1xf32>
    %broadcast_in_dim3A_511 = vector.broadcast %jit3A_509 : f32 to vector<128x1xf32>
    %select_n3A_512 = arith.select %eq3A_507, %broadcast_in_dim3A_510, %broadcast_in_dim3A_511 : vector<128x1xi1>, vector<128x1xf32>
    %get3A_513 = arith.constant 2 : index
    %get3A_514 = arith.constant 0 : index
    %get3A_515 = vector.load %arg3[%get3A_513, %get3A_514] : memref<8x64xf32, #tpu.memory_space<vmem>>, vector<1x64xf32>
    %get3A_516 = vector.shape_cast %get3A_515 : vector<1x64xf32> to vector<64xf32>
    %broadcast_in_dim3A_517 = vector.shape_cast %get3A_516 : vector<64xf32> to vector<1x64xf32>
    %mul3A_518 = vector.broadcast %select_n3A_512 : vector<128x1xf32> to vector<128x64xf32>
    %mul3A_519 = vector.broadcast %broadcast_in_dim3A_517 : vector<1x64xf32> to vector<128x64xf32>
    %mul3A_520 = arith.mulf %mul3A_518, %mul3A_519 : vector<128x64xf32>
    %add3A_521 = arith.addf %add3A_504, %mul3A_520 : vector<128x64xf32>
    %eq3A_522 = arith.constant 3 : i32
    %eq3A_523 = vector.broadcast %eq3A_522 : i32 to vector<128x1xi32>
    %eq3A_524 = arith.cmpi eq, %min3A_487, %eq3A_523 : vector<128x1xi32>
    %jit3A_525 = arith.constant 1.000000e+00 : f32
    %jit3A_526 = arith.constant 0.000000e+00 : f32
    %broadcast_in_dim3A_527 = vector.broadcast %jit3A_525 : f32 to vector<128x1xf32>
    %broadcast_in_dim3A_528 = vector.broadcast %jit3A_526 : f32 to vector<128x1xf32>
    %select_n3A_529 = arith.select %eq3A_524, %broadcast_in_dim3A_527, %broadcast_in_dim3A_528 : vector<128x1xi1>, vector<128x1xf32>
    %get3A_530 = arith.constant 3 : index
    %get3A_531 = arith.constant 0 : index
    %get3A_532 = vector.load %arg3[%get3A_530, %get3A_531] : memref<8x64xf32, #tpu.memory_space<vmem>>, vector<1x64xf32>
    %get3A_533 = vector.shape_cast %get3A_532 : vector<1x64xf32> to vector<64xf32>
    %broadcast_in_dim3A_534 = vector.shape_cast %get3A_533 : vector<64xf32> to vector<1x64xf32>
    %mul3A_535 = vector.broadcast %select_n3A_529 : vector<128x1xf32> to vector<128x64xf32>
    %mul3A_536 = vector.broadcast %broadcast_in_dim3A_534 : vector<1x64xf32> to vector<128x64xf32>
    %mul3A_537 = arith.mulf %mul3A_535, %mul3A_536 : vector<128x64xf32>
    %add3A_538 = arith.addf %add3A_521, %mul3A_537 : vector<128x64xf32>
    %eq3A_539 = arith.constant 4 : i32
    %eq3A_540 = vector.broadcast %eq3A_539 : i32 to vector<128x1xi32>
    %eq3A_541 = arith.cmpi eq, %min3A_487, %eq3A_540 : vector<128x1xi32>
    %jit3A_542 = arith.constant 1.000000e+00 : f32
    %jit3A_543 = arith.constant 0.000000e+00 : f32
    %broadcast_in_dim3A_544 = vector.broadcast %jit3A_542 : f32 to vector<128x1xf32>
    %broadcast_in_dim3A_545 = vector.broadcast %jit3A_543 : f32 to vector<128x1xf32>
    %select_n3A_546 = arith.select %eq3A_541, %broadcast_in_dim3A_544, %broadcast_in_dim3A_545 : vector<128x1xi1>, vector<128x1xf32>
    %get3A_547 = arith.constant 4 : index
    %get3A_548 = arith.constant 0 : index
    %get3A_549 = vector.load %arg3[%get3A_547, %get3A_548] : memref<8x64xf32, #tpu.memory_space<vmem>>, vector<1x64xf32>
    %get3A_550 = vector.shape_cast %get3A_549 : vector<1x64xf32> to vector<64xf32>
    %broadcast_in_dim3A_551 = vector.shape_cast %get3A_550 : vector<64xf32> to vector<1x64xf32>
    %mul3A_552 = vector.broadcast %select_n3A_546 : vector<128x1xf32> to vector<128x64xf32>
    %mul3A_553 = vector.broadcast %broadcast_in_dim3A_551 : vector<1x64xf32> to vector<128x64xf32>
    %mul3A_554 = arith.mulf %mul3A_552, %mul3A_553 : vector<128x64xf32>
    %add3A_555 = arith.addf %add3A_538, %mul3A_554 : vector<128x64xf32>
    %concatenate3A_556 = tpu.concatenate %transpose3A_465, %add3A_555 in 1 : vector<128x64xf32>, vector<128x64xf32> -> vector<128x128xf32>
    %get3A_557 = arith.constant 0 : index
    %get3A_558 = arith.constant 768 : index
    %get3A_559 = vector.load %arg1[%get3A_557, %get3A_558] : memref<64x1024xf32, #tpu.memory_space<vmem>>, vector<64x128xf32>
    %transpose3A_560 = tpu.transpose %get3A_559, [1, 0] : vector<64x128xf32> -> vector<128x64xf32>
    %get3A_561 = arith.constant 0 : index
    %get3A_562 = arith.constant 768 : index
    %get3A_563 = vector.load %arg2[%get3A_561, %get3A_562] : memref<64x1024xf32, #tpu.memory_space<vmem>>, vector<64x128xf32>
    %transpose3A_564 = tpu.transpose %get3A_563, [1, 0] : vector<64x128xf32> -> vector<128x64xf32>
    %iota3A_565 = tpu.iota {dimensions = array<i32: 0>} : vector<128x1xi32>
    %mul3A_566 = arith.constant 1024 : i32
    %mul3A_567 = arith.muli %arg0, %mul3A_566 : i32
    %add3A_568 = arith.constant 50176 : i32
    %add3A_569 = arith.addi %add3A_568, %mul3A_567 : i32
    %add3A_570 = arith.constant 768 : i32
    %add3A_571 = arith.addi %add3A_569, %add3A_570 : i32
    %add3A_572 = vector.broadcast %add3A_571 : i32 to vector<128x1xi32>
    %add3A_573 = arith.addi %iota3A_565, %add3A_572 : vector<128x1xi32>
    %sub3A_574 = arith.constant 99996 : i32
    %sub3A_575 = vector.broadcast %sub3A_574 : i32 to vector<128x1xi32>
    %sub3A_576 = arith.subi %add3A_573, %sub3A_575 : vector<128x1xi32>
    %jit3A_577 = arith.constant 0 : i32
    %jit3A_578 = arith.constant 4 : i32
    %max3A_579 = vector.broadcast %jit3A_577 : i32 to vector<128x1xi32>
    %max3A_580 = arith.maxsi %max3A_579, %sub3A_576 : vector<128x1xi32>
    %min3A_581 = vector.broadcast %jit3A_578 : i32 to vector<128x1xi32>
    %min3A_582 = arith.minsi %min3A_581, %max3A_580 : vector<128x1xi32>
    %eq3A_583 = arith.constant 1 : i32
    %eq3A_584 = vector.broadcast %eq3A_583 : i32 to vector<128x1xi32>
    %eq3A_585 = arith.cmpi eq, %min3A_582, %eq3A_584 : vector<128x1xi32>
    %jit3A_586 = arith.constant 1.000000e+00 : f32
    %jit3A_587 = arith.constant 0.000000e+00 : f32
    %broadcast_in_dim3A_588 = vector.broadcast %jit3A_586 : f32 to vector<128x1xf32>
    %broadcast_in_dim3A_589 = vector.broadcast %jit3A_587 : f32 to vector<128x1xf32>
    %select_n3A_590 = arith.select %eq3A_585, %broadcast_in_dim3A_588, %broadcast_in_dim3A_589 : vector<128x1xi1>, vector<128x1xf32>
    %get3A_591 = arith.constant 1 : index
    %get3A_592 = arith.constant 0 : index
    %get3A_593 = vector.load %arg3[%get3A_591, %get3A_592] : memref<8x64xf32, #tpu.memory_space<vmem>>, vector<1x64xf32>
    %get3A_594 = vector.shape_cast %get3A_593 : vector<1x64xf32> to vector<64xf32>
    %broadcast_in_dim3A_595 = vector.shape_cast %get3A_594 : vector<64xf32> to vector<1x64xf32>
    %mul3A_596 = vector.broadcast %select_n3A_590 : vector<128x1xf32> to vector<128x64xf32>
    %mul3A_597 = vector.broadcast %broadcast_in_dim3A_595 : vector<1x64xf32> to vector<128x64xf32>
    %mul3A_598 = arith.mulf %mul3A_596, %mul3A_597 : vector<128x64xf32>
    %add3A_599 = arith.addf %transpose3A_564, %mul3A_598 : vector<128x64xf32>
    %eq3A_600 = arith.constant 2 : i32
    %eq3A_601 = vector.broadcast %eq3A_600 : i32 to vector<128x1xi32>
    %eq3A_602 = arith.cmpi eq, %min3A_582, %eq3A_601 : vector<128x1xi32>
    %jit3A_603 = arith.constant 1.000000e+00 : f32
    %jit3A_604 = arith.constant 0.000000e+00 : f32
    %broadcast_in_dim3A_605 = vector.broadcast %jit3A_603 : f32 to vector<128x1xf32>
    %broadcast_in_dim3A_606 = vector.broadcast %jit3A_604 : f32 to vector<128x1xf32>
    %select_n3A_607 = arith.select %eq3A_602, %broadcast_in_dim3A_605, %broadcast_in_dim3A_606 : vector<128x1xi1>, vector<128x1xf32>
    %get3A_608 = arith.constant 2 : index
    %get3A_609 = arith.constant 0 : index
    %get3A_610 = vector.load %arg3[%get3A_608, %get3A_609] : memref<8x64xf32, #tpu.memory_space<vmem>>, vector<1x64xf32>
    %get3A_611 = vector.shape_cast %get3A_610 : vector<1x64xf32> to vector<64xf32>
    %broadcast_in_dim3A_612 = vector.shape_cast %get3A_611 : vector<64xf32> to vector<1x64xf32>
    %mul3A_613 = vector.broadcast %select_n3A_607 : vector<128x1xf32> to vector<128x64xf32>
    %mul3A_614 = vector.broadcast %broadcast_in_dim3A_612 : vector<1x64xf32> to vector<128x64xf32>
    %mul3A_615 = arith.mulf %mul3A_613, %mul3A_614 : vector<128x64xf32>
    %add3A_616 = arith.addf %add3A_599, %mul3A_615 : vector<128x64xf32>
    %eq3A_617 = arith.constant 3 : i32
    %eq3A_618 = vector.broadcast %eq3A_617 : i32 to vector<128x1xi32>
    %eq3A_619 = arith.cmpi eq, %min3A_582, %eq3A_618 : vector<128x1xi32>
    %jit3A_620 = arith.constant 1.000000e+00 : f32
    %jit3A_621 = arith.constant 0.000000e+00 : f32
    %broadcast_in_dim3A_622 = vector.broadcast %jit3A_620 : f32 to vector<128x1xf32>
    %broadcast_in_dim3A_623 = vector.broadcast %jit3A_621 : f32 to vector<128x1xf32>
    %select_n3A_624 = arith.select %eq3A_619, %broadcast_in_dim3A_622, %broadcast_in_dim3A_623 : vector<128x1xi1>, vector<128x1xf32>
    %get3A_625 = arith.constant 3 : index
    %get3A_626 = arith.constant 0 : index
    %get3A_627 = vector.load %arg3[%get3A_625, %get3A_626] : memref<8x64xf32, #tpu.memory_space<vmem>>, vector<1x64xf32>
    %get3A_628 = vector.shape_cast %get3A_627 : vector<1x64xf32> to vector<64xf32>
    %broadcast_in_dim3A_629 = vector.shape_cast %get3A_628 : vector<64xf32> to vector<1x64xf32>
    %mul3A_630 = vector.broadcast %select_n3A_624 : vector<128x1xf32> to vector<128x64xf32>
    %mul3A_631 = vector.broadcast %broadcast_in_dim3A_629 : vector<1x64xf32> to vector<128x64xf32>
    %mul3A_632 = arith.mulf %mul3A_630, %mul3A_631 : vector<128x64xf32>
    %add3A_633 = arith.addf %add3A_616, %mul3A_632 : vector<128x64xf32>
    %eq3A_634 = arith.constant 4 : i32
    %eq3A_635 = vector.broadcast %eq3A_634 : i32 to vector<128x1xi32>
    %eq3A_636 = arith.cmpi eq, %min3A_582, %eq3A_635 : vector<128x1xi32>
    %jit3A_637 = arith.constant 1.000000e+00 : f32
    %jit3A_638 = arith.constant 0.000000e+00 : f32
    %broadcast_in_dim3A_639 = vector.broadcast %jit3A_637 : f32 to vector<128x1xf32>
    %broadcast_in_dim3A_640 = vector.broadcast %jit3A_638 : f32 to vector<128x1xf32>
    %select_n3A_641 = arith.select %eq3A_636, %broadcast_in_dim3A_639, %broadcast_in_dim3A_640 : vector<128x1xi1>, vector<128x1xf32>
    %get3A_642 = arith.constant 4 : index
    %get3A_643 = arith.constant 0 : index
    %get3A_644 = vector.load %arg3[%get3A_642, %get3A_643] : memref<8x64xf32, #tpu.memory_space<vmem>>, vector<1x64xf32>
    %get3A_645 = vector.shape_cast %get3A_644 : vector<1x64xf32> to vector<64xf32>
    %broadcast_in_dim3A_646 = vector.shape_cast %get3A_645 : vector<64xf32> to vector<1x64xf32>
    %mul3A_647 = vector.broadcast %select_n3A_641 : vector<128x1xf32> to vector<128x64xf32>
    %mul3A_648 = vector.broadcast %broadcast_in_dim3A_646 : vector<1x64xf32> to vector<128x64xf32>
    %mul3A_649 = arith.mulf %mul3A_647, %mul3A_648 : vector<128x64xf32>
    %add3A_650 = arith.addf %add3A_633, %mul3A_649 : vector<128x64xf32>
    %concatenate3A_651 = tpu.concatenate %transpose3A_560, %add3A_650 in 1 : vector<128x64xf32>, vector<128x64xf32> -> vector<128x128xf32>
    %get3A_652 = arith.constant 0 : index
    %get3A_653 = arith.constant 896 : index
    %get3A_654 = vector.load %arg1[%get3A_652, %get3A_653] : memref<64x1024xf32, #tpu.memory_space<vmem>>, vector<64x128xf32>
    %transpose3A_655 = tpu.transpose %get3A_654, [1, 0] : vector<64x128xf32> -> vector<128x64xf32>
    %get3A_656 = arith.constant 0 : index
    %get3A_657 = arith.constant 896 : index
    %get3A_658 = vector.load %arg2[%get3A_656, %get3A_657] : memref<64x1024xf32, #tpu.memory_space<vmem>>, vector<64x128xf32>
    %transpose3A_659 = tpu.transpose %get3A_658, [1, 0] : vector<64x128xf32> -> vector<128x64xf32>
    %iota3A_660 = tpu.iota {dimensions = array<i32: 0>} : vector<128x1xi32>
    %mul3A_661 = arith.constant 1024 : i32
    %mul3A_662 = arith.muli %arg0, %mul3A_661 : i32
    %add3A_663 = arith.constant 50176 : i32
    %add3A_664 = arith.addi %add3A_663, %mul3A_662 : i32
    %add3A_665 = arith.constant 896 : i32
    %add3A_666 = arith.addi %add3A_664, %add3A_665 : i32
    %add3A_667 = vector.broadcast %add3A_666 : i32 to vector<128x1xi32>
    %add3A_668 = arith.addi %iota3A_660, %add3A_667 : vector<128x1xi32>
    %sub3A_669 = arith.constant 99996 : i32
    %sub3A_670 = vector.broadcast %sub3A_669 : i32 to vector<128x1xi32>
    %sub3A_671 = arith.subi %add3A_668, %sub3A_670 : vector<128x1xi32>
    %jit3A_672 = arith.constant 0 : i32
    %jit3A_673 = arith.constant 4 : i32
    %max3A_674 = vector.broadcast %jit3A_672 : i32 to vector<128x1xi32>
    %max3A_675 = arith.maxsi %max3A_674, %sub3A_671 : vector<128x1xi32>
    %min3A_676 = vector.broadcast %jit3A_673 : i32 to vector<128x1xi32>
    %min3A_677 = arith.minsi %min3A_676, %max3A_675 : vector<128x1xi32>
    %eq3A_678 = arith.constant 1 : i32
    %eq3A_679 = vector.broadcast %eq3A_678 : i32 to vector<128x1xi32>
    %eq3A_680 = arith.cmpi eq, %min3A_677, %eq3A_679 : vector<128x1xi32>
    %jit3A_681 = arith.constant 1.000000e+00 : f32
    %jit3A_682 = arith.constant 0.000000e+00 : f32
    %broadcast_in_dim3A_683 = vector.broadcast %jit3A_681 : f32 to vector<128x1xf32>
    %broadcast_in_dim3A_684 = vector.broadcast %jit3A_682 : f32 to vector<128x1xf32>
    %select_n3A_685 = arith.select %eq3A_680, %broadcast_in_dim3A_683, %broadcast_in_dim3A_684 : vector<128x1xi1>, vector<128x1xf32>
    %get3A_686 = arith.constant 1 : index
    %get3A_687 = arith.constant 0 : index
    %get3A_688 = vector.load %arg3[%get3A_686, %get3A_687] : memref<8x64xf32, #tpu.memory_space<vmem>>, vector<1x64xf32>
    %get3A_689 = vector.shape_cast %get3A_688 : vector<1x64xf32> to vector<64xf32>
    %broadcast_in_dim3A_690 = vector.shape_cast %get3A_689 : vector<64xf32> to vector<1x64xf32>
    %mul3A_691 = vector.broadcast %select_n3A_685 : vector<128x1xf32> to vector<128x64xf32>
    %mul3A_692 = vector.broadcast %broadcast_in_dim3A_690 : vector<1x64xf32> to vector<128x64xf32>
    %mul3A_693 = arith.mulf %mul3A_691, %mul3A_692 : vector<128x64xf32>
    %add3A_694 = arith.addf %transpose3A_659, %mul3A_693 : vector<128x64xf32>
    %eq3A_695 = arith.constant 2 : i32
    %eq3A_696 = vector.broadcast %eq3A_695 : i32 to vector<128x1xi32>
    %eq3A_697 = arith.cmpi eq, %min3A_677, %eq3A_696 : vector<128x1xi32>
    %jit3A_698 = arith.constant 1.000000e+00 : f32
    %jit3A_699 = arith.constant 0.000000e+00 : f32
    %broadcast_in_dim3A_700 = vector.broadcast %jit3A_698 : f32 to vector<128x1xf32>
    %broadcast_in_dim3A_701 = vector.broadcast %jit3A_699 : f32 to vector<128x1xf32>
    %select_n3A_702 = arith.select %eq3A_697, %broadcast_in_dim3A_700, %broadcast_in_dim3A_701 : vector<128x1xi1>, vector<128x1xf32>
    %get3A_703 = arith.constant 2 : index
    %get3A_704 = arith.constant 0 : index
    %get3A_705 = vector.load %arg3[%get3A_703, %get3A_704] : memref<8x64xf32, #tpu.memory_space<vmem>>, vector<1x64xf32>
    %get3A_706 = vector.shape_cast %get3A_705 : vector<1x64xf32> to vector<64xf32>
    %broadcast_in_dim3A_707 = vector.shape_cast %get3A_706 : vector<64xf32> to vector<1x64xf32>
    %mul3A_708 = vector.broadcast %select_n3A_702 : vector<128x1xf32> to vector<128x64xf32>
    %mul3A_709 = vector.broadcast %broadcast_in_dim3A_707 : vector<1x64xf32> to vector<128x64xf32>
    %mul3A_710 = arith.mulf %mul3A_708, %mul3A_709 : vector<128x64xf32>
    %add3A_711 = arith.addf %add3A_694, %mul3A_710 : vector<128x64xf32>
    %eq3A_712 = arith.constant 3 : i32
    %eq3A_713 = vector.broadcast %eq3A_712 : i32 to vector<128x1xi32>
    %eq3A_714 = arith.cmpi eq, %min3A_677, %eq3A_713 : vector<128x1xi32>
    %jit3A_715 = arith.constant 1.000000e+00 : f32
    %jit3A_716 = arith.constant 0.000000e+00 : f32
    %broadcast_in_dim3A_717 = vector.broadcast %jit3A_715 : f32 to vector<128x1xf32>
    %broadcast_in_dim3A_718 = vector.broadcast %jit3A_716 : f32 to vector<128x1xf32>
    %select_n3A_719 = arith.select %eq3A_714, %broadcast_in_dim3A_717, %broadcast_in_dim3A_718 : vector<128x1xi1>, vector<128x1xf32>
    %get3A_720 = arith.constant 3 : index
    %get3A_721 = arith.constant 0 : index
    %get3A_722 = vector.load %arg3[%get3A_720, %get3A_721] : memref<8x64xf32, #tpu.memory_space<vmem>>, vector<1x64xf32>
    %get3A_723 = vector.shape_cast %get3A_722 : vector<1x64xf32> to vector<64xf32>
    %broadcast_in_dim3A_724 = vector.shape_cast %get3A_723 : vector<64xf32> to vector<1x64xf32>
    %mul3A_725 = vector.broadcast %select_n3A_719 : vector<128x1xf32> to vector<128x64xf32>
    %mul3A_726 = vector.broadcast %broadcast_in_dim3A_724 : vector<1x64xf32> to vector<128x64xf32>
    %mul3A_727 = arith.mulf %mul3A_725, %mul3A_726 : vector<128x64xf32>
    %add3A_728 = arith.addf %add3A_711, %mul3A_727 : vector<128x64xf32>
    %eq3A_729 = arith.constant 4 : i32
    %eq3A_730 = vector.broadcast %eq3A_729 : i32 to vector<128x1xi32>
    %eq3A_731 = arith.cmpi eq, %min3A_677, %eq3A_730 : vector<128x1xi32>
    %jit3A_732 = arith.constant 1.000000e+00 : f32
    %jit3A_733 = arith.constant 0.000000e+00 : f32
    %broadcast_in_dim3A_734 = vector.broadcast %jit3A_732 : f32 to vector<128x1xf32>
    %broadcast_in_dim3A_735 = vector.broadcast %jit3A_733 : f32 to vector<128x1xf32>
    %select_n3A_736 = arith.select %eq3A_731, %broadcast_in_dim3A_734, %broadcast_in_dim3A_735 : vector<128x1xi1>, vector<128x1xf32>
    %get3A_737 = arith.constant 4 : index
    %get3A_738 = arith.constant 0 : index
    %get3A_739 = vector.load %arg3[%get3A_737, %get3A_738] : memref<8x64xf32, #tpu.memory_space<vmem>>, vector<1x64xf32>
    %get3A_740 = vector.shape_cast %get3A_739 : vector<1x64xf32> to vector<64xf32>
    %broadcast_in_dim3A_741 = vector.shape_cast %get3A_740 : vector<64xf32> to vector<1x64xf32>
    %mul3A_742 = vector.broadcast %select_n3A_736 : vector<128x1xf32> to vector<128x64xf32>
    %mul3A_743 = vector.broadcast %broadcast_in_dim3A_741 : vector<1x64xf32> to vector<128x64xf32>
    %mul3A_744 = arith.mulf %mul3A_742, %mul3A_743 : vector<128x64xf32>
    %add3A_745 = arith.addf %add3A_728, %mul3A_744 : vector<128x64xf32>
    %concatenate3A_746 = tpu.concatenate %transpose3A_655, %add3A_745 in 1 : vector<128x64xf32>, vector<128x64xf32> -> vector<128x128xf32>
    %concatenate3A_747 = tpu.concatenate %concatenate3A, %concatenate3A_176, %concatenate3A_271, %concatenate3A_366, %concatenate3A_461, %concatenate3A_556, %concatenate3A_651, %concatenate3A_746 in 0 : vector<128x128xf32>, vector<128x128xf32>, vector<128x128xf32>, vector<128x128xf32>, vector<128x128xf32>, vector<128x128xf32>, vector<128x128xf32>, vector<128x128xf32> -> vector<1024x128xf32>
    %swap3A = arith.constant 0 : index
    %swap3A_748 = arith.constant 0 : index
    %swap3A_749 = vector.load %arg4[%swap3A, %swap3A_748] : memref<1024x128xf32, #tpu.memory_space<vmem>>, vector<1024x128xf32>
    tpu.vector_store %arg4[%swap3A, %swap3A_748], %concatenate3A_747 {strides = array<i32>} : memref<1024x128xf32, #tpu.memory_space<vmem>>, vector<1024x128xf32>,
    return
  }
  func.func @transform_0(%arg0: i32) -> (i32, i32) {
    %c0_i32 = arith.constant 0 : i32
    %c0_i32_0 = arith.constant 0 : i32
    return %c0_i32, %arg0 : i32, i32
  }
  func.func @transform_1(%arg0: i32) -> (i32, i32) {
    %add3A = arith.constant 49 : i32
    %add3A_0 = arith.addi %add3A, %arg0 : i32
    %c0_i32 = arith.constant 0 : i32
    %c0_i32_1 = arith.constant 0 : i32
    return %c0_i32, %add3A_0 : i32, i32
  }
  func.func @transform_2(%arg0: i32) -> (i32, i32) {
    %c0_i32 = arith.constant 0 : i32
    %c0_i32_0 = arith.constant 0 : i32
    %c0_i32_1 = arith.constant 0 : i32
    return %c0_i32, %c0_i32_0 : i32, i32
  }
  func.func @transform_3(%arg0: i32) -> (i32, i32) {
    %c0_i32 = arith.constant 0 : i32
    %c0_i32_0 = arith.constant 0 : i32
    return %arg0, %c0_i32 : i32, i32
  }
}

module attributes {stable_mosaic.version = 14 : i64} {
  func.func @_mask_body(%arg0: memref<50x16384xi32, #tpu.memory_space<vmem>>, %arg1: memref<50x16384xi8, #tpu.memory_space<vmem>>) attributes {dimension_semantics = [], scalar_prefetch = 0 : i64, scratch_operands = 0 : i64, tpu.core_type = #tpu.core_type<tc>} {
    %get3A = arith.constant 0 : index
    %get3A_0 = arith.constant 0 : index
    %get3A_1 = vector.load %arg0[%get3A, %get3A_0] : memref<50x16384xi32, #tpu.memory_space<vmem>>, vector<50x16384xi32>
    %ne3A = arith.constant 0 : i32
    %ne3A_2 = vector.broadcast %ne3A : i32 to vector<50x16384xi32>
    %ne3A_3 = arith.cmpi ne, %get3A_1, %ne3A_2 : vector<50x16384xi32>
    %convert_element_type3A = arith.extui %ne3A_3 : vector<50x16384xi1> to vector<50x16384xi8>
    %swap3A = arith.constant 0 : index
    %swap3A_4 = arith.constant 0 : index
    %swap3A_5 = vector.load %arg1[%swap3A, %swap3A_4] : memref<50x16384xi8, #tpu.memory_space<vmem>>, vector<50x16384xi8>
    tpu.vector_store %arg1[%swap3A, %swap3A_4], %convert_element_type3A {strides = array<i32>} : memref<50x16384xi8, #tpu.memory_space<vmem>>, vector<50x16384xi8>,
    return
  }
}

module attributes {stable_mosaic.version = 14 : i64} {
  func.func @_tpose_body(%arg0: i32, %arg1: i32, %arg2: memref<8192x128xf32, #tpu.memory_space<vmem>>, %arg3: memref<1x64x16384xf32, #tpu.memory_space<vmem>>) attributes {dimension_semantics = [#tpu.dimension_semantics<arbitrary>, #tpu.dimension_semantics<arbitrary>], iteration_bounds = array<i64: 25, 1>, scalar_prefetch = 0 : i64, scratch_operands = 0 : i64, tpu.core_type = #tpu.core_type<tc>, window_params = [{transform_indices = @transform_0, window_bounds = array<i64: 8192, 128>}, {transform_indices = @transform_1, window_bounds = array<i64: 1, 64, 16384>}]} {
    %get3A = arith.constant 0 : index
    %get3A_0 = arith.constant 0 : index
    %get3A_1 = vector.load %arg2[%get3A, %get3A_0] : memref<8192x128xf32, #tpu.memory_space<vmem>>, vector<8192x128xf32>
    %slice3A = vector.extract_strided_slice %get3A_1 {offsets = [0, 0], sizes = [128, 128], strides = [1, 1]} : vector<8192x128xf32> to vector<128x128xf32>
    %transpose3A = tpu.transpose %slice3A, [1, 0] : vector<128x128xf32> -> vector<128x128xf32>
    %slice3A_2 = vector.extract_strided_slice %transpose3A {offsets = [0, 0], sizes = [64, 128], strides = [1, 1]} : vector<128x128xf32> to vector<64x128xf32>
    %swap3A = arith.constant 0 : index
    %swap3A_3 = arith.constant 0 : index
    %swap3A_4 = arith.constant 0 : index
    %swap3A_5 = vector.load %arg3[%swap3A, %swap3A_3, %swap3A_4] : memref<1x64x16384xf32, #tpu.memory_space<vmem>>, vector<1x64x128xf32>
    %swap3A_6 = vector.shape_cast %swap3A_5 : vector<1x64x128xf32> to vector<64x128xf32>
    %swap3A_7 = vector.shape_cast %slice3A_2 : vector<64x128xf32> to vector<1x64x128xf32>
    tpu.vector_store %arg3[%swap3A, %swap3A_3, %swap3A_4], %swap3A_7 {strides = array<i32>} : memref<1x64x16384xf32, #tpu.memory_space<vmem>>, vector<1x64x128xf32>,
    %slice3A_8 = vector.extract_strided_slice %transpose3A {offsets = [64, 0], sizes = [64, 128], strides = [1, 1]} : vector<128x128xf32> to vector<64x128xf32>
    %swap3A_9 = arith.constant 0 : index
    %swap3A_10 = arith.constant 0 : index
    %swap3A_11 = arith.constant 128 : index
    %swap3A_12 = vector.load %arg3[%swap3A_9, %swap3A_10, %swap3A_11] : memref<1x64x16384xf32, #tpu.memory_space<vmem>>, vector<1x64x128xf32>
    %swap3A_13 = vector.shape_cast %swap3A_12 : vector<1x64x128xf32> to vector<64x128xf32>
    %swap3A_14 = vector.shape_cast %slice3A_8 : vector<64x128xf32> to vector<1x64x128xf32>
    tpu.vector_store %arg3[%swap3A_9, %swap3A_10, %swap3A_11], %swap3A_14 {strides = array<i32>} : memref<1x64x16384xf32, #tpu.memory_space<vmem>>, vector<1x64x128xf32>,
    %slice3A_15 = vector.extract_strided_slice %get3A_1 {offsets = [128, 0], sizes = [128, 128], strides = [1, 1]} : vector<8192x128xf32> to vector<128x128xf32>
    %transpose3A_16 = tpu.transpose %slice3A_15, [1, 0] : vector<128x128xf32> -> vector<128x128xf32>
    %slice3A_17 = vector.extract_strided_slice %transpose3A_16 {offsets = [0, 0], sizes = [64, 128], strides = [1, 1]} : vector<128x128xf32> to vector<64x128xf32>
    %swap3A_18 = arith.constant 0 : index
    %swap3A_19 = arith.constant 0 : index
    %swap3A_20 = arith.constant 256 : index
    %swap3A_21 = vector.load %arg3[%swap3A_18, %swap3A_19, %swap3A_20] : memref<1x64x16384xf32, #tpu.memory_space<vmem>>, vector<1x64x128xf32>
    %swap3A_22 = vector.shape_cast %swap3A_21 : vector<1x64x128xf32> to vector<64x128xf32>
    %swap3A_23 = vector.shape_cast %slice3A_17 : vector<64x128xf32> to vector<1x64x128xf32>
    tpu.vector_store %arg3[%swap3A_18, %swap3A_19, %swap3A_20], %swap3A_23 {strides = array<i32>} : memref<1x64x16384xf32, #tpu.memory_space<vmem>>, vector<1x64x128xf32>,
    %slice3A_24 = vector.extract_strided_slice %transpose3A_16 {offsets = [64, 0], sizes = [64, 128], strides = [1, 1]} : vector<128x128xf32> to vector<64x128xf32>
    %swap3A_25 = arith.constant 0 : index
    %swap3A_26 = arith.constant 0 : index
    %swap3A_27 = arith.constant 384 : index
    %swap3A_28 = vector.load %arg3[%swap3A_25, %swap3A_26, %swap3A_27] : memref<1x64x16384xf32, #tpu.memory_space<vmem>>, vector<1x64x128xf32>
    %swap3A_29 = vector.shape_cast %swap3A_28 : vector<1x64x128xf32> to vector<64x128xf32>
    %swap3A_30 = vector.shape_cast %slice3A_24 : vector<64x128xf32> to vector<1x64x128xf32>
    tpu.vector_store %arg3[%swap3A_25, %swap3A_26, %swap3A_27], %swap3A_30 {strides = array<i32>} : memref<1x64x16384xf32, #tpu.memory_space<vmem>>, vector<1x64x128xf32>,
    %slice3A_31 = vector.extract_strided_slice %get3A_1 {offsets = [256, 0], sizes = [128, 128], strides = [1, 1]} : vector<8192x128xf32> to vector<128x128xf32>
    %transpose3A_32 = tpu.transpose %slice3A_31, [1, 0] : vector<128x128xf32> -> vector<128x128xf32>
    %slice3A_33 = vector.extract_strided_slice %transpose3A_32 {offsets = [0, 0], sizes = [64, 128], strides = [1, 1]} : vector<128x128xf32> to vector<64x128xf32>
    %swap3A_34 = arith.constant 0 : index
    %swap3A_35 = arith.constant 0 : index
    %swap3A_36 = arith.constant 512 : index
    %swap3A_37 = vector.load %arg3[%swap3A_34, %swap3A_35, %swap3A_36] : memref<1x64x16384xf32, #tpu.memory_space<vmem>>, vector<1x64x128xf32>
    %swap3A_38 = vector.shape_cast %swap3A_37 : vector<1x64x128xf32> to vector<64x128xf32>
    %swap3A_39 = vector.shape_cast %slice3A_33 : vector<64x128xf32> to vector<1x64x128xf32>
    tpu.vector_store %arg3[%swap3A_34, %swap3A_35, %swap3A_36], %swap3A_39 {strides = array<i32>} : memref<1x64x16384xf32, #tpu.memory_space<vmem>>, vector<1x64x128xf32>,
    %slice3A_40 = vector.extract_strided_slice %transpose3A_32 {offsets = [64, 0], sizes = [64, 128], strides = [1, 1]} : vector<128x128xf32> to vector<64x128xf32>
    %swap3A_41 = arith.constant 0 : index
    %swap3A_42 = arith.constant 0 : index
    %swap3A_43 = arith.constant 640 : index
    %swap3A_44 = vector.load %arg3[%swap3A_41, %swap3A_42, %swap3A_43] : memref<1x64x16384xf32, #tpu.memory_space<vmem>>, vector<1x64x128xf32>
    %swap3A_45 = vector.shape_cast %swap3A_44 : vector<1x64x128xf32> to vector<64x128xf32>
    %swap3A_46 = vector.shape_cast %slice3A_40 : vector<64x128xf32> to vector<1x64x128xf32>
    tpu.vector_store %arg3[%swap3A_41, %swap3A_42, %swap3A_43], %swap3A_46 {strides = array<i32>} : memref<1x64x16384xf32, #tpu.memory_space<vmem>>, vector<1x64x128xf32>,
    %slice3A_47 = vector.extract_strided_slice %get3A_1 {offsets = [384, 0], sizes = [128, 128], strides = [1, 1]} : vector<8192x128xf32> to vector<128x128xf32>
    %transpose3A_48 = tpu.transpose %slice3A_47, [1, 0] : vector<128x128xf32> -> vector<128x128xf32>
    %slice3A_49 = vector.extract_strided_slice %transpose3A_48 {offsets = [0, 0], sizes = [64, 128], strides = [1, 1]} : vector<128x128xf32> to vector<64x128xf32>
    %swap3A_50 = arith.constant 0 : index
    %swap3A_51 = arith.constant 0 : index
    %swap3A_52 = arith.constant 768 : index
    %swap3A_53 = vector.load %arg3[%swap3A_50, %swap3A_51, %swap3A_52] : memref<1x64x16384xf32, #tpu.memory_space<vmem>>, vector<1x64x128xf32>
    %swap3A_54 = vector.shape_cast %swap3A_53 : vector<1x64x128xf32> to vector<64x128xf32>
    %swap3A_55 = vector.shape_cast %slice3A_49 : vector<64x128xf32> to vector<1x64x128xf32>
    tpu.vector_store %arg3[%swap3A_50, %swap3A_51, %swap3A_52], %swap3A_55 {strides = array<i32>} : memref<1x64x16384xf32, #tpu.memory_space<vmem>>, vector<1x64x128xf32>,
    %slice3A_56 = vector.extract_strided_slice %transpose3A_48 {offsets = [64, 0], sizes = [64, 128], strides = [1, 1]} : vector<128x128xf32> to vector<64x128xf32>
    %swap3A_57 = arith.constant 0 : index
    %swap3A_58 = arith.constant 0 : index
    %swap3A_59 = arith.constant 896 : index
    %swap3A_60 = vector.load %arg3[%swap3A_57, %swap3A_58, %swap3A_59] : memref<1x64x16384xf32, #tpu.memory_space<vmem>>, vector<1x64x128xf32>
    %swap3A_61 = vector.shape_cast %swap3A_60 : vector<1x64x128xf32> to vector<64x128xf32>
    %swap3A_62 = vector.shape_cast %slice3A_56 : vector<64x128xf32> to vector<1x64x128xf32>
    tpu.vector_store %arg3[%swap3A_57, %swap3A_58, %swap3A_59], %swap3A_62 {strides = array<i32>} : memref<1x64x16384xf32, #tpu.memory_space<vmem>>, vector<1x64x128xf32>,
    %slice3A_63 = vector.extract_strided_slice %get3A_1 {offsets = [512, 0], sizes = [128, 128], strides = [1, 1]} : vector<8192x128xf32> to vector<128x128xf32>
    %transpose3A_64 = tpu.transpose %slice3A_63, [1, 0] : vector<128x128xf32> -> vector<128x128xf32>
    %slice3A_65 = vector.extract_strided_slice %transpose3A_64 {offsets = [0, 0], sizes = [64, 128], strides = [1, 1]} : vector<128x128xf32> to vector<64x128xf32>
    %swap3A_66 = arith.constant 0 : index
    %swap3A_67 = arith.constant 0 : index
    %swap3A_68 = arith.constant 1024 : index
    %swap3A_69 = vector.load %arg3[%swap3A_66, %swap3A_67, %swap3A_68] : memref<1x64x16384xf32, #tpu.memory_space<vmem>>, vector<1x64x128xf32>
    %swap3A_70 = vector.shape_cast %swap3A_69 : vector<1x64x128xf32> to vector<64x128xf32>
    %swap3A_71 = vector.shape_cast %slice3A_65 : vector<64x128xf32> to vector<1x64x128xf32>
    tpu.vector_store %arg3[%swap3A_66, %swap3A_67, %swap3A_68], %swap3A_71 {strides = array<i32>} : memref<1x64x16384xf32, #tpu.memory_space<vmem>>, vector<1x64x128xf32>,
    %slice3A_72 = vector.extract_strided_slice %transpose3A_64 {offsets = [64, 0], sizes = [64, 128], strides = [1, 1]} : vector<128x128xf32> to vector<64x128xf32>
    %swap3A_73 = arith.constant 0 : index
    %swap3A_74 = arith.constant 0 : index
    %swap3A_75 = arith.constant 1152 : index
    %swap3A_76 = vector.load %arg3[%swap3A_73, %swap3A_74, %swap3A_75] : memref<1x64x16384xf32, #tpu.memory_space<vmem>>, vector<1x64x128xf32>
    %swap3A_77 = vector.shape_cast %swap3A_76 : vector<1x64x128xf32> to vector<64x128xf32>
    %swap3A_78 = vector.shape_cast %slice3A_72 : vector<64x128xf32> to vector<1x64x128xf32>
    tpu.vector_store %arg3[%swap3A_73, %swap3A_74, %swap3A_75], %swap3A_78 {strides = array<i32>} : memref<1x64x16384xf32, #tpu.memory_space<vmem>>, vector<1x64x128xf32>,
    %slice3A_79 = vector.extract_strided_slice %get3A_1 {offsets = [640, 0], sizes = [128, 128], strides = [1, 1]} : vector<8192x128xf32> to vector<128x128xf32>
    %transpose3A_80 = tpu.transpose %slice3A_79, [1, 0] : vector<128x128xf32> -> vector<128x128xf32>
    %slice3A_81 = vector.extract_strided_slice %transpose3A_80 {offsets = [0, 0], sizes = [64, 128], strides = [1, 1]} : vector<128x128xf32> to vector<64x128xf32>
    %swap3A_82 = arith.constant 0 : index
    %swap3A_83 = arith.constant 0 : index
    %swap3A_84 = arith.constant 1280 : index
    %swap3A_85 = vector.load %arg3[%swap3A_82, %swap3A_83, %swap3A_84] : memref<1x64x16384xf32, #tpu.memory_space<vmem>>, vector<1x64x128xf32>
    %swap3A_86 = vector.shape_cast %swap3A_85 : vector<1x64x128xf32> to vector<64x128xf32>
    %swap3A_87 = vector.shape_cast %slice3A_81 : vector<64x128xf32> to vector<1x64x128xf32>
    tpu.vector_store %arg3[%swap3A_82, %swap3A_83, %swap3A_84], %swap3A_87 {strides = array<i32>} : memref<1x64x16384xf32, #tpu.memory_space<vmem>>, vector<1x64x128xf32>,
    %slice3A_88 = vector.extract_strided_slice %transpose3A_80 {offsets = [64, 0], sizes = [64, 128], strides = [1, 1]} : vector<128x128xf32> to vector<64x128xf32>
    %swap3A_89 = arith.constant 0 : index
    %swap3A_90 = arith.constant 0 : index
    %swap3A_91 = arith.constant 1408 : index
    %swap3A_92 = vector.load %arg3[%swap3A_89, %swap3A_90, %swap3A_91] : memref<1x64x16384xf32, #tpu.memory_space<vmem>>, vector<1x64x128xf32>
    %swap3A_93 = vector.shape_cast %swap3A_92 : vector<1x64x128xf32> to vector<64x128xf32>
    %swap3A_94 = vector.shape_cast %slice3A_88 : vector<64x128xf32> to vector<1x64x128xf32>
    tpu.vector_store %arg3[%swap3A_89, %swap3A_90, %swap3A_91], %swap3A_94 {strides = array<i32>} : memref<1x64x16384xf32, #tpu.memory_space<vmem>>, vector<1x64x128xf32>,
    %slice3A_95 = vector.extract_strided_slice %get3A_1 {offsets = [768, 0], sizes = [128, 128], strides = [1, 1]} : vector<8192x128xf32> to vector<128x128xf32>
    %transpose3A_96 = tpu.transpose %slice3A_95, [1, 0] : vector<128x128xf32> -> vector<128x128xf32>
    %slice3A_97 = vector.extract_strided_slice %transpose3A_96 {offsets = [0, 0], sizes = [64, 128], strides = [1, 1]} : vector<128x128xf32> to vector<64x128xf32>
    %swap3A_98 = arith.constant 0 : index
    %swap3A_99 = arith.constant 0 : index
    %swap3A_100 = arith.constant 1536 : index
    %swap3A_101 = vector.load %arg3[%swap3A_98, %swap3A_99, %swap3A_100] : memref<1x64x16384xf32, #tpu.memory_space<vmem>>, vector<1x64x128xf32>
    %swap3A_102 = vector.shape_cast %swap3A_101 : vector<1x64x128xf32> to vector<64x128xf32>
    %swap3A_103 = vector.shape_cast %slice3A_97 : vector<64x128xf32> to vector<1x64x128xf32>
    tpu.vector_store %arg3[%swap3A_98, %swap3A_99, %swap3A_100], %swap3A_103 {strides = array<i32>} : memref<1x64x16384xf32, #tpu.memory_space<vmem>>, vector<1x64x128xf32>,
    %slice3A_104 = vector.extract_strided_slice %transpose3A_96 {offsets = [64, 0], sizes = [64, 128], strides = [1, 1]} : vector<128x128xf32> to vector<64x128xf32>
    %swap3A_105 = arith.constant 0 : index
    %swap3A_106 = arith.constant 0 : index
    %swap3A_107 = arith.constant 1664 : index
    %swap3A_108 = vector.load %arg3[%swap3A_105, %swap3A_106, %swap3A_107] : memref<1x64x16384xf32, #tpu.memory_space<vmem>>, vector<1x64x128xf32>
    %swap3A_109 = vector.shape_cast %swap3A_108 : vector<1x64x128xf32> to vector<64x128xf32>
    %swap3A_110 = vector.shape_cast %slice3A_104 : vector<64x128xf32> to vector<1x64x128xf32>
    tpu.vector_store %arg3[%swap3A_105, %swap3A_106, %swap3A_107], %swap3A_110 {strides = array<i32>} : memref<1x64x16384xf32, #tpu.memory_space<vmem>>, vector<1x64x128xf32>,
    %slice3A_111 = vector.extract_strided_slice %get3A_1 {offsets = [896, 0], sizes = [128, 128], strides = [1, 1]} : vector<8192x128xf32> to vector<128x128xf32>
    %transpose3A_112 = tpu.transpose %slice3A_111, [1, 0] : vector<128x128xf32> -> vector<128x128xf32>
    %slice3A_113 = vector.extract_strided_slice %transpose3A_112 {offsets = [0, 0], sizes = [64, 128], strides = [1, 1]} : vector<128x128xf32> to vector<64x128xf32>
    %swap3A_114 = arith.constant 0 : index
    %swap3A_115 = arith.constant 0 : index
    %swap3A_116 = arith.constant 1792 : index
    %swap3A_117 = vector.load %arg3[%swap3A_114, %swap3A_115, %swap3A_116] : memref<1x64x16384xf32, #tpu.memory_space<vmem>>, vector<1x64x128xf32>
    %swap3A_118 = vector.shape_cast %swap3A_117 : vector<1x64x128xf32> to vector<64x128xf32>
    %swap3A_119 = vector.shape_cast %slice3A_113 : vector<64x128xf32> to vector<1x64x128xf32>
    tpu.vector_store %arg3[%swap3A_114, %swap3A_115, %swap3A_116], %swap3A_119 {strides = array<i32>} : memref<1x64x16384xf32, #tpu.memory_space<vmem>>, vector<1x64x128xf32>,
    %slice3A_120 = vector.extract_strided_slice %transpose3A_112 {offsets = [64, 0], sizes = [64, 128], strides = [1, 1]} : vector<128x128xf32> to vector<64x128xf32>
    %swap3A_121 = arith.constant 0 : index
    %swap3A_122 = arith.constant 0 : index
    %swap3A_123 = arith.constant 1920 : index
    %swap3A_124 = vector.load %arg3[%swap3A_121, %swap3A_122, %swap3A_123] : memref<1x64x16384xf32, #tpu.memory_space<vmem>>, vector<1x64x128xf32>
    %swap3A_125 = vector.shape_cast %swap3A_124 : vector<1x64x128xf32> to vector<64x128xf32>
    %swap3A_126 = vector.shape_cast %slice3A_120 : vector<64x128xf32> to vector<1x64x128xf32>
    tpu.vector_store %arg3[%swap3A_121, %swap3A_122, %swap3A_123], %swap3A_126 {strides = array<i32>} : memref<1x64x16384xf32, #tpu.memory_space<vmem>>, vector<1x64x128xf32>,
    %slice3A_127 = vector.extract_strided_slice %get3A_1 {offsets = [1024, 0], sizes = [128, 128], strides = [1, 1]} : vector<8192x128xf32> to vector<128x128xf32>
    %transpose3A_128 = tpu.transpose %slice3A_127, [1, 0] : vector<128x128xf32> -> vector<128x128xf32>
    %slice3A_129 = vector.extract_strided_slice %transpose3A_128 {offsets = [0, 0], sizes = [64, 128], strides = [1, 1]} : vector<128x128xf32> to vector<64x128xf32>
    %swap3A_130 = arith.constant 0 : index
    %swap3A_131 = arith.constant 0 : index
    %swap3A_132 = arith.constant 2048 : index
    %swap3A_133 = vector.load %arg3[%swap3A_130, %swap3A_131, %swap3A_132] : memref<1x64x16384xf32, #tpu.memory_space<vmem>>, vector<1x64x128xf32>
    %swap3A_134 = vector.shape_cast %swap3A_133 : vector<1x64x128xf32> to vector<64x128xf32>
    %swap3A_135 = vector.shape_cast %slice3A_129 : vector<64x128xf32> to vector<1x64x128xf32>
    tpu.vector_store %arg3[%swap3A_130, %swap3A_131, %swap3A_132], %swap3A_135 {strides = array<i32>} : memref<1x64x16384xf32, #tpu.memory_space<vmem>>, vector<1x64x128xf32>,
    %slice3A_136 = vector.extract_strided_slice %transpose3A_128 {offsets = [64, 0], sizes = [64, 128], strides = [1, 1]} : vector<128x128xf32> to vector<64x128xf32>
    %swap3A_137 = arith.constant 0 : index
    %swap3A_138 = arith.constant 0 : index
    %swap3A_139 = arith.constant 2176 : index
    %swap3A_140 = vector.load %arg3[%swap3A_137, %swap3A_138, %swap3A_139] : memref<1x64x16384xf32, #tpu.memory_space<vmem>>, vector<1x64x128xf32>
    %swap3A_141 = vector.shape_cast %swap3A_140 : vector<1x64x128xf32> to vector<64x128xf32>
    %swap3A_142 = vector.shape_cast %slice3A_136 : vector<64x128xf32> to vector<1x64x128xf32>
    tpu.vector_store %arg3[%swap3A_137, %swap3A_138, %swap3A_139], %swap3A_142 {strides = array<i32>} : memref<1x64x16384xf32, #tpu.memory_space<vmem>>, vector<1x64x128xf32>,
    %slice3A_143 = vector.extract_strided_slice %get3A_1 {offsets = [1152, 0], sizes = [128, 128], strides = [1, 1]} : vector<8192x128xf32> to vector<128x128xf32>
    %transpose3A_144 = tpu.transpose %slice3A_143, [1, 0] : vector<128x128xf32> -> vector<128x128xf32>
    %slice3A_145 = vector.extract_strided_slice %transpose3A_144 {offsets = [0, 0], sizes = [64, 128], strides = [1, 1]} : vector<128x128xf32> to vector<64x128xf32>
    %swap3A_146 = arith.constant 0 : index
    %swap3A_147 = arith.constant 0 : index
    %swap3A_148 = arith.constant 2304 : index
    %swap3A_149 = vector.load %arg3[%swap3A_146, %swap3A_147, %swap3A_148] : memref<1x64x16384xf32, #tpu.memory_space<vmem>>, vector<1x64x128xf32>
    %swap3A_150 = vector.shape_cast %swap3A_149 : vector<1x64x128xf32> to vector<64x128xf32>
    %swap3A_151 = vector.shape_cast %slice3A_145 : vector<64x128xf32> to vector<1x64x128xf32>
    tpu.vector_store %arg3[%swap3A_146, %swap3A_147, %swap3A_148], %swap3A_151 {strides = array<i32>} : memref<1x64x16384xf32, #tpu.memory_space<vmem>>, vector<1x64x128xf32>,
    %slice3A_152 = vector.extract_strided_slice %transpose3A_144 {offsets = [64, 0], sizes = [64, 128], strides = [1, 1]} : vector<128x128xf32> to vector<64x128xf32>
    %swap3A_153 = arith.constant 0 : index
    %swap3A_154 = arith.constant 0 : index
    %swap3A_155 = arith.constant 2432 : index
    %swap3A_156 = vector.load %arg3[%swap3A_153, %swap3A_154, %swap3A_155] : memref<1x64x16384xf32, #tpu.memory_space<vmem>>, vector<1x64x128xf32>
    %swap3A_157 = vector.shape_cast %swap3A_156 : vector<1x64x128xf32> to vector<64x128xf32>
    %swap3A_158 = vector.shape_cast %slice3A_152 : vector<64x128xf32> to vector<1x64x128xf32>
    tpu.vector_store %arg3[%swap3A_153, %swap3A_154, %swap3A_155], %swap3A_158 {strides = array<i32>} : memref<1x64x16384xf32, #tpu.memory_space<vmem>>, vector<1x64x128xf32>,
    %slice3A_159 = vector.extract_strided_slice %get3A_1 {offsets = [1280, 0], sizes = [128, 128], strides = [1, 1]} : vector<8192x128xf32> to vector<128x128xf32>
    %transpose3A_160 = tpu.transpose %slice3A_159, [1, 0] : vector<128x128xf32> -> vector<128x128xf32>
    %slice3A_161 = vector.extract_strided_slice %transpose3A_160 {offsets = [0, 0], sizes = [64, 128], strides = [1, 1]} : vector<128x128xf32> to vector<64x128xf32>
    %swap3A_162 = arith.constant 0 : index
    %swap3A_163 = arith.constant 0 : index
    %swap3A_164 = arith.constant 2560 : index
    %swap3A_165 = vector.load %arg3[%swap3A_162, %swap3A_163, %swap3A_164] : memref<1x64x16384xf32, #tpu.memory_space<vmem>>, vector<1x64x128xf32>
    %swap3A_166 = vector.shape_cast %swap3A_165 : vector<1x64x128xf32> to vector<64x128xf32>
    %swap3A_167 = vector.shape_cast %slice3A_161 : vector<64x128xf32> to vector<1x64x128xf32>
    tpu.vector_store %arg3[%swap3A_162, %swap3A_163, %swap3A_164], %swap3A_167 {strides = array<i32>} : memref<1x64x16384xf32, #tpu.memory_space<vmem>>, vector<1x64x128xf32>,
    %slice3A_168 = vector.extract_strided_slice %transpose3A_160 {offsets = [64, 0], sizes = [64, 128], strides = [1, 1]} : vector<128x128xf32> to vector<64x128xf32>
    %swap3A_169 = arith.constant 0 : index
    %swap3A_170 = arith.constant 0 : index
    %swap3A_171 = arith.constant 2688 : index
    %swap3A_172 = vector.load %arg3[%swap3A_169, %swap3A_170, %swap3A_171] : memref<1x64x16384xf32, #tpu.memory_space<vmem>>, vector<1x64x128xf32>
    %swap3A_173 = vector.shape_cast %swap3A_172 : vector<1x64x128xf32> to vector<64x128xf32>
    %swap3A_174 = vector.shape_cast %slice3A_168 : vector<64x128xf32> to vector<1x64x128xf32>
    tpu.vector_store %arg3[%swap3A_169, %swap3A_170, %swap3A_171], %swap3A_174 {strides = array<i32>} : memref<1x64x16384xf32, #tpu.memory_space<vmem>>, vector<1x64x128xf32>,
    %slice3A_175 = vector.extract_strided_slice %get3A_1 {offsets = [1408, 0], sizes = [128, 128], strides = [1, 1]} : vector<8192x128xf32> to vector<128x128xf32>
    %transpose3A_176 = tpu.transpose %slice3A_175, [1, 0] : vector<128x128xf32> -> vector<128x128xf32>
    %slice3A_177 = vector.extract_strided_slice %transpose3A_176 {offsets = [0, 0], sizes = [64, 128], strides = [1, 1]} : vector<128x128xf32> to vector<64x128xf32>
    %swap3A_178 = arith.constant 0 : index
    %swap3A_179 = arith.constant 0 : index
    %swap3A_180 = arith.constant 2816 : index
    %swap3A_181 = vector.load %arg3[%swap3A_178, %swap3A_179, %swap3A_180] : memref<1x64x16384xf32, #tpu.memory_space<vmem>>, vector<1x64x128xf32>
    %swap3A_182 = vector.shape_cast %swap3A_181 : vector<1x64x128xf32> to vector<64x128xf32>
    %swap3A_183 = vector.shape_cast %slice3A_177 : vector<64x128xf32> to vector<1x64x128xf32>
    tpu.vector_store %arg3[%swap3A_178, %swap3A_179, %swap3A_180], %swap3A_183 {strides = array<i32>} : memref<1x64x16384xf32, #tpu.memory_space<vmem>>, vector<1x64x128xf32>,
    %slice3A_184 = vector.extract_strided_slice %transpose3A_176 {offsets = [64, 0], sizes = [64, 128], strides = [1, 1]} : vector<128x128xf32> to vector<64x128xf32>
    %swap3A_185 = arith.constant 0 : index
    %swap3A_186 = arith.constant 0 : index
    %swap3A_187 = arith.constant 2944 : index
    %swap3A_188 = vector.load %arg3[%swap3A_185, %swap3A_186, %swap3A_187] : memref<1x64x16384xf32, #tpu.memory_space<vmem>>, vector<1x64x128xf32>
    %swap3A_189 = vector.shape_cast %swap3A_188 : vector<1x64x128xf32> to vector<64x128xf32>
    %swap3A_190 = vector.shape_cast %slice3A_184 : vector<64x128xf32> to vector<1x64x128xf32>
    tpu.vector_store %arg3[%swap3A_185, %swap3A_186, %swap3A_187], %swap3A_190 {strides = array<i32>} : memref<1x64x16384xf32, #tpu.memory_space<vmem>>, vector<1x64x128xf32>,
    %slice3A_191 = vector.extract_strided_slice %get3A_1 {offsets = [1536, 0], sizes = [128, 128], strides = [1, 1]} : vector<8192x128xf32> to vector<128x128xf32>
    %transpose3A_192 = tpu.transpose %slice3A_191, [1, 0] : vector<128x128xf32> -> vector<128x128xf32>
    %slice3A_193 = vector.extract_strided_slice %transpose3A_192 {offsets = [0, 0], sizes = [64, 128], strides = [1, 1]} : vector<128x128xf32> to vector<64x128xf32>
    %swap3A_194 = arith.constant 0 : index
    %swap3A_195 = arith.constant 0 : index
    %swap3A_196 = arith.constant 3072 : index
    %swap3A_197 = vector.load %arg3[%swap3A_194, %swap3A_195, %swap3A_196] : memref<1x64x16384xf32, #tpu.memory_space<vmem>>, vector<1x64x128xf32>
    %swap3A_198 = vector.shape_cast %swap3A_197 : vector<1x64x128xf32> to vector<64x128xf32>
    %swap3A_199 = vector.shape_cast %slice3A_193 : vector<64x128xf32> to vector<1x64x128xf32>
    tpu.vector_store %arg3[%swap3A_194, %swap3A_195, %swap3A_196], %swap3A_199 {strides = array<i32>} : memref<1x64x16384xf32, #tpu.memory_space<vmem>>, vector<1x64x128xf32>,
    %slice3A_200 = vector.extract_strided_slice %transpose3A_192 {offsets = [64, 0], sizes = [64, 128], strides = [1, 1]} : vector<128x128xf32> to vector<64x128xf32>
    %swap3A_201 = arith.constant 0 : index
    %swap3A_202 = arith.constant 0 : index
    %swap3A_203 = arith.constant 3200 : index
    %swap3A_204 = vector.load %arg3[%swap3A_201, %swap3A_202, %swap3A_203] : memref<1x64x16384xf32, #tpu.memory_space<vmem>>, vector<1x64x128xf32>
    %swap3A_205 = vector.shape_cast %swap3A_204 : vector<1x64x128xf32> to vector<64x128xf32>
    %swap3A_206 = vector.shape_cast %slice3A_200 : vector<64x128xf32> to vector<1x64x128xf32>
    tpu.vector_store %arg3[%swap3A_201, %swap3A_202, %swap3A_203], %swap3A_206 {strides = array<i32>} : memref<1x64x16384xf32, #tpu.memory_space<vmem>>, vector<1x64x128xf32>,
    %slice3A_207 = vector.extract_strided_slice %get3A_1 {offsets = [1664, 0], sizes = [128, 128], strides = [1, 1]} : vector<8192x128xf32> to vector<128x128xf32>
    %transpose3A_208 = tpu.transpose %slice3A_207, [1, 0] : vector<128x128xf32> -> vector<128x128xf32>
    %slice3A_209 = vector.extract_strided_slice %transpose3A_208 {offsets = [0, 0], sizes = [64, 128], strides = [1, 1]} : vector<128x128xf32> to vector<64x128xf32>
    %swap3A_210 = arith.constant 0 : index
    %swap3A_211 = arith.constant 0 : index
    %swap3A_212 = arith.constant 3328 : index
    %swap3A_213 = vector.load %arg3[%swap3A_210, %swap3A_211, %swap3A_212] : memref<1x64x16384xf32, #tpu.memory_space<vmem>>, vector<1x64x128xf32>
    %swap3A_214 = vector.shape_cast %swap3A_213 : vector<1x64x128xf32> to vector<64x128xf32>
    %swap3A_215 = vector.shape_cast %slice3A_209 : vector<64x128xf32> to vector<1x64x128xf32>
    tpu.vector_store %arg3[%swap3A_210, %swap3A_211, %swap3A_212], %swap3A_215 {strides = array<i32>} : memref<1x64x16384xf32, #tpu.memory_space<vmem>>, vector<1x64x128xf32>,
    %slice3A_216 = vector.extract_strided_slice %transpose3A_208 {offsets = [64, 0], sizes = [64, 128], strides = [1, 1]} : vector<128x128xf32> to vector<64x128xf32>
    %swap3A_217 = arith.constant 0 : index
    %swap3A_218 = arith.constant 0 : index
    %swap3A_219 = arith.constant 3456 : index
    %swap3A_220 = vector.load %arg3[%swap3A_217, %swap3A_218, %swap3A_219] : memref<1x64x16384xf32, #tpu.memory_space<vmem>>, vector<1x64x128xf32>
    %swap3A_221 = vector.shape_cast %swap3A_220 : vector<1x64x128xf32> to vector<64x128xf32>
    %swap3A_222 = vector.shape_cast %slice3A_216 : vector<64x128xf32> to vector<1x64x128xf32>
    tpu.vector_store %arg3[%swap3A_217, %swap3A_218, %swap3A_219], %swap3A_222 {strides = array<i32>} : memref<1x64x16384xf32, #tpu.memory_space<vmem>>, vector<1x64x128xf32>,
    %slice3A_223 = vector.extract_strided_slice %get3A_1 {offsets = [1792, 0], sizes = [128, 128], strides = [1, 1]} : vector<8192x128xf32> to vector<128x128xf32>
    %transpose3A_224 = tpu.transpose %slice3A_223, [1, 0] : vector<128x128xf32> -> vector<128x128xf32>
    %slice3A_225 = vector.extract_strided_slice %transpose3A_224 {offsets = [0, 0], sizes = [64, 128], strides = [1, 1]} : vector<128x128xf32> to vector<64x128xf32>
    %swap3A_226 = arith.constant 0 : index
    %swap3A_227 = arith.constant 0 : index
    %swap3A_228 = arith.constant 3584 : index
    %swap3A_229 = vector.load %arg3[%swap3A_226, %swap3A_227, %swap3A_228] : memref<1x64x16384xf32, #tpu.memory_space<vmem>>, vector<1x64x128xf32>
    %swap3A_230 = vector.shape_cast %swap3A_229 : vector<1x64x128xf32> to vector<64x128xf32>
    %swap3A_231 = vector.shape_cast %slice3A_225 : vector<64x128xf32> to vector<1x64x128xf32>
    tpu.vector_store %arg3[%swap3A_226, %swap3A_227, %swap3A_228], %swap3A_231 {strides = array<i32>} : memref<1x64x16384xf32, #tpu.memory_space<vmem>>, vector<1x64x128xf32>,
    %slice3A_232 = vector.extract_strided_slice %transpose3A_224 {offsets = [64, 0], sizes = [64, 128], strides = [1, 1]} : vector<128x128xf32> to vector<64x128xf32>
    %swap3A_233 = arith.constant 0 : index
    %swap3A_234 = arith.constant 0 : index
    %swap3A_235 = arith.constant 3712 : index
    %swap3A_236 = vector.load %arg3[%swap3A_233, %swap3A_234, %swap3A_235] : memref<1x64x16384xf32, #tpu.memory_space<vmem>>, vector<1x64x128xf32>
    %swap3A_237 = vector.shape_cast %swap3A_236 : vector<1x64x128xf32> to vector<64x128xf32>
    %swap3A_238 = vector.shape_cast %slice3A_232 : vector<64x128xf32> to vector<1x64x128xf32>
    tpu.vector_store %arg3[%swap3A_233, %swap3A_234, %swap3A_235], %swap3A_238 {strides = array<i32>} : memref<1x64x16384xf32, #tpu.memory_space<vmem>>, vector<1x64x128xf32>,
    %slice3A_239 = vector.extract_strided_slice %get3A_1 {offsets = [1920, 0], sizes = [128, 128], strides = [1, 1]} : vector<8192x128xf32> to vector<128x128xf32>
    %transpose3A_240 = tpu.transpose %slice3A_239, [1, 0] : vector<128x128xf32> -> vector<128x128xf32>
    %slice3A_241 = vector.extract_strided_slice %transpose3A_240 {offsets = [0, 0], sizes = [64, 128], strides = [1, 1]} : vector<128x128xf32> to vector<64x128xf32>
    %swap3A_242 = arith.constant 0 : index
    %swap3A_243 = arith.constant 0 : index
    %swap3A_244 = arith.constant 3840 : index
    %swap3A_245 = vector.load %arg3[%swap3A_242, %swap3A_243, %swap3A_244] : memref<1x64x16384xf32, #tpu.memory_space<vmem>>, vector<1x64x128xf32>
    %swap3A_246 = vector.shape_cast %swap3A_245 : vector<1x64x128xf32> to vector<64x128xf32>
    %swap3A_247 = vector.shape_cast %slice3A_241 : vector<64x128xf32> to vector<1x64x128xf32>
    tpu.vector_store %arg3[%swap3A_242, %swap3A_243, %swap3A_244], %swap3A_247 {strides = array<i32>} : memref<1x64x16384xf32, #tpu.memory_space<vmem>>, vector<1x64x128xf32>,
    %slice3A_248 = vector.extract_strided_slice %transpose3A_240 {offsets = [64, 0], sizes = [64, 128], strides = [1, 1]} : vector<128x128xf32> to vector<64x128xf32>
    %swap3A_249 = arith.constant 0 : index
    %swap3A_250 = arith.constant 0 : index
    %swap3A_251 = arith.constant 3968 : index
    %swap3A_252 = vector.load %arg3[%swap3A_249, %swap3A_250, %swap3A_251] : memref<1x64x16384xf32, #tpu.memory_space<vmem>>, vector<1x64x128xf32>
    %swap3A_253 = vector.shape_cast %swap3A_252 : vector<1x64x128xf32> to vector<64x128xf32>
    %swap3A_254 = vector.shape_cast %slice3A_248 : vector<64x128xf32> to vector<1x64x128xf32>
    tpu.vector_store %arg3[%swap3A_249, %swap3A_250, %swap3A_251], %swap3A_254 {strides = array<i32>} : memref<1x64x16384xf32, #tpu.memory_space<vmem>>, vector<1x64x128xf32>,
    %slice3A_255 = vector.extract_strided_slice %get3A_1 {offsets = [2048, 0], sizes = [128, 128], strides = [1, 1]} : vector<8192x128xf32> to vector<128x128xf32>
    %transpose3A_256 = tpu.transpose %slice3A_255, [1, 0] : vector<128x128xf32> -> vector<128x128xf32>
    %slice3A_257 = vector.extract_strided_slice %transpose3A_256 {offsets = [0, 0], sizes = [64, 128], strides = [1, 1]} : vector<128x128xf32> to vector<64x128xf32>
    %swap3A_258 = arith.constant 0 : index
    %swap3A_259 = arith.constant 0 : index
    %swap3A_260 = arith.constant 4096 : index
    %swap3A_261 = vector.load %arg3[%swap3A_258, %swap3A_259, %swap3A_260] : memref<1x64x16384xf32, #tpu.memory_space<vmem>>, vector<1x64x128xf32>
    %swap3A_262 = vector.shape_cast %swap3A_261 : vector<1x64x128xf32> to vector<64x128xf32>
    %swap3A_263 = vector.shape_cast %slice3A_257 : vector<64x128xf32> to vector<1x64x128xf32>
    tpu.vector_store %arg3[%swap3A_258, %swap3A_259, %swap3A_260], %swap3A_263 {strides = array<i32>} : memref<1x64x16384xf32, #tpu.memory_space<vmem>>, vector<1x64x128xf32>,
    %slice3A_264 = vector.extract_strided_slice %transpose3A_256 {offsets = [64, 0], sizes = [64, 128], strides = [1, 1]} : vector<128x128xf32> to vector<64x128xf32>
    %swap3A_265 = arith.constant 0 : index
    %swap3A_266 = arith.constant 0 : index
    %swap3A_267 = arith.constant 4224 : index
    %swap3A_268 = vector.load %arg3[%swap3A_265, %swap3A_266, %swap3A_267] : memref<1x64x16384xf32, #tpu.memory_space<vmem>>, vector<1x64x128xf32>
    %swap3A_269 = vector.shape_cast %swap3A_268 : vector<1x64x128xf32> to vector<64x128xf32>
    %swap3A_270 = vector.shape_cast %slice3A_264 : vector<64x128xf32> to vector<1x64x128xf32>
    tpu.vector_store %arg3[%swap3A_265, %swap3A_266, %swap3A_267], %swap3A_270 {strides = array<i32>} : memref<1x64x16384xf32, #tpu.memory_space<vmem>>, vector<1x64x128xf32>,
    %slice3A_271 = vector.extract_strided_slice %get3A_1 {offsets = [2176, 0], sizes = [128, 128], strides = [1, 1]} : vector<8192x128xf32> to vector<128x128xf32>
    %transpose3A_272 = tpu.transpose %slice3A_271, [1, 0] : vector<128x128xf32> -> vector<128x128xf32>
    %slice3A_273 = vector.extract_strided_slice %transpose3A_272 {offsets = [0, 0], sizes = [64, 128], strides = [1, 1]} : vector<128x128xf32> to vector<64x128xf32>
    %swap3A_274 = arith.constant 0 : index
    %swap3A_275 = arith.constant 0 : index
    %swap3A_276 = arith.constant 4352 : index
    %swap3A_277 = vector.load %arg3[%swap3A_274, %swap3A_275, %swap3A_276] : memref<1x64x16384xf32, #tpu.memory_space<vmem>>, vector<1x64x128xf32>
    %swap3A_278 = vector.shape_cast %swap3A_277 : vector<1x64x128xf32> to vector<64x128xf32>
    %swap3A_279 = vector.shape_cast %slice3A_273 : vector<64x128xf32> to vector<1x64x128xf32>
    tpu.vector_store %arg3[%swap3A_274, %swap3A_275, %swap3A_276], %swap3A_279 {strides = array<i32>} : memref<1x64x16384xf32, #tpu.memory_space<vmem>>, vector<1x64x128xf32>,
    %slice3A_280 = vector.extract_strided_slice %transpose3A_272 {offsets = [64, 0], sizes = [64, 128], strides = [1, 1]} : vector<128x128xf32> to vector<64x128xf32>
    %swap3A_281 = arith.constant 0 : index
    %swap3A_282 = arith.constant 0 : index
    %swap3A_283 = arith.constant 4480 : index
    %swap3A_284 = vector.load %arg3[%swap3A_281, %swap3A_282, %swap3A_283] : memref<1x64x16384xf32, #tpu.memory_space<vmem>>, vector<1x64x128xf32>
    %swap3A_285 = vector.shape_cast %swap3A_284 : vector<1x64x128xf32> to vector<64x128xf32>
    %swap3A_286 = vector.shape_cast %slice3A_280 : vector<64x128xf32> to vector<1x64x128xf32>
    tpu.vector_store %arg3[%swap3A_281, %swap3A_282, %swap3A_283], %swap3A_286 {strides = array<i32>} : memref<1x64x16384xf32, #tpu.memory_space<vmem>>, vector<1x64x128xf32>,
    %slice3A_287 = vector.extract_strided_slice %get3A_1 {offsets = [2304, 0], sizes = [128, 128], strides = [1, 1]} : vector<8192x128xf32> to vector<128x128xf32>
    %transpose3A_288 = tpu.transpose %slice3A_287, [1, 0] : vector<128x128xf32> -> vector<128x128xf32>
    %slice3A_289 = vector.extract_strided_slice %transpose3A_288 {offsets = [0, 0], sizes = [64, 128], strides = [1, 1]} : vector<128x128xf32> to vector<64x128xf32>
    %swap3A_290 = arith.constant 0 : index
    %swap3A_291 = arith.constant 0 : index
    %swap3A_292 = arith.constant 4608 : index
    %swap3A_293 = vector.load %arg3[%swap3A_290, %swap3A_291, %swap3A_292] : memref<1x64x16384xf32, #tpu.memory_space<vmem>>, vector<1x64x128xf32>
    %swap3A_294 = vector.shape_cast %swap3A_293 : vector<1x64x128xf32> to vector<64x128xf32>
    %swap3A_295 = vector.shape_cast %slice3A_289 : vector<64x128xf32> to vector<1x64x128xf32>
    tpu.vector_store %arg3[%swap3A_290, %swap3A_291, %swap3A_292], %swap3A_295 {strides = array<i32>} : memref<1x64x16384xf32, #tpu.memory_space<vmem>>, vector<1x64x128xf32>,
    %slice3A_296 = vector.extract_strided_slice %transpose3A_288 {offsets = [64, 0], sizes = [64, 128], strides = [1, 1]} : vector<128x128xf32> to vector<64x128xf32>
    %swap3A_297 = arith.constant 0 : index
    %swap3A_298 = arith.constant 0 : index
    %swap3A_299 = arith.constant 4736 : index
    %swap3A_300 = vector.load %arg3[%swap3A_297, %swap3A_298, %swap3A_299] : memref<1x64x16384xf32, #tpu.memory_space<vmem>>, vector<1x64x128xf32>
    %swap3A_301 = vector.shape_cast %swap3A_300 : vector<1x64x128xf32> to vector<64x128xf32>
    %swap3A_302 = vector.shape_cast %slice3A_296 : vector<64x128xf32> to vector<1x64x128xf32>
    tpu.vector_store %arg3[%swap3A_297, %swap3A_298, %swap3A_299], %swap3A_302 {strides = array<i32>} : memref<1x64x16384xf32, #tpu.memory_space<vmem>>, vector<1x64x128xf32>,
    %slice3A_303 = vector.extract_strided_slice %get3A_1 {offsets = [2432, 0], sizes = [128, 128], strides = [1, 1]} : vector<8192x128xf32> to vector<128x128xf32>
    %transpose3A_304 = tpu.transpose %slice3A_303, [1, 0] : vector<128x128xf32> -> vector<128x128xf32>
    %slice3A_305 = vector.extract_strided_slice %transpose3A_304 {offsets = [0, 0], sizes = [64, 128], strides = [1, 1]} : vector<128x128xf32> to vector<64x128xf32>
    %swap3A_306 = arith.constant 0 : index
    %swap3A_307 = arith.constant 0 : index
    %swap3A_308 = arith.constant 4864 : index
    %swap3A_309 = vector.load %arg3[%swap3A_306, %swap3A_307, %swap3A_308] : memref<1x64x16384xf32, #tpu.memory_space<vmem>>, vector<1x64x128xf32>
    %swap3A_310 = vector.shape_cast %swap3A_309 : vector<1x64x128xf32> to vector<64x128xf32>
    %swap3A_311 = vector.shape_cast %slice3A_305 : vector<64x128xf32> to vector<1x64x128xf32>
    tpu.vector_store %arg3[%swap3A_306, %swap3A_307, %swap3A_308], %swap3A_311 {strides = array<i32>} : memref<1x64x16384xf32, #tpu.memory_space<vmem>>, vector<1x64x128xf32>,
    %slice3A_312 = vector.extract_strided_slice %transpose3A_304 {offsets = [64, 0], sizes = [64, 128], strides = [1, 1]} : vector<128x128xf32> to vector<64x128xf32>
    %swap3A_313 = arith.constant 0 : index
    %swap3A_314 = arith.constant 0 : index
    %swap3A_315 = arith.constant 4992 : index
    %swap3A_316 = vector.load %arg3[%swap3A_313, %swap3A_314, %swap3A_315] : memref<1x64x16384xf32, #tpu.memory_space<vmem>>, vector<1x64x128xf32>
    %swap3A_317 = vector.shape_cast %swap3A_316 : vector<1x64x128xf32> to vector<64x128xf32>
    %swap3A_318 = vector.shape_cast %slice3A_312 : vector<64x128xf32> to vector<1x64x128xf32>
    tpu.vector_store %arg3[%swap3A_313, %swap3A_314, %swap3A_315], %swap3A_318 {strides = array<i32>} : memref<1x64x16384xf32, #tpu.memory_space<vmem>>, vector<1x64x128xf32>,
    %slice3A_319 = vector.extract_strided_slice %get3A_1 {offsets = [2560, 0], sizes = [128, 128], strides = [1, 1]} : vector<8192x128xf32> to vector<128x128xf32>
    %transpose3A_320 = tpu.transpose %slice3A_319, [1, 0] : vector<128x128xf32> -> vector<128x128xf32>
    %slice3A_321 = vector.extract_strided_slice %transpose3A_320 {offsets = [0, 0], sizes = [64, 128], strides = [1, 1]} : vector<128x128xf32> to vector<64x128xf32>
    %swap3A_322 = arith.constant 0 : index
    %swap3A_323 = arith.constant 0 : index
    %swap3A_324 = arith.constant 5120 : index
    %swap3A_325 = vector.load %arg3[%swap3A_322, %swap3A_323, %swap3A_324] : memref<1x64x16384xf32, #tpu.memory_space<vmem>>, vector<1x64x128xf32>
    %swap3A_326 = vector.shape_cast %swap3A_325 : vector<1x64x128xf32> to vector<64x128xf32>
    %swap3A_327 = vector.shape_cast %slice3A_321 : vector<64x128xf32> to vector<1x64x128xf32>
    tpu.vector_store %arg3[%swap3A_322, %swap3A_323, %swap3A_324], %swap3A_327 {strides = array<i32>} : memref<1x64x16384xf32, #tpu.memory_space<vmem>>, vector<1x64x128xf32>,
    %slice3A_328 = vector.extract_strided_slice %transpose3A_320 {offsets = [64, 0], sizes = [64, 128], strides = [1, 1]} : vector<128x128xf32> to vector<64x128xf32>
    %swap3A_329 = arith.constant 0 : index
    %swap3A_330 = arith.constant 0 : index
    %swap3A_331 = arith.constant 5248 : index
    %swap3A_332 = vector.load %arg3[%swap3A_329, %swap3A_330, %swap3A_331] : memref<1x64x16384xf32, #tpu.memory_space<vmem>>, vector<1x64x128xf32>
    %swap3A_333 = vector.shape_cast %swap3A_332 : vector<1x64x128xf32> to vector<64x128xf32>
    %swap3A_334 = vector.shape_cast %slice3A_328 : vector<64x128xf32> to vector<1x64x128xf32>
    tpu.vector_store %arg3[%swap3A_329, %swap3A_330, %swap3A_331], %swap3A_334 {strides = array<i32>} : memref<1x64x16384xf32, #tpu.memory_space<vmem>>, vector<1x64x128xf32>,
    %slice3A_335 = vector.extract_strided_slice %get3A_1 {offsets = [2688, 0], sizes = [128, 128], strides = [1, 1]} : vector<8192x128xf32> to vector<128x128xf32>
    %transpose3A_336 = tpu.transpose %slice3A_335, [1, 0] : vector<128x128xf32> -> vector<128x128xf32>
    %slice3A_337 = vector.extract_strided_slice %transpose3A_336 {offsets = [0, 0], sizes = [64, 128], strides = [1, 1]} : vector<128x128xf32> to vector<64x128xf32>
    %swap3A_338 = arith.constant 0 : index
    %swap3A_339 = arith.constant 0 : index
    %swap3A_340 = arith.constant 5376 : index
    %swap3A_341 = vector.load %arg3[%swap3A_338, %swap3A_339, %swap3A_340] : memref<1x64x16384xf32, #tpu.memory_space<vmem>>, vector<1x64x128xf32>
    %swap3A_342 = vector.shape_cast %swap3A_341 : vector<1x64x128xf32> to vector<64x128xf32>
    %swap3A_343 = vector.shape_cast %slice3A_337 : vector<64x128xf32> to vector<1x64x128xf32>
    tpu.vector_store %arg3[%swap3A_338, %swap3A_339, %swap3A_340], %swap3A_343 {strides = array<i32>} : memref<1x64x16384xf32, #tpu.memory_space<vmem>>, vector<1x64x128xf32>,
    %slice3A_344 = vector.extract_strided_slice %transpose3A_336 {offsets = [64, 0], sizes = [64, 128], strides = [1, 1]} : vector<128x128xf32> to vector<64x128xf32>
    %swap3A_345 = arith.constant 0 : index
    %swap3A_346 = arith.constant 0 : index
    %swap3A_347 = arith.constant 5504 : index
    %swap3A_348 = vector.load %arg3[%swap3A_345, %swap3A_346, %swap3A_347] : memref<1x64x16384xf32, #tpu.memory_space<vmem>>, vector<1x64x128xf32>
    %swap3A_349 = vector.shape_cast %swap3A_348 : vector<1x64x128xf32> to vector<64x128xf32>
    %swap3A_350 = vector.shape_cast %slice3A_344 : vector<64x128xf32> to vector<1x64x128xf32>
    tpu.vector_store %arg3[%swap3A_345, %swap3A_346, %swap3A_347], %swap3A_350 {strides = array<i32>} : memref<1x64x16384xf32, #tpu.memory_space<vmem>>, vector<1x64x128xf32>,
    %slice3A_351 = vector.extract_strided_slice %get3A_1 {offsets = [2816, 0], sizes = [128, 128], strides = [1, 1]} : vector<8192x128xf32> to vector<128x128xf32>
    %transpose3A_352 = tpu.transpose %slice3A_351, [1, 0] : vector<128x128xf32> -> vector<128x128xf32>
    %slice3A_353 = vector.extract_strided_slice %transpose3A_352 {offsets = [0, 0], sizes = [64, 128], strides = [1, 1]} : vector<128x128xf32> to vector<64x128xf32>
    %swap3A_354 = arith.constant 0 : index
    %swap3A_355 = arith.constant 0 : index
    %swap3A_356 = arith.constant 5632 : index
    %swap3A_357 = vector.load %arg3[%swap3A_354, %swap3A_355, %swap3A_356] : memref<1x64x16384xf32, #tpu.memory_space<vmem>>, vector<1x64x128xf32>
    %swap3A_358 = vector.shape_cast %swap3A_357 : vector<1x64x128xf32> to vector<64x128xf32>
    %swap3A_359 = vector.shape_cast %slice3A_353 : vector<64x128xf32> to vector<1x64x128xf32>
    tpu.vector_store %arg3[%swap3A_354, %swap3A_355, %swap3A_356], %swap3A_359 {strides = array<i32>} : memref<1x64x16384xf32, #tpu.memory_space<vmem>>, vector<1x64x128xf32>,
    %slice3A_360 = vector.extract_strided_slice %transpose3A_352 {offsets = [64, 0], sizes = [64, 128], strides = [1, 1]} : vector<128x128xf32> to vector<64x128xf32>
    %swap3A_361 = arith.constant 0 : index
    %swap3A_362 = arith.constant 0 : index
    %swap3A_363 = arith.constant 5760 : index
    %swap3A_364 = vector.load %arg3[%swap3A_361, %swap3A_362, %swap3A_363] : memref<1x64x16384xf32, #tpu.memory_space<vmem>>, vector<1x64x128xf32>
    %swap3A_365 = vector.shape_cast %swap3A_364 : vector<1x64x128xf32> to vector<64x128xf32>
    %swap3A_366 = vector.shape_cast %slice3A_360 : vector<64x128xf32> to vector<1x64x128xf32>
    tpu.vector_store %arg3[%swap3A_361, %swap3A_362, %swap3A_363], %swap3A_366 {strides = array<i32>} : memref<1x64x16384xf32, #tpu.memory_space<vmem>>, vector<1x64x128xf32>,
    %slice3A_367 = vector.extract_strided_slice %get3A_1 {offsets = [2944, 0], sizes = [128, 128], strides = [1, 1]} : vector<8192x128xf32> to vector<128x128xf32>
    %transpose3A_368 = tpu.transpose %slice3A_367, [1, 0] : vector<128x128xf32> -> vector<128x128xf32>
    %slice3A_369 = vector.extract_strided_slice %transpose3A_368 {offsets = [0, 0], sizes = [64, 128], strides = [1, 1]} : vector<128x128xf32> to vector<64x128xf32>
    %swap3A_370 = arith.constant 0 : index
    %swap3A_371 = arith.constant 0 : index
    %swap3A_372 = arith.constant 5888 : index
    %swap3A_373 = vector.load %arg3[%swap3A_370, %swap3A_371, %swap3A_372] : memref<1x64x16384xf32, #tpu.memory_space<vmem>>, vector<1x64x128xf32>
    %swap3A_374 = vector.shape_cast %swap3A_373 : vector<1x64x128xf32> to vector<64x128xf32>
    %swap3A_375 = vector.shape_cast %slice3A_369 : vector<64x128xf32> to vector<1x64x128xf32>
    tpu.vector_store %arg3[%swap3A_370, %swap3A_371, %swap3A_372], %swap3A_375 {strides = array<i32>} : memref<1x64x16384xf32, #tpu.memory_space<vmem>>, vector<1x64x128xf32>,
    %slice3A_376 = vector.extract_strided_slice %transpose3A_368 {offsets = [64, 0], sizes = [64, 128], strides = [1, 1]} : vector<128x128xf32> to vector<64x128xf32>
    %swap3A_377 = arith.constant 0 : index
    %swap3A_378 = arith.constant 0 : index
    %swap3A_379 = arith.constant 6016 : index
    %swap3A_380 = vector.load %arg3[%swap3A_377, %swap3A_378, %swap3A_379] : memref<1x64x16384xf32, #tpu.memory_space<vmem>>, vector<1x64x128xf32>
    %swap3A_381 = vector.shape_cast %swap3A_380 : vector<1x64x128xf32> to vector<64x128xf32>
    %swap3A_382 = vector.shape_cast %slice3A_376 : vector<64x128xf32> to vector<1x64x128xf32>
    tpu.vector_store %arg3[%swap3A_377, %swap3A_378, %swap3A_379], %swap3A_382 {strides = array<i32>} : memref<1x64x16384xf32, #tpu.memory_space<vmem>>, vector<1x64x128xf32>,
    %slice3A_383 = vector.extract_strided_slice %get3A_1 {offsets = [3072, 0], sizes = [128, 128], strides = [1, 1]} : vector<8192x128xf32> to vector<128x128xf32>
    %transpose3A_384 = tpu.transpose %slice3A_383, [1, 0] : vector<128x128xf32> -> vector<128x128xf32>
    %slice3A_385 = vector.extract_strided_slice %transpose3A_384 {offsets = [0, 0], sizes = [64, 128], strides = [1, 1]} : vector<128x128xf32> to vector<64x128xf32>
    %swap3A_386 = arith.constant 0 : index
    %swap3A_387 = arith.constant 0 : index
    %swap3A_388 = arith.constant 6144 : index
    %swap3A_389 = vector.load %arg3[%swap3A_386, %swap3A_387, %swap3A_388] : memref<1x64x16384xf32, #tpu.memory_space<vmem>>, vector<1x64x128xf32>
    %swap3A_390 = vector.shape_cast %swap3A_389 : vector<1x64x128xf32> to vector<64x128xf32>
    %swap3A_391 = vector.shape_cast %slice3A_385 : vector<64x128xf32> to vector<1x64x128xf32>
    tpu.vector_store %arg3[%swap3A_386, %swap3A_387, %swap3A_388], %swap3A_391 {strides = array<i32>} : memref<1x64x16384xf32, #tpu.memory_space<vmem>>, vector<1x64x128xf32>,
    %slice3A_392 = vector.extract_strided_slice %transpose3A_384 {offsets = [64, 0], sizes = [64, 128], strides = [1, 1]} : vector<128x128xf32> to vector<64x128xf32>
    %swap3A_393 = arith.constant 0 : index
    %swap3A_394 = arith.constant 0 : index
    %swap3A_395 = arith.constant 6272 : index
    %swap3A_396 = vector.load %arg3[%swap3A_393, %swap3A_394, %swap3A_395] : memref<1x64x16384xf32, #tpu.memory_space<vmem>>, vector<1x64x128xf32>
    %swap3A_397 = vector.shape_cast %swap3A_396 : vector<1x64x128xf32> to vector<64x128xf32>
    %swap3A_398 = vector.shape_cast %slice3A_392 : vector<64x128xf32> to vector<1x64x128xf32>
    tpu.vector_store %arg3[%swap3A_393, %swap3A_394, %swap3A_395], %swap3A_398 {strides = array<i32>} : memref<1x64x16384xf32, #tpu.memory_space<vmem>>, vector<1x64x128xf32>,
    %slice3A_399 = vector.extract_strided_slice %get3A_1 {offsets = [3200, 0], sizes = [128, 128], strides = [1, 1]} : vector<8192x128xf32> to vector<128x128xf32>
    %transpose3A_400 = tpu.transpose %slice3A_399, [1, 0] : vector<128x128xf32> -> vector<128x128xf32>
    %slice3A_401 = vector.extract_strided_slice %transpose3A_400 {offsets = [0, 0], sizes = [64, 128], strides = [1, 1]} : vector<128x128xf32> to vector<64x128xf32>
    %swap3A_402 = arith.constant 0 : index
    %swap3A_403 = arith.constant 0 : index
    %swap3A_404 = arith.constant 6400 : index
    %swap3A_405 = vector.load %arg3[%swap3A_402, %swap3A_403, %swap3A_404] : memref<1x64x16384xf32, #tpu.memory_space<vmem>>, vector<1x64x128xf32>
    %swap3A_406 = vector.shape_cast %swap3A_405 : vector<1x64x128xf32> to vector<64x128xf32>
    %swap3A_407 = vector.shape_cast %slice3A_401 : vector<64x128xf32> to vector<1x64x128xf32>
    tpu.vector_store %arg3[%swap3A_402, %swap3A_403, %swap3A_404], %swap3A_407 {strides = array<i32>} : memref<1x64x16384xf32, #tpu.memory_space<vmem>>, vector<1x64x128xf32>,
    %slice3A_408 = vector.extract_strided_slice %transpose3A_400 {offsets = [64, 0], sizes = [64, 128], strides = [1, 1]} : vector<128x128xf32> to vector<64x128xf32>
    %swap3A_409 = arith.constant 0 : index
    %swap3A_410 = arith.constant 0 : index
    %swap3A_411 = arith.constant 6528 : index
    %swap3A_412 = vector.load %arg3[%swap3A_409, %swap3A_410, %swap3A_411] : memref<1x64x16384xf32, #tpu.memory_space<vmem>>, vector<1x64x128xf32>
    %swap3A_413 = vector.shape_cast %swap3A_412 : vector<1x64x128xf32> to vector<64x128xf32>
    %swap3A_414 = vector.shape_cast %slice3A_408 : vector<64x128xf32> to vector<1x64x128xf32>
    tpu.vector_store %arg3[%swap3A_409, %swap3A_410, %swap3A_411], %swap3A_414 {strides = array<i32>} : memref<1x64x16384xf32, #tpu.memory_space<vmem>>, vector<1x64x128xf32>,
    %slice3A_415 = vector.extract_strided_slice %get3A_1 {offsets = [3328, 0], sizes = [128, 128], strides = [1, 1]} : vector<8192x128xf32> to vector<128x128xf32>
    %transpose3A_416 = tpu.transpose %slice3A_415, [1, 0] : vector<128x128xf32> -> vector<128x128xf32>
    %slice3A_417 = vector.extract_strided_slice %transpose3A_416 {offsets = [0, 0], sizes = [64, 128], strides = [1, 1]} : vector<128x128xf32> to vector<64x128xf32>
    %swap3A_418 = arith.constant 0 : index
    %swap3A_419 = arith.constant 0 : index
    %swap3A_420 = arith.constant 6656 : index
    %swap3A_421 = vector.load %arg3[%swap3A_418, %swap3A_419, %swap3A_420] : memref<1x64x16384xf32, #tpu.memory_space<vmem>>, vector<1x64x128xf32>
    %swap3A_422 = vector.shape_cast %swap3A_421 : vector<1x64x128xf32> to vector<64x128xf32>
    %swap3A_423 = vector.shape_cast %slice3A_417 : vector<64x128xf32> to vector<1x64x128xf32>
    tpu.vector_store %arg3[%swap3A_418, %swap3A_419, %swap3A_420], %swap3A_423 {strides = array<i32>} : memref<1x64x16384xf32, #tpu.memory_space<vmem>>, vector<1x64x128xf32>,
    %slice3A_424 = vector.extract_strided_slice %transpose3A_416 {offsets = [64, 0], sizes = [64, 128], strides = [1, 1]} : vector<128x128xf32> to vector<64x128xf32>
    %swap3A_425 = arith.constant 0 : index
    %swap3A_426 = arith.constant 0 : index
    %swap3A_427 = arith.constant 6784 : index
    %swap3A_428 = vector.load %arg3[%swap3A_425, %swap3A_426, %swap3A_427] : memref<1x64x16384xf32, #tpu.memory_space<vmem>>, vector<1x64x128xf32>
    %swap3A_429 = vector.shape_cast %swap3A_428 : vector<1x64x128xf32> to vector<64x128xf32>
    %swap3A_430 = vector.shape_cast %slice3A_424 : vector<64x128xf32> to vector<1x64x128xf32>
    tpu.vector_store %arg3[%swap3A_425, %swap3A_426, %swap3A_427], %swap3A_430 {strides = array<i32>} : memref<1x64x16384xf32, #tpu.memory_space<vmem>>, vector<1x64x128xf32>,
    %slice3A_431 = vector.extract_strided_slice %get3A_1 {offsets = [3456, 0], sizes = [128, 128], strides = [1, 1]} : vector<8192x128xf32> to vector<128x128xf32>
    %transpose3A_432 = tpu.transpose %slice3A_431, [1, 0] : vector<128x128xf32> -> vector<128x128xf32>
    %slice3A_433 = vector.extract_strided_slice %transpose3A_432 {offsets = [0, 0], sizes = [64, 128], strides = [1, 1]} : vector<128x128xf32> to vector<64x128xf32>
    %swap3A_434 = arith.constant 0 : index
    %swap3A_435 = arith.constant 0 : index
    %swap3A_436 = arith.constant 6912 : index
    %swap3A_437 = vector.load %arg3[%swap3A_434, %swap3A_435, %swap3A_436] : memref<1x64x16384xf32, #tpu.memory_space<vmem>>, vector<1x64x128xf32>
    %swap3A_438 = vector.shape_cast %swap3A_437 : vector<1x64x128xf32> to vector<64x128xf32>
    %swap3A_439 = vector.shape_cast %slice3A_433 : vector<64x128xf32> to vector<1x64x128xf32>
    tpu.vector_store %arg3[%swap3A_434, %swap3A_435, %swap3A_436], %swap3A_439 {strides = array<i32>} : memref<1x64x16384xf32, #tpu.memory_space<vmem>>, vector<1x64x128xf32>,
    %slice3A_440 = vector.extract_strided_slice %transpose3A_432 {offsets = [64, 0], sizes = [64, 128], strides = [1, 1]} : vector<128x128xf32> to vector<64x128xf32>
    %swap3A_441 = arith.constant 0 : index
    %swap3A_442 = arith.constant 0 : index
    %swap3A_443 = arith.constant 7040 : index
    %swap3A_444 = vector.load %arg3[%swap3A_441, %swap3A_442, %swap3A_443] : memref<1x64x16384xf32, #tpu.memory_space<vmem>>, vector<1x64x128xf32>
    %swap3A_445 = vector.shape_cast %swap3A_444 : vector<1x64x128xf32> to vector<64x128xf32>
    %swap3A_446 = vector.shape_cast %slice3A_440 : vector<64x128xf32> to vector<1x64x128xf32>
    tpu.vector_store %arg3[%swap3A_441, %swap3A_442, %swap3A_443], %swap3A_446 {strides = array<i32>} : memref<1x64x16384xf32, #tpu.memory_space<vmem>>, vector<1x64x128xf32>,
    %slice3A_447 = vector.extract_strided_slice %get3A_1 {offsets = [3584, 0], sizes = [128, 128], strides = [1, 1]} : vector<8192x128xf32> to vector<128x128xf32>
    %transpose3A_448 = tpu.transpose %slice3A_447, [1, 0] : vector<128x128xf32> -> vector<128x128xf32>
    %slice3A_449 = vector.extract_strided_slice %transpose3A_448 {offsets = [0, 0], sizes = [64, 128], strides = [1, 1]} : vector<128x128xf32> to vector<64x128xf32>
    %swap3A_450 = arith.constant 0 : index
    %swap3A_451 = arith.constant 0 : index
    %swap3A_452 = arith.constant 7168 : index
    %swap3A_453 = vector.load %arg3[%swap3A_450, %swap3A_451, %swap3A_452] : memref<1x64x16384xf32, #tpu.memory_space<vmem>>, vector<1x64x128xf32>
    %swap3A_454 = vector.shape_cast %swap3A_453 : vector<1x64x128xf32> to vector<64x128xf32>
    %swap3A_455 = vector.shape_cast %slice3A_449 : vector<64x128xf32> to vector<1x64x128xf32>
    tpu.vector_store %arg3[%swap3A_450, %swap3A_451, %swap3A_452], %swap3A_455 {strides = array<i32>} : memref<1x64x16384xf32, #tpu.memory_space<vmem>>, vector<1x64x128xf32>,
    %slice3A_456 = vector.extract_strided_slice %transpose3A_448 {offsets = [64, 0], sizes = [64, 128], strides = [1, 1]} : vector<128x128xf32> to vector<64x128xf32>
    %swap3A_457 = arith.constant 0 : index
    %swap3A_458 = arith.constant 0 : index
    %swap3A_459 = arith.constant 7296 : index
    %swap3A_460 = vector.load %arg3[%swap3A_457, %swap3A_458, %swap3A_459] : memref<1x64x16384xf32, #tpu.memory_space<vmem>>, vector<1x64x128xf32>
    %swap3A_461 = vector.shape_cast %swap3A_460 : vector<1x64x128xf32> to vector<64x128xf32>
    %swap3A_462 = vector.shape_cast %slice3A_456 : vector<64x128xf32> to vector<1x64x128xf32>
    tpu.vector_store %arg3[%swap3A_457, %swap3A_458, %swap3A_459], %swap3A_462 {strides = array<i32>} : memref<1x64x16384xf32, #tpu.memory_space<vmem>>, vector<1x64x128xf32>,
    %slice3A_463 = vector.extract_strided_slice %get3A_1 {offsets = [3712, 0], sizes = [128, 128], strides = [1, 1]} : vector<8192x128xf32> to vector<128x128xf32>
    %transpose3A_464 = tpu.transpose %slice3A_463, [1, 0] : vector<128x128xf32> -> vector<128x128xf32>
    %slice3A_465 = vector.extract_strided_slice %transpose3A_464 {offsets = [0, 0], sizes = [64, 128], strides = [1, 1]} : vector<128x128xf32> to vector<64x128xf32>
    %swap3A_466 = arith.constant 0 : index
    %swap3A_467 = arith.constant 0 : index
    %swap3A_468 = arith.constant 7424 : index
    %swap3A_469 = vector.load %arg3[%swap3A_466, %swap3A_467, %swap3A_468] : memref<1x64x16384xf32, #tpu.memory_space<vmem>>, vector<1x64x128xf32>
    %swap3A_470 = vector.shape_cast %swap3A_469 : vector<1x64x128xf32> to vector<64x128xf32>
    %swap3A_471 = vector.shape_cast %slice3A_465 : vector<64x128xf32> to vector<1x64x128xf32>
    tpu.vector_store %arg3[%swap3A_466, %swap3A_467, %swap3A_468], %swap3A_471 {strides = array<i32>} : memref<1x64x16384xf32, #tpu.memory_space<vmem>>, vector<1x64x128xf32>,
    %slice3A_472 = vector.extract_strided_slice %transpose3A_464 {offsets = [64, 0], sizes = [64, 128], strides = [1, 1]} : vector<128x128xf32> to vector<64x128xf32>
    %swap3A_473 = arith.constant 0 : index
    %swap3A_474 = arith.constant 0 : index
    %swap3A_475 = arith.constant 7552 : index
    %swap3A_476 = vector.load %arg3[%swap3A_473, %swap3A_474, %swap3A_475] : memref<1x64x16384xf32, #tpu.memory_space<vmem>>, vector<1x64x128xf32>
    %swap3A_477 = vector.shape_cast %swap3A_476 : vector<1x64x128xf32> to vector<64x128xf32>
    %swap3A_478 = vector.shape_cast %slice3A_472 : vector<64x128xf32> to vector<1x64x128xf32>
    tpu.vector_store %arg3[%swap3A_473, %swap3A_474, %swap3A_475], %swap3A_478 {strides = array<i32>} : memref<1x64x16384xf32, #tpu.memory_space<vmem>>, vector<1x64x128xf32>,
    %slice3A_479 = vector.extract_strided_slice %get3A_1 {offsets = [3840, 0], sizes = [128, 128], strides = [1, 1]} : vector<8192x128xf32> to vector<128x128xf32>
    %transpose3A_480 = tpu.transpose %slice3A_479, [1, 0] : vector<128x128xf32> -> vector<128x128xf32>
    %slice3A_481 = vector.extract_strided_slice %transpose3A_480 {offsets = [0, 0], sizes = [64, 128], strides = [1, 1]} : vector<128x128xf32> to vector<64x128xf32>
    %swap3A_482 = arith.constant 0 : index
    %swap3A_483 = arith.constant 0 : index
    %swap3A_484 = arith.constant 7680 : index
    %swap3A_485 = vector.load %arg3[%swap3A_482, %swap3A_483, %swap3A_484] : memref<1x64x16384xf32, #tpu.memory_space<vmem>>, vector<1x64x128xf32>
    %swap3A_486 = vector.shape_cast %swap3A_485 : vector<1x64x128xf32> to vector<64x128xf32>
    %swap3A_487 = vector.shape_cast %slice3A_481 : vector<64x128xf32> to vector<1x64x128xf32>
    tpu.vector_store %arg3[%swap3A_482, %swap3A_483, %swap3A_484], %swap3A_487 {strides = array<i32>} : memref<1x64x16384xf32, #tpu.memory_space<vmem>>, vector<1x64x128xf32>,
    %slice3A_488 = vector.extract_strided_slice %transpose3A_480 {offsets = [64, 0], sizes = [64, 128], strides = [1, 1]} : vector<128x128xf32> to vector<64x128xf32>
    %swap3A_489 = arith.constant 0 : index
    %swap3A_490 = arith.constant 0 : index
    %swap3A_491 = arith.constant 7808 : index
    %swap3A_492 = vector.load %arg3[%swap3A_489, %swap3A_490, %swap3A_491] : memref<1x64x16384xf32, #tpu.memory_space<vmem>>, vector<1x64x128xf32>
    %swap3A_493 = vector.shape_cast %swap3A_492 : vector<1x64x128xf32> to vector<64x128xf32>
    %swap3A_494 = vector.shape_cast %slice3A_488 : vector<64x128xf32> to vector<1x64x128xf32>
    tpu.vector_store %arg3[%swap3A_489, %swap3A_490, %swap3A_491], %swap3A_494 {strides = array<i32>} : memref<1x64x16384xf32, #tpu.memory_space<vmem>>, vector<1x64x128xf32>,
    %slice3A_495 = vector.extract_strided_slice %get3A_1 {offsets = [3968, 0], sizes = [128, 128], strides = [1, 1]} : vector<8192x128xf32> to vector<128x128xf32>
    %transpose3A_496 = tpu.transpose %slice3A_495, [1, 0] : vector<128x128xf32> -> vector<128x128xf32>
    %slice3A_497 = vector.extract_strided_slice %transpose3A_496 {offsets = [0, 0], sizes = [64, 128], strides = [1, 1]} : vector<128x128xf32> to vector<64x128xf32>
    %swap3A_498 = arith.constant 0 : index
    %swap3A_499 = arith.constant 0 : index
    %swap3A_500 = arith.constant 7936 : index
    %swap3A_501 = vector.load %arg3[%swap3A_498, %swap3A_499, %swap3A_500] : memref<1x64x16384xf32, #tpu.memory_space<vmem>>, vector<1x64x128xf32>
    %swap3A_502 = vector.shape_cast %swap3A_501 : vector<1x64x128xf32> to vector<64x128xf32>
    %swap3A_503 = vector.shape_cast %slice3A_497 : vector<64x128xf32> to vector<1x64x128xf32>
    tpu.vector_store %arg3[%swap3A_498, %swap3A_499, %swap3A_500], %swap3A_503 {strides = array<i32>} : memref<1x64x16384xf32, #tpu.memory_space<vmem>>, vector<1x64x128xf32>,
    %slice3A_504 = vector.extract_strided_slice %transpose3A_496 {offsets = [64, 0], sizes = [64, 128], strides = [1, 1]} : vector<128x128xf32> to vector<64x128xf32>
    %swap3A_505 = arith.constant 0 : index
    %swap3A_506 = arith.constant 0 : index
    %swap3A_507 = arith.constant 8064 : index
    %swap3A_508 = vector.load %arg3[%swap3A_505, %swap3A_506, %swap3A_507] : memref<1x64x16384xf32, #tpu.memory_space<vmem>>, vector<1x64x128xf32>
    %swap3A_509 = vector.shape_cast %swap3A_508 : vector<1x64x128xf32> to vector<64x128xf32>
    %swap3A_510 = vector.shape_cast %slice3A_504 : vector<64x128xf32> to vector<1x64x128xf32>
    tpu.vector_store %arg3[%swap3A_505, %swap3A_506, %swap3A_507], %swap3A_510 {strides = array<i32>} : memref<1x64x16384xf32, #tpu.memory_space<vmem>>, vector<1x64x128xf32>,
    %slice3A_511 = vector.extract_strided_slice %get3A_1 {offsets = [4096, 0], sizes = [128, 128], strides = [1, 1]} : vector<8192x128xf32> to vector<128x128xf32>
    %transpose3A_512 = tpu.transpose %slice3A_511, [1, 0] : vector<128x128xf32> -> vector<128x128xf32>
    %slice3A_513 = vector.extract_strided_slice %transpose3A_512 {offsets = [0, 0], sizes = [64, 128], strides = [1, 1]} : vector<128x128xf32> to vector<64x128xf32>
    %swap3A_514 = arith.constant 0 : index
    %swap3A_515 = arith.constant 0 : index
    %swap3A_516 = arith.constant 8192 : index
    %swap3A_517 = vector.load %arg3[%swap3A_514, %swap3A_515, %swap3A_516] : memref<1x64x16384xf32, #tpu.memory_space<vmem>>, vector<1x64x128xf32>
    %swap3A_518 = vector.shape_cast %swap3A_517 : vector<1x64x128xf32> to vector<64x128xf32>
    %swap3A_519 = vector.shape_cast %slice3A_513 : vector<64x128xf32> to vector<1x64x128xf32>
    tpu.vector_store %arg3[%swap3A_514, %swap3A_515, %swap3A_516], %swap3A_519 {strides = array<i32>} : memref<1x64x16384xf32, #tpu.memory_space<vmem>>, vector<1x64x128xf32>,
    %slice3A_520 = vector.extract_strided_slice %transpose3A_512 {offsets = [64, 0], sizes = [64, 128], strides = [1, 1]} : vector<128x128xf32> to vector<64x128xf32>
    %swap3A_521 = arith.constant 0 : index
    %swap3A_522 = arith.constant 0 : index
    %swap3A_523 = arith.constant 8320 : index
    %swap3A_524 = vector.load %arg3[%swap3A_521, %swap3A_522, %swap3A_523] : memref<1x64x16384xf32, #tpu.memory_space<vmem>>, vector<1x64x128xf32>
    %swap3A_525 = vector.shape_cast %swap3A_524 : vector<1x64x128xf32> to vector<64x128xf32>
    %swap3A_526 = vector.shape_cast %slice3A_520 : vector<64x128xf32> to vector<1x64x128xf32>
    tpu.vector_store %arg3[%swap3A_521, %swap3A_522, %swap3A_523], %swap3A_526 {strides = array<i32>} : memref<1x64x16384xf32, #tpu.memory_space<vmem>>, vector<1x64x128xf32>,
    %slice3A_527 = vector.extract_strided_slice %get3A_1 {offsets = [4224, 0], sizes = [128, 128], strides = [1, 1]} : vector<8192x128xf32> to vector<128x128xf32>
    %transpose3A_528 = tpu.transpose %slice3A_527, [1, 0] : vector<128x128xf32> -> vector<128x128xf32>
    %slice3A_529 = vector.extract_strided_slice %transpose3A_528 {offsets = [0, 0], sizes = [64, 128], strides = [1, 1]} : vector<128x128xf32> to vector<64x128xf32>
    %swap3A_530 = arith.constant 0 : index
    %swap3A_531 = arith.constant 0 : index
    %swap3A_532 = arith.constant 8448 : index
    %swap3A_533 = vector.load %arg3[%swap3A_530, %swap3A_531, %swap3A_532] : memref<1x64x16384xf32, #tpu.memory_space<vmem>>, vector<1x64x128xf32>
    %swap3A_534 = vector.shape_cast %swap3A_533 : vector<1x64x128xf32> to vector<64x128xf32>
    %swap3A_535 = vector.shape_cast %slice3A_529 : vector<64x128xf32> to vector<1x64x128xf32>
    tpu.vector_store %arg3[%swap3A_530, %swap3A_531, %swap3A_532], %swap3A_535 {strides = array<i32>} : memref<1x64x16384xf32, #tpu.memory_space<vmem>>, vector<1x64x128xf32>,
    %slice3A_536 = vector.extract_strided_slice %transpose3A_528 {offsets = [64, 0], sizes = [64, 128], strides = [1, 1]} : vector<128x128xf32> to vector<64x128xf32>
    %swap3A_537 = arith.constant 0 : index
    %swap3A_538 = arith.constant 0 : index
    %swap3A_539 = arith.constant 8576 : index
    %swap3A_540 = vector.load %arg3[%swap3A_537, %swap3A_538, %swap3A_539] : memref<1x64x16384xf32, #tpu.memory_space<vmem>>, vector<1x64x128xf32>
    %swap3A_541 = vector.shape_cast %swap3A_540 : vector<1x64x128xf32> to vector<64x128xf32>
    %swap3A_542 = vector.shape_cast %slice3A_536 : vector<64x128xf32> to vector<1x64x128xf32>
    tpu.vector_store %arg3[%swap3A_537, %swap3A_538, %swap3A_539], %swap3A_542 {strides = array<i32>} : memref<1x64x16384xf32, #tpu.memory_space<vmem>>, vector<1x64x128xf32>,
    %slice3A_543 = vector.extract_strided_slice %get3A_1 {offsets = [4352, 0], sizes = [128, 128], strides = [1, 1]} : vector<8192x128xf32> to vector<128x128xf32>
    %transpose3A_544 = tpu.transpose %slice3A_543, [1, 0] : vector<128x128xf32> -> vector<128x128xf32>
    %slice3A_545 = vector.extract_strided_slice %transpose3A_544 {offsets = [0, 0], sizes = [64, 128], strides = [1, 1]} : vector<128x128xf32> to vector<64x128xf32>
    %swap3A_546 = arith.constant 0 : index
    %swap3A_547 = arith.constant 0 : index
    %swap3A_548 = arith.constant 8704 : index
    %swap3A_549 = vector.load %arg3[%swap3A_546, %swap3A_547, %swap3A_548] : memref<1x64x16384xf32, #tpu.memory_space<vmem>>, vector<1x64x128xf32>
    %swap3A_550 = vector.shape_cast %swap3A_549 : vector<1x64x128xf32> to vector<64x128xf32>
    %swap3A_551 = vector.shape_cast %slice3A_545 : vector<64x128xf32> to vector<1x64x128xf32>
    tpu.vector_store %arg3[%swap3A_546, %swap3A_547, %swap3A_548], %swap3A_551 {strides = array<i32>} : memref<1x64x16384xf32, #tpu.memory_space<vmem>>, vector<1x64x128xf32>,
    %slice3A_552 = vector.extract_strided_slice %transpose3A_544 {offsets = [64, 0], sizes = [64, 128], strides = [1, 1]} : vector<128x128xf32> to vector<64x128xf32>
    %swap3A_553 = arith.constant 0 : index
    %swap3A_554 = arith.constant 0 : index
    %swap3A_555 = arith.constant 8832 : index
    %swap3A_556 = vector.load %arg3[%swap3A_553, %swap3A_554, %swap3A_555] : memref<1x64x16384xf32, #tpu.memory_space<vmem>>, vector<1x64x128xf32>
    %swap3A_557 = vector.shape_cast %swap3A_556 : vector<1x64x128xf32> to vector<64x128xf32>
    %swap3A_558 = vector.shape_cast %slice3A_552 : vector<64x128xf32> to vector<1x64x128xf32>
    tpu.vector_store %arg3[%swap3A_553, %swap3A_554, %swap3A_555], %swap3A_558 {strides = array<i32>} : memref<1x64x16384xf32, #tpu.memory_space<vmem>>, vector<1x64x128xf32>,
    %slice3A_559 = vector.extract_strided_slice %get3A_1 {offsets = [4480, 0], sizes = [128, 128], strides = [1, 1]} : vector<8192x128xf32> to vector<128x128xf32>
    %transpose3A_560 = tpu.transpose %slice3A_559, [1, 0] : vector<128x128xf32> -> vector<128x128xf32>
    %slice3A_561 = vector.extract_strided_slice %transpose3A_560 {offsets = [0, 0], sizes = [64, 128], strides = [1, 1]} : vector<128x128xf32> to vector<64x128xf32>
    %swap3A_562 = arith.constant 0 : index
    %swap3A_563 = arith.constant 0 : index
    %swap3A_564 = arith.constant 8960 : index
    %swap3A_565 = vector.load %arg3[%swap3A_562, %swap3A_563, %swap3A_564] : memref<1x64x16384xf32, #tpu.memory_space<vmem>>, vector<1x64x128xf32>
    %swap3A_566 = vector.shape_cast %swap3A_565 : vector<1x64x128xf32> to vector<64x128xf32>
    %swap3A_567 = vector.shape_cast %slice3A_561 : vector<64x128xf32> to vector<1x64x128xf32>
    tpu.vector_store %arg3[%swap3A_562, %swap3A_563, %swap3A_564], %swap3A_567 {strides = array<i32>} : memref<1x64x16384xf32, #tpu.memory_space<vmem>>, vector<1x64x128xf32>,
    %slice3A_568 = vector.extract_strided_slice %transpose3A_560 {offsets = [64, 0], sizes = [64, 128], strides = [1, 1]} : vector<128x128xf32> to vector<64x128xf32>
    %swap3A_569 = arith.constant 0 : index
    %swap3A_570 = arith.constant 0 : index
    %swap3A_571 = arith.constant 9088 : index
    %swap3A_572 = vector.load %arg3[%swap3A_569, %swap3A_570, %swap3A_571] : memref<1x64x16384xf32, #tpu.memory_space<vmem>>, vector<1x64x128xf32>
    %swap3A_573 = vector.shape_cast %swap3A_572 : vector<1x64x128xf32> to vector<64x128xf32>
    %swap3A_574 = vector.shape_cast %slice3A_568 : vector<64x128xf32> to vector<1x64x128xf32>
    tpu.vector_store %arg3[%swap3A_569, %swap3A_570, %swap3A_571], %swap3A_574 {strides = array<i32>} : memref<1x64x16384xf32, #tpu.memory_space<vmem>>, vector<1x64x128xf32>,
    %slice3A_575 = vector.extract_strided_slice %get3A_1 {offsets = [4608, 0], sizes = [128, 128], strides = [1, 1]} : vector<8192x128xf32> to vector<128x128xf32>
    %transpose3A_576 = tpu.transpose %slice3A_575, [1, 0] : vector<128x128xf32> -> vector<128x128xf32>
    %slice3A_577 = vector.extract_strided_slice %transpose3A_576 {offsets = [0, 0], sizes = [64, 128], strides = [1, 1]} : vector<128x128xf32> to vector<64x128xf32>
    %swap3A_578 = arith.constant 0 : index
    %swap3A_579 = arith.constant 0 : index
    %swap3A_580 = arith.constant 9216 : index
    %swap3A_581 = vector.load %arg3[%swap3A_578, %swap3A_579, %swap3A_580] : memref<1x64x16384xf32, #tpu.memory_space<vmem>>, vector<1x64x128xf32>
    %swap3A_582 = vector.shape_cast %swap3A_581 : vector<1x64x128xf32> to vector<64x128xf32>
    %swap3A_583 = vector.shape_cast %slice3A_577 : vector<64x128xf32> to vector<1x64x128xf32>
    tpu.vector_store %arg3[%swap3A_578, %swap3A_579, %swap3A_580], %swap3A_583 {strides = array<i32>} : memref<1x64x16384xf32, #tpu.memory_space<vmem>>, vector<1x64x128xf32>,
    %slice3A_584 = vector.extract_strided_slice %transpose3A_576 {offsets = [64, 0], sizes = [64, 128], strides = [1, 1]} : vector<128x128xf32> to vector<64x128xf32>
    %swap3A_585 = arith.constant 0 : index
    %swap3A_586 = arith.constant 0 : index
    %swap3A_587 = arith.constant 9344 : index
    %swap3A_588 = vector.load %arg3[%swap3A_585, %swap3A_586, %swap3A_587] : memref<1x64x16384xf32, #tpu.memory_space<vmem>>, vector<1x64x128xf32>
    %swap3A_589 = vector.shape_cast %swap3A_588 : vector<1x64x128xf32> to vector<64x128xf32>
    %swap3A_590 = vector.shape_cast %slice3A_584 : vector<64x128xf32> to vector<1x64x128xf32>
    tpu.vector_store %arg3[%swap3A_585, %swap3A_586, %swap3A_587], %swap3A_590 {strides = array<i32>} : memref<1x64x16384xf32, #tpu.memory_space<vmem>>, vector<1x64x128xf32>,
    %slice3A_591 = vector.extract_strided_slice %get3A_1 {offsets = [4736, 0], sizes = [128, 128], strides = [1, 1]} : vector<8192x128xf32> to vector<128x128xf32>
    %transpose3A_592 = tpu.transpose %slice3A_591, [1, 0] : vector<128x128xf32> -> vector<128x128xf32>
    %slice3A_593 = vector.extract_strided_slice %transpose3A_592 {offsets = [0, 0], sizes = [64, 128], strides = [1, 1]} : vector<128x128xf32> to vector<64x128xf32>
    %swap3A_594 = arith.constant 0 : index
    %swap3A_595 = arith.constant 0 : index
    %swap3A_596 = arith.constant 9472 : index
    %swap3A_597 = vector.load %arg3[%swap3A_594, %swap3A_595, %swap3A_596] : memref<1x64x16384xf32, #tpu.memory_space<vmem>>, vector<1x64x128xf32>
    %swap3A_598 = vector.shape_cast %swap3A_597 : vector<1x64x128xf32> to vector<64x128xf32>
    %swap3A_599 = vector.shape_cast %slice3A_593 : vector<64x128xf32> to vector<1x64x128xf32>
    tpu.vector_store %arg3[%swap3A_594, %swap3A_595, %swap3A_596], %swap3A_599 {strides = array<i32>} : memref<1x64x16384xf32, #tpu.memory_space<vmem>>, vector<1x64x128xf32>,
    %slice3A_600 = vector.extract_strided_slice %transpose3A_592 {offsets = [64, 0], sizes = [64, 128], strides = [1, 1]} : vector<128x128xf32> to vector<64x128xf32>
    %swap3A_601 = arith.constant 0 : index
    %swap3A_602 = arith.constant 0 : index
    %swap3A_603 = arith.constant 9600 : index
    %swap3A_604 = vector.load %arg3[%swap3A_601, %swap3A_602, %swap3A_603] : memref<1x64x16384xf32, #tpu.memory_space<vmem>>, vector<1x64x128xf32>
    %swap3A_605 = vector.shape_cast %swap3A_604 : vector<1x64x128xf32> to vector<64x128xf32>
    %swap3A_606 = vector.shape_cast %slice3A_600 : vector<64x128xf32> to vector<1x64x128xf32>
    tpu.vector_store %arg3[%swap3A_601, %swap3A_602, %swap3A_603], %swap3A_606 {strides = array<i32>} : memref<1x64x16384xf32, #tpu.memory_space<vmem>>, vector<1x64x128xf32>,
    %slice3A_607 = vector.extract_strided_slice %get3A_1 {offsets = [4864, 0], sizes = [128, 128], strides = [1, 1]} : vector<8192x128xf32> to vector<128x128xf32>
    %transpose3A_608 = tpu.transpose %slice3A_607, [1, 0] : vector<128x128xf32> -> vector<128x128xf32>
    %slice3A_609 = vector.extract_strided_slice %transpose3A_608 {offsets = [0, 0], sizes = [64, 128], strides = [1, 1]} : vector<128x128xf32> to vector<64x128xf32>
    %swap3A_610 = arith.constant 0 : index
    %swap3A_611 = arith.constant 0 : index
    %swap3A_612 = arith.constant 9728 : index
    %swap3A_613 = vector.load %arg3[%swap3A_610, %swap3A_611, %swap3A_612] : memref<1x64x16384xf32, #tpu.memory_space<vmem>>, vector<1x64x128xf32>
    %swap3A_614 = vector.shape_cast %swap3A_613 : vector<1x64x128xf32> to vector<64x128xf32>
    %swap3A_615 = vector.shape_cast %slice3A_609 : vector<64x128xf32> to vector<1x64x128xf32>
    tpu.vector_store %arg3[%swap3A_610, %swap3A_611, %swap3A_612], %swap3A_615 {strides = array<i32>} : memref<1x64x16384xf32, #tpu.memory_space<vmem>>, vector<1x64x128xf32>,
    %slice3A_616 = vector.extract_strided_slice %transpose3A_608 {offsets = [64, 0], sizes = [64, 128], strides = [1, 1]} : vector<128x128xf32> to vector<64x128xf32>
    %swap3A_617 = arith.constant 0 : index
    %swap3A_618 = arith.constant 0 : index
    %swap3A_619 = arith.constant 9856 : index
    %swap3A_620 = vector.load %arg3[%swap3A_617, %swap3A_618, %swap3A_619] : memref<1x64x16384xf32, #tpu.memory_space<vmem>>, vector<1x64x128xf32>
    %swap3A_621 = vector.shape_cast %swap3A_620 : vector<1x64x128xf32> to vector<64x128xf32>
    %swap3A_622 = vector.shape_cast %slice3A_616 : vector<64x128xf32> to vector<1x64x128xf32>
    tpu.vector_store %arg3[%swap3A_617, %swap3A_618, %swap3A_619], %swap3A_622 {strides = array<i32>} : memref<1x64x16384xf32, #tpu.memory_space<vmem>>, vector<1x64x128xf32>,
    %slice3A_623 = vector.extract_strided_slice %get3A_1 {offsets = [4992, 0], sizes = [128, 128], strides = [1, 1]} : vector<8192x128xf32> to vector<128x128xf32>
    %transpose3A_624 = tpu.transpose %slice3A_623, [1, 0] : vector<128x128xf32> -> vector<128x128xf32>
    %slice3A_625 = vector.extract_strided_slice %transpose3A_624 {offsets = [0, 0], sizes = [64, 128], strides = [1, 1]} : vector<128x128xf32> to vector<64x128xf32>
    %swap3A_626 = arith.constant 0 : index
    %swap3A_627 = arith.constant 0 : index
    %swap3A_628 = arith.constant 9984 : index
    %swap3A_629 = vector.load %arg3[%swap3A_626, %swap3A_627, %swap3A_628] : memref<1x64x16384xf32, #tpu.memory_space<vmem>>, vector<1x64x128xf32>
    %swap3A_630 = vector.shape_cast %swap3A_629 : vector<1x64x128xf32> to vector<64x128xf32>
    %swap3A_631 = vector.shape_cast %slice3A_625 : vector<64x128xf32> to vector<1x64x128xf32>
    tpu.vector_store %arg3[%swap3A_626, %swap3A_627, %swap3A_628], %swap3A_631 {strides = array<i32>} : memref<1x64x16384xf32, #tpu.memory_space<vmem>>, vector<1x64x128xf32>,
    %slice3A_632 = vector.extract_strided_slice %transpose3A_624 {offsets = [64, 0], sizes = [64, 128], strides = [1, 1]} : vector<128x128xf32> to vector<64x128xf32>
    %swap3A_633 = arith.constant 0 : index
    %swap3A_634 = arith.constant 0 : index
    %swap3A_635 = arith.constant 10112 : index
    %swap3A_636 = vector.load %arg3[%swap3A_633, %swap3A_634, %swap3A_635] : memref<1x64x16384xf32, #tpu.memory_space<vmem>>, vector<1x64x128xf32>
    %swap3A_637 = vector.shape_cast %swap3A_636 : vector<1x64x128xf32> to vector<64x128xf32>
    %swap3A_638 = vector.shape_cast %slice3A_632 : vector<64x128xf32> to vector<1x64x128xf32>
    tpu.vector_store %arg3[%swap3A_633, %swap3A_634, %swap3A_635], %swap3A_638 {strides = array<i32>} : memref<1x64x16384xf32, #tpu.memory_space<vmem>>, vector<1x64x128xf32>,
    %slice3A_639 = vector.extract_strided_slice %get3A_1 {offsets = [5120, 0], sizes = [128, 128], strides = [1, 1]} : vector<8192x128xf32> to vector<128x128xf32>
    %transpose3A_640 = tpu.transpose %slice3A_639, [1, 0] : vector<128x128xf32> -> vector<128x128xf32>
    %slice3A_641 = vector.extract_strided_slice %transpose3A_640 {offsets = [0, 0], sizes = [64, 128], strides = [1, 1]} : vector<128x128xf32> to vector<64x128xf32>
    %swap3A_642 = arith.constant 0 : index
    %swap3A_643 = arith.constant 0 : index
    %swap3A_644 = arith.constant 10240 : index
    %swap3A_645 = vector.load %arg3[%swap3A_642, %swap3A_643, %swap3A_644] : memref<1x64x16384xf32, #tpu.memory_space<vmem>>, vector<1x64x128xf32>
    %swap3A_646 = vector.shape_cast %swap3A_645 : vector<1x64x128xf32> to vector<64x128xf32>
    %swap3A_647 = vector.shape_cast %slice3A_641 : vector<64x128xf32> to vector<1x64x128xf32>
    tpu.vector_store %arg3[%swap3A_642, %swap3A_643, %swap3A_644], %swap3A_647 {strides = array<i32>} : memref<1x64x16384xf32, #tpu.memory_space<vmem>>, vector<1x64x128xf32>,
    %slice3A_648 = vector.extract_strided_slice %transpose3A_640 {offsets = [64, 0], sizes = [64, 128], strides = [1, 1]} : vector<128x128xf32> to vector<64x128xf32>
    %swap3A_649 = arith.constant 0 : index
    %swap3A_650 = arith.constant 0 : index
    %swap3A_651 = arith.constant 10368 : index
    %swap3A_652 = vector.load %arg3[%swap3A_649, %swap3A_650, %swap3A_651] : memref<1x64x16384xf32, #tpu.memory_space<vmem>>, vector<1x64x128xf32>
    %swap3A_653 = vector.shape_cast %swap3A_652 : vector<1x64x128xf32> to vector<64x128xf32>
    %swap3A_654 = vector.shape_cast %slice3A_648 : vector<64x128xf32> to vector<1x64x128xf32>
    tpu.vector_store %arg3[%swap3A_649, %swap3A_650, %swap3A_651], %swap3A_654 {strides = array<i32>} : memref<1x64x16384xf32, #tpu.memory_space<vmem>>, vector<1x64x128xf32>,
    %slice3A_655 = vector.extract_strided_slice %get3A_1 {offsets = [5248, 0], sizes = [128, 128], strides = [1, 1]} : vector<8192x128xf32> to vector<128x128xf32>
    %transpose3A_656 = tpu.transpose %slice3A_655, [1, 0] : vector<128x128xf32> -> vector<128x128xf32>
    %slice3A_657 = vector.extract_strided_slice %transpose3A_656 {offsets = [0, 0], sizes = [64, 128], strides = [1, 1]} : vector<128x128xf32> to vector<64x128xf32>
    %swap3A_658 = arith.constant 0 : index
    %swap3A_659 = arith.constant 0 : index
    %swap3A_660 = arith.constant 10496 : index
    %swap3A_661 = vector.load %arg3[%swap3A_658, %swap3A_659, %swap3A_660] : memref<1x64x16384xf32, #tpu.memory_space<vmem>>, vector<1x64x128xf32>
    %swap3A_662 = vector.shape_cast %swap3A_661 : vector<1x64x128xf32> to vector<64x128xf32>
    %swap3A_663 = vector.shape_cast %slice3A_657 : vector<64x128xf32> to vector<1x64x128xf32>
    tpu.vector_store %arg3[%swap3A_658, %swap3A_659, %swap3A_660], %swap3A_663 {strides = array<i32>} : memref<1x64x16384xf32, #tpu.memory_space<vmem>>, vector<1x64x128xf32>,
    %slice3A_664 = vector.extract_strided_slice %transpose3A_656 {offsets = [64, 0], sizes = [64, 128], strides = [1, 1]} : vector<128x128xf32> to vector<64x128xf32>
    %swap3A_665 = arith.constant 0 : index
    %swap3A_666 = arith.constant 0 : index
    %swap3A_667 = arith.constant 10624 : index
    %swap3A_668 = vector.load %arg3[%swap3A_665, %swap3A_666, %swap3A_667] : memref<1x64x16384xf32, #tpu.memory_space<vmem>>, vector<1x64x128xf32>
    %swap3A_669 = vector.shape_cast %swap3A_668 : vector<1x64x128xf32> to vector<64x128xf32>
    %swap3A_670 = vector.shape_cast %slice3A_664 : vector<64x128xf32> to vector<1x64x128xf32>
    tpu.vector_store %arg3[%swap3A_665, %swap3A_666, %swap3A_667], %swap3A_670 {strides = array<i32>} : memref<1x64x16384xf32, #tpu.memory_space<vmem>>, vector<1x64x128xf32>,
    %slice3A_671 = vector.extract_strided_slice %get3A_1 {offsets = [5376, 0], sizes = [128, 128], strides = [1, 1]} : vector<8192x128xf32> to vector<128x128xf32>
    %transpose3A_672 = tpu.transpose %slice3A_671, [1, 0] : vector<128x128xf32> -> vector<128x128xf32>
    %slice3A_673 = vector.extract_strided_slice %transpose3A_672 {offsets = [0, 0], sizes = [64, 128], strides = [1, 1]} : vector<128x128xf32> to vector<64x128xf32>
    %swap3A_674 = arith.constant 0 : index
    %swap3A_675 = arith.constant 0 : index
    %swap3A_676 = arith.constant 10752 : index
    %swap3A_677 = vector.load %arg3[%swap3A_674, %swap3A_675, %swap3A_676] : memref<1x64x16384xf32, #tpu.memory_space<vmem>>, vector<1x64x128xf32>
    %swap3A_678 = vector.shape_cast %swap3A_677 : vector<1x64x128xf32> to vector<64x128xf32>
    %swap3A_679 = vector.shape_cast %slice3A_673 : vector<64x128xf32> to vector<1x64x128xf32>
    tpu.vector_store %arg3[%swap3A_674, %swap3A_675, %swap3A_676], %swap3A_679 {strides = array<i32>} : memref<1x64x16384xf32, #tpu.memory_space<vmem>>, vector<1x64x128xf32>,
    %slice3A_680 = vector.extract_strided_slice %transpose3A_672 {offsets = [64, 0], sizes = [64, 128], strides = [1, 1]} : vector<128x128xf32> to vector<64x128xf32>
    %swap3A_681 = arith.constant 0 : index
    %swap3A_682 = arith.constant 0 : index
    %swap3A_683 = arith.constant 10880 : index
    %swap3A_684 = vector.load %arg3[%swap3A_681, %swap3A_682, %swap3A_683] : memref<1x64x16384xf32, #tpu.memory_space<vmem>>, vector<1x64x128xf32>
    %swap3A_685 = vector.shape_cast %swap3A_684 : vector<1x64x128xf32> to vector<64x128xf32>
    %swap3A_686 = vector.shape_cast %slice3A_680 : vector<64x128xf32> to vector<1x64x128xf32>
    tpu.vector_store %arg3[%swap3A_681, %swap3A_682, %swap3A_683], %swap3A_686 {strides = array<i32>} : memref<1x64x16384xf32, #tpu.memory_space<vmem>>, vector<1x64x128xf32>,
    %slice3A_687 = vector.extract_strided_slice %get3A_1 {offsets = [5504, 0], sizes = [128, 128], strides = [1, 1]} : vector<8192x128xf32> to vector<128x128xf32>
    %transpose3A_688 = tpu.transpose %slice3A_687, [1, 0] : vector<128x128xf32> -> vector<128x128xf32>
    %slice3A_689 = vector.extract_strided_slice %transpose3A_688 {offsets = [0, 0], sizes = [64, 128], strides = [1, 1]} : vector<128x128xf32> to vector<64x128xf32>
    %swap3A_690 = arith.constant 0 : index
    %swap3A_691 = arith.constant 0 : index
    %swap3A_692 = arith.constant 11008 : index
    %swap3A_693 = vector.load %arg3[%swap3A_690, %swap3A_691, %swap3A_692] : memref<1x64x16384xf32, #tpu.memory_space<vmem>>, vector<1x64x128xf32>
    %swap3A_694 = vector.shape_cast %swap3A_693 : vector<1x64x128xf32> to vector<64x128xf32>
    %swap3A_695 = vector.shape_cast %slice3A_689 : vector<64x128xf32> to vector<1x64x128xf32>
    tpu.vector_store %arg3[%swap3A_690, %swap3A_691, %swap3A_692], %swap3A_695 {strides = array<i32>} : memref<1x64x16384xf32, #tpu.memory_space<vmem>>, vector<1x64x128xf32>,
    %slice3A_696 = vector.extract_strided_slice %transpose3A_688 {offsets = [64, 0], sizes = [64, 128], strides = [1, 1]} : vector<128x128xf32> to vector<64x128xf32>
    %swap3A_697 = arith.constant 0 : index
    %swap3A_698 = arith.constant 0 : index
    %swap3A_699 = arith.constant 11136 : index
    %swap3A_700 = vector.load %arg3[%swap3A_697, %swap3A_698, %swap3A_699] : memref<1x64x16384xf32, #tpu.memory_space<vmem>>, vector<1x64x128xf32>
    %swap3A_701 = vector.shape_cast %swap3A_700 : vector<1x64x128xf32> to vector<64x128xf32>
    %swap3A_702 = vector.shape_cast %slice3A_696 : vector<64x128xf32> to vector<1x64x128xf32>
    tpu.vector_store %arg3[%swap3A_697, %swap3A_698, %swap3A_699], %swap3A_702 {strides = array<i32>} : memref<1x64x16384xf32, #tpu.memory_space<vmem>>, vector<1x64x128xf32>,
    %slice3A_703 = vector.extract_strided_slice %get3A_1 {offsets = [5632, 0], sizes = [128, 128], strides = [1, 1]} : vector<8192x128xf32> to vector<128x128xf32>
    %transpose3A_704 = tpu.transpose %slice3A_703, [1, 0] : vector<128x128xf32> -> vector<128x128xf32>
    %slice3A_705 = vector.extract_strided_slice %transpose3A_704 {offsets = [0, 0], sizes = [64, 128], strides = [1, 1]} : vector<128x128xf32> to vector<64x128xf32>
    %swap3A_706 = arith.constant 0 : index
    %swap3A_707 = arith.constant 0 : index
    %swap3A_708 = arith.constant 11264 : index
    %swap3A_709 = vector.load %arg3[%swap3A_706, %swap3A_707, %swap3A_708] : memref<1x64x16384xf32, #tpu.memory_space<vmem>>, vector<1x64x128xf32>
    %swap3A_710 = vector.shape_cast %swap3A_709 : vector<1x64x128xf32> to vector<64x128xf32>
    %swap3A_711 = vector.shape_cast %slice3A_705 : vector<64x128xf32> to vector<1x64x128xf32>
    tpu.vector_store %arg3[%swap3A_706, %swap3A_707, %swap3A_708], %swap3A_711 {strides = array<i32>} : memref<1x64x16384xf32, #tpu.memory_space<vmem>>, vector<1x64x128xf32>,
    %slice3A_712 = vector.extract_strided_slice %transpose3A_704 {offsets = [64, 0], sizes = [64, 128], strides = [1, 1]} : vector<128x128xf32> to vector<64x128xf32>
    %swap3A_713 = arith.constant 0 : index
    %swap3A_714 = arith.constant 0 : index
    %swap3A_715 = arith.constant 11392 : index
    %swap3A_716 = vector.load %arg3[%swap3A_713, %swap3A_714, %swap3A_715] : memref<1x64x16384xf32, #tpu.memory_space<vmem>>, vector<1x64x128xf32>
    %swap3A_717 = vector.shape_cast %swap3A_716 : vector<1x64x128xf32> to vector<64x128xf32>
    %swap3A_718 = vector.shape_cast %slice3A_712 : vector<64x128xf32> to vector<1x64x128xf32>
    tpu.vector_store %arg3[%swap3A_713, %swap3A_714, %swap3A_715], %swap3A_718 {strides = array<i32>} : memref<1x64x16384xf32, #tpu.memory_space<vmem>>, vector<1x64x128xf32>,
    %slice3A_719 = vector.extract_strided_slice %get3A_1 {offsets = [5760, 0], sizes = [128, 128], strides = [1, 1]} : vector<8192x128xf32> to vector<128x128xf32>
    %transpose3A_720 = tpu.transpose %slice3A_719, [1, 0] : vector<128x128xf32> -> vector<128x128xf32>
    %slice3A_721 = vector.extract_strided_slice %transpose3A_720 {offsets = [0, 0], sizes = [64, 128], strides = [1, 1]} : vector<128x128xf32> to vector<64x128xf32>
    %swap3A_722 = arith.constant 0 : index
    %swap3A_723 = arith.constant 0 : index
    %swap3A_724 = arith.constant 11520 : index
    %swap3A_725 = vector.load %arg3[%swap3A_722, %swap3A_723, %swap3A_724] : memref<1x64x16384xf32, #tpu.memory_space<vmem>>, vector<1x64x128xf32>
    %swap3A_726 = vector.shape_cast %swap3A_725 : vector<1x64x128xf32> to vector<64x128xf32>
    %swap3A_727 = vector.shape_cast %slice3A_721 : vector<64x128xf32> to vector<1x64x128xf32>
    tpu.vector_store %arg3[%swap3A_722, %swap3A_723, %swap3A_724], %swap3A_727 {strides = array<i32>} : memref<1x64x16384xf32, #tpu.memory_space<vmem>>, vector<1x64x128xf32>,
    %slice3A_728 = vector.extract_strided_slice %transpose3A_720 {offsets = [64, 0], sizes = [64, 128], strides = [1, 1]} : vector<128x128xf32> to vector<64x128xf32>
    %swap3A_729 = arith.constant 0 : index
    %swap3A_730 = arith.constant 0 : index
    %swap3A_731 = arith.constant 11648 : index
    %swap3A_732 = vector.load %arg3[%swap3A_729, %swap3A_730, %swap3A_731] : memref<1x64x16384xf32, #tpu.memory_space<vmem>>, vector<1x64x128xf32>
    %swap3A_733 = vector.shape_cast %swap3A_732 : vector<1x64x128xf32> to vector<64x128xf32>
    %swap3A_734 = vector.shape_cast %slice3A_728 : vector<64x128xf32> to vector<1x64x128xf32>
    tpu.vector_store %arg3[%swap3A_729, %swap3A_730, %swap3A_731], %swap3A_734 {strides = array<i32>} : memref<1x64x16384xf32, #tpu.memory_space<vmem>>, vector<1x64x128xf32>,
    %slice3A_735 = vector.extract_strided_slice %get3A_1 {offsets = [5888, 0], sizes = [128, 128], strides = [1, 1]} : vector<8192x128xf32> to vector<128x128xf32>
    %transpose3A_736 = tpu.transpose %slice3A_735, [1, 0] : vector<128x128xf32> -> vector<128x128xf32>
    %slice3A_737 = vector.extract_strided_slice %transpose3A_736 {offsets = [0, 0], sizes = [64, 128], strides = [1, 1]} : vector<128x128xf32> to vector<64x128xf32>
    %swap3A_738 = arith.constant 0 : index
    %swap3A_739 = arith.constant 0 : index
    %swap3A_740 = arith.constant 11776 : index
    %swap3A_741 = vector.load %arg3[%swap3A_738, %swap3A_739, %swap3A_740] : memref<1x64x16384xf32, #tpu.memory_space<vmem>>, vector<1x64x128xf32>
    %swap3A_742 = vector.shape_cast %swap3A_741 : vector<1x64x128xf32> to vector<64x128xf32>
    %swap3A_743 = vector.shape_cast %slice3A_737 : vector<64x128xf32> to vector<1x64x128xf32>
    tpu.vector_store %arg3[%swap3A_738, %swap3A_739, %swap3A_740], %swap3A_743 {strides = array<i32>} : memref<1x64x16384xf32, #tpu.memory_space<vmem>>, vector<1x64x128xf32>,
    %slice3A_744 = vector.extract_strided_slice %transpose3A_736 {offsets = [64, 0], sizes = [64, 128], strides = [1, 1]} : vector<128x128xf32> to vector<64x128xf32>
    %swap3A_745 = arith.constant 0 : index
    %swap3A_746 = arith.constant 0 : index
    %swap3A_747 = arith.constant 11904 : index
    %swap3A_748 = vector.load %arg3[%swap3A_745, %swap3A_746, %swap3A_747] : memref<1x64x16384xf32, #tpu.memory_space<vmem>>, vector<1x64x128xf32>
    %swap3A_749 = vector.shape_cast %swap3A_748 : vector<1x64x128xf32> to vector<64x128xf32>
    %swap3A_750 = vector.shape_cast %slice3A_744 : vector<64x128xf32> to vector<1x64x128xf32>
    tpu.vector_store %arg3[%swap3A_745, %swap3A_746, %swap3A_747], %swap3A_750 {strides = array<i32>} : memref<1x64x16384xf32, #tpu.memory_space<vmem>>, vector<1x64x128xf32>,
    %slice3A_751 = vector.extract_strided_slice %get3A_1 {offsets = [6016, 0], sizes = [128, 128], strides = [1, 1]} : vector<8192x128xf32> to vector<128x128xf32>
    %transpose3A_752 = tpu.transpose %slice3A_751, [1, 0] : vector<128x128xf32> -> vector<128x128xf32>
    %slice3A_753 = vector.extract_strided_slice %transpose3A_752 {offsets = [0, 0], sizes = [64, 128], strides = [1, 1]} : vector<128x128xf32> to vector<64x128xf32>
    %swap3A_754 = arith.constant 0 : index
    %swap3A_755 = arith.constant 0 : index
    %swap3A_756 = arith.constant 12032 : index
    %swap3A_757 = vector.load %arg3[%swap3A_754, %swap3A_755, %swap3A_756] : memref<1x64x16384xf32, #tpu.memory_space<vmem>>, vector<1x64x128xf32>
    %swap3A_758 = vector.shape_cast %swap3A_757 : vector<1x64x128xf32> to vector<64x128xf32>
    %swap3A_759 = vector.shape_cast %slice3A_753 : vector<64x128xf32> to vector<1x64x128xf32>
    tpu.vector_store %arg3[%swap3A_754, %swap3A_755, %swap3A_756], %swap3A_759 {strides = array<i32>} : memref<1x64x16384xf32, #tpu.memory_space<vmem>>, vector<1x64x128xf32>,
    %slice3A_760 = vector.extract_strided_slice %transpose3A_752 {offsets = [64, 0], sizes = [64, 128], strides = [1, 1]} : vector<128x128xf32> to vector<64x128xf32>
    %swap3A_761 = arith.constant 0 : index
    %swap3A_762 = arith.constant 0 : index
    %swap3A_763 = arith.constant 12160 : index
    %swap3A_764 = vector.load %arg3[%swap3A_761, %swap3A_762, %swap3A_763] : memref<1x64x16384xf32, #tpu.memory_space<vmem>>, vector<1x64x128xf32>
    %swap3A_765 = vector.shape_cast %swap3A_764 : vector<1x64x128xf32> to vector<64x128xf32>
    %swap3A_766 = vector.shape_cast %slice3A_760 : vector<64x128xf32> to vector<1x64x128xf32>
    tpu.vector_store %arg3[%swap3A_761, %swap3A_762, %swap3A_763], %swap3A_766 {strides = array<i32>} : memref<1x64x16384xf32, #tpu.memory_space<vmem>>, vector<1x64x128xf32>,
    %slice3A_767 = vector.extract_strided_slice %get3A_1 {offsets = [6144, 0], sizes = [128, 128], strides = [1, 1]} : vector<8192x128xf32> to vector<128x128xf32>
    %transpose3A_768 = tpu.transpose %slice3A_767, [1, 0] : vector<128x128xf32> -> vector<128x128xf32>
    %slice3A_769 = vector.extract_strided_slice %transpose3A_768 {offsets = [0, 0], sizes = [64, 128], strides = [1, 1]} : vector<128x128xf32> to vector<64x128xf32>
    %swap3A_770 = arith.constant 0 : index
    %swap3A_771 = arith.constant 0 : index
    %swap3A_772 = arith.constant 12288 : index
    %swap3A_773 = vector.load %arg3[%swap3A_770, %swap3A_771, %swap3A_772] : memref<1x64x16384xf32, #tpu.memory_space<vmem>>, vector<1x64x128xf32>
    %swap3A_774 = vector.shape_cast %swap3A_773 : vector<1x64x128xf32> to vector<64x128xf32>
    %swap3A_775 = vector.shape_cast %slice3A_769 : vector<64x128xf32> to vector<1x64x128xf32>
    tpu.vector_store %arg3[%swap3A_770, %swap3A_771, %swap3A_772], %swap3A_775 {strides = array<i32>} : memref<1x64x16384xf32, #tpu.memory_space<vmem>>, vector<1x64x128xf32>,
    %slice3A_776 = vector.extract_strided_slice %transpose3A_768 {offsets = [64, 0], sizes = [64, 128], strides = [1, 1]} : vector<128x128xf32> to vector<64x128xf32>
    %swap3A_777 = arith.constant 0 : index
    %swap3A_778 = arith.constant 0 : index
    %swap3A_779 = arith.constant 12416 : index
    %swap3A_780 = vector.load %arg3[%swap3A_777, %swap3A_778, %swap3A_779] : memref<1x64x16384xf32, #tpu.memory_space<vmem>>, vector<1x64x128xf32>
    %swap3A_781 = vector.shape_cast %swap3A_780 : vector<1x64x128xf32> to vector<64x128xf32>
    %swap3A_782 = vector.shape_cast %slice3A_776 : vector<64x128xf32> to vector<1x64x128xf32>
    tpu.vector_store %arg3[%swap3A_777, %swap3A_778, %swap3A_779], %swap3A_782 {strides = array<i32>} : memref<1x64x16384xf32, #tpu.memory_space<vmem>>, vector<1x64x128xf32>,
    %slice3A_783 = vector.extract_strided_slice %get3A_1 {offsets = [6272, 0], sizes = [128, 128], strides = [1, 1]} : vector<8192x128xf32> to vector<128x128xf32>
    %transpose3A_784 = tpu.transpose %slice3A_783, [1, 0] : vector<128x128xf32> -> vector<128x128xf32>
    %slice3A_785 = vector.extract_strided_slice %transpose3A_784 {offsets = [0, 0], sizes = [64, 128], strides = [1, 1]} : vector<128x128xf32> to vector<64x128xf32>
    %swap3A_786 = arith.constant 0 : index
    %swap3A_787 = arith.constant 0 : index
    %swap3A_788 = arith.constant 12544 : index
    %swap3A_789 = vector.load %arg3[%swap3A_786, %swap3A_787, %swap3A_788] : memref<1x64x16384xf32, #tpu.memory_space<vmem>>, vector<1x64x128xf32>
    %swap3A_790 = vector.shape_cast %swap3A_789 : vector<1x64x128xf32> to vector<64x128xf32>
    %swap3A_791 = vector.shape_cast %slice3A_785 : vector<64x128xf32> to vector<1x64x128xf32>
    tpu.vector_store %arg3[%swap3A_786, %swap3A_787, %swap3A_788], %swap3A_791 {strides = array<i32>} : memref<1x64x16384xf32, #tpu.memory_space<vmem>>, vector<1x64x128xf32>,
    %slice3A_792 = vector.extract_strided_slice %transpose3A_784 {offsets = [64, 0], sizes = [64, 128], strides = [1, 1]} : vector<128x128xf32> to vector<64x128xf32>
    %swap3A_793 = arith.constant 0 : index
    %swap3A_794 = arith.constant 0 : index
    %swap3A_795 = arith.constant 12672 : index
    %swap3A_796 = vector.load %arg3[%swap3A_793, %swap3A_794, %swap3A_795] : memref<1x64x16384xf32, #tpu.memory_space<vmem>>, vector<1x64x128xf32>
    %swap3A_797 = vector.shape_cast %swap3A_796 : vector<1x64x128xf32> to vector<64x128xf32>
    %swap3A_798 = vector.shape_cast %slice3A_792 : vector<64x128xf32> to vector<1x64x128xf32>
    tpu.vector_store %arg3[%swap3A_793, %swap3A_794, %swap3A_795], %swap3A_798 {strides = array<i32>} : memref<1x64x16384xf32, #tpu.memory_space<vmem>>, vector<1x64x128xf32>,
    %slice3A_799 = vector.extract_strided_slice %get3A_1 {offsets = [6400, 0], sizes = [128, 128], strides = [1, 1]} : vector<8192x128xf32> to vector<128x128xf32>
    %transpose3A_800 = tpu.transpose %slice3A_799, [1, 0] : vector<128x128xf32> -> vector<128x128xf32>
    %slice3A_801 = vector.extract_strided_slice %transpose3A_800 {offsets = [0, 0], sizes = [64, 128], strides = [1, 1]} : vector<128x128xf32> to vector<64x128xf32>
    %swap3A_802 = arith.constant 0 : index
    %swap3A_803 = arith.constant 0 : index
    %swap3A_804 = arith.constant 12800 : index
    %swap3A_805 = vector.load %arg3[%swap3A_802, %swap3A_803, %swap3A_804] : memref<1x64x16384xf32, #tpu.memory_space<vmem>>, vector<1x64x128xf32>
    %swap3A_806 = vector.shape_cast %swap3A_805 : vector<1x64x128xf32> to vector<64x128xf32>
    %swap3A_807 = vector.shape_cast %slice3A_801 : vector<64x128xf32> to vector<1x64x128xf32>
    tpu.vector_store %arg3[%swap3A_802, %swap3A_803, %swap3A_804], %swap3A_807 {strides = array<i32>} : memref<1x64x16384xf32, #tpu.memory_space<vmem>>, vector<1x64x128xf32>,
    %slice3A_808 = vector.extract_strided_slice %transpose3A_800 {offsets = [64, 0], sizes = [64, 128], strides = [1, 1]} : vector<128x128xf32> to vector<64x128xf32>
    %swap3A_809 = arith.constant 0 : index
    %swap3A_810 = arith.constant 0 : index
    %swap3A_811 = arith.constant 12928 : index
    %swap3A_812 = vector.load %arg3[%swap3A_809, %swap3A_810, %swap3A_811] : memref<1x64x16384xf32, #tpu.memory_space<vmem>>, vector<1x64x128xf32>
    %swap3A_813 = vector.shape_cast %swap3A_812 : vector<1x64x128xf32> to vector<64x128xf32>
    %swap3A_814 = vector.shape_cast %slice3A_808 : vector<64x128xf32> to vector<1x64x128xf32>
    tpu.vector_store %arg3[%swap3A_809, %swap3A_810, %swap3A_811], %swap3A_814 {strides = array<i32>} : memref<1x64x16384xf32, #tpu.memory_space<vmem>>, vector<1x64x128xf32>,
    %slice3A_815 = vector.extract_strided_slice %get3A_1 {offsets = [6528, 0], sizes = [128, 128], strides = [1, 1]} : vector<8192x128xf32> to vector<128x128xf32>
    %transpose3A_816 = tpu.transpose %slice3A_815, [1, 0] : vector<128x128xf32> -> vector<128x128xf32>
    %slice3A_817 = vector.extract_strided_slice %transpose3A_816 {offsets = [0, 0], sizes = [64, 128], strides = [1, 1]} : vector<128x128xf32> to vector<64x128xf32>
    %swap3A_818 = arith.constant 0 : index
    %swap3A_819 = arith.constant 0 : index
    %swap3A_820 = arith.constant 13056 : index
    %swap3A_821 = vector.load %arg3[%swap3A_818, %swap3A_819, %swap3A_820] : memref<1x64x16384xf32, #tpu.memory_space<vmem>>, vector<1x64x128xf32>
    %swap3A_822 = vector.shape_cast %swap3A_821 : vector<1x64x128xf32> to vector<64x128xf32>
    %swap3A_823 = vector.shape_cast %slice3A_817 : vector<64x128xf32> to vector<1x64x128xf32>
    tpu.vector_store %arg3[%swap3A_818, %swap3A_819, %swap3A_820], %swap3A_823 {strides = array<i32>} : memref<1x64x16384xf32, #tpu.memory_space<vmem>>, vector<1x64x128xf32>,
    %slice3A_824 = vector.extract_strided_slice %transpose3A_816 {offsets = [64, 0], sizes = [64, 128], strides = [1, 1]} : vector<128x128xf32> to vector<64x128xf32>
    %swap3A_825 = arith.constant 0 : index
    %swap3A_826 = arith.constant 0 : index
    %swap3A_827 = arith.constant 13184 : index
    %swap3A_828 = vector.load %arg3[%swap3A_825, %swap3A_826, %swap3A_827] : memref<1x64x16384xf32, #tpu.memory_space<vmem>>, vector<1x64x128xf32>
    %swap3A_829 = vector.shape_cast %swap3A_828 : vector<1x64x128xf32> to vector<64x128xf32>
    %swap3A_830 = vector.shape_cast %slice3A_824 : vector<64x128xf32> to vector<1x64x128xf32>
    tpu.vector_store %arg3[%swap3A_825, %swap3A_826, %swap3A_827], %swap3A_830 {strides = array<i32>} : memref<1x64x16384xf32, #tpu.memory_space<vmem>>, vector<1x64x128xf32>,
    %slice3A_831 = vector.extract_strided_slice %get3A_1 {offsets = [6656, 0], sizes = [128, 128], strides = [1, 1]} : vector<8192x128xf32> to vector<128x128xf32>
    %transpose3A_832 = tpu.transpose %slice3A_831, [1, 0] : vector<128x128xf32> -> vector<128x128xf32>
    %slice3A_833 = vector.extract_strided_slice %transpose3A_832 {offsets = [0, 0], sizes = [64, 128], strides = [1, 1]} : vector<128x128xf32> to vector<64x128xf32>
    %swap3A_834 = arith.constant 0 : index
    %swap3A_835 = arith.constant 0 : index
    %swap3A_836 = arith.constant 13312 : index
    %swap3A_837 = vector.load %arg3[%swap3A_834, %swap3A_835, %swap3A_836] : memref<1x64x16384xf32, #tpu.memory_space<vmem>>, vector<1x64x128xf32>
    %swap3A_838 = vector.shape_cast %swap3A_837 : vector<1x64x128xf32> to vector<64x128xf32>
    %swap3A_839 = vector.shape_cast %slice3A_833 : vector<64x128xf32> to vector<1x64x128xf32>
    tpu.vector_store %arg3[%swap3A_834, %swap3A_835, %swap3A_836], %swap3A_839 {strides = array<i32>} : memref<1x64x16384xf32, #tpu.memory_space<vmem>>, vector<1x64x128xf32>,
    %slice3A_840 = vector.extract_strided_slice %transpose3A_832 {offsets = [64, 0], sizes = [64, 128], strides = [1, 1]} : vector<128x128xf32> to vector<64x128xf32>
    %swap3A_841 = arith.constant 0 : index
    %swap3A_842 = arith.constant 0 : index
    %swap3A_843 = arith.constant 13440 : index
    %swap3A_844 = vector.load %arg3[%swap3A_841, %swap3A_842, %swap3A_843] : memref<1x64x16384xf32, #tpu.memory_space<vmem>>, vector<1x64x128xf32>
    %swap3A_845 = vector.shape_cast %swap3A_844 : vector<1x64x128xf32> to vector<64x128xf32>
    %swap3A_846 = vector.shape_cast %slice3A_840 : vector<64x128xf32> to vector<1x64x128xf32>
    tpu.vector_store %arg3[%swap3A_841, %swap3A_842, %swap3A_843], %swap3A_846 {strides = array<i32>} : memref<1x64x16384xf32, #tpu.memory_space<vmem>>, vector<1x64x128xf32>,
    %slice3A_847 = vector.extract_strided_slice %get3A_1 {offsets = [6784, 0], sizes = [128, 128], strides = [1, 1]} : vector<8192x128xf32> to vector<128x128xf32>
    %transpose3A_848 = tpu.transpose %slice3A_847, [1, 0] : vector<128x128xf32> -> vector<128x128xf32>
    %slice3A_849 = vector.extract_strided_slice %transpose3A_848 {offsets = [0, 0], sizes = [64, 128], strides = [1, 1]} : vector<128x128xf32> to vector<64x128xf32>
    %swap3A_850 = arith.constant 0 : index
    %swap3A_851 = arith.constant 0 : index
    %swap3A_852 = arith.constant 13568 : index
    %swap3A_853 = vector.load %arg3[%swap3A_850, %swap3A_851, %swap3A_852] : memref<1x64x16384xf32, #tpu.memory_space<vmem>>, vector<1x64x128xf32>
    %swap3A_854 = vector.shape_cast %swap3A_853 : vector<1x64x128xf32> to vector<64x128xf32>
    %swap3A_855 = vector.shape_cast %slice3A_849 : vector<64x128xf32> to vector<1x64x128xf32>
    tpu.vector_store %arg3[%swap3A_850, %swap3A_851, %swap3A_852], %swap3A_855 {strides = array<i32>} : memref<1x64x16384xf32, #tpu.memory_space<vmem>>, vector<1x64x128xf32>,
    %slice3A_856 = vector.extract_strided_slice %transpose3A_848 {offsets = [64, 0], sizes = [64, 128], strides = [1, 1]} : vector<128x128xf32> to vector<64x128xf32>
    %swap3A_857 = arith.constant 0 : index
    %swap3A_858 = arith.constant 0 : index
    %swap3A_859 = arith.constant 13696 : index
    %swap3A_860 = vector.load %arg3[%swap3A_857, %swap3A_858, %swap3A_859] : memref<1x64x16384xf32, #tpu.memory_space<vmem>>, vector<1x64x128xf32>
    %swap3A_861 = vector.shape_cast %swap3A_860 : vector<1x64x128xf32> to vector<64x128xf32>
    %swap3A_862 = vector.shape_cast %slice3A_856 : vector<64x128xf32> to vector<1x64x128xf32>
    tpu.vector_store %arg3[%swap3A_857, %swap3A_858, %swap3A_859], %swap3A_862 {strides = array<i32>} : memref<1x64x16384xf32, #tpu.memory_space<vmem>>, vector<1x64x128xf32>,
    %slice3A_863 = vector.extract_strided_slice %get3A_1 {offsets = [6912, 0], sizes = [128, 128], strides = [1, 1]} : vector<8192x128xf32> to vector<128x128xf32>
    %transpose3A_864 = tpu.transpose %slice3A_863, [1, 0] : vector<128x128xf32> -> vector<128x128xf32>
    %slice3A_865 = vector.extract_strided_slice %transpose3A_864 {offsets = [0, 0], sizes = [64, 128], strides = [1, 1]} : vector<128x128xf32> to vector<64x128xf32>
    %swap3A_866 = arith.constant 0 : index
    %swap3A_867 = arith.constant 0 : index
    %swap3A_868 = arith.constant 13824 : index
    %swap3A_869 = vector.load %arg3[%swap3A_866, %swap3A_867, %swap3A_868] : memref<1x64x16384xf32, #tpu.memory_space<vmem>>, vector<1x64x128xf32>
    %swap3A_870 = vector.shape_cast %swap3A_869 : vector<1x64x128xf32> to vector<64x128xf32>
    %swap3A_871 = vector.shape_cast %slice3A_865 : vector<64x128xf32> to vector<1x64x128xf32>
    tpu.vector_store %arg3[%swap3A_866, %swap3A_867, %swap3A_868], %swap3A_871 {strides = array<i32>} : memref<1x64x16384xf32, #tpu.memory_space<vmem>>, vector<1x64x128xf32>,
    %slice3A_872 = vector.extract_strided_slice %transpose3A_864 {offsets = [64, 0], sizes = [64, 128], strides = [1, 1]} : vector<128x128xf32> to vector<64x128xf32>
    %swap3A_873 = arith.constant 0 : index
    %swap3A_874 = arith.constant 0 : index
    %swap3A_875 = arith.constant 13952 : index
    %swap3A_876 = vector.load %arg3[%swap3A_873, %swap3A_874, %swap3A_875] : memref<1x64x16384xf32, #tpu.memory_space<vmem>>, vector<1x64x128xf32>
    %swap3A_877 = vector.shape_cast %swap3A_876 : vector<1x64x128xf32> to vector<64x128xf32>
    %swap3A_878 = vector.shape_cast %slice3A_872 : vector<64x128xf32> to vector<1x64x128xf32>
    tpu.vector_store %arg3[%swap3A_873, %swap3A_874, %swap3A_875], %swap3A_878 {strides = array<i32>} : memref<1x64x16384xf32, #tpu.memory_space<vmem>>, vector<1x64x128xf32>,
    %slice3A_879 = vector.extract_strided_slice %get3A_1 {offsets = [7040, 0], sizes = [128, 128], strides = [1, 1]} : vector<8192x128xf32> to vector<128x128xf32>
    %transpose3A_880 = tpu.transpose %slice3A_879, [1, 0] : vector<128x128xf32> -> vector<128x128xf32>
    %slice3A_881 = vector.extract_strided_slice %transpose3A_880 {offsets = [0, 0], sizes = [64, 128], strides = [1, 1]} : vector<128x128xf32> to vector<64x128xf32>
    %swap3A_882 = arith.constant 0 : index
    %swap3A_883 = arith.constant 0 : index
    %swap3A_884 = arith.constant 14080 : index
    %swap3A_885 = vector.load %arg3[%swap3A_882, %swap3A_883, %swap3A_884] : memref<1x64x16384xf32, #tpu.memory_space<vmem>>, vector<1x64x128xf32>
    %swap3A_886 = vector.shape_cast %swap3A_885 : vector<1x64x128xf32> to vector<64x128xf32>
    %swap3A_887 = vector.shape_cast %slice3A_881 : vector<64x128xf32> to vector<1x64x128xf32>
    tpu.vector_store %arg3[%swap3A_882, %swap3A_883, %swap3A_884], %swap3A_887 {strides = array<i32>} : memref<1x64x16384xf32, #tpu.memory_space<vmem>>, vector<1x64x128xf32>,
    %slice3A_888 = vector.extract_strided_slice %transpose3A_880 {offsets = [64, 0], sizes = [64, 128], strides = [1, 1]} : vector<128x128xf32> to vector<64x128xf32>
    %swap3A_889 = arith.constant 0 : index
    %swap3A_890 = arith.constant 0 : index
    %swap3A_891 = arith.constant 14208 : index
    %swap3A_892 = vector.load %arg3[%swap3A_889, %swap3A_890, %swap3A_891] : memref<1x64x16384xf32, #tpu.memory_space<vmem>>, vector<1x64x128xf32>
    %swap3A_893 = vector.shape_cast %swap3A_892 : vector<1x64x128xf32> to vector<64x128xf32>
    %swap3A_894 = vector.shape_cast %slice3A_888 : vector<64x128xf32> to vector<1x64x128xf32>
    tpu.vector_store %arg3[%swap3A_889, %swap3A_890, %swap3A_891], %swap3A_894 {strides = array<i32>} : memref<1x64x16384xf32, #tpu.memory_space<vmem>>, vector<1x64x128xf32>,
    %slice3A_895 = vector.extract_strided_slice %get3A_1 {offsets = [7168, 0], sizes = [128, 128], strides = [1, 1]} : vector<8192x128xf32> to vector<128x128xf32>
    %transpose3A_896 = tpu.transpose %slice3A_895, [1, 0] : vector<128x128xf32> -> vector<128x128xf32>
    %slice3A_897 = vector.extract_strided_slice %transpose3A_896 {offsets = [0, 0], sizes = [64, 128], strides = [1, 1]} : vector<128x128xf32> to vector<64x128xf32>
    %swap3A_898 = arith.constant 0 : index
    %swap3A_899 = arith.constant 0 : index
    %swap3A_900 = arith.constant 14336 : index
    %swap3A_901 = vector.load %arg3[%swap3A_898, %swap3A_899, %swap3A_900] : memref<1x64x16384xf32, #tpu.memory_space<vmem>>, vector<1x64x128xf32>
    %swap3A_902 = vector.shape_cast %swap3A_901 : vector<1x64x128xf32> to vector<64x128xf32>
    %swap3A_903 = vector.shape_cast %slice3A_897 : vector<64x128xf32> to vector<1x64x128xf32>
    tpu.vector_store %arg3[%swap3A_898, %swap3A_899, %swap3A_900], %swap3A_903 {strides = array<i32>} : memref<1x64x16384xf32, #tpu.memory_space<vmem>>, vector<1x64x128xf32>,
    %slice3A_904 = vector.extract_strided_slice %transpose3A_896 {offsets = [64, 0], sizes = [64, 128], strides = [1, 1]} : vector<128x128xf32> to vector<64x128xf32>
    %swap3A_905 = arith.constant 0 : index
    %swap3A_906 = arith.constant 0 : index
    %swap3A_907 = arith.constant 14464 : index
    %swap3A_908 = vector.load %arg3[%swap3A_905, %swap3A_906, %swap3A_907] : memref<1x64x16384xf32, #tpu.memory_space<vmem>>, vector<1x64x128xf32>
    %swap3A_909 = vector.shape_cast %swap3A_908 : vector<1x64x128xf32> to vector<64x128xf32>
    %swap3A_910 = vector.shape_cast %slice3A_904 : vector<64x128xf32> to vector<1x64x128xf32>
    tpu.vector_store %arg3[%swap3A_905, %swap3A_906, %swap3A_907], %swap3A_910 {strides = array<i32>} : memref<1x64x16384xf32, #tpu.memory_space<vmem>>, vector<1x64x128xf32>,
    %slice3A_911 = vector.extract_strided_slice %get3A_1 {offsets = [7296, 0], sizes = [128, 128], strides = [1, 1]} : vector<8192x128xf32> to vector<128x128xf32>
    %transpose3A_912 = tpu.transpose %slice3A_911, [1, 0] : vector<128x128xf32> -> vector<128x128xf32>
    %slice3A_913 = vector.extract_strided_slice %transpose3A_912 {offsets = [0, 0], sizes = [64, 128], strides = [1, 1]} : vector<128x128xf32> to vector<64x128xf32>
    %swap3A_914 = arith.constant 0 : index
    %swap3A_915 = arith.constant 0 : index
    %swap3A_916 = arith.constant 14592 : index
    %swap3A_917 = vector.load %arg3[%swap3A_914, %swap3A_915, %swap3A_916] : memref<1x64x16384xf32, #tpu.memory_space<vmem>>, vector<1x64x128xf32>
    %swap3A_918 = vector.shape_cast %swap3A_917 : vector<1x64x128xf32> to vector<64x128xf32>
    %swap3A_919 = vector.shape_cast %slice3A_913 : vector<64x128xf32> to vector<1x64x128xf32>
    tpu.vector_store %arg3[%swap3A_914, %swap3A_915, %swap3A_916], %swap3A_919 {strides = array<i32>} : memref<1x64x16384xf32, #tpu.memory_space<vmem>>, vector<1x64x128xf32>,
    %slice3A_920 = vector.extract_strided_slice %transpose3A_912 {offsets = [64, 0], sizes = [64, 128], strides = [1, 1]} : vector<128x128xf32> to vector<64x128xf32>
    %swap3A_921 = arith.constant 0 : index
    %swap3A_922 = arith.constant 0 : index
    %swap3A_923 = arith.constant 14720 : index
    %swap3A_924 = vector.load %arg3[%swap3A_921, %swap3A_922, %swap3A_923] : memref<1x64x16384xf32, #tpu.memory_space<vmem>>, vector<1x64x128xf32>
    %swap3A_925 = vector.shape_cast %swap3A_924 : vector<1x64x128xf32> to vector<64x128xf32>
    %swap3A_926 = vector.shape_cast %slice3A_920 : vector<64x128xf32> to vector<1x64x128xf32>
    tpu.vector_store %arg3[%swap3A_921, %swap3A_922, %swap3A_923], %swap3A_926 {strides = array<i32>} : memref<1x64x16384xf32, #tpu.memory_space<vmem>>, vector<1x64x128xf32>,
    %slice3A_927 = vector.extract_strided_slice %get3A_1 {offsets = [7424, 0], sizes = [128, 128], strides = [1, 1]} : vector<8192x128xf32> to vector<128x128xf32>
    %transpose3A_928 = tpu.transpose %slice3A_927, [1, 0] : vector<128x128xf32> -> vector<128x128xf32>
    %slice3A_929 = vector.extract_strided_slice %transpose3A_928 {offsets = [0, 0], sizes = [64, 128], strides = [1, 1]} : vector<128x128xf32> to vector<64x128xf32>
    %swap3A_930 = arith.constant 0 : index
    %swap3A_931 = arith.constant 0 : index
    %swap3A_932 = arith.constant 14848 : index
    %swap3A_933 = vector.load %arg3[%swap3A_930, %swap3A_931, %swap3A_932] : memref<1x64x16384xf32, #tpu.memory_space<vmem>>, vector<1x64x128xf32>
    %swap3A_934 = vector.shape_cast %swap3A_933 : vector<1x64x128xf32> to vector<64x128xf32>
    %swap3A_935 = vector.shape_cast %slice3A_929 : vector<64x128xf32> to vector<1x64x128xf32>
    tpu.vector_store %arg3[%swap3A_930, %swap3A_931, %swap3A_932], %swap3A_935 {strides = array<i32>} : memref<1x64x16384xf32, #tpu.memory_space<vmem>>, vector<1x64x128xf32>,
    %slice3A_936 = vector.extract_strided_slice %transpose3A_928 {offsets = [64, 0], sizes = [64, 128], strides = [1, 1]} : vector<128x128xf32> to vector<64x128xf32>
    %swap3A_937 = arith.constant 0 : index
    %swap3A_938 = arith.constant 0 : index
    %swap3A_939 = arith.constant 14976 : index
    %swap3A_940 = vector.load %arg3[%swap3A_937, %swap3A_938, %swap3A_939] : memref<1x64x16384xf32, #tpu.memory_space<vmem>>, vector<1x64x128xf32>
    %swap3A_941 = vector.shape_cast %swap3A_940 : vector<1x64x128xf32> to vector<64x128xf32>
    %swap3A_942 = vector.shape_cast %slice3A_936 : vector<64x128xf32> to vector<1x64x128xf32>
    tpu.vector_store %arg3[%swap3A_937, %swap3A_938, %swap3A_939], %swap3A_942 {strides = array<i32>} : memref<1x64x16384xf32, #tpu.memory_space<vmem>>, vector<1x64x128xf32>,
    %slice3A_943 = vector.extract_strided_slice %get3A_1 {offsets = [7552, 0], sizes = [128, 128], strides = [1, 1]} : vector<8192x128xf32> to vector<128x128xf32>
    %transpose3A_944 = tpu.transpose %slice3A_943, [1, 0] : vector<128x128xf32> -> vector<128x128xf32>
    %slice3A_945 = vector.extract_strided_slice %transpose3A_944 {offsets = [0, 0], sizes = [64, 128], strides = [1, 1]} : vector<128x128xf32> to vector<64x128xf32>
    %swap3A_946 = arith.constant 0 : index
    %swap3A_947 = arith.constant 0 : index
    %swap3A_948 = arith.constant 15104 : index
    %swap3A_949 = vector.load %arg3[%swap3A_946, %swap3A_947, %swap3A_948] : memref<1x64x16384xf32, #tpu.memory_space<vmem>>, vector<1x64x128xf32>
    %swap3A_950 = vector.shape_cast %swap3A_949 : vector<1x64x128xf32> to vector<64x128xf32>
    %swap3A_951 = vector.shape_cast %slice3A_945 : vector<64x128xf32> to vector<1x64x128xf32>
    tpu.vector_store %arg3[%swap3A_946, %swap3A_947, %swap3A_948], %swap3A_951 {strides = array<i32>} : memref<1x64x16384xf32, #tpu.memory_space<vmem>>, vector<1x64x128xf32>,
    %slice3A_952 = vector.extract_strided_slice %transpose3A_944 {offsets = [64, 0], sizes = [64, 128], strides = [1, 1]} : vector<128x128xf32> to vector<64x128xf32>
    %swap3A_953 = arith.constant 0 : index
    %swap3A_954 = arith.constant 0 : index
    %swap3A_955 = arith.constant 15232 : index
    %swap3A_956 = vector.load %arg3[%swap3A_953, %swap3A_954, %swap3A_955] : memref<1x64x16384xf32, #tpu.memory_space<vmem>>, vector<1x64x128xf32>
    %swap3A_957 = vector.shape_cast %swap3A_956 : vector<1x64x128xf32> to vector<64x128xf32>
    %swap3A_958 = vector.shape_cast %slice3A_952 : vector<64x128xf32> to vector<1x64x128xf32>
    tpu.vector_store %arg3[%swap3A_953, %swap3A_954, %swap3A_955], %swap3A_958 {strides = array<i32>} : memref<1x64x16384xf32, #tpu.memory_space<vmem>>, vector<1x64x128xf32>,
    %slice3A_959 = vector.extract_strided_slice %get3A_1 {offsets = [7680, 0], sizes = [128, 128], strides = [1, 1]} : vector<8192x128xf32> to vector<128x128xf32>
    %transpose3A_960 = tpu.transpose %slice3A_959, [1, 0] : vector<128x128xf32> -> vector<128x128xf32>
    %slice3A_961 = vector.extract_strided_slice %transpose3A_960 {offsets = [0, 0], sizes = [64, 128], strides = [1, 1]} : vector<128x128xf32> to vector<64x128xf32>
    %swap3A_962 = arith.constant 0 : index
    %swap3A_963 = arith.constant 0 : index
    %swap3A_964 = arith.constant 15360 : index
    %swap3A_965 = vector.load %arg3[%swap3A_962, %swap3A_963, %swap3A_964] : memref<1x64x16384xf32, #tpu.memory_space<vmem>>, vector<1x64x128xf32>
    %swap3A_966 = vector.shape_cast %swap3A_965 : vector<1x64x128xf32> to vector<64x128xf32>
    %swap3A_967 = vector.shape_cast %slice3A_961 : vector<64x128xf32> to vector<1x64x128xf32>
    tpu.vector_store %arg3[%swap3A_962, %swap3A_963, %swap3A_964], %swap3A_967 {strides = array<i32>} : memref<1x64x16384xf32, #tpu.memory_space<vmem>>, vector<1x64x128xf32>,
    %slice3A_968 = vector.extract_strided_slice %transpose3A_960 {offsets = [64, 0], sizes = [64, 128], strides = [1, 1]} : vector<128x128xf32> to vector<64x128xf32>
    %swap3A_969 = arith.constant 0 : index
    %swap3A_970 = arith.constant 0 : index
    %swap3A_971 = arith.constant 15488 : index
    %swap3A_972 = vector.load %arg3[%swap3A_969, %swap3A_970, %swap3A_971] : memref<1x64x16384xf32, #tpu.memory_space<vmem>>, vector<1x64x128xf32>
    %swap3A_973 = vector.shape_cast %swap3A_972 : vector<1x64x128xf32> to vector<64x128xf32>
    %swap3A_974 = vector.shape_cast %slice3A_968 : vector<64x128xf32> to vector<1x64x128xf32>
    tpu.vector_store %arg3[%swap3A_969, %swap3A_970, %swap3A_971], %swap3A_974 {strides = array<i32>} : memref<1x64x16384xf32, #tpu.memory_space<vmem>>, vector<1x64x128xf32>,
    %slice3A_975 = vector.extract_strided_slice %get3A_1 {offsets = [7808, 0], sizes = [128, 128], strides = [1, 1]} : vector<8192x128xf32> to vector<128x128xf32>
    %transpose3A_976 = tpu.transpose %slice3A_975, [1, 0] : vector<128x128xf32> -> vector<128x128xf32>
    %slice3A_977 = vector.extract_strided_slice %transpose3A_976 {offsets = [0, 0], sizes = [64, 128], strides = [1, 1]} : vector<128x128xf32> to vector<64x128xf32>
    %swap3A_978 = arith.constant 0 : index
    %swap3A_979 = arith.constant 0 : index
    %swap3A_980 = arith.constant 15616 : index
    %swap3A_981 = vector.load %arg3[%swap3A_978, %swap3A_979, %swap3A_980] : memref<1x64x16384xf32, #tpu.memory_space<vmem>>, vector<1x64x128xf32>
    %swap3A_982 = vector.shape_cast %swap3A_981 : vector<1x64x128xf32> to vector<64x128xf32>
    %swap3A_983 = vector.shape_cast %slice3A_977 : vector<64x128xf32> to vector<1x64x128xf32>
    tpu.vector_store %arg3[%swap3A_978, %swap3A_979, %swap3A_980], %swap3A_983 {strides = array<i32>} : memref<1x64x16384xf32, #tpu.memory_space<vmem>>, vector<1x64x128xf32>,
    %slice3A_984 = vector.extract_strided_slice %transpose3A_976 {offsets = [64, 0], sizes = [64, 128], strides = [1, 1]} : vector<128x128xf32> to vector<64x128xf32>
    %swap3A_985 = arith.constant 0 : index
    %swap3A_986 = arith.constant 0 : index
    %swap3A_987 = arith.constant 15744 : index
    %swap3A_988 = vector.load %arg3[%swap3A_985, %swap3A_986, %swap3A_987] : memref<1x64x16384xf32, #tpu.memory_space<vmem>>, vector<1x64x128xf32>
    %swap3A_989 = vector.shape_cast %swap3A_988 : vector<1x64x128xf32> to vector<64x128xf32>
    %swap3A_990 = vector.shape_cast %slice3A_984 : vector<64x128xf32> to vector<1x64x128xf32>
    tpu.vector_store %arg3[%swap3A_985, %swap3A_986, %swap3A_987], %swap3A_990 {strides = array<i32>} : memref<1x64x16384xf32, #tpu.memory_space<vmem>>, vector<1x64x128xf32>,
    %slice3A_991 = vector.extract_strided_slice %get3A_1 {offsets = [7936, 0], sizes = [128, 128], strides = [1, 1]} : vector<8192x128xf32> to vector<128x128xf32>
    %transpose3A_992 = tpu.transpose %slice3A_991, [1, 0] : vector<128x128xf32> -> vector<128x128xf32>
    %slice3A_993 = vector.extract_strided_slice %transpose3A_992 {offsets = [0, 0], sizes = [64, 128], strides = [1, 1]} : vector<128x128xf32> to vector<64x128xf32>
    %swap3A_994 = arith.constant 0 : index
    %swap3A_995 = arith.constant 0 : index
    %swap3A_996 = arith.constant 15872 : index
    %swap3A_997 = vector.load %arg3[%swap3A_994, %swap3A_995, %swap3A_996] : memref<1x64x16384xf32, #tpu.memory_space<vmem>>, vector<1x64x128xf32>
    %swap3A_998 = vector.shape_cast %swap3A_997 : vector<1x64x128xf32> to vector<64x128xf32>
    %swap3A_999 = vector.shape_cast %slice3A_993 : vector<64x128xf32> to vector<1x64x128xf32>
    tpu.vector_store %arg3[%swap3A_994, %swap3A_995, %swap3A_996], %swap3A_999 {strides = array<i32>} : memref<1x64x16384xf32, #tpu.memory_space<vmem>>, vector<1x64x128xf32>,
    %slice3A_1000 = vector.extract_strided_slice %transpose3A_992 {offsets = [64, 0], sizes = [64, 128], strides = [1, 1]} : vector<128x128xf32> to vector<64x128xf32>
    %swap3A_1001 = arith.constant 0 : index
    %swap3A_1002 = arith.constant 0 : index
    %swap3A_1003 = arith.constant 16000 : index
    %swap3A_1004 = vector.load %arg3[%swap3A_1001, %swap3A_1002, %swap3A_1003] : memref<1x64x16384xf32, #tpu.memory_space<vmem>>, vector<1x64x128xf32>
    %swap3A_1005 = vector.shape_cast %swap3A_1004 : vector<1x64x128xf32> to vector<64x128xf32>
    %swap3A_1006 = vector.shape_cast %slice3A_1000 : vector<64x128xf32> to vector<1x64x128xf32>
    tpu.vector_store %arg3[%swap3A_1001, %swap3A_1002, %swap3A_1003], %swap3A_1006 {strides = array<i32>} : memref<1x64x16384xf32, #tpu.memory_space<vmem>>, vector<1x64x128xf32>,
    %slice3A_1007 = vector.extract_strided_slice %get3A_1 {offsets = [8064, 0], sizes = [128, 128], strides = [1, 1]} : vector<8192x128xf32> to vector<128x128xf32>
    %transpose3A_1008 = tpu.transpose %slice3A_1007, [1, 0] : vector<128x128xf32> -> vector<128x128xf32>
    %slice3A_1009 = vector.extract_strided_slice %transpose3A_1008 {offsets = [0, 0], sizes = [64, 128], strides = [1, 1]} : vector<128x128xf32> to vector<64x128xf32>
    %swap3A_1010 = arith.constant 0 : index
    %swap3A_1011 = arith.constant 0 : index
    %swap3A_1012 = arith.constant 16128 : index
    %swap3A_1013 = vector.load %arg3[%swap3A_1010, %swap3A_1011, %swap3A_1012] : memref<1x64x16384xf32, #tpu.memory_space<vmem>>, vector<1x64x128xf32>
    %swap3A_1014 = vector.shape_cast %swap3A_1013 : vector<1x64x128xf32> to vector<64x128xf32>
    %swap3A_1015 = vector.shape_cast %slice3A_1009 : vector<64x128xf32> to vector<1x64x128xf32>
    tpu.vector_store %arg3[%swap3A_1010, %swap3A_1011, %swap3A_1012], %swap3A_1015 {strides = array<i32>} : memref<1x64x16384xf32, #tpu.memory_space<vmem>>, vector<1x64x128xf32>,
    %slice3A_1016 = vector.extract_strided_slice %transpose3A_1008 {offsets = [64, 0], sizes = [64, 128], strides = [1, 1]} : vector<128x128xf32> to vector<64x128xf32>
    %swap3A_1017 = arith.constant 0 : index
    %swap3A_1018 = arith.constant 0 : index
    %swap3A_1019 = arith.constant 16256 : index
    %swap3A_1020 = vector.load %arg3[%swap3A_1017, %swap3A_1018, %swap3A_1019] : memref<1x64x16384xf32, #tpu.memory_space<vmem>>, vector<1x64x128xf32>
    %swap3A_1021 = vector.shape_cast %swap3A_1020 : vector<1x64x128xf32> to vector<64x128xf32>
    %swap3A_1022 = vector.shape_cast %slice3A_1016 : vector<64x128xf32> to vector<1x64x128xf32>
    tpu.vector_store %arg3[%swap3A_1017, %swap3A_1018, %swap3A_1019], %swap3A_1022 {strides = array<i32>} : memref<1x64x16384xf32, #tpu.memory_space<vmem>>, vector<1x64x128xf32>,
    return
  }
  func.func @transform_0(%arg0: i32, %arg1: i32) -> (i32, i32) {
    %mul3A = arith.constant 1 : i32
    %mul3A_0 = arith.muli %arg0, %mul3A : i32
    %add3A = arith.addi %mul3A_0, %arg1 : i32
    %c0_i32 = arith.constant 0 : i32
    %c0_i32_1 = arith.constant 0 : i32
    return %add3A, %c0_i32 : i32, i32
  }
  func.func @transform_1(%arg0: i32, %arg1: i32) -> (i32, i32, i32) {
    %add3A = arith.constant 0 : i32
    %add3A_0 = arith.addi %arg0, %add3A : i32
    %c0_i32 = arith.constant 0 : i32
    %c0_i32_1 = arith.constant 0 : i32
    return %add3A_0, %c0_i32, %arg1 : i32, i32, i32
  }
}

module attributes {stable_mosaic.version = 14 : i64} {
  func.func @_tpose_alias_body(%arg0: i32, %arg1: i32, %arg2: memref<8192x128xf32, #tpu.memory_space<vmem>>, %arg3: memref<50x64x16384xf32, #tpu.memory_space<any>>, %arg4: memref<1x64x16384xf32, #tpu.memory_space<vmem>>) attributes {dimension_semantics = [#tpu.dimension_semantics<arbitrary>, #tpu.dimension_semantics<arbitrary>], iteration_bounds = array<i64: 25, 1>, scalar_prefetch = 0 : i64, scratch_operands = 0 : i64, tpu.core_type = #tpu.core_type<tc>, window_params = [{transform_indices = @transform_0, window_bounds = array<i64: 8192, 128>}, {}, {transform_indices = @transform_2, window_bounds = array<i64: 1, 64, 16384>}]} {
    %get3A = arith.constant 0 : index
    %get3A_0 = arith.constant 0 : index
    %get3A_1 = vector.load %arg2[%get3A, %get3A_0] : memref<8192x128xf32, #tpu.memory_space<vmem>>, vector<8192x128xf32>
    %slice3A = vector.extract_strided_slice %get3A_1 {offsets = [0, 0], sizes = [128, 128], strides = [1, 1]} : vector<8192x128xf32> to vector<128x128xf32>
    %transpose3A = tpu.transpose %slice3A, [1, 0] : vector<128x128xf32> -> vector<128x128xf32>
    %slice3A_2 = vector.extract_strided_slice %transpose3A {offsets = [0, 0], sizes = [64, 128], strides = [1, 1]} : vector<128x128xf32> to vector<64x128xf32>
    %swap3A = arith.constant 0 : index
    %swap3A_3 = arith.constant 0 : index
    %swap3A_4 = arith.constant 0 : index
    %swap3A_5 = vector.load %arg4[%swap3A, %swap3A_3, %swap3A_4] : memref<1x64x16384xf32, #tpu.memory_space<vmem>>, vector<1x64x128xf32>
    %swap3A_6 = vector.shape_cast %swap3A_5 : vector<1x64x128xf32> to vector<64x128xf32>
    %swap3A_7 = vector.shape_cast %slice3A_2 : vector<64x128xf32> to vector<1x64x128xf32>
    tpu.vector_store %arg4[%swap3A, %swap3A_3, %swap3A_4], %swap3A_7 {strides = array<i32>} : memref<1x64x16384xf32, #tpu.memory_space<vmem>>, vector<1x64x128xf32>,
    %slice3A_8 = vector.extract_strided_slice %transpose3A {offsets = [64, 0], sizes = [64, 128], strides = [1, 1]} : vector<128x128xf32> to vector<64x128xf32>
    %swap3A_9 = arith.constant 0 : index
    %swap3A_10 = arith.constant 0 : index
    %swap3A_11 = arith.constant 128 : index
    %swap3A_12 = vector.load %arg4[%swap3A_9, %swap3A_10, %swap3A_11] : memref<1x64x16384xf32, #tpu.memory_space<vmem>>, vector<1x64x128xf32>
    %swap3A_13 = vector.shape_cast %swap3A_12 : vector<1x64x128xf32> to vector<64x128xf32>
    %swap3A_14 = vector.shape_cast %slice3A_8 : vector<64x128xf32> to vector<1x64x128xf32>
    tpu.vector_store %arg4[%swap3A_9, %swap3A_10, %swap3A_11], %swap3A_14 {strides = array<i32>} : memref<1x64x16384xf32, #tpu.memory_space<vmem>>, vector<1x64x128xf32>,
    %slice3A_15 = vector.extract_strided_slice %get3A_1 {offsets = [128, 0], sizes = [128, 128], strides = [1, 1]} : vector<8192x128xf32> to vector<128x128xf32>
    %transpose3A_16 = tpu.transpose %slice3A_15, [1, 0] : vector<128x128xf32> -> vector<128x128xf32>
    %slice3A_17 = vector.extract_strided_slice %transpose3A_16 {offsets = [0, 0], sizes = [64, 128], strides = [1, 1]} : vector<128x128xf32> to vector<64x128xf32>
    %swap3A_18 = arith.constant 0 : index
    %swap3A_19 = arith.constant 0 : index
    %swap3A_20 = arith.constant 256 : index
    %swap3A_21 = vector.load %arg4[%swap3A_18, %swap3A_19, %swap3A_20] : memref<1x64x16384xf32, #tpu.memory_space<vmem>>, vector<1x64x128xf32>
    %swap3A_22 = vector.shape_cast %swap3A_21 : vector<1x64x128xf32> to vector<64x128xf32>
    %swap3A_23 = vector.shape_cast %slice3A_17 : vector<64x128xf32> to vector<1x64x128xf32>
    tpu.vector_store %arg4[%swap3A_18, %swap3A_19, %swap3A_20], %swap3A_23 {strides = array<i32>} : memref<1x64x16384xf32, #tpu.memory_space<vmem>>, vector<1x64x128xf32>,
    %slice3A_24 = vector.extract_strided_slice %transpose3A_16 {offsets = [64, 0], sizes = [64, 128], strides = [1, 1]} : vector<128x128xf32> to vector<64x128xf32>
    %swap3A_25 = arith.constant 0 : index
    %swap3A_26 = arith.constant 0 : index
    %swap3A_27 = arith.constant 384 : index
    %swap3A_28 = vector.load %arg4[%swap3A_25, %swap3A_26, %swap3A_27] : memref<1x64x16384xf32, #tpu.memory_space<vmem>>, vector<1x64x128xf32>
    %swap3A_29 = vector.shape_cast %swap3A_28 : vector<1x64x128xf32> to vector<64x128xf32>
    %swap3A_30 = vector.shape_cast %slice3A_24 : vector<64x128xf32> to vector<1x64x128xf32>
    tpu.vector_store %arg4[%swap3A_25, %swap3A_26, %swap3A_27], %swap3A_30 {strides = array<i32>} : memref<1x64x16384xf32, #tpu.memory_space<vmem>>, vector<1x64x128xf32>,
    %slice3A_31 = vector.extract_strided_slice %get3A_1 {offsets = [256, 0], sizes = [128, 128], strides = [1, 1]} : vector<8192x128xf32> to vector<128x128xf32>
    %transpose3A_32 = tpu.transpose %slice3A_31, [1, 0] : vector<128x128xf32> -> vector<128x128xf32>
    %slice3A_33 = vector.extract_strided_slice %transpose3A_32 {offsets = [0, 0], sizes = [64, 128], strides = [1, 1]} : vector<128x128xf32> to vector<64x128xf32>
    %swap3A_34 = arith.constant 0 : index
    %swap3A_35 = arith.constant 0 : index
    %swap3A_36 = arith.constant 512 : index
    %swap3A_37 = vector.load %arg4[%swap3A_34, %swap3A_35, %swap3A_36] : memref<1x64x16384xf32, #tpu.memory_space<vmem>>, vector<1x64x128xf32>
    %swap3A_38 = vector.shape_cast %swap3A_37 : vector<1x64x128xf32> to vector<64x128xf32>
    %swap3A_39 = vector.shape_cast %slice3A_33 : vector<64x128xf32> to vector<1x64x128xf32>
    tpu.vector_store %arg4[%swap3A_34, %swap3A_35, %swap3A_36], %swap3A_39 {strides = array<i32>} : memref<1x64x16384xf32, #tpu.memory_space<vmem>>, vector<1x64x128xf32>,
    %slice3A_40 = vector.extract_strided_slice %transpose3A_32 {offsets = [64, 0], sizes = [64, 128], strides = [1, 1]} : vector<128x128xf32> to vector<64x128xf32>
    %swap3A_41 = arith.constant 0 : index
    %swap3A_42 = arith.constant 0 : index
    %swap3A_43 = arith.constant 640 : index
    %swap3A_44 = vector.load %arg4[%swap3A_41, %swap3A_42, %swap3A_43] : memref<1x64x16384xf32, #tpu.memory_space<vmem>>, vector<1x64x128xf32>
    %swap3A_45 = vector.shape_cast %swap3A_44 : vector<1x64x128xf32> to vector<64x128xf32>
    %swap3A_46 = vector.shape_cast %slice3A_40 : vector<64x128xf32> to vector<1x64x128xf32>
    tpu.vector_store %arg4[%swap3A_41, %swap3A_42, %swap3A_43], %swap3A_46 {strides = array<i32>} : memref<1x64x16384xf32, #tpu.memory_space<vmem>>, vector<1x64x128xf32>,
    %slice3A_47 = vector.extract_strided_slice %get3A_1 {offsets = [384, 0], sizes = [128, 128], strides = [1, 1]} : vector<8192x128xf32> to vector<128x128xf32>
    %transpose3A_48 = tpu.transpose %slice3A_47, [1, 0] : vector<128x128xf32> -> vector<128x128xf32>
    %slice3A_49 = vector.extract_strided_slice %transpose3A_48 {offsets = [0, 0], sizes = [64, 128], strides = [1, 1]} : vector<128x128xf32> to vector<64x128xf32>
    %swap3A_50 = arith.constant 0 : index
    %swap3A_51 = arith.constant 0 : index
    %swap3A_52 = arith.constant 768 : index
    %swap3A_53 = vector.load %arg4[%swap3A_50, %swap3A_51, %swap3A_52] : memref<1x64x16384xf32, #tpu.memory_space<vmem>>, vector<1x64x128xf32>
    %swap3A_54 = vector.shape_cast %swap3A_53 : vector<1x64x128xf32> to vector<64x128xf32>
    %swap3A_55 = vector.shape_cast %slice3A_49 : vector<64x128xf32> to vector<1x64x128xf32>
    tpu.vector_store %arg4[%swap3A_50, %swap3A_51, %swap3A_52], %swap3A_55 {strides = array<i32>} : memref<1x64x16384xf32, #tpu.memory_space<vmem>>, vector<1x64x128xf32>,
    %slice3A_56 = vector.extract_strided_slice %transpose3A_48 {offsets = [64, 0], sizes = [64, 128], strides = [1, 1]} : vector<128x128xf32> to vector<64x128xf32>
    %swap3A_57 = arith.constant 0 : index
    %swap3A_58 = arith.constant 0 : index
    %swap3A_59 = arith.constant 896 : index
    %swap3A_60 = vector.load %arg4[%swap3A_57, %swap3A_58, %swap3A_59] : memref<1x64x16384xf32, #tpu.memory_space<vmem>>, vector<1x64x128xf32>
    %swap3A_61 = vector.shape_cast %swap3A_60 : vector<1x64x128xf32> to vector<64x128xf32>
    %swap3A_62 = vector.shape_cast %slice3A_56 : vector<64x128xf32> to vector<1x64x128xf32>
    tpu.vector_store %arg4[%swap3A_57, %swap3A_58, %swap3A_59], %swap3A_62 {strides = array<i32>} : memref<1x64x16384xf32, #tpu.memory_space<vmem>>, vector<1x64x128xf32>,
    %slice3A_63 = vector.extract_strided_slice %get3A_1 {offsets = [512, 0], sizes = [128, 128], strides = [1, 1]} : vector<8192x128xf32> to vector<128x128xf32>
    %transpose3A_64 = tpu.transpose %slice3A_63, [1, 0] : vector<128x128xf32> -> vector<128x128xf32>
    %slice3A_65 = vector.extract_strided_slice %transpose3A_64 {offsets = [0, 0], sizes = [64, 128], strides = [1, 1]} : vector<128x128xf32> to vector<64x128xf32>
    %swap3A_66 = arith.constant 0 : index
    %swap3A_67 = arith.constant 0 : index
    %swap3A_68 = arith.constant 1024 : index
    %swap3A_69 = vector.load %arg4[%swap3A_66, %swap3A_67, %swap3A_68] : memref<1x64x16384xf32, #tpu.memory_space<vmem>>, vector<1x64x128xf32>
    %swap3A_70 = vector.shape_cast %swap3A_69 : vector<1x64x128xf32> to vector<64x128xf32>
    %swap3A_71 = vector.shape_cast %slice3A_65 : vector<64x128xf32> to vector<1x64x128xf32>
    tpu.vector_store %arg4[%swap3A_66, %swap3A_67, %swap3A_68], %swap3A_71 {strides = array<i32>} : memref<1x64x16384xf32, #tpu.memory_space<vmem>>, vector<1x64x128xf32>,
    %slice3A_72 = vector.extract_strided_slice %transpose3A_64 {offsets = [64, 0], sizes = [64, 128], strides = [1, 1]} : vector<128x128xf32> to vector<64x128xf32>
    %swap3A_73 = arith.constant 0 : index
    %swap3A_74 = arith.constant 0 : index
    %swap3A_75 = arith.constant 1152 : index
    %swap3A_76 = vector.load %arg4[%swap3A_73, %swap3A_74, %swap3A_75] : memref<1x64x16384xf32, #tpu.memory_space<vmem>>, vector<1x64x128xf32>
    %swap3A_77 = vector.shape_cast %swap3A_76 : vector<1x64x128xf32> to vector<64x128xf32>
    %swap3A_78 = vector.shape_cast %slice3A_72 : vector<64x128xf32> to vector<1x64x128xf32>
    tpu.vector_store %arg4[%swap3A_73, %swap3A_74, %swap3A_75], %swap3A_78 {strides = array<i32>} : memref<1x64x16384xf32, #tpu.memory_space<vmem>>, vector<1x64x128xf32>,
    %slice3A_79 = vector.extract_strided_slice %get3A_1 {offsets = [640, 0], sizes = [128, 128], strides = [1, 1]} : vector<8192x128xf32> to vector<128x128xf32>
    %transpose3A_80 = tpu.transpose %slice3A_79, [1, 0] : vector<128x128xf32> -> vector<128x128xf32>
    %slice3A_81 = vector.extract_strided_slice %transpose3A_80 {offsets = [0, 0], sizes = [64, 128], strides = [1, 1]} : vector<128x128xf32> to vector<64x128xf32>
    %swap3A_82 = arith.constant 0 : index
    %swap3A_83 = arith.constant 0 : index
    %swap3A_84 = arith.constant 1280 : index
    %swap3A_85 = vector.load %arg4[%swap3A_82, %swap3A_83, %swap3A_84] : memref<1x64x16384xf32, #tpu.memory_space<vmem>>, vector<1x64x128xf32>
    %swap3A_86 = vector.shape_cast %swap3A_85 : vector<1x64x128xf32> to vector<64x128xf32>
    %swap3A_87 = vector.shape_cast %slice3A_81 : vector<64x128xf32> to vector<1x64x128xf32>
    tpu.vector_store %arg4[%swap3A_82, %swap3A_83, %swap3A_84], %swap3A_87 {strides = array<i32>} : memref<1x64x16384xf32, #tpu.memory_space<vmem>>, vector<1x64x128xf32>,
    %slice3A_88 = vector.extract_strided_slice %transpose3A_80 {offsets = [64, 0], sizes = [64, 128], strides = [1, 1]} : vector<128x128xf32> to vector<64x128xf32>
    %swap3A_89 = arith.constant 0 : index
    %swap3A_90 = arith.constant 0 : index
    %swap3A_91 = arith.constant 1408 : index
    %swap3A_92 = vector.load %arg4[%swap3A_89, %swap3A_90, %swap3A_91] : memref<1x64x16384xf32, #tpu.memory_space<vmem>>, vector<1x64x128xf32>
    %swap3A_93 = vector.shape_cast %swap3A_92 : vector<1x64x128xf32> to vector<64x128xf32>
    %swap3A_94 = vector.shape_cast %slice3A_88 : vector<64x128xf32> to vector<1x64x128xf32>
    tpu.vector_store %arg4[%swap3A_89, %swap3A_90, %swap3A_91], %swap3A_94 {strides = array<i32>} : memref<1x64x16384xf32, #tpu.memory_space<vmem>>, vector<1x64x128xf32>,
    %slice3A_95 = vector.extract_strided_slice %get3A_1 {offsets = [768, 0], sizes = [128, 128], strides = [1, 1]} : vector<8192x128xf32> to vector<128x128xf32>
    %transpose3A_96 = tpu.transpose %slice3A_95, [1, 0] : vector<128x128xf32> -> vector<128x128xf32>
    %slice3A_97 = vector.extract_strided_slice %transpose3A_96 {offsets = [0, 0], sizes = [64, 128], strides = [1, 1]} : vector<128x128xf32> to vector<64x128xf32>
    %swap3A_98 = arith.constant 0 : index
    %swap3A_99 = arith.constant 0 : index
    %swap3A_100 = arith.constant 1536 : index
    %swap3A_101 = vector.load %arg4[%swap3A_98, %swap3A_99, %swap3A_100] : memref<1x64x16384xf32, #tpu.memory_space<vmem>>, vector<1x64x128xf32>
    %swap3A_102 = vector.shape_cast %swap3A_101 : vector<1x64x128xf32> to vector<64x128xf32>
    %swap3A_103 = vector.shape_cast %slice3A_97 : vector<64x128xf32> to vector<1x64x128xf32>
    tpu.vector_store %arg4[%swap3A_98, %swap3A_99, %swap3A_100], %swap3A_103 {strides = array<i32>} : memref<1x64x16384xf32, #tpu.memory_space<vmem>>, vector<1x64x128xf32>,
    %slice3A_104 = vector.extract_strided_slice %transpose3A_96 {offsets = [64, 0], sizes = [64, 128], strides = [1, 1]} : vector<128x128xf32> to vector<64x128xf32>
    %swap3A_105 = arith.constant 0 : index
    %swap3A_106 = arith.constant 0 : index
    %swap3A_107 = arith.constant 1664 : index
    %swap3A_108 = vector.load %arg4[%swap3A_105, %swap3A_106, %swap3A_107] : memref<1x64x16384xf32, #tpu.memory_space<vmem>>, vector<1x64x128xf32>
    %swap3A_109 = vector.shape_cast %swap3A_108 : vector<1x64x128xf32> to vector<64x128xf32>
    %swap3A_110 = vector.shape_cast %slice3A_104 : vector<64x128xf32> to vector<1x64x128xf32>
    tpu.vector_store %arg4[%swap3A_105, %swap3A_106, %swap3A_107], %swap3A_110 {strides = array<i32>} : memref<1x64x16384xf32, #tpu.memory_space<vmem>>, vector<1x64x128xf32>,
    %slice3A_111 = vector.extract_strided_slice %get3A_1 {offsets = [896, 0], sizes = [128, 128], strides = [1, 1]} : vector<8192x128xf32> to vector<128x128xf32>
    %transpose3A_112 = tpu.transpose %slice3A_111, [1, 0] : vector<128x128xf32> -> vector<128x128xf32>
    %slice3A_113 = vector.extract_strided_slice %transpose3A_112 {offsets = [0, 0], sizes = [64, 128], strides = [1, 1]} : vector<128x128xf32> to vector<64x128xf32>
    %swap3A_114 = arith.constant 0 : index
    %swap3A_115 = arith.constant 0 : index
    %swap3A_116 = arith.constant 1792 : index
    %swap3A_117 = vector.load %arg4[%swap3A_114, %swap3A_115, %swap3A_116] : memref<1x64x16384xf32, #tpu.memory_space<vmem>>, vector<1x64x128xf32>
    %swap3A_118 = vector.shape_cast %swap3A_117 : vector<1x64x128xf32> to vector<64x128xf32>
    %swap3A_119 = vector.shape_cast %slice3A_113 : vector<64x128xf32> to vector<1x64x128xf32>
    tpu.vector_store %arg4[%swap3A_114, %swap3A_115, %swap3A_116], %swap3A_119 {strides = array<i32>} : memref<1x64x16384xf32, #tpu.memory_space<vmem>>, vector<1x64x128xf32>,
    %slice3A_120 = vector.extract_strided_slice %transpose3A_112 {offsets = [64, 0], sizes = [64, 128], strides = [1, 1]} : vector<128x128xf32> to vector<64x128xf32>
    %swap3A_121 = arith.constant 0 : index
    %swap3A_122 = arith.constant 0 : index
    %swap3A_123 = arith.constant 1920 : index
    %swap3A_124 = vector.load %arg4[%swap3A_121, %swap3A_122, %swap3A_123] : memref<1x64x16384xf32, #tpu.memory_space<vmem>>, vector<1x64x128xf32>
    %swap3A_125 = vector.shape_cast %swap3A_124 : vector<1x64x128xf32> to vector<64x128xf32>
    %swap3A_126 = vector.shape_cast %slice3A_120 : vector<64x128xf32> to vector<1x64x128xf32>
    tpu.vector_store %arg4[%swap3A_121, %swap3A_122, %swap3A_123], %swap3A_126 {strides = array<i32>} : memref<1x64x16384xf32, #tpu.memory_space<vmem>>, vector<1x64x128xf32>,
    %slice3A_127 = vector.extract_strided_slice %get3A_1 {offsets = [1024, 0], sizes = [128, 128], strides = [1, 1]} : vector<8192x128xf32> to vector<128x128xf32>
    %transpose3A_128 = tpu.transpose %slice3A_127, [1, 0] : vector<128x128xf32> -> vector<128x128xf32>
    %slice3A_129 = vector.extract_strided_slice %transpose3A_128 {offsets = [0, 0], sizes = [64, 128], strides = [1, 1]} : vector<128x128xf32> to vector<64x128xf32>
    %swap3A_130 = arith.constant 0 : index
    %swap3A_131 = arith.constant 0 : index
    %swap3A_132 = arith.constant 2048 : index
    %swap3A_133 = vector.load %arg4[%swap3A_130, %swap3A_131, %swap3A_132] : memref<1x64x16384xf32, #tpu.memory_space<vmem>>, vector<1x64x128xf32>
    %swap3A_134 = vector.shape_cast %swap3A_133 : vector<1x64x128xf32> to vector<64x128xf32>
    %swap3A_135 = vector.shape_cast %slice3A_129 : vector<64x128xf32> to vector<1x64x128xf32>
    tpu.vector_store %arg4[%swap3A_130, %swap3A_131, %swap3A_132], %swap3A_135 {strides = array<i32>} : memref<1x64x16384xf32, #tpu.memory_space<vmem>>, vector<1x64x128xf32>,
    %slice3A_136 = vector.extract_strided_slice %transpose3A_128 {offsets = [64, 0], sizes = [64, 128], strides = [1, 1]} : vector<128x128xf32> to vector<64x128xf32>
    %swap3A_137 = arith.constant 0 : index
    %swap3A_138 = arith.constant 0 : index
    %swap3A_139 = arith.constant 2176 : index
    %swap3A_140 = vector.load %arg4[%swap3A_137, %swap3A_138, %swap3A_139] : memref<1x64x16384xf32, #tpu.memory_space<vmem>>, vector<1x64x128xf32>
    %swap3A_141 = vector.shape_cast %swap3A_140 : vector<1x64x128xf32> to vector<64x128xf32>
    %swap3A_142 = vector.shape_cast %slice3A_136 : vector<64x128xf32> to vector<1x64x128xf32>
    tpu.vector_store %arg4[%swap3A_137, %swap3A_138, %swap3A_139], %swap3A_142 {strides = array<i32>} : memref<1x64x16384xf32, #tpu.memory_space<vmem>>, vector<1x64x128xf32>,
    %slice3A_143 = vector.extract_strided_slice %get3A_1 {offsets = [1152, 0], sizes = [128, 128], strides = [1, 1]} : vector<8192x128xf32> to vector<128x128xf32>
    %transpose3A_144 = tpu.transpose %slice3A_143, [1, 0] : vector<128x128xf32> -> vector<128x128xf32>
    %slice3A_145 = vector.extract_strided_slice %transpose3A_144 {offsets = [0, 0], sizes = [64, 128], strides = [1, 1]} : vector<128x128xf32> to vector<64x128xf32>
    %swap3A_146 = arith.constant 0 : index
    %swap3A_147 = arith.constant 0 : index
    %swap3A_148 = arith.constant 2304 : index
    %swap3A_149 = vector.load %arg4[%swap3A_146, %swap3A_147, %swap3A_148] : memref<1x64x16384xf32, #tpu.memory_space<vmem>>, vector<1x64x128xf32>
    %swap3A_150 = vector.shape_cast %swap3A_149 : vector<1x64x128xf32> to vector<64x128xf32>
    %swap3A_151 = vector.shape_cast %slice3A_145 : vector<64x128xf32> to vector<1x64x128xf32>
    tpu.vector_store %arg4[%swap3A_146, %swap3A_147, %swap3A_148], %swap3A_151 {strides = array<i32>} : memref<1x64x16384xf32, #tpu.memory_space<vmem>>, vector<1x64x128xf32>,
    %slice3A_152 = vector.extract_strided_slice %transpose3A_144 {offsets = [64, 0], sizes = [64, 128], strides = [1, 1]} : vector<128x128xf32> to vector<64x128xf32>
    %swap3A_153 = arith.constant 0 : index
    %swap3A_154 = arith.constant 0 : index
    %swap3A_155 = arith.constant 2432 : index
    %swap3A_156 = vector.load %arg4[%swap3A_153, %swap3A_154, %swap3A_155] : memref<1x64x16384xf32, #tpu.memory_space<vmem>>, vector<1x64x128xf32>
    %swap3A_157 = vector.shape_cast %swap3A_156 : vector<1x64x128xf32> to vector<64x128xf32>
    %swap3A_158 = vector.shape_cast %slice3A_152 : vector<64x128xf32> to vector<1x64x128xf32>
    tpu.vector_store %arg4[%swap3A_153, %swap3A_154, %swap3A_155], %swap3A_158 {strides = array<i32>} : memref<1x64x16384xf32, #tpu.memory_space<vmem>>, vector<1x64x128xf32>,
    %slice3A_159 = vector.extract_strided_slice %get3A_1 {offsets = [1280, 0], sizes = [128, 128], strides = [1, 1]} : vector<8192x128xf32> to vector<128x128xf32>
    %transpose3A_160 = tpu.transpose %slice3A_159, [1, 0] : vector<128x128xf32> -> vector<128x128xf32>
    %slice3A_161 = vector.extract_strided_slice %transpose3A_160 {offsets = [0, 0], sizes = [64, 128], strides = [1, 1]} : vector<128x128xf32> to vector<64x128xf32>
    %swap3A_162 = arith.constant 0 : index
    %swap3A_163 = arith.constant 0 : index
    %swap3A_164 = arith.constant 2560 : index
    %swap3A_165 = vector.load %arg4[%swap3A_162, %swap3A_163, %swap3A_164] : memref<1x64x16384xf32, #tpu.memory_space<vmem>>, vector<1x64x128xf32>
    %swap3A_166 = vector.shape_cast %swap3A_165 : vector<1x64x128xf32> to vector<64x128xf32>
    %swap3A_167 = vector.shape_cast %slice3A_161 : vector<64x128xf32> to vector<1x64x128xf32>
    tpu.vector_store %arg4[%swap3A_162, %swap3A_163, %swap3A_164], %swap3A_167 {strides = array<i32>} : memref<1x64x16384xf32, #tpu.memory_space<vmem>>, vector<1x64x128xf32>,
    %slice3A_168 = vector.extract_strided_slice %transpose3A_160 {offsets = [64, 0], sizes = [64, 128], strides = [1, 1]} : vector<128x128xf32> to vector<64x128xf32>
    %swap3A_169 = arith.constant 0 : index
    %swap3A_170 = arith.constant 0 : index
    %swap3A_171 = arith.constant 2688 : index
    %swap3A_172 = vector.load %arg4[%swap3A_169, %swap3A_170, %swap3A_171] : memref<1x64x16384xf32, #tpu.memory_space<vmem>>, vector<1x64x128xf32>
    %swap3A_173 = vector.shape_cast %swap3A_172 : vector<1x64x128xf32> to vector<64x128xf32>
    %swap3A_174 = vector.shape_cast %slice3A_168 : vector<64x128xf32> to vector<1x64x128xf32>
    tpu.vector_store %arg4[%swap3A_169, %swap3A_170, %swap3A_171], %swap3A_174 {strides = array<i32>} : memref<1x64x16384xf32, #tpu.memory_space<vmem>>, vector<1x64x128xf32>,
    %slice3A_175 = vector.extract_strided_slice %get3A_1 {offsets = [1408, 0], sizes = [128, 128], strides = [1, 1]} : vector<8192x128xf32> to vector<128x128xf32>
    %transpose3A_176 = tpu.transpose %slice3A_175, [1, 0] : vector<128x128xf32> -> vector<128x128xf32>
    %slice3A_177 = vector.extract_strided_slice %transpose3A_176 {offsets = [0, 0], sizes = [64, 128], strides = [1, 1]} : vector<128x128xf32> to vector<64x128xf32>
    %swap3A_178 = arith.constant 0 : index
    %swap3A_179 = arith.constant 0 : index
    %swap3A_180 = arith.constant 2816 : index
    %swap3A_181 = vector.load %arg4[%swap3A_178, %swap3A_179, %swap3A_180] : memref<1x64x16384xf32, #tpu.memory_space<vmem>>, vector<1x64x128xf32>
    %swap3A_182 = vector.shape_cast %swap3A_181 : vector<1x64x128xf32> to vector<64x128xf32>
    %swap3A_183 = vector.shape_cast %slice3A_177 : vector<64x128xf32> to vector<1x64x128xf32>
    tpu.vector_store %arg4[%swap3A_178, %swap3A_179, %swap3A_180], %swap3A_183 {strides = array<i32>} : memref<1x64x16384xf32, #tpu.memory_space<vmem>>, vector<1x64x128xf32>,
    %slice3A_184 = vector.extract_strided_slice %transpose3A_176 {offsets = [64, 0], sizes = [64, 128], strides = [1, 1]} : vector<128x128xf32> to vector<64x128xf32>
    %swap3A_185 = arith.constant 0 : index
    %swap3A_186 = arith.constant 0 : index
    %swap3A_187 = arith.constant 2944 : index
    %swap3A_188 = vector.load %arg4[%swap3A_185, %swap3A_186, %swap3A_187] : memref<1x64x16384xf32, #tpu.memory_space<vmem>>, vector<1x64x128xf32>
    %swap3A_189 = vector.shape_cast %swap3A_188 : vector<1x64x128xf32> to vector<64x128xf32>
    %swap3A_190 = vector.shape_cast %slice3A_184 : vector<64x128xf32> to vector<1x64x128xf32>
    tpu.vector_store %arg4[%swap3A_185, %swap3A_186, %swap3A_187], %swap3A_190 {strides = array<i32>} : memref<1x64x16384xf32, #tpu.memory_space<vmem>>, vector<1x64x128xf32>,
    %slice3A_191 = vector.extract_strided_slice %get3A_1 {offsets = [1536, 0], sizes = [128, 128], strides = [1, 1]} : vector<8192x128xf32> to vector<128x128xf32>
    %transpose3A_192 = tpu.transpose %slice3A_191, [1, 0] : vector<128x128xf32> -> vector<128x128xf32>
    %slice3A_193 = vector.extract_strided_slice %transpose3A_192 {offsets = [0, 0], sizes = [64, 128], strides = [1, 1]} : vector<128x128xf32> to vector<64x128xf32>
    %swap3A_194 = arith.constant 0 : index
    %swap3A_195 = arith.constant 0 : index
    %swap3A_196 = arith.constant 3072 : index
    %swap3A_197 = vector.load %arg4[%swap3A_194, %swap3A_195, %swap3A_196] : memref<1x64x16384xf32, #tpu.memory_space<vmem>>, vector<1x64x128xf32>
    %swap3A_198 = vector.shape_cast %swap3A_197 : vector<1x64x128xf32> to vector<64x128xf32>
    %swap3A_199 = vector.shape_cast %slice3A_193 : vector<64x128xf32> to vector<1x64x128xf32>
    tpu.vector_store %arg4[%swap3A_194, %swap3A_195, %swap3A_196], %swap3A_199 {strides = array<i32>} : memref<1x64x16384xf32, #tpu.memory_space<vmem>>, vector<1x64x128xf32>,
    %slice3A_200 = vector.extract_strided_slice %transpose3A_192 {offsets = [64, 0], sizes = [64, 128], strides = [1, 1]} : vector<128x128xf32> to vector<64x128xf32>
    %swap3A_201 = arith.constant 0 : index
    %swap3A_202 = arith.constant 0 : index
    %swap3A_203 = arith.constant 3200 : index
    %swap3A_204 = vector.load %arg4[%swap3A_201, %swap3A_202, %swap3A_203] : memref<1x64x16384xf32, #tpu.memory_space<vmem>>, vector<1x64x128xf32>
    %swap3A_205 = vector.shape_cast %swap3A_204 : vector<1x64x128xf32> to vector<64x128xf32>
    %swap3A_206 = vector.shape_cast %slice3A_200 : vector<64x128xf32> to vector<1x64x128xf32>
    tpu.vector_store %arg4[%swap3A_201, %swap3A_202, %swap3A_203], %swap3A_206 {strides = array<i32>} : memref<1x64x16384xf32, #tpu.memory_space<vmem>>, vector<1x64x128xf32>,
    %slice3A_207 = vector.extract_strided_slice %get3A_1 {offsets = [1664, 0], sizes = [128, 128], strides = [1, 1]} : vector<8192x128xf32> to vector<128x128xf32>
    %transpose3A_208 = tpu.transpose %slice3A_207, [1, 0] : vector<128x128xf32> -> vector<128x128xf32>
    %slice3A_209 = vector.extract_strided_slice %transpose3A_208 {offsets = [0, 0], sizes = [64, 128], strides = [1, 1]} : vector<128x128xf32> to vector<64x128xf32>
    %swap3A_210 = arith.constant 0 : index
    %swap3A_211 = arith.constant 0 : index
    %swap3A_212 = arith.constant 3328 : index
    %swap3A_213 = vector.load %arg4[%swap3A_210, %swap3A_211, %swap3A_212] : memref<1x64x16384xf32, #tpu.memory_space<vmem>>, vector<1x64x128xf32>
    %swap3A_214 = vector.shape_cast %swap3A_213 : vector<1x64x128xf32> to vector<64x128xf32>
    %swap3A_215 = vector.shape_cast %slice3A_209 : vector<64x128xf32> to vector<1x64x128xf32>
    tpu.vector_store %arg4[%swap3A_210, %swap3A_211, %swap3A_212], %swap3A_215 {strides = array<i32>} : memref<1x64x16384xf32, #tpu.memory_space<vmem>>, vector<1x64x128xf32>,
    %slice3A_216 = vector.extract_strided_slice %transpose3A_208 {offsets = [64, 0], sizes = [64, 128], strides = [1, 1]} : vector<128x128xf32> to vector<64x128xf32>
    %swap3A_217 = arith.constant 0 : index
    %swap3A_218 = arith.constant 0 : index
    %swap3A_219 = arith.constant 3456 : index
    %swap3A_220 = vector.load %arg4[%swap3A_217, %swap3A_218, %swap3A_219] : memref<1x64x16384xf32, #tpu.memory_space<vmem>>, vector<1x64x128xf32>
    %swap3A_221 = vector.shape_cast %swap3A_220 : vector<1x64x128xf32> to vector<64x128xf32>
    %swap3A_222 = vector.shape_cast %slice3A_216 : vector<64x128xf32> to vector<1x64x128xf32>
    tpu.vector_store %arg4[%swap3A_217, %swap3A_218, %swap3A_219], %swap3A_222 {strides = array<i32>} : memref<1x64x16384xf32, #tpu.memory_space<vmem>>, vector<1x64x128xf32>,
    %slice3A_223 = vector.extract_strided_slice %get3A_1 {offsets = [1792, 0], sizes = [128, 128], strides = [1, 1]} : vector<8192x128xf32> to vector<128x128xf32>
    %transpose3A_224 = tpu.transpose %slice3A_223, [1, 0] : vector<128x128xf32> -> vector<128x128xf32>
    %slice3A_225 = vector.extract_strided_slice %transpose3A_224 {offsets = [0, 0], sizes = [64, 128], strides = [1, 1]} : vector<128x128xf32> to vector<64x128xf32>
    %swap3A_226 = arith.constant 0 : index
    %swap3A_227 = arith.constant 0 : index
    %swap3A_228 = arith.constant 3584 : index
    %swap3A_229 = vector.load %arg4[%swap3A_226, %swap3A_227, %swap3A_228] : memref<1x64x16384xf32, #tpu.memory_space<vmem>>, vector<1x64x128xf32>
    %swap3A_230 = vector.shape_cast %swap3A_229 : vector<1x64x128xf32> to vector<64x128xf32>
    %swap3A_231 = vector.shape_cast %slice3A_225 : vector<64x128xf32> to vector<1x64x128xf32>
    tpu.vector_store %arg4[%swap3A_226, %swap3A_227, %swap3A_228], %swap3A_231 {strides = array<i32>} : memref<1x64x16384xf32, #tpu.memory_space<vmem>>, vector<1x64x128xf32>,
    %slice3A_232 = vector.extract_strided_slice %transpose3A_224 {offsets = [64, 0], sizes = [64, 128], strides = [1, 1]} : vector<128x128xf32> to vector<64x128xf32>
    %swap3A_233 = arith.constant 0 : index
    %swap3A_234 = arith.constant 0 : index
    %swap3A_235 = arith.constant 3712 : index
    %swap3A_236 = vector.load %arg4[%swap3A_233, %swap3A_234, %swap3A_235] : memref<1x64x16384xf32, #tpu.memory_space<vmem>>, vector<1x64x128xf32>
    %swap3A_237 = vector.shape_cast %swap3A_236 : vector<1x64x128xf32> to vector<64x128xf32>
    %swap3A_238 = vector.shape_cast %slice3A_232 : vector<64x128xf32> to vector<1x64x128xf32>
    tpu.vector_store %arg4[%swap3A_233, %swap3A_234, %swap3A_235], %swap3A_238 {strides = array<i32>} : memref<1x64x16384xf32, #tpu.memory_space<vmem>>, vector<1x64x128xf32>,
    %slice3A_239 = vector.extract_strided_slice %get3A_1 {offsets = [1920, 0], sizes = [128, 128], strides = [1, 1]} : vector<8192x128xf32> to vector<128x128xf32>
    %transpose3A_240 = tpu.transpose %slice3A_239, [1, 0] : vector<128x128xf32> -> vector<128x128xf32>
    %slice3A_241 = vector.extract_strided_slice %transpose3A_240 {offsets = [0, 0], sizes = [64, 128], strides = [1, 1]} : vector<128x128xf32> to vector<64x128xf32>
    %swap3A_242 = arith.constant 0 : index
    %swap3A_243 = arith.constant 0 : index
    %swap3A_244 = arith.constant 3840 : index
    %swap3A_245 = vector.load %arg4[%swap3A_242, %swap3A_243, %swap3A_244] : memref<1x64x16384xf32, #tpu.memory_space<vmem>>, vector<1x64x128xf32>
    %swap3A_246 = vector.shape_cast %swap3A_245 : vector<1x64x128xf32> to vector<64x128xf32>
    %swap3A_247 = vector.shape_cast %slice3A_241 : vector<64x128xf32> to vector<1x64x128xf32>
    tpu.vector_store %arg4[%swap3A_242, %swap3A_243, %swap3A_244], %swap3A_247 {strides = array<i32>} : memref<1x64x16384xf32, #tpu.memory_space<vmem>>, vector<1x64x128xf32>,
    %slice3A_248 = vector.extract_strided_slice %transpose3A_240 {offsets = [64, 0], sizes = [64, 128], strides = [1, 1]} : vector<128x128xf32> to vector<64x128xf32>
    %swap3A_249 = arith.constant 0 : index
    %swap3A_250 = arith.constant 0 : index
    %swap3A_251 = arith.constant 3968 : index
    %swap3A_252 = vector.load %arg4[%swap3A_249, %swap3A_250, %swap3A_251] : memref<1x64x16384xf32, #tpu.memory_space<vmem>>, vector<1x64x128xf32>
    %swap3A_253 = vector.shape_cast %swap3A_252 : vector<1x64x128xf32> to vector<64x128xf32>
    %swap3A_254 = vector.shape_cast %slice3A_248 : vector<64x128xf32> to vector<1x64x128xf32>
    tpu.vector_store %arg4[%swap3A_249, %swap3A_250, %swap3A_251], %swap3A_254 {strides = array<i32>} : memref<1x64x16384xf32, #tpu.memory_space<vmem>>, vector<1x64x128xf32>,
    %slice3A_255 = vector.extract_strided_slice %get3A_1 {offsets = [2048, 0], sizes = [128, 128], strides = [1, 1]} : vector<8192x128xf32> to vector<128x128xf32>
    %transpose3A_256 = tpu.transpose %slice3A_255, [1, 0] : vector<128x128xf32> -> vector<128x128xf32>
    %slice3A_257 = vector.extract_strided_slice %transpose3A_256 {offsets = [0, 0], sizes = [64, 128], strides = [1, 1]} : vector<128x128xf32> to vector<64x128xf32>
    %swap3A_258 = arith.constant 0 : index
    %swap3A_259 = arith.constant 0 : index
    %swap3A_260 = arith.constant 4096 : index
    %swap3A_261 = vector.load %arg4[%swap3A_258, %swap3A_259, %swap3A_260] : memref<1x64x16384xf32, #tpu.memory_space<vmem>>, vector<1x64x128xf32>
    %swap3A_262 = vector.shape_cast %swap3A_261 : vector<1x64x128xf32> to vector<64x128xf32>
    %swap3A_263 = vector.shape_cast %slice3A_257 : vector<64x128xf32> to vector<1x64x128xf32>
    tpu.vector_store %arg4[%swap3A_258, %swap3A_259, %swap3A_260], %swap3A_263 {strides = array<i32>} : memref<1x64x16384xf32, #tpu.memory_space<vmem>>, vector<1x64x128xf32>,
    %slice3A_264 = vector.extract_strided_slice %transpose3A_256 {offsets = [64, 0], sizes = [64, 128], strides = [1, 1]} : vector<128x128xf32> to vector<64x128xf32>
    %swap3A_265 = arith.constant 0 : index
    %swap3A_266 = arith.constant 0 : index
    %swap3A_267 = arith.constant 4224 : index
    %swap3A_268 = vector.load %arg4[%swap3A_265, %swap3A_266, %swap3A_267] : memref<1x64x16384xf32, #tpu.memory_space<vmem>>, vector<1x64x128xf32>
    %swap3A_269 = vector.shape_cast %swap3A_268 : vector<1x64x128xf32> to vector<64x128xf32>
    %swap3A_270 = vector.shape_cast %slice3A_264 : vector<64x128xf32> to vector<1x64x128xf32>
    tpu.vector_store %arg4[%swap3A_265, %swap3A_266, %swap3A_267], %swap3A_270 {strides = array<i32>} : memref<1x64x16384xf32, #tpu.memory_space<vmem>>, vector<1x64x128xf32>,
    %slice3A_271 = vector.extract_strided_slice %get3A_1 {offsets = [2176, 0], sizes = [128, 128], strides = [1, 1]} : vector<8192x128xf32> to vector<128x128xf32>
    %transpose3A_272 = tpu.transpose %slice3A_271, [1, 0] : vector<128x128xf32> -> vector<128x128xf32>
    %slice3A_273 = vector.extract_strided_slice %transpose3A_272 {offsets = [0, 0], sizes = [64, 128], strides = [1, 1]} : vector<128x128xf32> to vector<64x128xf32>
    %swap3A_274 = arith.constant 0 : index
    %swap3A_275 = arith.constant 0 : index
    %swap3A_276 = arith.constant 4352 : index
    %swap3A_277 = vector.load %arg4[%swap3A_274, %swap3A_275, %swap3A_276] : memref<1x64x16384xf32, #tpu.memory_space<vmem>>, vector<1x64x128xf32>
    %swap3A_278 = vector.shape_cast %swap3A_277 : vector<1x64x128xf32> to vector<64x128xf32>
    %swap3A_279 = vector.shape_cast %slice3A_273 : vector<64x128xf32> to vector<1x64x128xf32>
    tpu.vector_store %arg4[%swap3A_274, %swap3A_275, %swap3A_276], %swap3A_279 {strides = array<i32>} : memref<1x64x16384xf32, #tpu.memory_space<vmem>>, vector<1x64x128xf32>,
    %slice3A_280 = vector.extract_strided_slice %transpose3A_272 {offsets = [64, 0], sizes = [64, 128], strides = [1, 1]} : vector<128x128xf32> to vector<64x128xf32>
    %swap3A_281 = arith.constant 0 : index
    %swap3A_282 = arith.constant 0 : index
    %swap3A_283 = arith.constant 4480 : index
    %swap3A_284 = vector.load %arg4[%swap3A_281, %swap3A_282, %swap3A_283] : memref<1x64x16384xf32, #tpu.memory_space<vmem>>, vector<1x64x128xf32>
    %swap3A_285 = vector.shape_cast %swap3A_284 : vector<1x64x128xf32> to vector<64x128xf32>
    %swap3A_286 = vector.shape_cast %slice3A_280 : vector<64x128xf32> to vector<1x64x128xf32>
    tpu.vector_store %arg4[%swap3A_281, %swap3A_282, %swap3A_283], %swap3A_286 {strides = array<i32>} : memref<1x64x16384xf32, #tpu.memory_space<vmem>>, vector<1x64x128xf32>,
    %slice3A_287 = vector.extract_strided_slice %get3A_1 {offsets = [2304, 0], sizes = [128, 128], strides = [1, 1]} : vector<8192x128xf32> to vector<128x128xf32>
    %transpose3A_288 = tpu.transpose %slice3A_287, [1, 0] : vector<128x128xf32> -> vector<128x128xf32>
    %slice3A_289 = vector.extract_strided_slice %transpose3A_288 {offsets = [0, 0], sizes = [64, 128], strides = [1, 1]} : vector<128x128xf32> to vector<64x128xf32>
    %swap3A_290 = arith.constant 0 : index
    %swap3A_291 = arith.constant 0 : index
    %swap3A_292 = arith.constant 4608 : index
    %swap3A_293 = vector.load %arg4[%swap3A_290, %swap3A_291, %swap3A_292] : memref<1x64x16384xf32, #tpu.memory_space<vmem>>, vector<1x64x128xf32>
    %swap3A_294 = vector.shape_cast %swap3A_293 : vector<1x64x128xf32> to vector<64x128xf32>
    %swap3A_295 = vector.shape_cast %slice3A_289 : vector<64x128xf32> to vector<1x64x128xf32>
    tpu.vector_store %arg4[%swap3A_290, %swap3A_291, %swap3A_292], %swap3A_295 {strides = array<i32>} : memref<1x64x16384xf32, #tpu.memory_space<vmem>>, vector<1x64x128xf32>,
    %slice3A_296 = vector.extract_strided_slice %transpose3A_288 {offsets = [64, 0], sizes = [64, 128], strides = [1, 1]} : vector<128x128xf32> to vector<64x128xf32>
    %swap3A_297 = arith.constant 0 : index
    %swap3A_298 = arith.constant 0 : index
    %swap3A_299 = arith.constant 4736 : index
    %swap3A_300 = vector.load %arg4[%swap3A_297, %swap3A_298, %swap3A_299] : memref<1x64x16384xf32, #tpu.memory_space<vmem>>, vector<1x64x128xf32>
    %swap3A_301 = vector.shape_cast %swap3A_300 : vector<1x64x128xf32> to vector<64x128xf32>
    %swap3A_302 = vector.shape_cast %slice3A_296 : vector<64x128xf32> to vector<1x64x128xf32>
    tpu.vector_store %arg4[%swap3A_297, %swap3A_298, %swap3A_299], %swap3A_302 {strides = array<i32>} : memref<1x64x16384xf32, #tpu.memory_space<vmem>>, vector<1x64x128xf32>,
    %slice3A_303 = vector.extract_strided_slice %get3A_1 {offsets = [2432, 0], sizes = [128, 128], strides = [1, 1]} : vector<8192x128xf32> to vector<128x128xf32>
    %transpose3A_304 = tpu.transpose %slice3A_303, [1, 0] : vector<128x128xf32> -> vector<128x128xf32>
    %slice3A_305 = vector.extract_strided_slice %transpose3A_304 {offsets = [0, 0], sizes = [64, 128], strides = [1, 1]} : vector<128x128xf32> to vector<64x128xf32>
    %swap3A_306 = arith.constant 0 : index
    %swap3A_307 = arith.constant 0 : index
    %swap3A_308 = arith.constant 4864 : index
    %swap3A_309 = vector.load %arg4[%swap3A_306, %swap3A_307, %swap3A_308] : memref<1x64x16384xf32, #tpu.memory_space<vmem>>, vector<1x64x128xf32>
    %swap3A_310 = vector.shape_cast %swap3A_309 : vector<1x64x128xf32> to vector<64x128xf32>
    %swap3A_311 = vector.shape_cast %slice3A_305 : vector<64x128xf32> to vector<1x64x128xf32>
    tpu.vector_store %arg4[%swap3A_306, %swap3A_307, %swap3A_308], %swap3A_311 {strides = array<i32>} : memref<1x64x16384xf32, #tpu.memory_space<vmem>>, vector<1x64x128xf32>,
    %slice3A_312 = vector.extract_strided_slice %transpose3A_304 {offsets = [64, 0], sizes = [64, 128], strides = [1, 1]} : vector<128x128xf32> to vector<64x128xf32>
    %swap3A_313 = arith.constant 0 : index
    %swap3A_314 = arith.constant 0 : index
    %swap3A_315 = arith.constant 4992 : index
    %swap3A_316 = vector.load %arg4[%swap3A_313, %swap3A_314, %swap3A_315] : memref<1x64x16384xf32, #tpu.memory_space<vmem>>, vector<1x64x128xf32>
    %swap3A_317 = vector.shape_cast %swap3A_316 : vector<1x64x128xf32> to vector<64x128xf32>
    %swap3A_318 = vector.shape_cast %slice3A_312 : vector<64x128xf32> to vector<1x64x128xf32>
    tpu.vector_store %arg4[%swap3A_313, %swap3A_314, %swap3A_315], %swap3A_318 {strides = array<i32>} : memref<1x64x16384xf32, #tpu.memory_space<vmem>>, vector<1x64x128xf32>,
    %slice3A_319 = vector.extract_strided_slice %get3A_1 {offsets = [2560, 0], sizes = [128, 128], strides = [1, 1]} : vector<8192x128xf32> to vector<128x128xf32>
    %transpose3A_320 = tpu.transpose %slice3A_319, [1, 0] : vector<128x128xf32> -> vector<128x128xf32>
    %slice3A_321 = vector.extract_strided_slice %transpose3A_320 {offsets = [0, 0], sizes = [64, 128], strides = [1, 1]} : vector<128x128xf32> to vector<64x128xf32>
    %swap3A_322 = arith.constant 0 : index
    %swap3A_323 = arith.constant 0 : index
    %swap3A_324 = arith.constant 5120 : index
    %swap3A_325 = vector.load %arg4[%swap3A_322, %swap3A_323, %swap3A_324] : memref<1x64x16384xf32, #tpu.memory_space<vmem>>, vector<1x64x128xf32>
    %swap3A_326 = vector.shape_cast %swap3A_325 : vector<1x64x128xf32> to vector<64x128xf32>
    %swap3A_327 = vector.shape_cast %slice3A_321 : vector<64x128xf32> to vector<1x64x128xf32>
    tpu.vector_store %arg4[%swap3A_322, %swap3A_323, %swap3A_324], %swap3A_327 {strides = array<i32>} : memref<1x64x16384xf32, #tpu.memory_space<vmem>>, vector<1x64x128xf32>,
    %slice3A_328 = vector.extract_strided_slice %transpose3A_320 {offsets = [64, 0], sizes = [64, 128], strides = [1, 1]} : vector<128x128xf32> to vector<64x128xf32>
    %swap3A_329 = arith.constant 0 : index
    %swap3A_330 = arith.constant 0 : index
    %swap3A_331 = arith.constant 5248 : index
    %swap3A_332 = vector.load %arg4[%swap3A_329, %swap3A_330, %swap3A_331] : memref<1x64x16384xf32, #tpu.memory_space<vmem>>, vector<1x64x128xf32>
    %swap3A_333 = vector.shape_cast %swap3A_332 : vector<1x64x128xf32> to vector<64x128xf32>
    %swap3A_334 = vector.shape_cast %slice3A_328 : vector<64x128xf32> to vector<1x64x128xf32>
    tpu.vector_store %arg4[%swap3A_329, %swap3A_330, %swap3A_331], %swap3A_334 {strides = array<i32>} : memref<1x64x16384xf32, #tpu.memory_space<vmem>>, vector<1x64x128xf32>,
    %slice3A_335 = vector.extract_strided_slice %get3A_1 {offsets = [2688, 0], sizes = [128, 128], strides = [1, 1]} : vector<8192x128xf32> to vector<128x128xf32>
    %transpose3A_336 = tpu.transpose %slice3A_335, [1, 0] : vector<128x128xf32> -> vector<128x128xf32>
    %slice3A_337 = vector.extract_strided_slice %transpose3A_336 {offsets = [0, 0], sizes = [64, 128], strides = [1, 1]} : vector<128x128xf32> to vector<64x128xf32>
    %swap3A_338 = arith.constant 0 : index
    %swap3A_339 = arith.constant 0 : index
    %swap3A_340 = arith.constant 5376 : index
    %swap3A_341 = vector.load %arg4[%swap3A_338, %swap3A_339, %swap3A_340] : memref<1x64x16384xf32, #tpu.memory_space<vmem>>, vector<1x64x128xf32>
    %swap3A_342 = vector.shape_cast %swap3A_341 : vector<1x64x128xf32> to vector<64x128xf32>
    %swap3A_343 = vector.shape_cast %slice3A_337 : vector<64x128xf32> to vector<1x64x128xf32>
    tpu.vector_store %arg4[%swap3A_338, %swap3A_339, %swap3A_340], %swap3A_343 {strides = array<i32>} : memref<1x64x16384xf32, #tpu.memory_space<vmem>>, vector<1x64x128xf32>,
    %slice3A_344 = vector.extract_strided_slice %transpose3A_336 {offsets = [64, 0], sizes = [64, 128], strides = [1, 1]} : vector<128x128xf32> to vector<64x128xf32>
    %swap3A_345 = arith.constant 0 : index
    %swap3A_346 = arith.constant 0 : index
    %swap3A_347 = arith.constant 5504 : index
    %swap3A_348 = vector.load %arg4[%swap3A_345, %swap3A_346, %swap3A_347] : memref<1x64x16384xf32, #tpu.memory_space<vmem>>, vector<1x64x128xf32>
    %swap3A_349 = vector.shape_cast %swap3A_348 : vector<1x64x128xf32> to vector<64x128xf32>
    %swap3A_350 = vector.shape_cast %slice3A_344 : vector<64x128xf32> to vector<1x64x128xf32>
    tpu.vector_store %arg4[%swap3A_345, %swap3A_346, %swap3A_347], %swap3A_350 {strides = array<i32>} : memref<1x64x16384xf32, #tpu.memory_space<vmem>>, vector<1x64x128xf32>,
    %slice3A_351 = vector.extract_strided_slice %get3A_1 {offsets = [2816, 0], sizes = [128, 128], strides = [1, 1]} : vector<8192x128xf32> to vector<128x128xf32>
    %transpose3A_352 = tpu.transpose %slice3A_351, [1, 0] : vector<128x128xf32> -> vector<128x128xf32>
    %slice3A_353 = vector.extract_strided_slice %transpose3A_352 {offsets = [0, 0], sizes = [64, 128], strides = [1, 1]} : vector<128x128xf32> to vector<64x128xf32>
    %swap3A_354 = arith.constant 0 : index
    %swap3A_355 = arith.constant 0 : index
    %swap3A_356 = arith.constant 5632 : index
    %swap3A_357 = vector.load %arg4[%swap3A_354, %swap3A_355, %swap3A_356] : memref<1x64x16384xf32, #tpu.memory_space<vmem>>, vector<1x64x128xf32>
    %swap3A_358 = vector.shape_cast %swap3A_357 : vector<1x64x128xf32> to vector<64x128xf32>
    %swap3A_359 = vector.shape_cast %slice3A_353 : vector<64x128xf32> to vector<1x64x128xf32>
    tpu.vector_store %arg4[%swap3A_354, %swap3A_355, %swap3A_356], %swap3A_359 {strides = array<i32>} : memref<1x64x16384xf32, #tpu.memory_space<vmem>>, vector<1x64x128xf32>,
    %slice3A_360 = vector.extract_strided_slice %transpose3A_352 {offsets = [64, 0], sizes = [64, 128], strides = [1, 1]} : vector<128x128xf32> to vector<64x128xf32>
    %swap3A_361 = arith.constant 0 : index
    %swap3A_362 = arith.constant 0 : index
    %swap3A_363 = arith.constant 5760 : index
    %swap3A_364 = vector.load %arg4[%swap3A_361, %swap3A_362, %swap3A_363] : memref<1x64x16384xf32, #tpu.memory_space<vmem>>, vector<1x64x128xf32>
    %swap3A_365 = vector.shape_cast %swap3A_364 : vector<1x64x128xf32> to vector<64x128xf32>
    %swap3A_366 = vector.shape_cast %slice3A_360 : vector<64x128xf32> to vector<1x64x128xf32>
    tpu.vector_store %arg4[%swap3A_361, %swap3A_362, %swap3A_363], %swap3A_366 {strides = array<i32>} : memref<1x64x16384xf32, #tpu.memory_space<vmem>>, vector<1x64x128xf32>,
    %slice3A_367 = vector.extract_strided_slice %get3A_1 {offsets = [2944, 0], sizes = [128, 128], strides = [1, 1]} : vector<8192x128xf32> to vector<128x128xf32>
    %transpose3A_368 = tpu.transpose %slice3A_367, [1, 0] : vector<128x128xf32> -> vector<128x128xf32>
    %slice3A_369 = vector.extract_strided_slice %transpose3A_368 {offsets = [0, 0], sizes = [64, 128], strides = [1, 1]} : vector<128x128xf32> to vector<64x128xf32>
    %swap3A_370 = arith.constant 0 : index
    %swap3A_371 = arith.constant 0 : index
    %swap3A_372 = arith.constant 5888 : index
    %swap3A_373 = vector.load %arg4[%swap3A_370, %swap3A_371, %swap3A_372] : memref<1x64x16384xf32, #tpu.memory_space<vmem>>, vector<1x64x128xf32>
    %swap3A_374 = vector.shape_cast %swap3A_373 : vector<1x64x128xf32> to vector<64x128xf32>
    %swap3A_375 = vector.shape_cast %slice3A_369 : vector<64x128xf32> to vector<1x64x128xf32>
    tpu.vector_store %arg4[%swap3A_370, %swap3A_371, %swap3A_372], %swap3A_375 {strides = array<i32>} : memref<1x64x16384xf32, #tpu.memory_space<vmem>>, vector<1x64x128xf32>,
    %slice3A_376 = vector.extract_strided_slice %transpose3A_368 {offsets = [64, 0], sizes = [64, 128], strides = [1, 1]} : vector<128x128xf32> to vector<64x128xf32>
    %swap3A_377 = arith.constant 0 : index
    %swap3A_378 = arith.constant 0 : index
    %swap3A_379 = arith.constant 6016 : index
    %swap3A_380 = vector.load %arg4[%swap3A_377, %swap3A_378, %swap3A_379] : memref<1x64x16384xf32, #tpu.memory_space<vmem>>, vector<1x64x128xf32>
    %swap3A_381 = vector.shape_cast %swap3A_380 : vector<1x64x128xf32> to vector<64x128xf32>
    %swap3A_382 = vector.shape_cast %slice3A_376 : vector<64x128xf32> to vector<1x64x128xf32>
    tpu.vector_store %arg4[%swap3A_377, %swap3A_378, %swap3A_379], %swap3A_382 {strides = array<i32>} : memref<1x64x16384xf32, #tpu.memory_space<vmem>>, vector<1x64x128xf32>,
    %slice3A_383 = vector.extract_strided_slice %get3A_1 {offsets = [3072, 0], sizes = [128, 128], strides = [1, 1]} : vector<8192x128xf32> to vector<128x128xf32>
    %transpose3A_384 = tpu.transpose %slice3A_383, [1, 0] : vector<128x128xf32> -> vector<128x128xf32>
    %slice3A_385 = vector.extract_strided_slice %transpose3A_384 {offsets = [0, 0], sizes = [64, 128], strides = [1, 1]} : vector<128x128xf32> to vector<64x128xf32>
    %swap3A_386 = arith.constant 0 : index
    %swap3A_387 = arith.constant 0 : index
    %swap3A_388 = arith.constant 6144 : index
    %swap3A_389 = vector.load %arg4[%swap3A_386, %swap3A_387, %swap3A_388] : memref<1x64x16384xf32, #tpu.memory_space<vmem>>, vector<1x64x128xf32>
    %swap3A_390 = vector.shape_cast %swap3A_389 : vector<1x64x128xf32> to vector<64x128xf32>
    %swap3A_391 = vector.shape_cast %slice3A_385 : vector<64x128xf32> to vector<1x64x128xf32>
    tpu.vector_store %arg4[%swap3A_386, %swap3A_387, %swap3A_388], %swap3A_391 {strides = array<i32>} : memref<1x64x16384xf32, #tpu.memory_space<vmem>>, vector<1x64x128xf32>,
    %slice3A_392 = vector.extract_strided_slice %transpose3A_384 {offsets = [64, 0], sizes = [64, 128], strides = [1, 1]} : vector<128x128xf32> to vector<64x128xf32>
    %swap3A_393 = arith.constant 0 : index
    %swap3A_394 = arith.constant 0 : index
    %swap3A_395 = arith.constant 6272 : index
    %swap3A_396 = vector.load %arg4[%swap3A_393, %swap3A_394, %swap3A_395] : memref<1x64x16384xf32, #tpu.memory_space<vmem>>, vector<1x64x128xf32>
    %swap3A_397 = vector.shape_cast %swap3A_396 : vector<1x64x128xf32> to vector<64x128xf32>
    %swap3A_398 = vector.shape_cast %slice3A_392 : vector<64x128xf32> to vector<1x64x128xf32>
    tpu.vector_store %arg4[%swap3A_393, %swap3A_394, %swap3A_395], %swap3A_398 {strides = array<i32>} : memref<1x64x16384xf32, #tpu.memory_space<vmem>>, vector<1x64x128xf32>,
    %slice3A_399 = vector.extract_strided_slice %get3A_1 {offsets = [3200, 0], sizes = [128, 128], strides = [1, 1]} : vector<8192x128xf32> to vector<128x128xf32>
    %transpose3A_400 = tpu.transpose %slice3A_399, [1, 0] : vector<128x128xf32> -> vector<128x128xf32>
    %slice3A_401 = vector.extract_strided_slice %transpose3A_400 {offsets = [0, 0], sizes = [64, 128], strides = [1, 1]} : vector<128x128xf32> to vector<64x128xf32>
    %swap3A_402 = arith.constant 0 : index
    %swap3A_403 = arith.constant 0 : index
    %swap3A_404 = arith.constant 6400 : index
    %swap3A_405 = vector.load %arg4[%swap3A_402, %swap3A_403, %swap3A_404] : memref<1x64x16384xf32, #tpu.memory_space<vmem>>, vector<1x64x128xf32>
    %swap3A_406 = vector.shape_cast %swap3A_405 : vector<1x64x128xf32> to vector<64x128xf32>
    %swap3A_407 = vector.shape_cast %slice3A_401 : vector<64x128xf32> to vector<1x64x128xf32>
    tpu.vector_store %arg4[%swap3A_402, %swap3A_403, %swap3A_404], %swap3A_407 {strides = array<i32>} : memref<1x64x16384xf32, #tpu.memory_space<vmem>>, vector<1x64x128xf32>,
    %slice3A_408 = vector.extract_strided_slice %transpose3A_400 {offsets = [64, 0], sizes = [64, 128], strides = [1, 1]} : vector<128x128xf32> to vector<64x128xf32>
    %swap3A_409 = arith.constant 0 : index
    %swap3A_410 = arith.constant 0 : index
    %swap3A_411 = arith.constant 6528 : index
    %swap3A_412 = vector.load %arg4[%swap3A_409, %swap3A_410, %swap3A_411] : memref<1x64x16384xf32, #tpu.memory_space<vmem>>, vector<1x64x128xf32>
    %swap3A_413 = vector.shape_cast %swap3A_412 : vector<1x64x128xf32> to vector<64x128xf32>
    %swap3A_414 = vector.shape_cast %slice3A_408 : vector<64x128xf32> to vector<1x64x128xf32>
    tpu.vector_store %arg4[%swap3A_409, %swap3A_410, %swap3A_411], %swap3A_414 {strides = array<i32>} : memref<1x64x16384xf32, #tpu.memory_space<vmem>>, vector<1x64x128xf32>,
    %slice3A_415 = vector.extract_strided_slice %get3A_1 {offsets = [3328, 0], sizes = [128, 128], strides = [1, 1]} : vector<8192x128xf32> to vector<128x128xf32>
    %transpose3A_416 = tpu.transpose %slice3A_415, [1, 0] : vector<128x128xf32> -> vector<128x128xf32>
    %slice3A_417 = vector.extract_strided_slice %transpose3A_416 {offsets = [0, 0], sizes = [64, 128], strides = [1, 1]} : vector<128x128xf32> to vector<64x128xf32>
    %swap3A_418 = arith.constant 0 : index
    %swap3A_419 = arith.constant 0 : index
    %swap3A_420 = arith.constant 6656 : index
    %swap3A_421 = vector.load %arg4[%swap3A_418, %swap3A_419, %swap3A_420] : memref<1x64x16384xf32, #tpu.memory_space<vmem>>, vector<1x64x128xf32>
    %swap3A_422 = vector.shape_cast %swap3A_421 : vector<1x64x128xf32> to vector<64x128xf32>
    %swap3A_423 = vector.shape_cast %slice3A_417 : vector<64x128xf32> to vector<1x64x128xf32>
    tpu.vector_store %arg4[%swap3A_418, %swap3A_419, %swap3A_420], %swap3A_423 {strides = array<i32>} : memref<1x64x16384xf32, #tpu.memory_space<vmem>>, vector<1x64x128xf32>,
    %slice3A_424 = vector.extract_strided_slice %transpose3A_416 {offsets = [64, 0], sizes = [64, 128], strides = [1, 1]} : vector<128x128xf32> to vector<64x128xf32>
    %swap3A_425 = arith.constant 0 : index
    %swap3A_426 = arith.constant 0 : index
    %swap3A_427 = arith.constant 6784 : index
    %swap3A_428 = vector.load %arg4[%swap3A_425, %swap3A_426, %swap3A_427] : memref<1x64x16384xf32, #tpu.memory_space<vmem>>, vector<1x64x128xf32>
    %swap3A_429 = vector.shape_cast %swap3A_428 : vector<1x64x128xf32> to vector<64x128xf32>
    %swap3A_430 = vector.shape_cast %slice3A_424 : vector<64x128xf32> to vector<1x64x128xf32>
    tpu.vector_store %arg4[%swap3A_425, %swap3A_426, %swap3A_427], %swap3A_430 {strides = array<i32>} : memref<1x64x16384xf32, #tpu.memory_space<vmem>>, vector<1x64x128xf32>,
    %slice3A_431 = vector.extract_strided_slice %get3A_1 {offsets = [3456, 0], sizes = [128, 128], strides = [1, 1]} : vector<8192x128xf32> to vector<128x128xf32>
    %transpose3A_432 = tpu.transpose %slice3A_431, [1, 0] : vector<128x128xf32> -> vector<128x128xf32>
    %slice3A_433 = vector.extract_strided_slice %transpose3A_432 {offsets = [0, 0], sizes = [64, 128], strides = [1, 1]} : vector<128x128xf32> to vector<64x128xf32>
    %swap3A_434 = arith.constant 0 : index
    %swap3A_435 = arith.constant 0 : index
    %swap3A_436 = arith.constant 6912 : index
    %swap3A_437 = vector.load %arg4[%swap3A_434, %swap3A_435, %swap3A_436] : memref<1x64x16384xf32, #tpu.memory_space<vmem>>, vector<1x64x128xf32>
    %swap3A_438 = vector.shape_cast %swap3A_437 : vector<1x64x128xf32> to vector<64x128xf32>
    %swap3A_439 = vector.shape_cast %slice3A_433 : vector<64x128xf32> to vector<1x64x128xf32>
    tpu.vector_store %arg4[%swap3A_434, %swap3A_435, %swap3A_436], %swap3A_439 {strides = array<i32>} : memref<1x64x16384xf32, #tpu.memory_space<vmem>>, vector<1x64x128xf32>,
    %slice3A_440 = vector.extract_strided_slice %transpose3A_432 {offsets = [64, 0], sizes = [64, 128], strides = [1, 1]} : vector<128x128xf32> to vector<64x128xf32>
    %swap3A_441 = arith.constant 0 : index
    %swap3A_442 = arith.constant 0 : index
    %swap3A_443 = arith.constant 7040 : index
    %swap3A_444 = vector.load %arg4[%swap3A_441, %swap3A_442, %swap3A_443] : memref<1x64x16384xf32, #tpu.memory_space<vmem>>, vector<1x64x128xf32>
    %swap3A_445 = vector.shape_cast %swap3A_444 : vector<1x64x128xf32> to vector<64x128xf32>
    %swap3A_446 = vector.shape_cast %slice3A_440 : vector<64x128xf32> to vector<1x64x128xf32>
    tpu.vector_store %arg4[%swap3A_441, %swap3A_442, %swap3A_443], %swap3A_446 {strides = array<i32>} : memref<1x64x16384xf32, #tpu.memory_space<vmem>>, vector<1x64x128xf32>,
    %slice3A_447 = vector.extract_strided_slice %get3A_1 {offsets = [3584, 0], sizes = [128, 128], strides = [1, 1]} : vector<8192x128xf32> to vector<128x128xf32>
    %transpose3A_448 = tpu.transpose %slice3A_447, [1, 0] : vector<128x128xf32> -> vector<128x128xf32>
    %slice3A_449 = vector.extract_strided_slice %transpose3A_448 {offsets = [0, 0], sizes = [64, 128], strides = [1, 1]} : vector<128x128xf32> to vector<64x128xf32>
    %swap3A_450 = arith.constant 0 : index
    %swap3A_451 = arith.constant 0 : index
    %swap3A_452 = arith.constant 7168 : index
    %swap3A_453 = vector.load %arg4[%swap3A_450, %swap3A_451, %swap3A_452] : memref<1x64x16384xf32, #tpu.memory_space<vmem>>, vector<1x64x128xf32>
    %swap3A_454 = vector.shape_cast %swap3A_453 : vector<1x64x128xf32> to vector<64x128xf32>
    %swap3A_455 = vector.shape_cast %slice3A_449 : vector<64x128xf32> to vector<1x64x128xf32>
    tpu.vector_store %arg4[%swap3A_450, %swap3A_451, %swap3A_452], %swap3A_455 {strides = array<i32>} : memref<1x64x16384xf32, #tpu.memory_space<vmem>>, vector<1x64x128xf32>,
    %slice3A_456 = vector.extract_strided_slice %transpose3A_448 {offsets = [64, 0], sizes = [64, 128], strides = [1, 1]} : vector<128x128xf32> to vector<64x128xf32>
    %swap3A_457 = arith.constant 0 : index
    %swap3A_458 = arith.constant 0 : index
    %swap3A_459 = arith.constant 7296 : index
    %swap3A_460 = vector.load %arg4[%swap3A_457, %swap3A_458, %swap3A_459] : memref<1x64x16384xf32, #tpu.memory_space<vmem>>, vector<1x64x128xf32>
    %swap3A_461 = vector.shape_cast %swap3A_460 : vector<1x64x128xf32> to vector<64x128xf32>
    %swap3A_462 = vector.shape_cast %slice3A_456 : vector<64x128xf32> to vector<1x64x128xf32>
    tpu.vector_store %arg4[%swap3A_457, %swap3A_458, %swap3A_459], %swap3A_462 {strides = array<i32>} : memref<1x64x16384xf32, #tpu.memory_space<vmem>>, vector<1x64x128xf32>,
    %slice3A_463 = vector.extract_strided_slice %get3A_1 {offsets = [3712, 0], sizes = [128, 128], strides = [1, 1]} : vector<8192x128xf32> to vector<128x128xf32>
    %transpose3A_464 = tpu.transpose %slice3A_463, [1, 0] : vector<128x128xf32> -> vector<128x128xf32>
    %slice3A_465 = vector.extract_strided_slice %transpose3A_464 {offsets = [0, 0], sizes = [64, 128], strides = [1, 1]} : vector<128x128xf32> to vector<64x128xf32>
    %swap3A_466 = arith.constant 0 : index
    %swap3A_467 = arith.constant 0 : index
    %swap3A_468 = arith.constant 7424 : index
    %swap3A_469 = vector.load %arg4[%swap3A_466, %swap3A_467, %swap3A_468] : memref<1x64x16384xf32, #tpu.memory_space<vmem>>, vector<1x64x128xf32>
    %swap3A_470 = vector.shape_cast %swap3A_469 : vector<1x64x128xf32> to vector<64x128xf32>
    %swap3A_471 = vector.shape_cast %slice3A_465 : vector<64x128xf32> to vector<1x64x128xf32>
    tpu.vector_store %arg4[%swap3A_466, %swap3A_467, %swap3A_468], %swap3A_471 {strides = array<i32>} : memref<1x64x16384xf32, #tpu.memory_space<vmem>>, vector<1x64x128xf32>,
    %slice3A_472 = vector.extract_strided_slice %transpose3A_464 {offsets = [64, 0], sizes = [64, 128], strides = [1, 1]} : vector<128x128xf32> to vector<64x128xf32>
    %swap3A_473 = arith.constant 0 : index
    %swap3A_474 = arith.constant 0 : index
    %swap3A_475 = arith.constant 7552 : index
    %swap3A_476 = vector.load %arg4[%swap3A_473, %swap3A_474, %swap3A_475] : memref<1x64x16384xf32, #tpu.memory_space<vmem>>, vector<1x64x128xf32>
    %swap3A_477 = vector.shape_cast %swap3A_476 : vector<1x64x128xf32> to vector<64x128xf32>
    %swap3A_478 = vector.shape_cast %slice3A_472 : vector<64x128xf32> to vector<1x64x128xf32>
    tpu.vector_store %arg4[%swap3A_473, %swap3A_474, %swap3A_475], %swap3A_478 {strides = array<i32>} : memref<1x64x16384xf32, #tpu.memory_space<vmem>>, vector<1x64x128xf32>,
    %slice3A_479 = vector.extract_strided_slice %get3A_1 {offsets = [3840, 0], sizes = [128, 128], strides = [1, 1]} : vector<8192x128xf32> to vector<128x128xf32>
    %transpose3A_480 = tpu.transpose %slice3A_479, [1, 0] : vector<128x128xf32> -> vector<128x128xf32>
    %slice3A_481 = vector.extract_strided_slice %transpose3A_480 {offsets = [0, 0], sizes = [64, 128], strides = [1, 1]} : vector<128x128xf32> to vector<64x128xf32>
    %swap3A_482 = arith.constant 0 : index
    %swap3A_483 = arith.constant 0 : index
    %swap3A_484 = arith.constant 7680 : index
    %swap3A_485 = vector.load %arg4[%swap3A_482, %swap3A_483, %swap3A_484] : memref<1x64x16384xf32, #tpu.memory_space<vmem>>, vector<1x64x128xf32>
    %swap3A_486 = vector.shape_cast %swap3A_485 : vector<1x64x128xf32> to vector<64x128xf32>
    %swap3A_487 = vector.shape_cast %slice3A_481 : vector<64x128xf32> to vector<1x64x128xf32>
    tpu.vector_store %arg4[%swap3A_482, %swap3A_483, %swap3A_484], %swap3A_487 {strides = array<i32>} : memref<1x64x16384xf32, #tpu.memory_space<vmem>>, vector<1x64x128xf32>,
    %slice3A_488 = vector.extract_strided_slice %transpose3A_480 {offsets = [64, 0], sizes = [64, 128], strides = [1, 1]} : vector<128x128xf32> to vector<64x128xf32>
    %swap3A_489 = arith.constant 0 : index
    %swap3A_490 = arith.constant 0 : index
    %swap3A_491 = arith.constant 7808 : index
    %swap3A_492 = vector.load %arg4[%swap3A_489, %swap3A_490, %swap3A_491] : memref<1x64x16384xf32, #tpu.memory_space<vmem>>, vector<1x64x128xf32>
    %swap3A_493 = vector.shape_cast %swap3A_492 : vector<1x64x128xf32> to vector<64x128xf32>
    %swap3A_494 = vector.shape_cast %slice3A_488 : vector<64x128xf32> to vector<1x64x128xf32>
    tpu.vector_store %arg4[%swap3A_489, %swap3A_490, %swap3A_491], %swap3A_494 {strides = array<i32>} : memref<1x64x16384xf32, #tpu.memory_space<vmem>>, vector<1x64x128xf32>,
    %slice3A_495 = vector.extract_strided_slice %get3A_1 {offsets = [3968, 0], sizes = [128, 128], strides = [1, 1]} : vector<8192x128xf32> to vector<128x128xf32>
    %transpose3A_496 = tpu.transpose %slice3A_495, [1, 0] : vector<128x128xf32> -> vector<128x128xf32>
    %slice3A_497 = vector.extract_strided_slice %transpose3A_496 {offsets = [0, 0], sizes = [64, 128], strides = [1, 1]} : vector<128x128xf32> to vector<64x128xf32>
    %swap3A_498 = arith.constant 0 : index
    %swap3A_499 = arith.constant 0 : index
    %swap3A_500 = arith.constant 7936 : index
    %swap3A_501 = vector.load %arg4[%swap3A_498, %swap3A_499, %swap3A_500] : memref<1x64x16384xf32, #tpu.memory_space<vmem>>, vector<1x64x128xf32>
    %swap3A_502 = vector.shape_cast %swap3A_501 : vector<1x64x128xf32> to vector<64x128xf32>
    %swap3A_503 = vector.shape_cast %slice3A_497 : vector<64x128xf32> to vector<1x64x128xf32>
    tpu.vector_store %arg4[%swap3A_498, %swap3A_499, %swap3A_500], %swap3A_503 {strides = array<i32>} : memref<1x64x16384xf32, #tpu.memory_space<vmem>>, vector<1x64x128xf32>,
    %slice3A_504 = vector.extract_strided_slice %transpose3A_496 {offsets = [64, 0], sizes = [64, 128], strides = [1, 1]} : vector<128x128xf32> to vector<64x128xf32>
    %swap3A_505 = arith.constant 0 : index
    %swap3A_506 = arith.constant 0 : index
    %swap3A_507 = arith.constant 8064 : index
    %swap3A_508 = vector.load %arg4[%swap3A_505, %swap3A_506, %swap3A_507] : memref<1x64x16384xf32, #tpu.memory_space<vmem>>, vector<1x64x128xf32>
    %swap3A_509 = vector.shape_cast %swap3A_508 : vector<1x64x128xf32> to vector<64x128xf32>
    %swap3A_510 = vector.shape_cast %slice3A_504 : vector<64x128xf32> to vector<1x64x128xf32>
    tpu.vector_store %arg4[%swap3A_505, %swap3A_506, %swap3A_507], %swap3A_510 {strides = array<i32>} : memref<1x64x16384xf32, #tpu.memory_space<vmem>>, vector<1x64x128xf32>,
    %slice3A_511 = vector.extract_strided_slice %get3A_1 {offsets = [4096, 0], sizes = [128, 128], strides = [1, 1]} : vector<8192x128xf32> to vector<128x128xf32>
    %transpose3A_512 = tpu.transpose %slice3A_511, [1, 0] : vector<128x128xf32> -> vector<128x128xf32>
    %slice3A_513 = vector.extract_strided_slice %transpose3A_512 {offsets = [0, 0], sizes = [64, 128], strides = [1, 1]} : vector<128x128xf32> to vector<64x128xf32>
    %swap3A_514 = arith.constant 0 : index
    %swap3A_515 = arith.constant 0 : index
    %swap3A_516 = arith.constant 8192 : index
    %swap3A_517 = vector.load %arg4[%swap3A_514, %swap3A_515, %swap3A_516] : memref<1x64x16384xf32, #tpu.memory_space<vmem>>, vector<1x64x128xf32>
    %swap3A_518 = vector.shape_cast %swap3A_517 : vector<1x64x128xf32> to vector<64x128xf32>
    %swap3A_519 = vector.shape_cast %slice3A_513 : vector<64x128xf32> to vector<1x64x128xf32>
    tpu.vector_store %arg4[%swap3A_514, %swap3A_515, %swap3A_516], %swap3A_519 {strides = array<i32>} : memref<1x64x16384xf32, #tpu.memory_space<vmem>>, vector<1x64x128xf32>,
    %slice3A_520 = vector.extract_strided_slice %transpose3A_512 {offsets = [64, 0], sizes = [64, 128], strides = [1, 1]} : vector<128x128xf32> to vector<64x128xf32>
    %swap3A_521 = arith.constant 0 : index
    %swap3A_522 = arith.constant 0 : index
    %swap3A_523 = arith.constant 8320 : index
    %swap3A_524 = vector.load %arg4[%swap3A_521, %swap3A_522, %swap3A_523] : memref<1x64x16384xf32, #tpu.memory_space<vmem>>, vector<1x64x128xf32>
    %swap3A_525 = vector.shape_cast %swap3A_524 : vector<1x64x128xf32> to vector<64x128xf32>
    %swap3A_526 = vector.shape_cast %slice3A_520 : vector<64x128xf32> to vector<1x64x128xf32>
    tpu.vector_store %arg4[%swap3A_521, %swap3A_522, %swap3A_523], %swap3A_526 {strides = array<i32>} : memref<1x64x16384xf32, #tpu.memory_space<vmem>>, vector<1x64x128xf32>,
    %slice3A_527 = vector.extract_strided_slice %get3A_1 {offsets = [4224, 0], sizes = [128, 128], strides = [1, 1]} : vector<8192x128xf32> to vector<128x128xf32>
    %transpose3A_528 = tpu.transpose %slice3A_527, [1, 0] : vector<128x128xf32> -> vector<128x128xf32>
    %slice3A_529 = vector.extract_strided_slice %transpose3A_528 {offsets = [0, 0], sizes = [64, 128], strides = [1, 1]} : vector<128x128xf32> to vector<64x128xf32>
    %swap3A_530 = arith.constant 0 : index
    %swap3A_531 = arith.constant 0 : index
    %swap3A_532 = arith.constant 8448 : index
    %swap3A_533 = vector.load %arg4[%swap3A_530, %swap3A_531, %swap3A_532] : memref<1x64x16384xf32, #tpu.memory_space<vmem>>, vector<1x64x128xf32>
    %swap3A_534 = vector.shape_cast %swap3A_533 : vector<1x64x128xf32> to vector<64x128xf32>
    %swap3A_535 = vector.shape_cast %slice3A_529 : vector<64x128xf32> to vector<1x64x128xf32>
    tpu.vector_store %arg4[%swap3A_530, %swap3A_531, %swap3A_532], %swap3A_535 {strides = array<i32>} : memref<1x64x16384xf32, #tpu.memory_space<vmem>>, vector<1x64x128xf32>,
    %slice3A_536 = vector.extract_strided_slice %transpose3A_528 {offsets = [64, 0], sizes = [64, 128], strides = [1, 1]} : vector<128x128xf32> to vector<64x128xf32>
    %swap3A_537 = arith.constant 0 : index
    %swap3A_538 = arith.constant 0 : index
    %swap3A_539 = arith.constant 8576 : index
    %swap3A_540 = vector.load %arg4[%swap3A_537, %swap3A_538, %swap3A_539] : memref<1x64x16384xf32, #tpu.memory_space<vmem>>, vector<1x64x128xf32>
    %swap3A_541 = vector.shape_cast %swap3A_540 : vector<1x64x128xf32> to vector<64x128xf32>
    %swap3A_542 = vector.shape_cast %slice3A_536 : vector<64x128xf32> to vector<1x64x128xf32>
    tpu.vector_store %arg4[%swap3A_537, %swap3A_538, %swap3A_539], %swap3A_542 {strides = array<i32>} : memref<1x64x16384xf32, #tpu.memory_space<vmem>>, vector<1x64x128xf32>,
    %slice3A_543 = vector.extract_strided_slice %get3A_1 {offsets = [4352, 0], sizes = [128, 128], strides = [1, 1]} : vector<8192x128xf32> to vector<128x128xf32>
    %transpose3A_544 = tpu.transpose %slice3A_543, [1, 0] : vector<128x128xf32> -> vector<128x128xf32>
    %slice3A_545 = vector.extract_strided_slice %transpose3A_544 {offsets = [0, 0], sizes = [64, 128], strides = [1, 1]} : vector<128x128xf32> to vector<64x128xf32>
    %swap3A_546 = arith.constant 0 : index
    %swap3A_547 = arith.constant 0 : index
    %swap3A_548 = arith.constant 8704 : index
    %swap3A_549 = vector.load %arg4[%swap3A_546, %swap3A_547, %swap3A_548] : memref<1x64x16384xf32, #tpu.memory_space<vmem>>, vector<1x64x128xf32>
    %swap3A_550 = vector.shape_cast %swap3A_549 : vector<1x64x128xf32> to vector<64x128xf32>
    %swap3A_551 = vector.shape_cast %slice3A_545 : vector<64x128xf32> to vector<1x64x128xf32>
    tpu.vector_store %arg4[%swap3A_546, %swap3A_547, %swap3A_548], %swap3A_551 {strides = array<i32>} : memref<1x64x16384xf32, #tpu.memory_space<vmem>>, vector<1x64x128xf32>,
    %slice3A_552 = vector.extract_strided_slice %transpose3A_544 {offsets = [64, 0], sizes = [64, 128], strides = [1, 1]} : vector<128x128xf32> to vector<64x128xf32>
    %swap3A_553 = arith.constant 0 : index
    %swap3A_554 = arith.constant 0 : index
    %swap3A_555 = arith.constant 8832 : index
    %swap3A_556 = vector.load %arg4[%swap3A_553, %swap3A_554, %swap3A_555] : memref<1x64x16384xf32, #tpu.memory_space<vmem>>, vector<1x64x128xf32>
    %swap3A_557 = vector.shape_cast %swap3A_556 : vector<1x64x128xf32> to vector<64x128xf32>
    %swap3A_558 = vector.shape_cast %slice3A_552 : vector<64x128xf32> to vector<1x64x128xf32>
    tpu.vector_store %arg4[%swap3A_553, %swap3A_554, %swap3A_555], %swap3A_558 {strides = array<i32>} : memref<1x64x16384xf32, #tpu.memory_space<vmem>>, vector<1x64x128xf32>,
    %slice3A_559 = vector.extract_strided_slice %get3A_1 {offsets = [4480, 0], sizes = [128, 128], strides = [1, 1]} : vector<8192x128xf32> to vector<128x128xf32>
    %transpose3A_560 = tpu.transpose %slice3A_559, [1, 0] : vector<128x128xf32> -> vector<128x128xf32>
    %slice3A_561 = vector.extract_strided_slice %transpose3A_560 {offsets = [0, 0], sizes = [64, 128], strides = [1, 1]} : vector<128x128xf32> to vector<64x128xf32>
    %swap3A_562 = arith.constant 0 : index
    %swap3A_563 = arith.constant 0 : index
    %swap3A_564 = arith.constant 8960 : index
    %swap3A_565 = vector.load %arg4[%swap3A_562, %swap3A_563, %swap3A_564] : memref<1x64x16384xf32, #tpu.memory_space<vmem>>, vector<1x64x128xf32>
    %swap3A_566 = vector.shape_cast %swap3A_565 : vector<1x64x128xf32> to vector<64x128xf32>
    %swap3A_567 = vector.shape_cast %slice3A_561 : vector<64x128xf32> to vector<1x64x128xf32>
    tpu.vector_store %arg4[%swap3A_562, %swap3A_563, %swap3A_564], %swap3A_567 {strides = array<i32>} : memref<1x64x16384xf32, #tpu.memory_space<vmem>>, vector<1x64x128xf32>,
    %slice3A_568 = vector.extract_strided_slice %transpose3A_560 {offsets = [64, 0], sizes = [64, 128], strides = [1, 1]} : vector<128x128xf32> to vector<64x128xf32>
    %swap3A_569 = arith.constant 0 : index
    %swap3A_570 = arith.constant 0 : index
    %swap3A_571 = arith.constant 9088 : index
    %swap3A_572 = vector.load %arg4[%swap3A_569, %swap3A_570, %swap3A_571] : memref<1x64x16384xf32, #tpu.memory_space<vmem>>, vector<1x64x128xf32>
    %swap3A_573 = vector.shape_cast %swap3A_572 : vector<1x64x128xf32> to vector<64x128xf32>
    %swap3A_574 = vector.shape_cast %slice3A_568 : vector<64x128xf32> to vector<1x64x128xf32>
    tpu.vector_store %arg4[%swap3A_569, %swap3A_570, %swap3A_571], %swap3A_574 {strides = array<i32>} : memref<1x64x16384xf32, #tpu.memory_space<vmem>>, vector<1x64x128xf32>,
    %slice3A_575 = vector.extract_strided_slice %get3A_1 {offsets = [4608, 0], sizes = [128, 128], strides = [1, 1]} : vector<8192x128xf32> to vector<128x128xf32>
    %transpose3A_576 = tpu.transpose %slice3A_575, [1, 0] : vector<128x128xf32> -> vector<128x128xf32>
    %slice3A_577 = vector.extract_strided_slice %transpose3A_576 {offsets = [0, 0], sizes = [64, 128], strides = [1, 1]} : vector<128x128xf32> to vector<64x128xf32>
    %swap3A_578 = arith.constant 0 : index
    %swap3A_579 = arith.constant 0 : index
    %swap3A_580 = arith.constant 9216 : index
    %swap3A_581 = vector.load %arg4[%swap3A_578, %swap3A_579, %swap3A_580] : memref<1x64x16384xf32, #tpu.memory_space<vmem>>, vector<1x64x128xf32>
    %swap3A_582 = vector.shape_cast %swap3A_581 : vector<1x64x128xf32> to vector<64x128xf32>
    %swap3A_583 = vector.shape_cast %slice3A_577 : vector<64x128xf32> to vector<1x64x128xf32>
    tpu.vector_store %arg4[%swap3A_578, %swap3A_579, %swap3A_580], %swap3A_583 {strides = array<i32>} : memref<1x64x16384xf32, #tpu.memory_space<vmem>>, vector<1x64x128xf32>,
    %slice3A_584 = vector.extract_strided_slice %transpose3A_576 {offsets = [64, 0], sizes = [64, 128], strides = [1, 1]} : vector<128x128xf32> to vector<64x128xf32>
    %swap3A_585 = arith.constant 0 : index
    %swap3A_586 = arith.constant 0 : index
    %swap3A_587 = arith.constant 9344 : index
    %swap3A_588 = vector.load %arg4[%swap3A_585, %swap3A_586, %swap3A_587] : memref<1x64x16384xf32, #tpu.memory_space<vmem>>, vector<1x64x128xf32>
    %swap3A_589 = vector.shape_cast %swap3A_588 : vector<1x64x128xf32> to vector<64x128xf32>
    %swap3A_590 = vector.shape_cast %slice3A_584 : vector<64x128xf32> to vector<1x64x128xf32>
    tpu.vector_store %arg4[%swap3A_585, %swap3A_586, %swap3A_587], %swap3A_590 {strides = array<i32>} : memref<1x64x16384xf32, #tpu.memory_space<vmem>>, vector<1x64x128xf32>,
    %slice3A_591 = vector.extract_strided_slice %get3A_1 {offsets = [4736, 0], sizes = [128, 128], strides = [1, 1]} : vector<8192x128xf32> to vector<128x128xf32>
    %transpose3A_592 = tpu.transpose %slice3A_591, [1, 0] : vector<128x128xf32> -> vector<128x128xf32>
    %slice3A_593 = vector.extract_strided_slice %transpose3A_592 {offsets = [0, 0], sizes = [64, 128], strides = [1, 1]} : vector<128x128xf32> to vector<64x128xf32>
    %swap3A_594 = arith.constant 0 : index
    %swap3A_595 = arith.constant 0 : index
    %swap3A_596 = arith.constant 9472 : index
    %swap3A_597 = vector.load %arg4[%swap3A_594, %swap3A_595, %swap3A_596] : memref<1x64x16384xf32, #tpu.memory_space<vmem>>, vector<1x64x128xf32>
    %swap3A_598 = vector.shape_cast %swap3A_597 : vector<1x64x128xf32> to vector<64x128xf32>
    %swap3A_599 = vector.shape_cast %slice3A_593 : vector<64x128xf32> to vector<1x64x128xf32>
    tpu.vector_store %arg4[%swap3A_594, %swap3A_595, %swap3A_596], %swap3A_599 {strides = array<i32>} : memref<1x64x16384xf32, #tpu.memory_space<vmem>>, vector<1x64x128xf32>,
    %slice3A_600 = vector.extract_strided_slice %transpose3A_592 {offsets = [64, 0], sizes = [64, 128], strides = [1, 1]} : vector<128x128xf32> to vector<64x128xf32>
    %swap3A_601 = arith.constant 0 : index
    %swap3A_602 = arith.constant 0 : index
    %swap3A_603 = arith.constant 9600 : index
    %swap3A_604 = vector.load %arg4[%swap3A_601, %swap3A_602, %swap3A_603] : memref<1x64x16384xf32, #tpu.memory_space<vmem>>, vector<1x64x128xf32>
    %swap3A_605 = vector.shape_cast %swap3A_604 : vector<1x64x128xf32> to vector<64x128xf32>
    %swap3A_606 = vector.shape_cast %slice3A_600 : vector<64x128xf32> to vector<1x64x128xf32>
    tpu.vector_store %arg4[%swap3A_601, %swap3A_602, %swap3A_603], %swap3A_606 {strides = array<i32>} : memref<1x64x16384xf32, #tpu.memory_space<vmem>>, vector<1x64x128xf32>,
    %slice3A_607 = vector.extract_strided_slice %get3A_1 {offsets = [4864, 0], sizes = [128, 128], strides = [1, 1]} : vector<8192x128xf32> to vector<128x128xf32>
    %transpose3A_608 = tpu.transpose %slice3A_607, [1, 0] : vector<128x128xf32> -> vector<128x128xf32>
    %slice3A_609 = vector.extract_strided_slice %transpose3A_608 {offsets = [0, 0], sizes = [64, 128], strides = [1, 1]} : vector<128x128xf32> to vector<64x128xf32>
    %swap3A_610 = arith.constant 0 : index
    %swap3A_611 = arith.constant 0 : index
    %swap3A_612 = arith.constant 9728 : index
    %swap3A_613 = vector.load %arg4[%swap3A_610, %swap3A_611, %swap3A_612] : memref<1x64x16384xf32, #tpu.memory_space<vmem>>, vector<1x64x128xf32>
    %swap3A_614 = vector.shape_cast %swap3A_613 : vector<1x64x128xf32> to vector<64x128xf32>
    %swap3A_615 = vector.shape_cast %slice3A_609 : vector<64x128xf32> to vector<1x64x128xf32>
    tpu.vector_store %arg4[%swap3A_610, %swap3A_611, %swap3A_612], %swap3A_615 {strides = array<i32>} : memref<1x64x16384xf32, #tpu.memory_space<vmem>>, vector<1x64x128xf32>,
    %slice3A_616 = vector.extract_strided_slice %transpose3A_608 {offsets = [64, 0], sizes = [64, 128], strides = [1, 1]} : vector<128x128xf32> to vector<64x128xf32>
    %swap3A_617 = arith.constant 0 : index
    %swap3A_618 = arith.constant 0 : index
    %swap3A_619 = arith.constant 9856 : index
    %swap3A_620 = vector.load %arg4[%swap3A_617, %swap3A_618, %swap3A_619] : memref<1x64x16384xf32, #tpu.memory_space<vmem>>, vector<1x64x128xf32>
    %swap3A_621 = vector.shape_cast %swap3A_620 : vector<1x64x128xf32> to vector<64x128xf32>
    %swap3A_622 = vector.shape_cast %slice3A_616 : vector<64x128xf32> to vector<1x64x128xf32>
    tpu.vector_store %arg4[%swap3A_617, %swap3A_618, %swap3A_619], %swap3A_622 {strides = array<i32>} : memref<1x64x16384xf32, #tpu.memory_space<vmem>>, vector<1x64x128xf32>,
    %slice3A_623 = vector.extract_strided_slice %get3A_1 {offsets = [4992, 0], sizes = [128, 128], strides = [1, 1]} : vector<8192x128xf32> to vector<128x128xf32>
    %transpose3A_624 = tpu.transpose %slice3A_623, [1, 0] : vector<128x128xf32> -> vector<128x128xf32>
    %slice3A_625 = vector.extract_strided_slice %transpose3A_624 {offsets = [0, 0], sizes = [64, 128], strides = [1, 1]} : vector<128x128xf32> to vector<64x128xf32>
    %swap3A_626 = arith.constant 0 : index
    %swap3A_627 = arith.constant 0 : index
    %swap3A_628 = arith.constant 9984 : index
    %swap3A_629 = vector.load %arg4[%swap3A_626, %swap3A_627, %swap3A_628] : memref<1x64x16384xf32, #tpu.memory_space<vmem>>, vector<1x64x128xf32>
    %swap3A_630 = vector.shape_cast %swap3A_629 : vector<1x64x128xf32> to vector<64x128xf32>
    %swap3A_631 = vector.shape_cast %slice3A_625 : vector<64x128xf32> to vector<1x64x128xf32>
    tpu.vector_store %arg4[%swap3A_626, %swap3A_627, %swap3A_628], %swap3A_631 {strides = array<i32>} : memref<1x64x16384xf32, #tpu.memory_space<vmem>>, vector<1x64x128xf32>,
    %slice3A_632 = vector.extract_strided_slice %transpose3A_624 {offsets = [64, 0], sizes = [64, 128], strides = [1, 1]} : vector<128x128xf32> to vector<64x128xf32>
    %swap3A_633 = arith.constant 0 : index
    %swap3A_634 = arith.constant 0 : index
    %swap3A_635 = arith.constant 10112 : index
    %swap3A_636 = vector.load %arg4[%swap3A_633, %swap3A_634, %swap3A_635] : memref<1x64x16384xf32, #tpu.memory_space<vmem>>, vector<1x64x128xf32>
    %swap3A_637 = vector.shape_cast %swap3A_636 : vector<1x64x128xf32> to vector<64x128xf32>
    %swap3A_638 = vector.shape_cast %slice3A_632 : vector<64x128xf32> to vector<1x64x128xf32>
    tpu.vector_store %arg4[%swap3A_633, %swap3A_634, %swap3A_635], %swap3A_638 {strides = array<i32>} : memref<1x64x16384xf32, #tpu.memory_space<vmem>>, vector<1x64x128xf32>,
    %slice3A_639 = vector.extract_strided_slice %get3A_1 {offsets = [5120, 0], sizes = [128, 128], strides = [1, 1]} : vector<8192x128xf32> to vector<128x128xf32>
    %transpose3A_640 = tpu.transpose %slice3A_639, [1, 0] : vector<128x128xf32> -> vector<128x128xf32>
    %slice3A_641 = vector.extract_strided_slice %transpose3A_640 {offsets = [0, 0], sizes = [64, 128], strides = [1, 1]} : vector<128x128xf32> to vector<64x128xf32>
    %swap3A_642 = arith.constant 0 : index
    %swap3A_643 = arith.constant 0 : index
    %swap3A_644 = arith.constant 10240 : index
    %swap3A_645 = vector.load %arg4[%swap3A_642, %swap3A_643, %swap3A_644] : memref<1x64x16384xf32, #tpu.memory_space<vmem>>, vector<1x64x128xf32>
    %swap3A_646 = vector.shape_cast %swap3A_645 : vector<1x64x128xf32> to vector<64x128xf32>
    %swap3A_647 = vector.shape_cast %slice3A_641 : vector<64x128xf32> to vector<1x64x128xf32>
    tpu.vector_store %arg4[%swap3A_642, %swap3A_643, %swap3A_644], %swap3A_647 {strides = array<i32>} : memref<1x64x16384xf32, #tpu.memory_space<vmem>>, vector<1x64x128xf32>,
    %slice3A_648 = vector.extract_strided_slice %transpose3A_640 {offsets = [64, 0], sizes = [64, 128], strides = [1, 1]} : vector<128x128xf32> to vector<64x128xf32>
    %swap3A_649 = arith.constant 0 : index
    %swap3A_650 = arith.constant 0 : index
    %swap3A_651 = arith.constant 10368 : index
    %swap3A_652 = vector.load %arg4[%swap3A_649, %swap3A_650, %swap3A_651] : memref<1x64x16384xf32, #tpu.memory_space<vmem>>, vector<1x64x128xf32>
    %swap3A_653 = vector.shape_cast %swap3A_652 : vector<1x64x128xf32> to vector<64x128xf32>
    %swap3A_654 = vector.shape_cast %slice3A_648 : vector<64x128xf32> to vector<1x64x128xf32>
    tpu.vector_store %arg4[%swap3A_649, %swap3A_650, %swap3A_651], %swap3A_654 {strides = array<i32>} : memref<1x64x16384xf32, #tpu.memory_space<vmem>>, vector<1x64x128xf32>,
    %slice3A_655 = vector.extract_strided_slice %get3A_1 {offsets = [5248, 0], sizes = [128, 128], strides = [1, 1]} : vector<8192x128xf32> to vector<128x128xf32>
    %transpose3A_656 = tpu.transpose %slice3A_655, [1, 0] : vector<128x128xf32> -> vector<128x128xf32>
    %slice3A_657 = vector.extract_strided_slice %transpose3A_656 {offsets = [0, 0], sizes = [64, 128], strides = [1, 1]} : vector<128x128xf32> to vector<64x128xf32>
    %swap3A_658 = arith.constant 0 : index
    %swap3A_659 = arith.constant 0 : index
    %swap3A_660 = arith.constant 10496 : index
    %swap3A_661 = vector.load %arg4[%swap3A_658, %swap3A_659, %swap3A_660] : memref<1x64x16384xf32, #tpu.memory_space<vmem>>, vector<1x64x128xf32>
    %swap3A_662 = vector.shape_cast %swap3A_661 : vector<1x64x128xf32> to vector<64x128xf32>
    %swap3A_663 = vector.shape_cast %slice3A_657 : vector<64x128xf32> to vector<1x64x128xf32>
    tpu.vector_store %arg4[%swap3A_658, %swap3A_659, %swap3A_660], %swap3A_663 {strides = array<i32>} : memref<1x64x16384xf32, #tpu.memory_space<vmem>>, vector<1x64x128xf32>,
    %slice3A_664 = vector.extract_strided_slice %transpose3A_656 {offsets = [64, 0], sizes = [64, 128], strides = [1, 1]} : vector<128x128xf32> to vector<64x128xf32>
    %swap3A_665 = arith.constant 0 : index
    %swap3A_666 = arith.constant 0 : index
    %swap3A_667 = arith.constant 10624 : index
    %swap3A_668 = vector.load %arg4[%swap3A_665, %swap3A_666, %swap3A_667] : memref<1x64x16384xf32, #tpu.memory_space<vmem>>, vector<1x64x128xf32>
    %swap3A_669 = vector.shape_cast %swap3A_668 : vector<1x64x128xf32> to vector<64x128xf32>
    %swap3A_670 = vector.shape_cast %slice3A_664 : vector<64x128xf32> to vector<1x64x128xf32>
    tpu.vector_store %arg4[%swap3A_665, %swap3A_666, %swap3A_667], %swap3A_670 {strides = array<i32>} : memref<1x64x16384xf32, #tpu.memory_space<vmem>>, vector<1x64x128xf32>,
    %slice3A_671 = vector.extract_strided_slice %get3A_1 {offsets = [5376, 0], sizes = [128, 128], strides = [1, 1]} : vector<8192x128xf32> to vector<128x128xf32>
    %transpose3A_672 = tpu.transpose %slice3A_671, [1, 0] : vector<128x128xf32> -> vector<128x128xf32>
    %slice3A_673 = vector.extract_strided_slice %transpose3A_672 {offsets = [0, 0], sizes = [64, 128], strides = [1, 1]} : vector<128x128xf32> to vector<64x128xf32>
    %swap3A_674 = arith.constant 0 : index
    %swap3A_675 = arith.constant 0 : index
    %swap3A_676 = arith.constant 10752 : index
    %swap3A_677 = vector.load %arg4[%swap3A_674, %swap3A_675, %swap3A_676] : memref<1x64x16384xf32, #tpu.memory_space<vmem>>, vector<1x64x128xf32>
    %swap3A_678 = vector.shape_cast %swap3A_677 : vector<1x64x128xf32> to vector<64x128xf32>
    %swap3A_679 = vector.shape_cast %slice3A_673 : vector<64x128xf32> to vector<1x64x128xf32>
    tpu.vector_store %arg4[%swap3A_674, %swap3A_675, %swap3A_676], %swap3A_679 {strides = array<i32>} : memref<1x64x16384xf32, #tpu.memory_space<vmem>>, vector<1x64x128xf32>,
    %slice3A_680 = vector.extract_strided_slice %transpose3A_672 {offsets = [64, 0], sizes = [64, 128], strides = [1, 1]} : vector<128x128xf32> to vector<64x128xf32>
    %swap3A_681 = arith.constant 0 : index
    %swap3A_682 = arith.constant 0 : index
    %swap3A_683 = arith.constant 10880 : index
    %swap3A_684 = vector.load %arg4[%swap3A_681, %swap3A_682, %swap3A_683] : memref<1x64x16384xf32, #tpu.memory_space<vmem>>, vector<1x64x128xf32>
    %swap3A_685 = vector.shape_cast %swap3A_684 : vector<1x64x128xf32> to vector<64x128xf32>
    %swap3A_686 = vector.shape_cast %slice3A_680 : vector<64x128xf32> to vector<1x64x128xf32>
    tpu.vector_store %arg4[%swap3A_681, %swap3A_682, %swap3A_683], %swap3A_686 {strides = array<i32>} : memref<1x64x16384xf32, #tpu.memory_space<vmem>>, vector<1x64x128xf32>,
    %slice3A_687 = vector.extract_strided_slice %get3A_1 {offsets = [5504, 0], sizes = [128, 128], strides = [1, 1]} : vector<8192x128xf32> to vector<128x128xf32>
    %transpose3A_688 = tpu.transpose %slice3A_687, [1, 0] : vector<128x128xf32> -> vector<128x128xf32>
    %slice3A_689 = vector.extract_strided_slice %transpose3A_688 {offsets = [0, 0], sizes = [64, 128], strides = [1, 1]} : vector<128x128xf32> to vector<64x128xf32>
    %swap3A_690 = arith.constant 0 : index
    %swap3A_691 = arith.constant 0 : index
    %swap3A_692 = arith.constant 11008 : index
    %swap3A_693 = vector.load %arg4[%swap3A_690, %swap3A_691, %swap3A_692] : memref<1x64x16384xf32, #tpu.memory_space<vmem>>, vector<1x64x128xf32>
    %swap3A_694 = vector.shape_cast %swap3A_693 : vector<1x64x128xf32> to vector<64x128xf32>
    %swap3A_695 = vector.shape_cast %slice3A_689 : vector<64x128xf32> to vector<1x64x128xf32>
    tpu.vector_store %arg4[%swap3A_690, %swap3A_691, %swap3A_692], %swap3A_695 {strides = array<i32>} : memref<1x64x16384xf32, #tpu.memory_space<vmem>>, vector<1x64x128xf32>,
    %slice3A_696 = vector.extract_strided_slice %transpose3A_688 {offsets = [64, 0], sizes = [64, 128], strides = [1, 1]} : vector<128x128xf32> to vector<64x128xf32>
    %swap3A_697 = arith.constant 0 : index
    %swap3A_698 = arith.constant 0 : index
    %swap3A_699 = arith.constant 11136 : index
    %swap3A_700 = vector.load %arg4[%swap3A_697, %swap3A_698, %swap3A_699] : memref<1x64x16384xf32, #tpu.memory_space<vmem>>, vector<1x64x128xf32>
    %swap3A_701 = vector.shape_cast %swap3A_700 : vector<1x64x128xf32> to vector<64x128xf32>
    %swap3A_702 = vector.shape_cast %slice3A_696 : vector<64x128xf32> to vector<1x64x128xf32>
    tpu.vector_store %arg4[%swap3A_697, %swap3A_698, %swap3A_699], %swap3A_702 {strides = array<i32>} : memref<1x64x16384xf32, #tpu.memory_space<vmem>>, vector<1x64x128xf32>,
    %slice3A_703 = vector.extract_strided_slice %get3A_1 {offsets = [5632, 0], sizes = [128, 128], strides = [1, 1]} : vector<8192x128xf32> to vector<128x128xf32>
    %transpose3A_704 = tpu.transpose %slice3A_703, [1, 0] : vector<128x128xf32> -> vector<128x128xf32>
    %slice3A_705 = vector.extract_strided_slice %transpose3A_704 {offsets = [0, 0], sizes = [64, 128], strides = [1, 1]} : vector<128x128xf32> to vector<64x128xf32>
    %swap3A_706 = arith.constant 0 : index
    %swap3A_707 = arith.constant 0 : index
    %swap3A_708 = arith.constant 11264 : index
    %swap3A_709 = vector.load %arg4[%swap3A_706, %swap3A_707, %swap3A_708] : memref<1x64x16384xf32, #tpu.memory_space<vmem>>, vector<1x64x128xf32>
    %swap3A_710 = vector.shape_cast %swap3A_709 : vector<1x64x128xf32> to vector<64x128xf32>
    %swap3A_711 = vector.shape_cast %slice3A_705 : vector<64x128xf32> to vector<1x64x128xf32>
    tpu.vector_store %arg4[%swap3A_706, %swap3A_707, %swap3A_708], %swap3A_711 {strides = array<i32>} : memref<1x64x16384xf32, #tpu.memory_space<vmem>>, vector<1x64x128xf32>,
    %slice3A_712 = vector.extract_strided_slice %transpose3A_704 {offsets = [64, 0], sizes = [64, 128], strides = [1, 1]} : vector<128x128xf32> to vector<64x128xf32>
    %swap3A_713 = arith.constant 0 : index
    %swap3A_714 = arith.constant 0 : index
    %swap3A_715 = arith.constant 11392 : index
    %swap3A_716 = vector.load %arg4[%swap3A_713, %swap3A_714, %swap3A_715] : memref<1x64x16384xf32, #tpu.memory_space<vmem>>, vector<1x64x128xf32>
    %swap3A_717 = vector.shape_cast %swap3A_716 : vector<1x64x128xf32> to vector<64x128xf32>
    %swap3A_718 = vector.shape_cast %slice3A_712 : vector<64x128xf32> to vector<1x64x128xf32>
    tpu.vector_store %arg4[%swap3A_713, %swap3A_714, %swap3A_715], %swap3A_718 {strides = array<i32>} : memref<1x64x16384xf32, #tpu.memory_space<vmem>>, vector<1x64x128xf32>,
    %slice3A_719 = vector.extract_strided_slice %get3A_1 {offsets = [5760, 0], sizes = [128, 128], strides = [1, 1]} : vector<8192x128xf32> to vector<128x128xf32>
    %transpose3A_720 = tpu.transpose %slice3A_719, [1, 0] : vector<128x128xf32> -> vector<128x128xf32>
    %slice3A_721 = vector.extract_strided_slice %transpose3A_720 {offsets = [0, 0], sizes = [64, 128], strides = [1, 1]} : vector<128x128xf32> to vector<64x128xf32>
    %swap3A_722 = arith.constant 0 : index
    %swap3A_723 = arith.constant 0 : index
    %swap3A_724 = arith.constant 11520 : index
    %swap3A_725 = vector.load %arg4[%swap3A_722, %swap3A_723, %swap3A_724] : memref<1x64x16384xf32, #tpu.memory_space<vmem>>, vector<1x64x128xf32>
    %swap3A_726 = vector.shape_cast %swap3A_725 : vector<1x64x128xf32> to vector<64x128xf32>
    %swap3A_727 = vector.shape_cast %slice3A_721 : vector<64x128xf32> to vector<1x64x128xf32>
    tpu.vector_store %arg4[%swap3A_722, %swap3A_723, %swap3A_724], %swap3A_727 {strides = array<i32>} : memref<1x64x16384xf32, #tpu.memory_space<vmem>>, vector<1x64x128xf32>,
    %slice3A_728 = vector.extract_strided_slice %transpose3A_720 {offsets = [64, 0], sizes = [64, 128], strides = [1, 1]} : vector<128x128xf32> to vector<64x128xf32>
    %swap3A_729 = arith.constant 0 : index
    %swap3A_730 = arith.constant 0 : index
    %swap3A_731 = arith.constant 11648 : index
    %swap3A_732 = vector.load %arg4[%swap3A_729, %swap3A_730, %swap3A_731] : memref<1x64x16384xf32, #tpu.memory_space<vmem>>, vector<1x64x128xf32>
    %swap3A_733 = vector.shape_cast %swap3A_732 : vector<1x64x128xf32> to vector<64x128xf32>
    %swap3A_734 = vector.shape_cast %slice3A_728 : vector<64x128xf32> to vector<1x64x128xf32>
    tpu.vector_store %arg4[%swap3A_729, %swap3A_730, %swap3A_731], %swap3A_734 {strides = array<i32>} : memref<1x64x16384xf32, #tpu.memory_space<vmem>>, vector<1x64x128xf32>,
    %slice3A_735 = vector.extract_strided_slice %get3A_1 {offsets = [5888, 0], sizes = [128, 128], strides = [1, 1]} : vector<8192x128xf32> to vector<128x128xf32>
    %transpose3A_736 = tpu.transpose %slice3A_735, [1, 0] : vector<128x128xf32> -> vector<128x128xf32>
    %slice3A_737 = vector.extract_strided_slice %transpose3A_736 {offsets = [0, 0], sizes = [64, 128], strides = [1, 1]} : vector<128x128xf32> to vector<64x128xf32>
    %swap3A_738 = arith.constant 0 : index
    %swap3A_739 = arith.constant 0 : index
    %swap3A_740 = arith.constant 11776 : index
    %swap3A_741 = vector.load %arg4[%swap3A_738, %swap3A_739, %swap3A_740] : memref<1x64x16384xf32, #tpu.memory_space<vmem>>, vector<1x64x128xf32>
    %swap3A_742 = vector.shape_cast %swap3A_741 : vector<1x64x128xf32> to vector<64x128xf32>
    %swap3A_743 = vector.shape_cast %slice3A_737 : vector<64x128xf32> to vector<1x64x128xf32>
    tpu.vector_store %arg4[%swap3A_738, %swap3A_739, %swap3A_740], %swap3A_743 {strides = array<i32>} : memref<1x64x16384xf32, #tpu.memory_space<vmem>>, vector<1x64x128xf32>,
    %slice3A_744 = vector.extract_strided_slice %transpose3A_736 {offsets = [64, 0], sizes = [64, 128], strides = [1, 1]} : vector<128x128xf32> to vector<64x128xf32>
    %swap3A_745 = arith.constant 0 : index
    %swap3A_746 = arith.constant 0 : index
    %swap3A_747 = arith.constant 11904 : index
    %swap3A_748 = vector.load %arg4[%swap3A_745, %swap3A_746, %swap3A_747] : memref<1x64x16384xf32, #tpu.memory_space<vmem>>, vector<1x64x128xf32>
    %swap3A_749 = vector.shape_cast %swap3A_748 : vector<1x64x128xf32> to vector<64x128xf32>
    %swap3A_750 = vector.shape_cast %slice3A_744 : vector<64x128xf32> to vector<1x64x128xf32>
    tpu.vector_store %arg4[%swap3A_745, %swap3A_746, %swap3A_747], %swap3A_750 {strides = array<i32>} : memref<1x64x16384xf32, #tpu.memory_space<vmem>>, vector<1x64x128xf32>,
    %slice3A_751 = vector.extract_strided_slice %get3A_1 {offsets = [6016, 0], sizes = [128, 128], strides = [1, 1]} : vector<8192x128xf32> to vector<128x128xf32>
    %transpose3A_752 = tpu.transpose %slice3A_751, [1, 0] : vector<128x128xf32> -> vector<128x128xf32>
    %slice3A_753 = vector.extract_strided_slice %transpose3A_752 {offsets = [0, 0], sizes = [64, 128], strides = [1, 1]} : vector<128x128xf32> to vector<64x128xf32>
    %swap3A_754 = arith.constant 0 : index
    %swap3A_755 = arith.constant 0 : index
    %swap3A_756 = arith.constant 12032 : index
    %swap3A_757 = vector.load %arg4[%swap3A_754, %swap3A_755, %swap3A_756] : memref<1x64x16384xf32, #tpu.memory_space<vmem>>, vector<1x64x128xf32>
    %swap3A_758 = vector.shape_cast %swap3A_757 : vector<1x64x128xf32> to vector<64x128xf32>
    %swap3A_759 = vector.shape_cast %slice3A_753 : vector<64x128xf32> to vector<1x64x128xf32>
    tpu.vector_store %arg4[%swap3A_754, %swap3A_755, %swap3A_756], %swap3A_759 {strides = array<i32>} : memref<1x64x16384xf32, #tpu.memory_space<vmem>>, vector<1x64x128xf32>,
    %slice3A_760 = vector.extract_strided_slice %transpose3A_752 {offsets = [64, 0], sizes = [64, 128], strides = [1, 1]} : vector<128x128xf32> to vector<64x128xf32>
    %swap3A_761 = arith.constant 0 : index
    %swap3A_762 = arith.constant 0 : index
    %swap3A_763 = arith.constant 12160 : index
    %swap3A_764 = vector.load %arg4[%swap3A_761, %swap3A_762, %swap3A_763] : memref<1x64x16384xf32, #tpu.memory_space<vmem>>, vector<1x64x128xf32>
    %swap3A_765 = vector.shape_cast %swap3A_764 : vector<1x64x128xf32> to vector<64x128xf32>
    %swap3A_766 = vector.shape_cast %slice3A_760 : vector<64x128xf32> to vector<1x64x128xf32>
    tpu.vector_store %arg4[%swap3A_761, %swap3A_762, %swap3A_763], %swap3A_766 {strides = array<i32>} : memref<1x64x16384xf32, #tpu.memory_space<vmem>>, vector<1x64x128xf32>,
    %slice3A_767 = vector.extract_strided_slice %get3A_1 {offsets = [6144, 0], sizes = [128, 128], strides = [1, 1]} : vector<8192x128xf32> to vector<128x128xf32>
    %transpose3A_768 = tpu.transpose %slice3A_767, [1, 0] : vector<128x128xf32> -> vector<128x128xf32>
    %slice3A_769 = vector.extract_strided_slice %transpose3A_768 {offsets = [0, 0], sizes = [64, 128], strides = [1, 1]} : vector<128x128xf32> to vector<64x128xf32>
    %swap3A_770 = arith.constant 0 : index
    %swap3A_771 = arith.constant 0 : index
    %swap3A_772 = arith.constant 12288 : index
    %swap3A_773 = vector.load %arg4[%swap3A_770, %swap3A_771, %swap3A_772] : memref<1x64x16384xf32, #tpu.memory_space<vmem>>, vector<1x64x128xf32>
    %swap3A_774 = vector.shape_cast %swap3A_773 : vector<1x64x128xf32> to vector<64x128xf32>
    %swap3A_775 = vector.shape_cast %slice3A_769 : vector<64x128xf32> to vector<1x64x128xf32>
    tpu.vector_store %arg4[%swap3A_770, %swap3A_771, %swap3A_772], %swap3A_775 {strides = array<i32>} : memref<1x64x16384xf32, #tpu.memory_space<vmem>>, vector<1x64x128xf32>,
    %slice3A_776 = vector.extract_strided_slice %transpose3A_768 {offsets = [64, 0], sizes = [64, 128], strides = [1, 1]} : vector<128x128xf32> to vector<64x128xf32>
    %swap3A_777 = arith.constant 0 : index
    %swap3A_778 = arith.constant 0 : index
    %swap3A_779 = arith.constant 12416 : index
    %swap3A_780 = vector.load %arg4[%swap3A_777, %swap3A_778, %swap3A_779] : memref<1x64x16384xf32, #tpu.memory_space<vmem>>, vector<1x64x128xf32>
    %swap3A_781 = vector.shape_cast %swap3A_780 : vector<1x64x128xf32> to vector<64x128xf32>
    %swap3A_782 = vector.shape_cast %slice3A_776 : vector<64x128xf32> to vector<1x64x128xf32>
    tpu.vector_store %arg4[%swap3A_777, %swap3A_778, %swap3A_779], %swap3A_782 {strides = array<i32>} : memref<1x64x16384xf32, #tpu.memory_space<vmem>>, vector<1x64x128xf32>,
    %slice3A_783 = vector.extract_strided_slice %get3A_1 {offsets = [6272, 0], sizes = [128, 128], strides = [1, 1]} : vector<8192x128xf32> to vector<128x128xf32>
    %transpose3A_784 = tpu.transpose %slice3A_783, [1, 0] : vector<128x128xf32> -> vector<128x128xf32>
    %slice3A_785 = vector.extract_strided_slice %transpose3A_784 {offsets = [0, 0], sizes = [64, 128], strides = [1, 1]} : vector<128x128xf32> to vector<64x128xf32>
    %swap3A_786 = arith.constant 0 : index
    %swap3A_787 = arith.constant 0 : index
    %swap3A_788 = arith.constant 12544 : index
    %swap3A_789 = vector.load %arg4[%swap3A_786, %swap3A_787, %swap3A_788] : memref<1x64x16384xf32, #tpu.memory_space<vmem>>, vector<1x64x128xf32>
    %swap3A_790 = vector.shape_cast %swap3A_789 : vector<1x64x128xf32> to vector<64x128xf32>
    %swap3A_791 = vector.shape_cast %slice3A_785 : vector<64x128xf32> to vector<1x64x128xf32>
    tpu.vector_store %arg4[%swap3A_786, %swap3A_787, %swap3A_788], %swap3A_791 {strides = array<i32>} : memref<1x64x16384xf32, #tpu.memory_space<vmem>>, vector<1x64x128xf32>,
    %slice3A_792 = vector.extract_strided_slice %transpose3A_784 {offsets = [64, 0], sizes = [64, 128], strides = [1, 1]} : vector<128x128xf32> to vector<64x128xf32>
    %swap3A_793 = arith.constant 0 : index
    %swap3A_794 = arith.constant 0 : index
    %swap3A_795 = arith.constant 12672 : index
    %swap3A_796 = vector.load %arg4[%swap3A_793, %swap3A_794, %swap3A_795] : memref<1x64x16384xf32, #tpu.memory_space<vmem>>, vector<1x64x128xf32>
    %swap3A_797 = vector.shape_cast %swap3A_796 : vector<1x64x128xf32> to vector<64x128xf32>
    %swap3A_798 = vector.shape_cast %slice3A_792 : vector<64x128xf32> to vector<1x64x128xf32>
    tpu.vector_store %arg4[%swap3A_793, %swap3A_794, %swap3A_795], %swap3A_798 {strides = array<i32>} : memref<1x64x16384xf32, #tpu.memory_space<vmem>>, vector<1x64x128xf32>,
    %slice3A_799 = vector.extract_strided_slice %get3A_1 {offsets = [6400, 0], sizes = [128, 128], strides = [1, 1]} : vector<8192x128xf32> to vector<128x128xf32>
    %transpose3A_800 = tpu.transpose %slice3A_799, [1, 0] : vector<128x128xf32> -> vector<128x128xf32>
    %slice3A_801 = vector.extract_strided_slice %transpose3A_800 {offsets = [0, 0], sizes = [64, 128], strides = [1, 1]} : vector<128x128xf32> to vector<64x128xf32>
    %swap3A_802 = arith.constant 0 : index
    %swap3A_803 = arith.constant 0 : index
    %swap3A_804 = arith.constant 12800 : index
    %swap3A_805 = vector.load %arg4[%swap3A_802, %swap3A_803, %swap3A_804] : memref<1x64x16384xf32, #tpu.memory_space<vmem>>, vector<1x64x128xf32>
    %swap3A_806 = vector.shape_cast %swap3A_805 : vector<1x64x128xf32> to vector<64x128xf32>
    %swap3A_807 = vector.shape_cast %slice3A_801 : vector<64x128xf32> to vector<1x64x128xf32>
    tpu.vector_store %arg4[%swap3A_802, %swap3A_803, %swap3A_804], %swap3A_807 {strides = array<i32>} : memref<1x64x16384xf32, #tpu.memory_space<vmem>>, vector<1x64x128xf32>,
    %slice3A_808 = vector.extract_strided_slice %transpose3A_800 {offsets = [64, 0], sizes = [64, 128], strides = [1, 1]} : vector<128x128xf32> to vector<64x128xf32>
    %swap3A_809 = arith.constant 0 : index
    %swap3A_810 = arith.constant 0 : index
    %swap3A_811 = arith.constant 12928 : index
    %swap3A_812 = vector.load %arg4[%swap3A_809, %swap3A_810, %swap3A_811] : memref<1x64x16384xf32, #tpu.memory_space<vmem>>, vector<1x64x128xf32>
    %swap3A_813 = vector.shape_cast %swap3A_812 : vector<1x64x128xf32> to vector<64x128xf32>
    %swap3A_814 = vector.shape_cast %slice3A_808 : vector<64x128xf32> to vector<1x64x128xf32>
    tpu.vector_store %arg4[%swap3A_809, %swap3A_810, %swap3A_811], %swap3A_814 {strides = array<i32>} : memref<1x64x16384xf32, #tpu.memory_space<vmem>>, vector<1x64x128xf32>,
    %slice3A_815 = vector.extract_strided_slice %get3A_1 {offsets = [6528, 0], sizes = [128, 128], strides = [1, 1]} : vector<8192x128xf32> to vector<128x128xf32>
    %transpose3A_816 = tpu.transpose %slice3A_815, [1, 0] : vector<128x128xf32> -> vector<128x128xf32>
    %slice3A_817 = vector.extract_strided_slice %transpose3A_816 {offsets = [0, 0], sizes = [64, 128], strides = [1, 1]} : vector<128x128xf32> to vector<64x128xf32>
    %swap3A_818 = arith.constant 0 : index
    %swap3A_819 = arith.constant 0 : index
    %swap3A_820 = arith.constant 13056 : index
    %swap3A_821 = vector.load %arg4[%swap3A_818, %swap3A_819, %swap3A_820] : memref<1x64x16384xf32, #tpu.memory_space<vmem>>, vector<1x64x128xf32>
    %swap3A_822 = vector.shape_cast %swap3A_821 : vector<1x64x128xf32> to vector<64x128xf32>
    %swap3A_823 = vector.shape_cast %slice3A_817 : vector<64x128xf32> to vector<1x64x128xf32>
    tpu.vector_store %arg4[%swap3A_818, %swap3A_819, %swap3A_820], %swap3A_823 {strides = array<i32>} : memref<1x64x16384xf32, #tpu.memory_space<vmem>>, vector<1x64x128xf32>,
    %slice3A_824 = vector.extract_strided_slice %transpose3A_816 {offsets = [64, 0], sizes = [64, 128], strides = [1, 1]} : vector<128x128xf32> to vector<64x128xf32>
    %swap3A_825 = arith.constant 0 : index
    %swap3A_826 = arith.constant 0 : index
    %swap3A_827 = arith.constant 13184 : index
    %swap3A_828 = vector.load %arg4[%swap3A_825, %swap3A_826, %swap3A_827] : memref<1x64x16384xf32, #tpu.memory_space<vmem>>, vector<1x64x128xf32>
    %swap3A_829 = vector.shape_cast %swap3A_828 : vector<1x64x128xf32> to vector<64x128xf32>
    %swap3A_830 = vector.shape_cast %slice3A_824 : vector<64x128xf32> to vector<1x64x128xf32>
    tpu.vector_store %arg4[%swap3A_825, %swap3A_826, %swap3A_827], %swap3A_830 {strides = array<i32>} : memref<1x64x16384xf32, #tpu.memory_space<vmem>>, vector<1x64x128xf32>,
    %slice3A_831 = vector.extract_strided_slice %get3A_1 {offsets = [6656, 0], sizes = [128, 128], strides = [1, 1]} : vector<8192x128xf32> to vector<128x128xf32>
    %transpose3A_832 = tpu.transpose %slice3A_831, [1, 0] : vector<128x128xf32> -> vector<128x128xf32>
    %slice3A_833 = vector.extract_strided_slice %transpose3A_832 {offsets = [0, 0], sizes = [64, 128], strides = [1, 1]} : vector<128x128xf32> to vector<64x128xf32>
    %swap3A_834 = arith.constant 0 : index
    %swap3A_835 = arith.constant 0 : index
    %swap3A_836 = arith.constant 13312 : index
    %swap3A_837 = vector.load %arg4[%swap3A_834, %swap3A_835, %swap3A_836] : memref<1x64x16384xf32, #tpu.memory_space<vmem>>, vector<1x64x128xf32>
    %swap3A_838 = vector.shape_cast %swap3A_837 : vector<1x64x128xf32> to vector<64x128xf32>
    %swap3A_839 = vector.shape_cast %slice3A_833 : vector<64x128xf32> to vector<1x64x128xf32>
    tpu.vector_store %arg4[%swap3A_834, %swap3A_835, %swap3A_836], %swap3A_839 {strides = array<i32>} : memref<1x64x16384xf32, #tpu.memory_space<vmem>>, vector<1x64x128xf32>,
    %slice3A_840 = vector.extract_strided_slice %transpose3A_832 {offsets = [64, 0], sizes = [64, 128], strides = [1, 1]} : vector<128x128xf32> to vector<64x128xf32>
    %swap3A_841 = arith.constant 0 : index
    %swap3A_842 = arith.constant 0 : index
    %swap3A_843 = arith.constant 13440 : index
    %swap3A_844 = vector.load %arg4[%swap3A_841, %swap3A_842, %swap3A_843] : memref<1x64x16384xf32, #tpu.memory_space<vmem>>, vector<1x64x128xf32>
    %swap3A_845 = vector.shape_cast %swap3A_844 : vector<1x64x128xf32> to vector<64x128xf32>
    %swap3A_846 = vector.shape_cast %slice3A_840 : vector<64x128xf32> to vector<1x64x128xf32>
    tpu.vector_store %arg4[%swap3A_841, %swap3A_842, %swap3A_843], %swap3A_846 {strides = array<i32>} : memref<1x64x16384xf32, #tpu.memory_space<vmem>>, vector<1x64x128xf32>,
    %slice3A_847 = vector.extract_strided_slice %get3A_1 {offsets = [6784, 0], sizes = [128, 128], strides = [1, 1]} : vector<8192x128xf32> to vector<128x128xf32>
    %transpose3A_848 = tpu.transpose %slice3A_847, [1, 0] : vector<128x128xf32> -> vector<128x128xf32>
    %slice3A_849 = vector.extract_strided_slice %transpose3A_848 {offsets = [0, 0], sizes = [64, 128], strides = [1, 1]} : vector<128x128xf32> to vector<64x128xf32>
    %swap3A_850 = arith.constant 0 : index
    %swap3A_851 = arith.constant 0 : index
    %swap3A_852 = arith.constant 13568 : index
    %swap3A_853 = vector.load %arg4[%swap3A_850, %swap3A_851, %swap3A_852] : memref<1x64x16384xf32, #tpu.memory_space<vmem>>, vector<1x64x128xf32>
    %swap3A_854 = vector.shape_cast %swap3A_853 : vector<1x64x128xf32> to vector<64x128xf32>
    %swap3A_855 = vector.shape_cast %slice3A_849 : vector<64x128xf32> to vector<1x64x128xf32>
    tpu.vector_store %arg4[%swap3A_850, %swap3A_851, %swap3A_852], %swap3A_855 {strides = array<i32>} : memref<1x64x16384xf32, #tpu.memory_space<vmem>>, vector<1x64x128xf32>,
    %slice3A_856 = vector.extract_strided_slice %transpose3A_848 {offsets = [64, 0], sizes = [64, 128], strides = [1, 1]} : vector<128x128xf32> to vector<64x128xf32>
    %swap3A_857 = arith.constant 0 : index
    %swap3A_858 = arith.constant 0 : index
    %swap3A_859 = arith.constant 13696 : index
    %swap3A_860 = vector.load %arg4[%swap3A_857, %swap3A_858, %swap3A_859] : memref<1x64x16384xf32, #tpu.memory_space<vmem>>, vector<1x64x128xf32>
    %swap3A_861 = vector.shape_cast %swap3A_860 : vector<1x64x128xf32> to vector<64x128xf32>
    %swap3A_862 = vector.shape_cast %slice3A_856 : vector<64x128xf32> to vector<1x64x128xf32>
    tpu.vector_store %arg4[%swap3A_857, %swap3A_858, %swap3A_859], %swap3A_862 {strides = array<i32>} : memref<1x64x16384xf32, #tpu.memory_space<vmem>>, vector<1x64x128xf32>,
    %slice3A_863 = vector.extract_strided_slice %get3A_1 {offsets = [6912, 0], sizes = [128, 128], strides = [1, 1]} : vector<8192x128xf32> to vector<128x128xf32>
    %transpose3A_864 = tpu.transpose %slice3A_863, [1, 0] : vector<128x128xf32> -> vector<128x128xf32>
    %slice3A_865 = vector.extract_strided_slice %transpose3A_864 {offsets = [0, 0], sizes = [64, 128], strides = [1, 1]} : vector<128x128xf32> to vector<64x128xf32>
    %swap3A_866 = arith.constant 0 : index
    %swap3A_867 = arith.constant 0 : index
    %swap3A_868 = arith.constant 13824 : index
    %swap3A_869 = vector.load %arg4[%swap3A_866, %swap3A_867, %swap3A_868] : memref<1x64x16384xf32, #tpu.memory_space<vmem>>, vector<1x64x128xf32>
    %swap3A_870 = vector.shape_cast %swap3A_869 : vector<1x64x128xf32> to vector<64x128xf32>
    %swap3A_871 = vector.shape_cast %slice3A_865 : vector<64x128xf32> to vector<1x64x128xf32>
    tpu.vector_store %arg4[%swap3A_866, %swap3A_867, %swap3A_868], %swap3A_871 {strides = array<i32>} : memref<1x64x16384xf32, #tpu.memory_space<vmem>>, vector<1x64x128xf32>,
    %slice3A_872 = vector.extract_strided_slice %transpose3A_864 {offsets = [64, 0], sizes = [64, 128], strides = [1, 1]} : vector<128x128xf32> to vector<64x128xf32>
    %swap3A_873 = arith.constant 0 : index
    %swap3A_874 = arith.constant 0 : index
    %swap3A_875 = arith.constant 13952 : index
    %swap3A_876 = vector.load %arg4[%swap3A_873, %swap3A_874, %swap3A_875] : memref<1x64x16384xf32, #tpu.memory_space<vmem>>, vector<1x64x128xf32>
    %swap3A_877 = vector.shape_cast %swap3A_876 : vector<1x64x128xf32> to vector<64x128xf32>
    %swap3A_878 = vector.shape_cast %slice3A_872 : vector<64x128xf32> to vector<1x64x128xf32>
    tpu.vector_store %arg4[%swap3A_873, %swap3A_874, %swap3A_875], %swap3A_878 {strides = array<i32>} : memref<1x64x16384xf32, #tpu.memory_space<vmem>>, vector<1x64x128xf32>,
    %slice3A_879 = vector.extract_strided_slice %get3A_1 {offsets = [7040, 0], sizes = [128, 128], strides = [1, 1]} : vector<8192x128xf32> to vector<128x128xf32>
    %transpose3A_880 = tpu.transpose %slice3A_879, [1, 0] : vector<128x128xf32> -> vector<128x128xf32>
    %slice3A_881 = vector.extract_strided_slice %transpose3A_880 {offsets = [0, 0], sizes = [64, 128], strides = [1, 1]} : vector<128x128xf32> to vector<64x128xf32>
    %swap3A_882 = arith.constant 0 : index
    %swap3A_883 = arith.constant 0 : index
    %swap3A_884 = arith.constant 14080 : index
    %swap3A_885 = vector.load %arg4[%swap3A_882, %swap3A_883, %swap3A_884] : memref<1x64x16384xf32, #tpu.memory_space<vmem>>, vector<1x64x128xf32>
    %swap3A_886 = vector.shape_cast %swap3A_885 : vector<1x64x128xf32> to vector<64x128xf32>
    %swap3A_887 = vector.shape_cast %slice3A_881 : vector<64x128xf32> to vector<1x64x128xf32>
    tpu.vector_store %arg4[%swap3A_882, %swap3A_883, %swap3A_884], %swap3A_887 {strides = array<i32>} : memref<1x64x16384xf32, #tpu.memory_space<vmem>>, vector<1x64x128xf32>,
    %slice3A_888 = vector.extract_strided_slice %transpose3A_880 {offsets = [64, 0], sizes = [64, 128], strides = [1, 1]} : vector<128x128xf32> to vector<64x128xf32>
    %swap3A_889 = arith.constant 0 : index
    %swap3A_890 = arith.constant 0 : index
    %swap3A_891 = arith.constant 14208 : index
    %swap3A_892 = vector.load %arg4[%swap3A_889, %swap3A_890, %swap3A_891] : memref<1x64x16384xf32, #tpu.memory_space<vmem>>, vector<1x64x128xf32>
    %swap3A_893 = vector.shape_cast %swap3A_892 : vector<1x64x128xf32> to vector<64x128xf32>
    %swap3A_894 = vector.shape_cast %slice3A_888 : vector<64x128xf32> to vector<1x64x128xf32>
    tpu.vector_store %arg4[%swap3A_889, %swap3A_890, %swap3A_891], %swap3A_894 {strides = array<i32>} : memref<1x64x16384xf32, #tpu.memory_space<vmem>>, vector<1x64x128xf32>,
    %slice3A_895 = vector.extract_strided_slice %get3A_1 {offsets = [7168, 0], sizes = [128, 128], strides = [1, 1]} : vector<8192x128xf32> to vector<128x128xf32>
    %transpose3A_896 = tpu.transpose %slice3A_895, [1, 0] : vector<128x128xf32> -> vector<128x128xf32>
    %slice3A_897 = vector.extract_strided_slice %transpose3A_896 {offsets = [0, 0], sizes = [64, 128], strides = [1, 1]} : vector<128x128xf32> to vector<64x128xf32>
    %swap3A_898 = arith.constant 0 : index
    %swap3A_899 = arith.constant 0 : index
    %swap3A_900 = arith.constant 14336 : index
    %swap3A_901 = vector.load %arg4[%swap3A_898, %swap3A_899, %swap3A_900] : memref<1x64x16384xf32, #tpu.memory_space<vmem>>, vector<1x64x128xf32>
    %swap3A_902 = vector.shape_cast %swap3A_901 : vector<1x64x128xf32> to vector<64x128xf32>
    %swap3A_903 = vector.shape_cast %slice3A_897 : vector<64x128xf32> to vector<1x64x128xf32>
    tpu.vector_store %arg4[%swap3A_898, %swap3A_899, %swap3A_900], %swap3A_903 {strides = array<i32>} : memref<1x64x16384xf32, #tpu.memory_space<vmem>>, vector<1x64x128xf32>,
    %slice3A_904 = vector.extract_strided_slice %transpose3A_896 {offsets = [64, 0], sizes = [64, 128], strides = [1, 1]} : vector<128x128xf32> to vector<64x128xf32>
    %swap3A_905 = arith.constant 0 : index
    %swap3A_906 = arith.constant 0 : index
    %swap3A_907 = arith.constant 14464 : index
    %swap3A_908 = vector.load %arg4[%swap3A_905, %swap3A_906, %swap3A_907] : memref<1x64x16384xf32, #tpu.memory_space<vmem>>, vector<1x64x128xf32>
    %swap3A_909 = vector.shape_cast %swap3A_908 : vector<1x64x128xf32> to vector<64x128xf32>
    %swap3A_910 = vector.shape_cast %slice3A_904 : vector<64x128xf32> to vector<1x64x128xf32>
    tpu.vector_store %arg4[%swap3A_905, %swap3A_906, %swap3A_907], %swap3A_910 {strides = array<i32>} : memref<1x64x16384xf32, #tpu.memory_space<vmem>>, vector<1x64x128xf32>,
    %slice3A_911 = vector.extract_strided_slice %get3A_1 {offsets = [7296, 0], sizes = [128, 128], strides = [1, 1]} : vector<8192x128xf32> to vector<128x128xf32>
    %transpose3A_912 = tpu.transpose %slice3A_911, [1, 0] : vector<128x128xf32> -> vector<128x128xf32>
    %slice3A_913 = vector.extract_strided_slice %transpose3A_912 {offsets = [0, 0], sizes = [64, 128], strides = [1, 1]} : vector<128x128xf32> to vector<64x128xf32>
    %swap3A_914 = arith.constant 0 : index
    %swap3A_915 = arith.constant 0 : index
    %swap3A_916 = arith.constant 14592 : index
    %swap3A_917 = vector.load %arg4[%swap3A_914, %swap3A_915, %swap3A_916] : memref<1x64x16384xf32, #tpu.memory_space<vmem>>, vector<1x64x128xf32>
    %swap3A_918 = vector.shape_cast %swap3A_917 : vector<1x64x128xf32> to vector<64x128xf32>
    %swap3A_919 = vector.shape_cast %slice3A_913 : vector<64x128xf32> to vector<1x64x128xf32>
    tpu.vector_store %arg4[%swap3A_914, %swap3A_915, %swap3A_916], %swap3A_919 {strides = array<i32>} : memref<1x64x16384xf32, #tpu.memory_space<vmem>>, vector<1x64x128xf32>,
    %slice3A_920 = vector.extract_strided_slice %transpose3A_912 {offsets = [64, 0], sizes = [64, 128], strides = [1, 1]} : vector<128x128xf32> to vector<64x128xf32>
    %swap3A_921 = arith.constant 0 : index
    %swap3A_922 = arith.constant 0 : index
    %swap3A_923 = arith.constant 14720 : index
    %swap3A_924 = vector.load %arg4[%swap3A_921, %swap3A_922, %swap3A_923] : memref<1x64x16384xf32, #tpu.memory_space<vmem>>, vector<1x64x128xf32>
    %swap3A_925 = vector.shape_cast %swap3A_924 : vector<1x64x128xf32> to vector<64x128xf32>
    %swap3A_926 = vector.shape_cast %slice3A_920 : vector<64x128xf32> to vector<1x64x128xf32>
    tpu.vector_store %arg4[%swap3A_921, %swap3A_922, %swap3A_923], %swap3A_926 {strides = array<i32>} : memref<1x64x16384xf32, #tpu.memory_space<vmem>>, vector<1x64x128xf32>,
    %slice3A_927 = vector.extract_strided_slice %get3A_1 {offsets = [7424, 0], sizes = [128, 128], strides = [1, 1]} : vector<8192x128xf32> to vector<128x128xf32>
    %transpose3A_928 = tpu.transpose %slice3A_927, [1, 0] : vector<128x128xf32> -> vector<128x128xf32>
    %slice3A_929 = vector.extract_strided_slice %transpose3A_928 {offsets = [0, 0], sizes = [64, 128], strides = [1, 1]} : vector<128x128xf32> to vector<64x128xf32>
    %swap3A_930 = arith.constant 0 : index
    %swap3A_931 = arith.constant 0 : index
    %swap3A_932 = arith.constant 14848 : index
    %swap3A_933 = vector.load %arg4[%swap3A_930, %swap3A_931, %swap3A_932] : memref<1x64x16384xf32, #tpu.memory_space<vmem>>, vector<1x64x128xf32>
    %swap3A_934 = vector.shape_cast %swap3A_933 : vector<1x64x128xf32> to vector<64x128xf32>
    %swap3A_935 = vector.shape_cast %slice3A_929 : vector<64x128xf32> to vector<1x64x128xf32>
    tpu.vector_store %arg4[%swap3A_930, %swap3A_931, %swap3A_932], %swap3A_935 {strides = array<i32>} : memref<1x64x16384xf32, #tpu.memory_space<vmem>>, vector<1x64x128xf32>,
    %slice3A_936 = vector.extract_strided_slice %transpose3A_928 {offsets = [64, 0], sizes = [64, 128], strides = [1, 1]} : vector<128x128xf32> to vector<64x128xf32>
    %swap3A_937 = arith.constant 0 : index
    %swap3A_938 = arith.constant 0 : index
    %swap3A_939 = arith.constant 14976 : index
    %swap3A_940 = vector.load %arg4[%swap3A_937, %swap3A_938, %swap3A_939] : memref<1x64x16384xf32, #tpu.memory_space<vmem>>, vector<1x64x128xf32>
    %swap3A_941 = vector.shape_cast %swap3A_940 : vector<1x64x128xf32> to vector<64x128xf32>
    %swap3A_942 = vector.shape_cast %slice3A_936 : vector<64x128xf32> to vector<1x64x128xf32>
    tpu.vector_store %arg4[%swap3A_937, %swap3A_938, %swap3A_939], %swap3A_942 {strides = array<i32>} : memref<1x64x16384xf32, #tpu.memory_space<vmem>>, vector<1x64x128xf32>,
    %slice3A_943 = vector.extract_strided_slice %get3A_1 {offsets = [7552, 0], sizes = [128, 128], strides = [1, 1]} : vector<8192x128xf32> to vector<128x128xf32>
    %transpose3A_944 = tpu.transpose %slice3A_943, [1, 0] : vector<128x128xf32> -> vector<128x128xf32>
    %slice3A_945 = vector.extract_strided_slice %transpose3A_944 {offsets = [0, 0], sizes = [64, 128], strides = [1, 1]} : vector<128x128xf32> to vector<64x128xf32>
    %swap3A_946 = arith.constant 0 : index
    %swap3A_947 = arith.constant 0 : index
    %swap3A_948 = arith.constant 15104 : index
    %swap3A_949 = vector.load %arg4[%swap3A_946, %swap3A_947, %swap3A_948] : memref<1x64x16384xf32, #tpu.memory_space<vmem>>, vector<1x64x128xf32>
    %swap3A_950 = vector.shape_cast %swap3A_949 : vector<1x64x128xf32> to vector<64x128xf32>
    %swap3A_951 = vector.shape_cast %slice3A_945 : vector<64x128xf32> to vector<1x64x128xf32>
    tpu.vector_store %arg4[%swap3A_946, %swap3A_947, %swap3A_948], %swap3A_951 {strides = array<i32>} : memref<1x64x16384xf32, #tpu.memory_space<vmem>>, vector<1x64x128xf32>,
    %slice3A_952 = vector.extract_strided_slice %transpose3A_944 {offsets = [64, 0], sizes = [64, 128], strides = [1, 1]} : vector<128x128xf32> to vector<64x128xf32>
    %swap3A_953 = arith.constant 0 : index
    %swap3A_954 = arith.constant 0 : index
    %swap3A_955 = arith.constant 15232 : index
    %swap3A_956 = vector.load %arg4[%swap3A_953, %swap3A_954, %swap3A_955] : memref<1x64x16384xf32, #tpu.memory_space<vmem>>, vector<1x64x128xf32>
    %swap3A_957 = vector.shape_cast %swap3A_956 : vector<1x64x128xf32> to vector<64x128xf32>
    %swap3A_958 = vector.shape_cast %slice3A_952 : vector<64x128xf32> to vector<1x64x128xf32>
    tpu.vector_store %arg4[%swap3A_953, %swap3A_954, %swap3A_955], %swap3A_958 {strides = array<i32>} : memref<1x64x16384xf32, #tpu.memory_space<vmem>>, vector<1x64x128xf32>,
    %slice3A_959 = vector.extract_strided_slice %get3A_1 {offsets = [7680, 0], sizes = [128, 128], strides = [1, 1]} : vector<8192x128xf32> to vector<128x128xf32>
    %transpose3A_960 = tpu.transpose %slice3A_959, [1, 0] : vector<128x128xf32> -> vector<128x128xf32>
    %slice3A_961 = vector.extract_strided_slice %transpose3A_960 {offsets = [0, 0], sizes = [64, 128], strides = [1, 1]} : vector<128x128xf32> to vector<64x128xf32>
    %swap3A_962 = arith.constant 0 : index
    %swap3A_963 = arith.constant 0 : index
    %swap3A_964 = arith.constant 15360 : index
    %swap3A_965 = vector.load %arg4[%swap3A_962, %swap3A_963, %swap3A_964] : memref<1x64x16384xf32, #tpu.memory_space<vmem>>, vector<1x64x128xf32>
    %swap3A_966 = vector.shape_cast %swap3A_965 : vector<1x64x128xf32> to vector<64x128xf32>
    %swap3A_967 = vector.shape_cast %slice3A_961 : vector<64x128xf32> to vector<1x64x128xf32>
    tpu.vector_store %arg4[%swap3A_962, %swap3A_963, %swap3A_964], %swap3A_967 {strides = array<i32>} : memref<1x64x16384xf32, #tpu.memory_space<vmem>>, vector<1x64x128xf32>,
    %slice3A_968 = vector.extract_strided_slice %transpose3A_960 {offsets = [64, 0], sizes = [64, 128], strides = [1, 1]} : vector<128x128xf32> to vector<64x128xf32>
    %swap3A_969 = arith.constant 0 : index
    %swap3A_970 = arith.constant 0 : index
    %swap3A_971 = arith.constant 15488 : index
    %swap3A_972 = vector.load %arg4[%swap3A_969, %swap3A_970, %swap3A_971] : memref<1x64x16384xf32, #tpu.memory_space<vmem>>, vector<1x64x128xf32>
    %swap3A_973 = vector.shape_cast %swap3A_972 : vector<1x64x128xf32> to vector<64x128xf32>
    %swap3A_974 = vector.shape_cast %slice3A_968 : vector<64x128xf32> to vector<1x64x128xf32>
    tpu.vector_store %arg4[%swap3A_969, %swap3A_970, %swap3A_971], %swap3A_974 {strides = array<i32>} : memref<1x64x16384xf32, #tpu.memory_space<vmem>>, vector<1x64x128xf32>,
    %slice3A_975 = vector.extract_strided_slice %get3A_1 {offsets = [7808, 0], sizes = [128, 128], strides = [1, 1]} : vector<8192x128xf32> to vector<128x128xf32>
    %transpose3A_976 = tpu.transpose %slice3A_975, [1, 0] : vector<128x128xf32> -> vector<128x128xf32>
    %slice3A_977 = vector.extract_strided_slice %transpose3A_976 {offsets = [0, 0], sizes = [64, 128], strides = [1, 1]} : vector<128x128xf32> to vector<64x128xf32>
    %swap3A_978 = arith.constant 0 : index
    %swap3A_979 = arith.constant 0 : index
    %swap3A_980 = arith.constant 15616 : index
    %swap3A_981 = vector.load %arg4[%swap3A_978, %swap3A_979, %swap3A_980] : memref<1x64x16384xf32, #tpu.memory_space<vmem>>, vector<1x64x128xf32>
    %swap3A_982 = vector.shape_cast %swap3A_981 : vector<1x64x128xf32> to vector<64x128xf32>
    %swap3A_983 = vector.shape_cast %slice3A_977 : vector<64x128xf32> to vector<1x64x128xf32>
    tpu.vector_store %arg4[%swap3A_978, %swap3A_979, %swap3A_980], %swap3A_983 {strides = array<i32>} : memref<1x64x16384xf32, #tpu.memory_space<vmem>>, vector<1x64x128xf32>,
    %slice3A_984 = vector.extract_strided_slice %transpose3A_976 {offsets = [64, 0], sizes = [64, 128], strides = [1, 1]} : vector<128x128xf32> to vector<64x128xf32>
    %swap3A_985 = arith.constant 0 : index
    %swap3A_986 = arith.constant 0 : index
    %swap3A_987 = arith.constant 15744 : index
    %swap3A_988 = vector.load %arg4[%swap3A_985, %swap3A_986, %swap3A_987] : memref<1x64x16384xf32, #tpu.memory_space<vmem>>, vector<1x64x128xf32>
    %swap3A_989 = vector.shape_cast %swap3A_988 : vector<1x64x128xf32> to vector<64x128xf32>
    %swap3A_990 = vector.shape_cast %slice3A_984 : vector<64x128xf32> to vector<1x64x128xf32>
    tpu.vector_store %arg4[%swap3A_985, %swap3A_986, %swap3A_987], %swap3A_990 {strides = array<i32>} : memref<1x64x16384xf32, #tpu.memory_space<vmem>>, vector<1x64x128xf32>,
    %slice3A_991 = vector.extract_strided_slice %get3A_1 {offsets = [7936, 0], sizes = [128, 128], strides = [1, 1]} : vector<8192x128xf32> to vector<128x128xf32>
    %transpose3A_992 = tpu.transpose %slice3A_991, [1, 0] : vector<128x128xf32> -> vector<128x128xf32>
    %slice3A_993 = vector.extract_strided_slice %transpose3A_992 {offsets = [0, 0], sizes = [64, 128], strides = [1, 1]} : vector<128x128xf32> to vector<64x128xf32>
    %swap3A_994 = arith.constant 0 : index
    %swap3A_995 = arith.constant 0 : index
    %swap3A_996 = arith.constant 15872 : index
    %swap3A_997 = vector.load %arg4[%swap3A_994, %swap3A_995, %swap3A_996] : memref<1x64x16384xf32, #tpu.memory_space<vmem>>, vector<1x64x128xf32>
    %swap3A_998 = vector.shape_cast %swap3A_997 : vector<1x64x128xf32> to vector<64x128xf32>
    %swap3A_999 = vector.shape_cast %slice3A_993 : vector<64x128xf32> to vector<1x64x128xf32>
    tpu.vector_store %arg4[%swap3A_994, %swap3A_995, %swap3A_996], %swap3A_999 {strides = array<i32>} : memref<1x64x16384xf32, #tpu.memory_space<vmem>>, vector<1x64x128xf32>,
    %slice3A_1000 = vector.extract_strided_slice %transpose3A_992 {offsets = [64, 0], sizes = [64, 128], strides = [1, 1]} : vector<128x128xf32> to vector<64x128xf32>
    %swap3A_1001 = arith.constant 0 : index
    %swap3A_1002 = arith.constant 0 : index
    %swap3A_1003 = arith.constant 16000 : index
    %swap3A_1004 = vector.load %arg4[%swap3A_1001, %swap3A_1002, %swap3A_1003] : memref<1x64x16384xf32, #tpu.memory_space<vmem>>, vector<1x64x128xf32>
    %swap3A_1005 = vector.shape_cast %swap3A_1004 : vector<1x64x128xf32> to vector<64x128xf32>
    %swap3A_1006 = vector.shape_cast %slice3A_1000 : vector<64x128xf32> to vector<1x64x128xf32>
    tpu.vector_store %arg4[%swap3A_1001, %swap3A_1002, %swap3A_1003], %swap3A_1006 {strides = array<i32>} : memref<1x64x16384xf32, #tpu.memory_space<vmem>>, vector<1x64x128xf32>,
    %slice3A_1007 = vector.extract_strided_slice %get3A_1 {offsets = [8064, 0], sizes = [128, 128], strides = [1, 1]} : vector<8192x128xf32> to vector<128x128xf32>
    %transpose3A_1008 = tpu.transpose %slice3A_1007, [1, 0] : vector<128x128xf32> -> vector<128x128xf32>
    %slice3A_1009 = vector.extract_strided_slice %transpose3A_1008 {offsets = [0, 0], sizes = [64, 128], strides = [1, 1]} : vector<128x128xf32> to vector<64x128xf32>
    %swap3A_1010 = arith.constant 0 : index
    %swap3A_1011 = arith.constant 0 : index
    %swap3A_1012 = arith.constant 16128 : index
    %swap3A_1013 = vector.load %arg4[%swap3A_1010, %swap3A_1011, %swap3A_1012] : memref<1x64x16384xf32, #tpu.memory_space<vmem>>, vector<1x64x128xf32>
    %swap3A_1014 = vector.shape_cast %swap3A_1013 : vector<1x64x128xf32> to vector<64x128xf32>
    %swap3A_1015 = vector.shape_cast %slice3A_1009 : vector<64x128xf32> to vector<1x64x128xf32>
    tpu.vector_store %arg4[%swap3A_1010, %swap3A_1011, %swap3A_1012], %swap3A_1015 {strides = array<i32>} : memref<1x64x16384xf32, #tpu.memory_space<vmem>>, vector<1x64x128xf32>,
    %slice3A_1016 = vector.extract_strided_slice %transpose3A_1008 {offsets = [64, 0], sizes = [64, 128], strides = [1, 1]} : vector<128x128xf32> to vector<64x128xf32>
    %swap3A_1017 = arith.constant 0 : index
    %swap3A_1018 = arith.constant 0 : index
    %swap3A_1019 = arith.constant 16256 : index
    %swap3A_1020 = vector.load %arg4[%swap3A_1017, %swap3A_1018, %swap3A_1019] : memref<1x64x16384xf32, #tpu.memory_space<vmem>>, vector<1x64x128xf32>
    %swap3A_1021 = vector.shape_cast %swap3A_1020 : vector<1x64x128xf32> to vector<64x128xf32>
    %swap3A_1022 = vector.shape_cast %slice3A_1016 : vector<64x128xf32> to vector<1x64x128xf32>
    tpu.vector_store %arg4[%swap3A_1017, %swap3A_1018, %swap3A_1019], %swap3A_1022 {strides = array<i32>} : memref<1x64x16384xf32, #tpu.memory_space<vmem>>, vector<1x64x128xf32>,
    return
  }
  func.func @transform_0(%arg0: i32, %arg1: i32) -> (i32, i32) {
    %mul3A = arith.constant 1 : i32
    %mul3A_0 = arith.muli %arg0, %mul3A : i32
    %add3A = arith.addi %mul3A_0, %arg1 : i32
    %c0_i32 = arith.constant 0 : i32
    %c0_i32_1 = arith.constant 0 : i32
    return %add3A, %c0_i32 : i32, i32
  }
  func.func @transform_2(%arg0: i32, %arg1: i32) -> (i32, i32, i32) {
    %add3A = arith.constant 25 : i32
    %add3A_0 = arith.addi %arg0, %add3A : i32
    %c0_i32 = arith.constant 0 : i32
    %c0_i32_1 = arith.constant 0 : i32
    return %add3A_0, %c0_i32, %arg1 : i32, i32, i32
  }
}

</mosaic_0001>

<sc_bundles>
// kernel: kernel.11.cloned.1.call-start
scs
__scs_entry_jumppad:
0x0: {  	(pc) =	sbr.rel $0x88, $3  }
0x1: {  	(tag) =	ssettag $0x0;
	lr =	simm.s32 $0x1  }
0x2: {  	[smem:$0x3F9E] =	sst lr;
	_ =	strace $0xD0000000  }
0x3: {  	_ = 	snop  }
0x4: {  	_ = 	snop  }
0x5: {  	_ = 	snop  }
0x6: {  	_ = 	snop  }
0x7: {  	_ = 	snop  }
__scs_overlays_trampoline_lowered:
0x8: {  	[smem:$0x3FAD] =	sst s0  }
0x9: {  	[smem:$0x3FAE] =	sst s1  }
0xa: {  	[smem:$0x3FAF] =	sst s2  }
0xb: {  	[smem:$0x3FB0] =	sst s3  }
0xc: {  	[smem:$0x3FB1] =	sst s4  }
0xd: {  	[smem:$0x3FB2] =	sst s5  }
0xe: {  	[smem:$0x3FB3] =	sst s6  }
0xf: {  	[smem:$0x3FB4] =	sst s7  }
0x10: {  	[smem:$0x3FB5] =	sst s8  }
0x11: {  	[smem:$0x3FB6] =	sst s9;
	s0 =	simm.s32 @!p0 $0x0  }
0x12: {  	s1 =	sld [smem:$0x3F9C];
	s0 =	simm.s32 @p0 $0x1  }
0x13: {  	[smem:$0x3FB7] =	sst s0;
	s0 =	simm.s32 @!p1 $0x0  }
0x14: {  	s2 =	sld [smem:$0x3F9B];
	s0 =	simm.s32 @p1 $0x1  }
0x15: {  	[smem:$0x3FB8] =	sst s0;
	s0 =	simm.s32 @!p2 $0x0  }
0x16: {  	s3 =	sld [smem:$0x3FDB];
	s0 =	simm.s32 @p2 $0x1  }
0x17: {  	s4 =	simm.s32 $0x1BF5;
	[smem:$0x3FBA] =	sst s0  }
0x18: {  	s0 =	sld [smem:$0x3F9D];
	_ =	swait.ge [sflag:s4], $0x0  }
0x19: {  	s7 =	sld [smem:$0x3F9E]  }
0x1a: {  	s8 =	sadd.s32 $0xFFFFE003, lr  }
0x1b: {  	s9 =	sadd.s32 $0xFFFFFEF7, lr;
	s5 =	simm.s32 $0xFFFFFFFF;
	p2 =	slt.u32 s8, $0xFFFFF086  }
0x1c: {  	p1 =	slt.u32 s9, $0xF7A;
	s5 =	simm.s32 @!p2 $0x0  }
0x1d: {  	s5 =	simm.s32 @p1 $0x1;
	p0 =	seq.s32 s7, s2  }
0x1e: {  	s7 =	smul.u32 @!p0 $0xF7A, s2;
	p2 =	seq.s32 @!p0 s5, $0x0  }
0x1f: {  	s9 =	smul.u32 $0xF7A, s1;
	s8 =	simm.s32 @!p0 $0x1BF5;
	p2 =	por !p2, p0  }
0x20: {  	[sflag:s8] =	ssyncset.s32 @!p0 $0xFFFFF086;
	s6 =	sadd.s32 @!p0 s3, s7;
	s7 =	simm.s32 @!p0 $0x108  }
0x21: {  	s3 =	sadd.s32 s3, s9;
	s6 =	sadd.s32 @!p0 $0x88, s6;
	s7 =	simm.s32 @p2 $0x1082  }
0x22: {  	[simem:s7], [sflag:s8] =	dma.local @!p0 [hbm:s6], $0xF7A  }
0x23: {  	s9 =	sor.u32 $0xD0000000, s2;
	s6 =	simm.s32 $0x108;
	_ =	swait.ge @!p0 [sflag:s8], $0x0  }
0x24: {  	s3 =	sadd.s32 $0x88, s3;
	s6 =	simm.s32 @!p1 $0x1082;
	[sflag:s4] =	ssyncset.s32 $0xFFFFF086  }
0x25: {  	[simem:s6], [sflag:s4] =	dma.local [hbm:s3], $0xF7A  }
0x26: {  	[smem:$0x3F9E] =	sst s1;
	(tag) =	ssettag s2;
	_ =	strace s9  }
0x27: {  	s1 =	sld [smem:$0x3FAE]  }
0x28: {  	s2 =	sld [smem:$0x3FAF]  }
0x29: {  	s4 =	sld [smem:$0x3FB1]  }
0x2a: {  	p0 =	seq.s32 s5, $0x0;
	s5 =	sld [smem:$0x3FB2]  }
0x2b: {  	s6 =	sld [smem:$0x3FB3]  }
0x2c: {  	s7 =	sld [smem:$0x3FB4]  }
0x2d: {  	s3 =	simm.s32 $0x108;
	s8 =	sld [smem:$0x3FB5]  }
0x2e: {  	s3 =	simm.s32 @!p0 $0x1082;
	s9 =	sld [smem:$0x3FB6]  }
0x2f: {  	lr =	sadd.s32 s0, s3;
	s0 =	sld [smem:$0x3FAD]  }
0x30: {  	s3 =	sld [smem:$0x3FB0]  }
0x31: {  	[smem:$0x3FB9] =	sst s10  }
0x32: {  	s10 =	sld [smem:$0x3FB7];
	_ =	sdelay $0x3  }
0x33: {  	p0 =	seq.s32 s10, $0x1;
	s10 =	sld [smem:$0x3FB9];
	_ =	sdelay $0x3  }
0x34: {  	[smem:$0x3FB9] =	sst s10  }
0x35: {  	s10 =	sld [smem:$0x3FB8];
	_ =	sdelay $0x3  }
0x36: {  	p1 =	seq.s32 s10, $0x1;
	s10 =	sld [smem:$0x3FB9];
	_ =	sdelay $0x3  }
0x37: {  	[smem:$0x3FB9] =	sst s10  }
0x38: {  	s10 =	sld [smem:$0x3FBA]  }
0x39: {  	_ = 	snop;
	(pc) =	sbr.ind lr, $3  }
0x3a: {  	_ = 	snop  }
0x3b: {  	_ = 	snop  }
0x3c: {  	p2 =	seq.s32 s10, $0x1;
	s10 =	sld [smem:$0x3FB9]  }
0x3d: {  	_ =	shalt  }
0x3e: {  	_ =	shalt  }
0x3f: {  	_ =	shalt  }
0x40: {  	_ =	shalt  }
0x41: {  	_ =	shalt  }
0x42: {  	_ =	shalt  }
0x43: {  	_ =	shalt  }
0x44: {  	_ =	shalt  }
0x45: {  	_ =	shalt  }
0x46: {  	_ =	shalt  }
0x47: {  	_ =	shalt  }
0x48: {  	_ =	shalt  }
0x49: {  	_ =	shalt  }
0x4a: {  	_ =	shalt  }
0x4b: {  	_ =	shalt  }
0x4c: {  	_ =	shalt  }
0x4d: {  	_ =	shalt  }
0x4e: {  	_ =	shalt  }
0x4f: {  	_ =	shalt  }
0x50: {  	_ =	shalt  }
0x51: {  	_ =	shalt  }
0x52: {  	_ =	shalt  }
0x53: {  	_ =	shalt  }
0x54: {  	_ =	shalt  }
0x55: {  	_ =	shalt  }
0x56: {  	_ =	shalt  }
0x57: {  	_ =	shalt  }
0x58: {  	_ =	shalt  }
0x59: {  	_ =	shalt  }
0x5a: {  	_ =	shalt  }
0x5b: {  	_ =	shalt  }
0x5c: {  	_ =	shalt  }
0x5d: {  	_ =	shalt  }
0x5e: {  	_ =	shalt  }
0x5f: {  	_ =	shalt  }
0x60: {  	_ =	shalt  }
0x61: {  	_ =	shalt  }
0x62: {  	_ =	shalt  }
0x63: {  	_ =	shalt  }
0x64: {  	_ =	shalt  }
0x65: {  	_ =	shalt  }
0x66: {  	_ =	shalt  }
0x67: {  	_ =	shalt  }
0x68: {  	_ =	shalt  }
0x69: {  	_ =	shalt  }
0x6a: {  	_ =	shalt  }
0x6b: {  	_ =	shalt  }
0x6c: {  	_ =	shalt  }
0x6d: {  	_ =	shalt  }
0x6e: {  	_ =	shalt  }
0x6f: {  	_ =	shalt  }
0x70: {  	_ =	shalt  }
0x71: {  	_ =	shalt  }
0x72: {  	_ =	shalt  }
0x73: {  	_ =	shalt  }
0x74: {  	_ =	shalt  }
0x75: {  	_ =	shalt  }
0x76: {  	_ =	shalt  }
0x77: {  	_ =	shalt  }
0x78: {  	_ =	shalt  }
0x79: {  	_ =	shalt  }
0x7a: {  	_ =	shalt  }
0x7b: {  	_ =	shalt  }
0x7c: {  	_ =	shalt  }
0x7d: {  	_ =	shalt  }
0x7e: {  	_ =	shalt  }
0x7f: {  	_ =	shalt  }
0x80: {  	_ =	shalt  }
0x81: {  	_ =	shalt  }
0x82: {  	_ =	shalt  }
0x83: {  	_ =	shalt  }
0x84: {  	_ =	shalt  }
0x85: {  	_ =	shalt  }
0x86: {  	_ =	shalt  }
0x87: {  	_ =	shalt  }
.Lfunc_end0:
.L_simem_size_0:
called_computation.1_lowered:
.L_overlay_start_0:
0x88: {  	s2 =	sld [smem:$0x3FD9]  }
0x89: {  	s3 =	sld [smem:$0x3FFE];
	_ =	sdelay $0x1  }
0x8a: {  	s1 =	srdreg.scid  }
0x8b: {  	s0 =	sand.u32 $0x1, s1  }
0x8c: {  	s17 =	sshll.u32 s0, $0xA;
	s2 =	sadd.s32 s3, s2  }
0x8d: {  	s2 =	sadd.s32 s2, s17  }
0x8e: {  	[smem:$0x3FC5] =	sst s2  }
0x8f: {  	_ = 	snop  }
0x90: {  	(tm) =	ssettm $0x1  }
0x91: {  	s18 =	sld [smem:$0x3FFB];
	_ =	sdelay $0x3  }
0x92: {  	_ =	strace s18  }
0x93: {  	s2 =	sld [smem:$0x3FFC];
	_ =	sdelay $0x3  }
0x94: {  	_ =	strace s2  }
0x95: {  	s2 =	sld [smem:$0x3FFD];
	_ =	sdelay $0x3  }
0x96: {  	_ =	strace s2  }
0x97: {  	_ =	strace $0x8FFFFFFF  }
0x98: {  	s19 =	sld [smem:$0x3FDB];
	_ =	sdelay $0x1  }
0x99: {  	s20 =	simm.s32 $_scs_section_size  }
0x9a: {  	s4 =	simm.s32 $_size__tile_overlayer_lowered;
	s5 =	simm.s32 $_tile_overlayer_lowered  }
0x9b: {  	s6 =	simm.s32 $0x1BFF;
	s21 =	sshll.u32 s5, $0x1;
	s3 =	sadd.s32 s20, s19  }
0x9c: {  	s22 =	simm.s32 $0x0;
	s4 =	sshll.u32 s4, $0x1;
	s5 =	sadd.s32 s21, s3  }
0x9d: {  	[timem:s22], [sflag:s6] =	dma.local [hbm:s5], s4  }
0x9e: {  	_ =	swait.ge [sflag:s6], s4  }
0x9f: {  	s4 =	ssub.s32 $0x0, s4;
	[sflag:s6] =	ssyncset.done $0x0  }
0xa0: {  	[sflag:s6] =	ssyncadd.s32 s4;
	_ =	sdelay $0x1  }
0xa1: {  	s23 =	simm.s32 $0x1B8B  }
0xa2: {  	_ =	swait.ge [sflag:s23], $0x1  }
0xa3: {  	[sflag:s23] =	ssyncset.done $0x0  }
0xa4: {  	[sflag:s23] =	ssyncadd.s32 $0xFFFFFFFF  }
0xa5: {  	s4 =	sld [smem:$0x0]  }
0xa6: {  	s5 =	sand.u32 $0xFFFFFFFE, s1  }
0xa7: {  	p0 =	sne.s32 s1, s5  }
0xa8: {  	s5 =	sshll.u32 @p0 s5, $0xE  }
0xa9: {  	s5 =	sadd.s32 @p0 $0x11B8D, s5;
	s6 =	sshll.u32 @p0 s4, $0x11  }
0xaa: {  	s5 =	sor.u32 @p0 s6, s5  }
0xab: {  	[sflag:s5] =	ssyncadd.remote.s32 @p0 $0x1;
	_ =	sdelay $0x1  }
0xac: {  	s5 =	simm.s32 @p0 $0x1B8D  }
0xad: {  	_ =	swait.eq @p0 [sflag:s5], $0x1  }
0xae: {  	[sflag:s5] =	ssyncadd.s32 @p0 $0xFFFFFFFF  }
0xaf: {  	s6 =	sshll.u32 @!p0 s1, $0xE  }
0xb0: {  	s6 =	sor.u32 @!p0 $0x4000, s6;
	s5 =	simm.s32 @!p0 $0x1B8D  }
0xb1: {  	s4 =	sshll.u32 @!p0 s4, $0x11;
	s6 =	sadd.s32 @!p0 $0x11B8D, s6;
	_ =	swait.eq @!p0 [sflag:s5], $0x1  }
0xb2: {  	s4 =	sor.u32 @!p0 s4, s6;
	[sflag:s5] =	ssyncadd.s32 @!p0 $0xFFFFFFFF  }
0xb3: {  	s25 =	simm.s32 $0x1B8E;
	s24 =	sld [smem:$0x3FFE];
	[sflag:s4] =	ssyncadd.remote.s32 @!p0 $0x1  }
0xb4: {  	s26 =	simm.s32 $execute0_lowered;
	[smem:$0x3FD2] =	sst s25  }
0xb5: {  	s5 =	sshll.u32 s26, $0x1;
	_ =	strace $0x80000049;
	[dreg:$0x1] =	wrdreg $0xFFFFFFFF  }
0xb6: {  	s28 =	simm.s32 $_size_execute0_lowered;
	s3 =	sadd.s32 s3, s5;
	[dreg:$0x0] =	wrdreg $0x0  }
0xb7: {  	s5 =	sshll.u32 s28, $0x1;
	[dreg:$0x2] =	wrdreg s3  }
0xb8: {  	[dreg:$0x3] =	wrdreg s5  }
0xb9: {  	[dreg:$0x4] =	wrdreg $0xC0  }
0xba: {  	_ =	task [dreg:s22], $0x5FFFF  }
0xbb: {  	[dreg:$0x1] =	wrdreg $0xFFFFFFFF  }
0xbc: {  	[dreg:$0x0] =	wrdreg $0x60  }
0xbd: {  	[dreg:$0x2] =	wrdreg s24  }
0xbe: {  	[dreg:$0x3] =	wrdreg $0xA  }
0xbf: {  	_ =	task.clear_ibuf [dreg:s22], $0x4FFFF;
	_ =	strace $0x90000049  }
0xc0: {  	s29 =	simm.s32 $0xA;
	_ =	strace $0x8000004B  }
0xc1: {  	_ =	swait.ge [sflag:s29], $0x1  }
0xc2: {  	[sflag:s29] =	ssyncadd.s32 $0xFFFFFFFF  }
0xc3: {  	_ =	strace $0x9000004B  }
0xc4: {  	_ =	sfence  }
0xc5: {  	s30 =	sld [smem:$0x0];
	_ =	sdelay $0x2  }
0xc6: {  	s31 =	sshll.u32 s1, $0xD;
	s1 =	sshrl.u32 s1, $0x2  }
0xc7: {  	s4 =	sand.u32 $0x4000, s31;
	s1 =	sadd.s32 s1, s30  }
0xc8: {  	s0 =	sor.u32 s4, s0;
	s1 =	sshll.u32 s1, $0x11  }
0xc9: {  	s0 =	sor.u32 s1, s0  }
0xca: {  	s0 =	sadd.s32 $0x8F2B, s0  }
0xcb: {  	[sflag:s0] =	ssyncadd.remote.s32 $0x1  }
0xcc: {  	_ =	sfence.sel $0xFFFF  }
0xcd: {  	[dreg:$0x0] =	wrdreg $0xFFFFFFFF;
	(pc) =	sbr.abs _section_cstart, $3  }
0xce: {  	[dreg:$0x1] =	wrdreg $0xFFFFFFFF  }
0xcf: {  	_ =	task.clear_ibuf [dreg:s22], $0x2FFFF;
	_ =	strace $0x9FFFFFFF  }
0xd0: {  	(tm) =	ssettm $0x7FFFFFFF  }
0xd1: {  	_ =	shalt  }
tec
execute0_lowered:
.L_overlay_start_1:
0x0: {  	(tag) =	ssettag $0x1  }
0x1: {  	s4 =	rddreg [dreg:$0x0]  }
0x2: {  	s0 =	rddreg [dreg:$0x1]  }
0x3: {  	s2 =	simm.s32 $0x0;
	s3 =	srdreg.scid;
	s1 =	stileid.u32  }
0x4: {  	s13 =	simm.s32 $0x1;
	s14 =	simm.s32 $0x40;
	s15 =	simm.s32 $0x100  }
0x5: {  	s16 =	simm.s32 $0x4200;
	s17 =	simm.s32 $0x180;
	s18 =	simm.s32 $0x6200  }
0x6: {  	s19 =	simm.s32 $0x2;
	s20 =	simm.s32 $0x3;
	s6 =	smul.u32 $0x190000, s1  }
0x7: {  	s21 =	simm.s32 $0x0;
	s5 =	sand.u32 $0x1, s3;
	s10 =	smul.u32 $0x6400, s1  }
0x8: {  	[smem:$0x7FF] =	sst s2;
	s3 =	sadd.s32 $0xD800, s4;
	s7 =	smul.u32 $0xC8000, s5  }
0x9: {  	s8 =	sadd.s32 $0x3F1800, s4;
	s9 =	ssub.s32 $0x2, s5;
	s24 =	smul.u32 $0x3200, s5  }
0xa: {  	s12 =	sadd.s32 $0x3FE000, s4;
	_ =	strace $0x8000004A;
	s11 =	sshrl.u32 s9, $0x1  }
0xb: {  	s6 =	sadd.s32 s7, s6;
	s25 =	ssub.s32 s9, s11;
	s7 =	sadd.s32 s24, s10  }
0xc: {  	s9 =	simm.s32 $0x4;
	s10 =	simm.s32 $0x80;
	s11 =	simm.s32 $0x200  }
0xd: {  	s26 =	sshrl.u32 s6, $0x3;
	s4 =	smax.u32 s25, $0x1;
	s28 =	sshrl.u32 s7, $0x3  }
0xe: {  	s29 =	sor.u32 $0x4000, s6;
	s7 =	sor.u32 $0x100, s7;
	s5 =	sadd.s32 s26, s12  }
0xf: {  	s6 =	sadd.s32 s28, s8;
	s30 =	sshrl.u32 s29, $0x3;
	s31 =	sshrl.u32 s7, $0x3  }
0x10: {  	s7 =	sadd.s32 s30, s12;
	s8 =	sadd.s32 s31, s8;
	s12 =	simm.s32 $0x2200  }
.LBB2_1:
0x11: {  	p0 =	por $0x1, $0x1  }
0x12: {  	s22 =	simm.s32 @!p0 $0x2  }
0x13: {  	_ =	swait.ge @!p0 [sflag:s22], $0x2000  }
0x14: {  	[sflag:s22] =	ssyncset.done @!p0 $0x0  }
0x15: {  	[sflag:s22] =	ssyncadd.s32 @!p0 $0xFFFFE000  }
0x16: {  	_ =	swait.ge @!p0 [sflag:s22], $0x2000  }
0x17: {  	[sflag:s22] =	ssyncset.done @!p0 $0x0  }
0x18: {  	[sflag:s22] =	ssyncadd.s32 @!p0 $0xFFFFE000  }
0x19: {  	[tilespmem:s2], [sflag:$0x4] =	stream.linear.gather [hbm4b:s6+s2], $0x100, $0x38;
	[tilespmem:$0x8200] =	vst v63  }
0x1a: {  	_ =	swait.ge [sflag:s9], $0x100  }
0x1b: {  	[sflag:s9] =	ssyncset.done $0x0  }
0x1c: {  	[sflag:s9] =	ssyncadd.s32 $0xFFFFFF00  }
0x1d: {  	[tilespmem:s11], [sflag:$0x1] =	stream.indirect.gather [hbm4b:s3+s10], $0x40, s2, s10, $0xb8;
	[tilespmem:$0x8200] =	vst v63  }
0x1e: {  	_ = 	snop  }
0x1f: {  	[tilespmem:s12], [sflag:$0x1] =	stream.indirect.gather [hbm4b:s3+s10], $0x40, s10, s10, $0xb8;
	[tilespmem:$0x8200] =	vst v63  }
0x20: {  	_ =	swait.ge [sflag:s13], $0x2000  }
0x21: {  	[sflag:s13] =	ssyncset.done $0x0  }
0x22: {  	[sflag:s13] =	ssyncadd.s32 $0xFFFFE000  }
0x23: {  	_ =	swait.ge [sflag:s13], $0x2000  }
0x24: {  	[sflag:s13] =	ssyncset.done $0x0  }
0x25: {  	s31 =	sadd.s32 $0x0, s5;
	[sflag:s13] =	ssyncadd.s32 $0xFFFFE000  }
0x26: {  	[hbm4b:s31+s14] =	stream.strided.scatter [tilespmem:s11], [sflag:$0x2], $0x2000, s10, s14, $0x38;
	[tilespmem:$0x8200] =	vst v63  }
0x27: {  	s23 =	simm.s32 @!p0 $0x3;
	s22 =	sadd.s32 $0x8, s31  }
0x28: {  	[hbm4b:s22+s14] =	stream.strided.scatter [tilespmem:s12], [sflag:$0x2], $0x2000, s10, s14, $0x38;
	[tilespmem:$0x8200] =	vst v63  }
0x29: {  	_ =	swait.ge @!p0 [sflag:s23], $0x2000  }
0x2a: {  	[sflag:s23] =	ssyncset.done @!p0 $0x0  }
0x2b: {  	[sflag:s23] =	ssyncadd.s32 @!p0 $0xFFFFE000  }
0x2c: {  	_ =	swait.ge @!p0 [sflag:s23], $0x2000  }
0x2d: {  	[sflag:s23] =	ssyncset.done @!p0 $0x0  }
0x2e: {  	[sflag:s23] =	ssyncadd.s32 @!p0 $0xFFFFE000  }
0x2f: {  	[tilespmem:s15], [sflag:$0x4] =	stream.linear.gather [hbm4b:s8+s2], $0x100, $0x38;
	[tilespmem:$0x8200] =	vst v63  }
0x30: {  	_ =	swait.ge [sflag:s9], $0x100  }
0x31: {  	[sflag:s9] =	ssyncset.done $0x0  }
0x32: {  	[sflag:s9] =	ssyncadd.s32 $0xFFFFFF00  }
0x33: {  	[tilespmem:s16], [sflag:$0x1] =	stream.indirect.gather [hbm4b:s3+s10], $0x40, s15, s10, $0xb8;
	[tilespmem:$0x8200] =	vst v63  }
0x34: {  	_ = 	snop  }
0x35: {  	[tilespmem:s18], [sflag:$0x1] =	stream.indirect.gather [hbm4b:s3+s10], $0x40, s17, s10, $0xb8;
	[tilespmem:$0x8200] =	vst v63  }
0x36: {  	_ =	swait.ge [sflag:s13], $0x2000  }
0x37: {  	[sflag:s13] =	ssyncset.done $0x0  }
0x38: {  	s25 =	simm.s32 $0x2000;
	[sflag:s13] =	ssyncadd.s32 $0xFFFFE000  }
0x39: {  	s26 =	sadd.s32 $0x0, s7;
	s24 =	sadd.s32 $0x40, s6;
	_ =	swait.ge [sflag:s13], $0x2000  }
0x3a: {  	s28 =	sadd.s32 $0x8, s26;
	s22 =	simm.s32 $0x1000;
	[sflag:s13] =	ssyncset.done $0x0  }
0x3b: {  	s23 =	sadd.s32 $0x40, s8;
	p0 =	por $0x0, $0x0;
	[sflag:s13] =	ssyncadd.s32 $0xFFFFE000  }
.LBB2_2:
0x3c: {  	[hbm4b:s26+s14] =	stream.strided.scatter [tilespmem:s16], [sflag:$0x3], $0x2000, s10, s14, $0x38;
	[tilespmem:$0x8200] =	vst v63  }
0x3d: {  	s26 =	smov.u32 s22;
	s22 =	smov.u32 s25  }
0x3e: {  	s25 =	sadd.s32 $0x1000, s25;
	s29 =	simm.s32 @!p0 $0x2  }
0x3f: {  	[hbm4b:s28+s14] =	stream.strided.scatter [tilespmem:s18], [sflag:$0x3], $0x2000, s10, s14, $0x38;
	[tilespmem:$0x8200] =	vst v63  }
0x40: {  	p1 =	sne.s32 s25, $0x19000;
	_ =	swait.ge @!p0 [sflag:s29], $0x2000  }
0x41: {  	[sflag:s29] =	ssyncset.done @!p0 $0x0  }
0x42: {  	[sflag:s29] =	ssyncadd.s32 @!p0 $0xFFFFE000  }
0x43: {  	_ =	swait.ge @!p0 [sflag:s29], $0x2000  }
0x44: {  	[sflag:s29] =	ssyncset.done @!p0 $0x0  }
0x45: {  	[sflag:s29] =	ssyncadd.s32 @!p0 $0xFFFFE000  }
0x46: {  	[tilespmem:s2], [sflag:$0x4] =	stream.linear.gather [hbm4b:s24+s2], $0x100, $0x38;
	[tilespmem:$0x8200] =	vst v63  }
0x47: {  	_ =	swait.ge [sflag:s9], $0x100  }
0x48: {  	[sflag:s9] =	ssyncset.done $0x0  }
0x49: {  	[sflag:s9] =	ssyncadd.s32 $0xFFFFFF00  }
0x4a: {  	[tilespmem:s11], [sflag:$0x1] =	stream.indirect.gather [hbm4b:s3+s10], $0x40, s2, s10, $0xb8;
	[tilespmem:$0x8200] =	vst v63  }
0x4b: {  	_ = 	snop  }
0x4c: {  	[tilespmem:s12], [sflag:$0x1] =	stream.indirect.gather [hbm4b:s3+s10], $0x40, s10, s10, $0xb8;
	[tilespmem:$0x8200] =	vst v63  }
0x4d: {  	_ =	swait.ge [sflag:s13], $0x2000  }
0x4e: {  	[sflag:s13] =	ssyncset.done $0x0  }
0x4f: {  	[sflag:s13] =	ssyncadd.s32 $0xFFFFE000  }
0x50: {  	_ =	swait.ge [sflag:s13], $0x2000  }
0x51: {  	s28 =	sadd.s32 s26, s5;
	[sflag:s13] =	ssyncset.done $0x0  }
0x52: {  	[sflag:s13] =	ssyncadd.s32 $0xFFFFE000  }
0x53: {  	[hbm4b:s28+s14] =	stream.strided.scatter [tilespmem:s11], [sflag:$0x2], $0x2000, s10, s14, $0x38;
	[tilespmem:$0x8200] =	vst v63  }
0x54: {  	s29 =	simm.s32 @!p0 $0x3;
	s28 =	sadd.s32 $0x8, s28  }
0x55: {  	[hbm4b:s28+s14] =	stream.strided.scatter [tilespmem:s12], [sflag:$0x2], $0x2000, s10, s14, $0x38;
	[tilespmem:$0x8200] =	vst v63  }
0x56: {  	_ =	swait.ge @!p0 [sflag:s29], $0x2000  }
0x57: {  	[sflag:s29] =	ssyncset.done @!p0 $0x0  }
0x58: {  	[sflag:s29] =	ssyncadd.s32 @!p0 $0xFFFFE000  }
0x59: {  	_ =	swait.ge @!p0 [sflag:s29], $0x2000  }
0x5a: {  	[sflag:s29] =	ssyncset.done @!p0 $0x0  }
0x5b: {  	[sflag:s29] =	ssyncadd.s32 @!p0 $0xFFFFE000  }
0x5c: {  	[tilespmem:s15], [sflag:$0x4] =	stream.linear.gather [hbm4b:s23+s2], $0x100, $0x38;
	[tilespmem:$0x8200] =	vst v63  }
0x5d: {  	_ =	swait.ge [sflag:s9], $0x100  }
0x5e: {  	[sflag:s9] =	ssyncset.done $0x0  }
0x5f: {  	[sflag:s9] =	ssyncadd.s32 $0xFFFFFF00  }
0x60: {  	[tilespmem:s16], [sflag:$0x1] =	stream.indirect.gather [hbm4b:s3+s10], $0x40, s15, s10, $0xb8;
	[tilespmem:$0x8200] =	vst v63  }
0x61: {  	_ = 	snop  }
0x62: {  	[tilespmem:s18], [sflag:$0x1] =	stream.indirect.gather [hbm4b:s3+s10], $0x40, s17, s10, $0xb8;
	[tilespmem:$0x8200] =	vst v63  }
0x63: {  	_ =	swait.ge [sflag:s13], $0x2000  }
.Ltmp0:
0x64: {  	[sflag:s13] =	ssyncset.done $0x0;
	(pc) =	sbr.rel @p1 .LBB2_2-.Ltmp0, $4  }
0x65: {  	[sflag:s13] =	ssyncadd.s32 $0xFFFFE000  }
0x66: {  	s23 =	sadd.s32 $0x40, s23;
	_ =	swait.ge [sflag:s13], $0x2000  }
0x67: {  	s26 =	sadd.s32 s26, s7;
	p0 =	seq.s32 s22, $0x0;
	[sflag:s13] =	ssyncset.done $0x0  }
0x68: {  	s24 =	sadd.s32 $0x40, s24;
	s28 =	sadd.s32 $0x8, s26;
	[sflag:s13] =	ssyncadd.s32 $0xFFFFE000  }
0x69: {  	[hbm4b:s26+s14] =	stream.strided.scatter [tilespmem:s16], [sflag:$0x3], $0x2000, s10, s14, $0x38;
	[tilespmem:$0x8200] =	vst v63  }
0x6a: {  	s25 =	simm.s32 @!p0 $0x2  }
0x6b: {  	[hbm4b:s28+s14] =	stream.strided.scatter [tilespmem:s18], [sflag:$0x3], $0x2000, s10, s14, $0x38;
	[tilespmem:$0x8200] =	vst v63  }
0x6c: {  	_ =	swait.ge @!p0 [sflag:s25], $0x2000  }
0x6d: {  	[sflag:s25] =	ssyncset.done @!p0 $0x0  }
0x6e: {  	[sflag:s25] =	ssyncadd.s32 @!p0 $0xFFFFE000  }
0x6f: {  	_ =	swait.ge @!p0 [sflag:s25], $0x2000  }
0x70: {  	[sflag:s25] =	ssyncset.done @!p0 $0x0  }
0x71: {  	[sflag:s25] =	ssyncadd.s32 @!p0 $0xFFFFE000  }
0x72: {  	[tilespmem:s2], [sflag:$0x4] =	stream.linear.gather [hbm4b:s24+s2], $0x100, $0x38;
	[tilespmem:$0x8200] =	vst v63  }
0x73: {  	_ =	swait.ge [sflag:s9], $0x100  }
0x74: {  	[sflag:s9] =	ssyncset.done $0x0  }
0x75: {  	[sflag:s9] =	ssyncadd.s32 $0xFFFFFF00  }
0x76: {  	[tilespmem:s11], [sflag:$0x1] =	stream.indirect.gather [hbm4b:s3+s10], $0x40, s2, s10, $0xb8;
	[tilespmem:$0x8200] =	vst v63  }
0x77: {  	_ = 	snop  }
0x78: {  	[tilespmem:s12], [sflag:$0x1] =	stream.indirect.gather [hbm4b:s3+s10], $0x40, s10, s10, $0xb8;
	[tilespmem:$0x8200] =	vst v63  }
0x79: {  	_ =	swait.ge [sflag:s13], $0x2000  }
0x7a: {  	[sflag:s13] =	ssyncset.done $0x0  }
0x7b: {  	[sflag:s13] =	ssyncadd.s32 $0xFFFFE000  }
0x7c: {  	_ =	swait.ge [sflag:s13], $0x2000  }
0x7d: {  	[sflag:s13] =	ssyncset.done $0x0  }
0x7e: {  	s30 =	sadd.s32 s22, s5;
	[sflag:s13] =	ssyncadd.s32 $0xFFFFE000  }
0x7f: {  	[hbm4b:s30+s14] =	stream.strided.scatter [tilespmem:s11], [sflag:$0x2], $0x2000, s10, s14, $0x38;
	[tilespmem:$0x8200] =	vst v63  }
0x80: {  	s25 =	simm.s32 @!p0 $0x3;
	s24 =	sadd.s32 $0x8, s30  }
0x81: {  	[hbm4b:s24+s14] =	stream.strided.scatter [tilespmem:s12], [sflag:$0x2], $0x2000, s10, s14, $0x38;
	[tilespmem:$0x8200] =	vst v63  }
0x82: {  	_ =	swait.ge @!p0 [sflag:s25], $0x2000  }
0x83: {  	[sflag:s25] =	ssyncset.done @!p0 $0x0  }
0x84: {  	[sflag:s25] =	ssyncadd.s32 @!p0 $0xFFFFE000  }
0x85: {  	_ =	swait.ge @!p0 [sflag:s25], $0x2000  }
0x86: {  	[sflag:s25] =	ssyncset.done @!p0 $0x0  }
0x87: {  	[sflag:s25] =	ssyncadd.s32 @!p0 $0xFFFFE000  }
0x88: {  	[tilespmem:s15], [sflag:$0x4] =	stream.linear.gather [hbm4b:s23+s2], $0x100, $0x38;
	[tilespmem:$0x8200] =	vst v63  }
0x89: {  	_ =	swait.ge [sflag:s9], $0x100  }
0x8a: {  	[sflag:s9] =	ssyncset.done $0x0  }
0x8b: {  	[sflag:s9] =	ssyncadd.s32 $0xFFFFFF00  }
0x8c: {  	[tilespmem:s16], [sflag:$0x1] =	stream.indirect.gather [hbm4b:s3+s10], $0x40, s15, s10, $0xb8;
	[tilespmem:$0x8200] =	vst v63  }
0x8d: {  	_ = 	snop  }
0x8e: {  	[tilespmem:s18], [sflag:$0x1] =	stream.indirect.gather [hbm4b:s3+s10], $0x40, s17, s10, $0xb8;
	[tilespmem:$0x8200] =	vst v63  }
0x8f: {  	_ =	swait.ge [sflag:s13], $0x2000  }
0x90: {  	[sflag:s13] =	ssyncset.done $0x0  }
0x91: {  	[sflag:s13] =	ssyncadd.s32 $0xFFFFE000  }
0x92: {  	_ =	swait.ge [sflag:s13], $0x2000  }
0x93: {  	[sflag:s13] =	ssyncset.done $0x0  }
0x94: {  	s31 =	sadd.s32 s22, s7;
	[sflag:s13] =	ssyncadd.s32 $0xFFFFE000  }
0x95: {  	[hbm4b:s31+s14] =	stream.strided.scatter [tilespmem:s16], [sflag:$0x3], $0x2000, s10, s14, $0x38;
	[tilespmem:$0x8200] =	vst v63  }
0x96: {  	s22 =	sadd.s32 $0x8, s31  }
0x97: {  	[hbm4b:s22+s14] =	stream.strided.scatter [tilespmem:s18], [sflag:$0x3], $0x2000, s10, s14, $0x38;
	[tilespmem:$0x8200] =	vst v63  }
0x98: {  	_ =	swait.ge [sflag:s19], $0x2000  }
0x99: {  	[sflag:s19] =	ssyncset.done $0x0  }
0x9a: {  	[sflag:s19] =	ssyncadd.s32 $0xFFFFE000  }
0x9b: {  	_ =	swait.ge [sflag:s19], $0x2000  }
0x9c: {  	[sflag:s19] =	ssyncset.done $0x0  }
0x9d: {  	s21 =	sadd.s32 $0x1, s21;
	[sflag:s19] =	ssyncadd.s32 $0xFFFFE000  }
0x9e: {  	p0 =	sne.s32 s21, s4;
	_ =	swait.ge [sflag:s20], $0x2000  }
.Ltmp1:
0x9f: {  	[sflag:s20] =	ssyncset.done $0x0;
	(pc) =	sbr.rel @p0 .LBB2_1-.Ltmp1, $4  }
0xa0: {  	[sflag:s20] =	ssyncadd.s32 $0xFFFFE000  }
0xa1: {  	_ =	swait.ge [sflag:s20], $0x2000  }
0xa2: {  	[sflag:s20] =	ssyncset.done $0x0  }
0xa3: {  	[sflag:s20] =	ssyncadd.s32 $0xFFFFE000  }
0xa4: {  	_ =	sfence.sel $0x180000  }
0xa5: {  	[bflag:$0x0] =	sbarrier.arrive $0xFFFF  }
0xa6: {  	p0 =	sne.s32 s1, $0x0;
	_ =	strace $0x9000004A  }
0xa7: {  	s0 =	sadd.s32 @!p0 $0x100000, s0;
	[bflag:$0x2] =	sbarrier.arrive $0xFFFF  }
0xa8: {  	[sflag:s0] =	ssyncadd.tile.s32 @!p0 $0x1;
	_ =	shalt  }
.Lfunc_end2:
_tile_overlayer_lowered:
.L_overlay_start_2:
0xa9: {  	(tag) =	ssettag $0x2  }
0xaa: {  	s0 =	rddreg [dreg:$0x0];
	s2 =	stileid.u32  }
0xab: {  	s1 =	rddreg [dreg:$0x1];
	p0 =	sne.s32 s2, $0x0  }
0xac: {  	s3 =	rddreg [dreg:$0x2];
	[bflag:$0x3] =	sbarrier.arrive $0xFFFF;
	s2 =	simm.s32 @!p0 $0x1C04  }
0xad: {  	[timem:s3], [sflag:s2] =	dma.local @!p0 [hbm:s0], s1  }
0xae: {  	s0 =	simm.s32 @!p0 $0x4  }
0xaf: {  	_ =	swait.ge @!p0 [sflag:s0], s1  }
0xb0: {  	s1 =	ssub.s32 @!p0 $0x0, s1;
	[sflag:s0] =	ssyncset.done @!p0 $0x0  }
0xb1: {  	[sflag:s0] =	ssyncadd.s32 @!p0 s1  }
0xb2: {  	[bflag:$0x3] =	sbarrier.arrive $0xFFFF  }
0xb3: {  	_ =	shalt  }

// kernel: kernel.8.cloned.1.call-start
scs
__scs_entry_jumppad:
0x0: {  	(pc) =	sbr.rel $0x88, $3  }
0x1: {  	(tag) =	ssettag $0x0;
	lr =	simm.s32 $0x1  }
0x2: {  	[smem:$0x3F9E] =	sst lr;
	_ =	strace $0xD0000000  }
0x3: {  	_ = 	snop  }
0x4: {  	_ = 	snop  }
0x5: {  	_ = 	snop  }
0x6: {  	_ = 	snop  }
0x7: {  	_ = 	snop  }
__scs_overlays_trampoline_lowered:
0x8: {  	[smem:$0x3FAD] =	sst s0  }
0x9: {  	[smem:$0x3FAE] =	sst s1  }
0xa: {  	[smem:$0x3FAF] =	sst s2  }
0xb: {  	[smem:$0x3FB0] =	sst s3  }
0xc: {  	[smem:$0x3FB1] =	sst s4  }
0xd: {  	[smem:$0x3FB2] =	sst s5  }
0xe: {  	[smem:$0x3FB3] =	sst s6  }
0xf: {  	[smem:$0x3FB4] =	sst s7  }
0x10: {  	[smem:$0x3FB5] =	sst s8  }
0x11: {  	[smem:$0x3FB6] =	sst s9;
	s0 =	simm.s32 @!p0 $0x0  }
0x12: {  	s1 =	sld [smem:$0x3F9C];
	s0 =	simm.s32 @p0 $0x1  }
0x13: {  	[smem:$0x3FB7] =	sst s0;
	s0 =	simm.s32 @!p1 $0x0  }
0x14: {  	s2 =	sld [smem:$0x3F9B];
	s0 =	simm.s32 @p1 $0x1  }
0x15: {  	[smem:$0x3FB8] =	sst s0;
	s0 =	simm.s32 @!p2 $0x0  }
0x16: {  	s3 =	sld [smem:$0x3FDB];
	s0 =	simm.s32 @p2 $0x1  }
0x17: {  	s4 =	simm.s32 $0x1BF5;
	[smem:$0x3FBA] =	sst s0  }
0x18: {  	s0 =	sld [smem:$0x3F9D];
	_ =	swait.ge [sflag:s4], $0x0  }
0x19: {  	s7 =	sld [smem:$0x3F9E]  }
0x1a: {  	s8 =	sadd.s32 $0xFFFFE003, lr  }
0x1b: {  	s9 =	sadd.s32 $0xFFFFFEF7, lr;
	s5 =	simm.s32 $0xFFFFFFFF;
	p2 =	slt.u32 s8, $0xFFFFF086  }
0x1c: {  	p1 =	slt.u32 s9, $0xF7A;
	s5 =	simm.s32 @!p2 $0x0  }
0x1d: {  	s5 =	simm.s32 @p1 $0x1;
	p0 =	seq.s32 s7, s2  }
0x1e: {  	s7 =	smul.u32 @!p0 $0xF7A, s2;
	p2 =	seq.s32 @!p0 s5, $0x0  }
0x1f: {  	s9 =	smul.u32 $0xF7A, s1;
	s8 =	simm.s32 @!p0 $0x1BF5;
	p2 =	por !p2, p0  }
0x20: {  	[sflag:s8] =	ssyncset.s32 @!p0 $0xFFFFF086;
	s6 =	sadd.s32 @!p0 s3, s7;
	s7 =	simm.s32 @!p0 $0x108  }
0x21: {  	s3 =	sadd.s32 s3, s9;
	s6 =	sadd.s32 @!p0 $0x88, s6;
	s7 =	simm.s32 @p2 $0x1082  }
0x22: {  	[simem:s7], [sflag:s8] =	dma.local @!p0 [hbm:s6], $0xF7A  }
0x23: {  	s9 =	sor.u32 $0xD0000000, s2;
	s6 =	simm.s32 $0x108;
	_ =	swait.ge @!p0 [sflag:s8], $0x0  }
0x24: {  	s3 =	sadd.s32 $0x88, s3;
	s6 =	simm.s32 @!p1 $0x1082;
	[sflag:s4] =	ssyncset.s32 $0xFFFFF086  }
0x25: {  	[simem:s6], [sflag:s4] =	dma.local [hbm:s3], $0xF7A  }
0x26: {  	[smem:$0x3F9E] =	sst s1;
	(tag) =	ssettag s2;
	_ =	strace s9  }
0x27: {  	s1 =	sld [smem:$0x3FAE]  }
0x28: {  	s2 =	sld [smem:$0x3FAF]  }
0x29: {  	s4 =	sld [smem:$0x3FB1]  }
0x2a: {  	p0 =	seq.s32 s5, $0x0;
	s5 =	sld [smem:$0x3FB2]  }
0x2b: {  	s6 =	sld [smem:$0x3FB3]  }
0x2c: {  	s7 =	sld [smem:$0x3FB4]  }
0x2d: {  	s3 =	simm.s32 $0x108;
	s8 =	sld [smem:$0x3FB5]  }
0x2e: {  	s3 =	simm.s32 @!p0 $0x1082;
	s9 =	sld [smem:$0x3FB6]  }
0x2f: {  	lr =	sadd.s32 s0, s3;
	s0 =	sld [smem:$0x3FAD]  }
0x30: {  	s3 =	sld [smem:$0x3FB0]  }
0x31: {  	[smem:$0x3FB9] =	sst s10  }
0x32: {  	s10 =	sld [smem:$0x3FB7];
	_ =	sdelay $0x3  }
0x33: {  	p0 =	seq.s32 s10, $0x1;
	s10 =	sld [smem:$0x3FB9];
	_ =	sdelay $0x3  }
0x34: {  	[smem:$0x3FB9] =	sst s10  }
0x35: {  	s10 =	sld [smem:$0x3FB8];
	_ =	sdelay $0x3  }
0x36: {  	p1 =	seq.s32 s10, $0x1;
	s10 =	sld [smem:$0x3FB9];
	_ =	sdelay $0x3  }
0x37: {  	[smem:$0x3FB9] =	sst s10  }
0x38: {  	s10 =	sld [smem:$0x3FBA]  }
0x39: {  	_ = 	snop;
	(pc) =	sbr.ind lr, $3  }
0x3a: {  	_ = 	snop  }
0x3b: {  	_ = 	snop  }
0x3c: {  	p2 =	seq.s32 s10, $0x1;
	s10 =	sld [smem:$0x3FB9]  }
0x3d: {  	_ =	shalt  }
0x3e: {  	_ =	shalt  }
0x3f: {  	_ =	shalt  }
0x40: {  	_ =	shalt  }
0x41: {  	_ =	shalt  }
0x42: {  	_ =	shalt  }
0x43: {  	_ =	shalt  }
0x44: {  	_ =	shalt  }
0x45: {  	_ =	shalt  }
0x46: {  	_ =	shalt  }
0x47: {  	_ =	shalt  }
0x48: {  	_ =	shalt  }
0x49: {  	_ =	shalt  }
0x4a: {  	_ =	shalt  }
0x4b: {  	_ =	shalt  }
0x4c: {  	_ =	shalt  }
0x4d: {  	_ =	shalt  }
0x4e: {  	_ =	shalt  }
0x4f: {  	_ =	shalt  }
0x50: {  	_ =	shalt  }
0x51: {  	_ =	shalt  }
0x52: {  	_ =	shalt  }
0x53: {  	_ =	shalt  }
0x54: {  	_ =	shalt  }
0x55: {  	_ =	shalt  }
0x56: {  	_ =	shalt  }
0x57: {  	_ =	shalt  }
0x58: {  	_ =	shalt  }
0x59: {  	_ =	shalt  }
0x5a: {  	_ =	shalt  }
0x5b: {  	_ =	shalt  }
0x5c: {  	_ =	shalt  }
0x5d: {  	_ =	shalt  }
0x5e: {  	_ =	shalt  }
0x5f: {  	_ =	shalt  }
0x60: {  	_ =	shalt  }
0x61: {  	_ =	shalt  }
0x62: {  	_ =	shalt  }
0x63: {  	_ =	shalt  }
0x64: {  	_ =	shalt  }
0x65: {  	_ =	shalt  }
0x66: {  	_ =	shalt  }
0x67: {  	_ =	shalt  }
0x68: {  	_ =	shalt  }
0x69: {  	_ =	shalt  }
0x6a: {  	_ =	shalt  }
0x6b: {  	_ =	shalt  }
0x6c: {  	_ =	shalt  }
0x6d: {  	_ =	shalt  }
0x6e: {  	_ =	shalt  }
0x6f: {  	_ =	shalt  }
0x70: {  	_ =	shalt  }
0x71: {  	_ =	shalt  }
0x72: {  	_ =	shalt  }
0x73: {  	_ =	shalt  }
0x74: {  	_ =	shalt  }
0x75: {  	_ =	shalt  }
0x76: {  	_ =	shalt  }
0x77: {  	_ =	shalt  }
0x78: {  	_ =	shalt  }
0x79: {  	_ =	shalt  }
0x7a: {  	_ =	shalt  }
0x7b: {  	_ =	shalt  }
0x7c: {  	_ =	shalt  }
0x7d: {  	_ =	shalt  }
0x7e: {  	_ =	shalt  }
0x7f: {  	_ =	shalt  }
0x80: {  	_ =	shalt  }
0x81: {  	_ =	shalt  }
0x82: {  	_ =	shalt  }
0x83: {  	_ =	shalt  }
0x84: {  	_ =	shalt  }
0x85: {  	_ =	shalt  }
0x86: {  	_ =	shalt  }
0x87: {  	_ =	shalt  }
.Lfunc_end0:
.L_simem_size_0:
called_computation_lowered:
.L_overlay_start_0:
0x88: {  	s2 =	sld [smem:$0x3FD9]  }
0x89: {  	s3 =	sld [smem:$0x3FFE];
	_ =	sdelay $0x1  }
0x8a: {  	s1 =	srdreg.scid  }
0x8b: {  	s0 =	sand.u32 $0x1, s1  }
0x8c: {  	s16 =	sshll.u32 s0, $0xA;
	s2 =	sadd.s32 s3, s2  }
0x8d: {  	s2 =	sadd.s32 s2, s16  }
0x8e: {  	[smem:$0x3FC5] =	sst s2  }
0x8f: {  	_ = 	snop  }
0x90: {  	(tm) =	ssettm $0x1  }
0x91: {  	s17 =	sld [smem:$0x3FFB];
	_ =	sdelay $0x3  }
0x92: {  	_ =	strace s17  }
0x93: {  	s2 =	sld [smem:$0x3FFC];
	_ =	sdelay $0x3  }
0x94: {  	_ =	strace s2  }
0x95: {  	s2 =	sld [smem:$0x3FFD];
	_ =	sdelay $0x3  }
0x96: {  	_ =	strace s2  }
0x97: {  	_ =	strace $0x8FFFFFFF  }
0x98: {  	s18 =	sld [smem:$0x3FDB];
	_ =	sdelay $0x1  }
0x99: {  	s19 =	simm.s32 $_scs_section_size  }
0x9a: {  	s4 =	simm.s32 $_size__tile_overlayer_lowered;
	s5 =	simm.s32 $_tile_overlayer_lowered  }
0x9b: {  	s22 =	simm.s32 $0x1BFF;
	s21 =	sshll.u32 s5, $0x1;
	s2 =	sadd.s32 s19, s18  }
0x9c: {  	s6 =	simm.s32 $0x0;
	s20 =	sshll.u32 s4, $0x1;
	s4 =	sadd.s32 s21, s2  }
0x9d: {  	[timem:s6], [sflag:s22] =	dma.local [hbm:s4], s20  }
0x9e: {  	_ =	swait.ge [sflag:s22], s20  }
0x9f: {  	s3 =	ssub.s32 $0x0, s20;
	[sflag:s22] =	ssyncset.done $0x0  }
0xa0: {  	[sflag:s22] =	ssyncadd.s32 s3;
	_ =	sdelay $0x1  }
0xa1: {  	s23 =	simm.s32 $0x1B8B  }
0xa2: {  	_ =	swait.ge [sflag:s23], $0x1  }
0xa3: {  	[sflag:s23] =	ssyncset.done $0x0  }
0xa4: {  	s25 =	simm.s32 $0x1B8E;
	s24 =	sld [smem:$0x3FFE];
	[sflag:s23] =	ssyncadd.s32 $0xFFFFFFFF  }
0xa5: {  	s26 =	simm.s32 $execute0_lowered;
	[smem:$0x3FD2] =	sst s25  }
0xa6: {  	s4 =	sshll.u32 s26, $0x1;
	_ =	strace $0x80000046;
	[dreg:$0x1] =	wrdreg $0xFFFFFFFF  }
0xa7: {  	s28 =	simm.s32 $_size_execute0_lowered;
	s2 =	sadd.s32 s2, s4;
	[dreg:$0x0] =	wrdreg $0x0  }
0xa8: {  	s4 =	sshll.u32 s28, $0x1;
	[dreg:$0x2] =	wrdreg s2  }
0xa9: {  	[dreg:$0x3] =	wrdreg s4  }
0xaa: {  	[dreg:$0x4] =	wrdreg $0xC0  }
0xab: {  	_ =	task [dreg:s6], $0x5FFFF  }
0xac: {  	[dreg:$0x1] =	wrdreg $0xFFFFFFFF  }
0xad: {  	[dreg:$0x0] =	wrdreg $0x60  }
0xae: {  	[dreg:$0x2] =	wrdreg s24  }
0xaf: {  	[dreg:$0x3] =	wrdreg $0x9  }
0xb0: {  	_ =	task.clear_ibuf [dreg:s6], $0x4FFFF;
	_ =	strace $0x90000046  }
0xb1: {  	s29 =	simm.s32 $0x9;
	_ =	strace $0x80000048  }
0xb2: {  	_ =	swait.ge [sflag:s29], $0x1  }
0xb3: {  	[sflag:s29] =	ssyncadd.s32 $0xFFFFFFFF  }
0xb4: {  	_ =	strace $0x90000048  }
0xb5: {  	_ =	sfence  }
0xb6: {  	s30 =	sld [smem:$0x0];
	_ =	sdelay $0x2  }
0xb7: {  	s31 =	sshll.u32 s1, $0xD;
	s1 =	sshrl.u32 s1, $0x2  }
0xb8: {  	s3 =	sand.u32 $0x4000, s31;
	s1 =	sadd.s32 s1, s30  }
0xb9: {  	s0 =	sor.u32 s3, s0;
	s1 =	sshll.u32 s1, $0x11  }
0xba: {  	s0 =	sor.u32 s1, s0  }
0xbb: {  	s0 =	sadd.s32 $0x8F2B, s0  }
0xbc: {  	[sflag:s0] =	ssyncadd.remote.s32 $0x1  }
0xbd: {  	_ =	sfence.sel $0xFFFF  }
0xbe: {  	[dreg:$0x0] =	wrdreg $0xFFFFFFFF;
	(pc) =	sbr.abs _section_cstart, $3  }
0xbf: {  	[dreg:$0x1] =	wrdreg $0xFFFFFFFF  }
0xc0: {  	_ =	task.clear_ibuf [dreg:s6], $0x2FFFF;
	_ =	strace $0x9FFFFFFF  }
0xc1: {  	(tm) =	ssettm $0x7FFFFFFF  }
tec
execute0_lowered:
.L_overlay_start_1:
0x0: {  	(tag) =	ssettag $0x1  }
0x1: {  	s4 =	rddreg [dreg:$0x0]  }
0x2: {  	s0 =	rddreg [dreg:$0x1]  }
0x3: {  	s2 =	simm.s32 $0x0;
	s3 =	srdreg.scid;
	s1 =	stileid.u32  }
0x4: {  	s13 =	simm.s32 $0x1;
	s14 =	simm.s32 $0x40;
	s15 =	simm.s32 $0x100  }
0x5: {  	s16 =	simm.s32 $0x4200;
	s17 =	simm.s32 $0x180;
	s18 =	simm.s32 $0x6200  }
0x6: {  	s19 =	simm.s32 $0x2;
	s20 =	simm.s32 $0x3;
	s6 =	smul.u32 $0x190000, s1  }
0x7: {  	s21 =	simm.s32 $0x0;
	s5 =	sand.u32 $0x1, s3;
	s10 =	smul.u32 $0x6400, s1  }
0x8: {  	[smem:$0x7FF] =	sst s2;
	s3 =	sadd.s32 $0xD800, s4;
	s7 =	smul.u32 $0xC8000, s5  }
0x9: {  	s8 =	sadd.s32 $0x1000, s4;
	s9 =	ssub.s32 $0x2, s5;
	s24 =	smul.u32 $0x3200, s5  }
0xa: {  	s12 =	sadd.s32 $0xD1800, s4;
	_ =	strace $0x80000047;
	s11 =	sshrl.u32 s9, $0x1  }
0xb: {  	s6 =	sadd.s32 s7, s6;
	s25 =	ssub.s32 s9, s11;
	s7 =	sadd.s32 s24, s10  }
0xc: {  	s9 =	simm.s32 $0x4;
	s10 =	simm.s32 $0x80;
	s11 =	simm.s32 $0x200  }
0xd: {  	s26 =	sshrl.u32 s6, $0x3;
	s4 =	smax.u32 s25, $0x1;
	s28 =	sshrl.u32 s7, $0x3  }
0xe: {  	s29 =	sor.u32 $0x4000, s6;
	s7 =	sor.u32 $0x100, s7;
	s5 =	sadd.s32 s26, s12  }
0xf: {  	s6 =	sadd.s32 s28, s8;
	s30 =	sshrl.u32 s29, $0x3;
	s31 =	sshrl.u32 s7, $0x3  }
0x10: {  	s7 =	sadd.s32 s30, s12;
	s8 =	sadd.s32 s31, s8;
	s12 =	simm.s32 $0x2200  }
.LBB2_1:
0x11: {  	p0 =	por $0x1, $0x1  }
0x12: {  	s22 =	simm.s32 @!p0 $0x2  }
0x13: {  	_ =	swait.ge @!p0 [sflag:s22], $0x2000  }
0x14: {  	[sflag:s22] =	ssyncset.done @!p0 $0x0  }
0x15: {  	[sflag:s22] =	ssyncadd.s32 @!p0 $0xFFFFE000  }
0x16: {  	_ =	swait.ge @!p0 [sflag:s22], $0x2000  }
0x17: {  	[sflag:s22] =	ssyncset.done @!p0 $0x0  }
0x18: {  	[sflag:s22] =	ssyncadd.s32 @!p0 $0xFFFFE000  }
0x19: {  	[tilespmem:s2], [sflag:$0x4] =	stream.linear.gather [hbm4b:s6+s2], $0x100, $0x38;
	[tilespmem:$0x8200] =	vst v63  }
0x1a: {  	_ =	swait.ge [sflag:s9], $0x100  }
0x1b: {  	[sflag:s9] =	ssyncset.done $0x0  }
0x1c: {  	[sflag:s9] =	ssyncadd.s32 $0xFFFFFF00  }
0x1d: {  	[tilespmem:s11], [sflag:$0x1] =	stream.indirect.gather [hbm4b:s3+s10], $0x40, s2, s10, $0xb8;
	[tilespmem:$0x8200] =	vst v63  }
0x1e: {  	_ = 	snop  }
0x1f: {  	[tilespmem:s12], [sflag:$0x1] =	stream.indirect.gather [hbm4b:s3+s10], $0x40, s10, s10, $0xb8;
	[tilespmem:$0x8200] =	vst v63  }
0x20: {  	_ =	swait.ge [sflag:s13], $0x2000  }
0x21: {  	[sflag:s13] =	ssyncset.done $0x0  }
0x22: {  	[sflag:s13] =	ssyncadd.s32 $0xFFFFE000  }
0x23: {  	_ =	swait.ge [sflag:s13], $0x2000  }
0x24: {  	[sflag:s13] =	ssyncset.done $0x0  }
0x25: {  	s31 =	sadd.s32 $0x0, s5;
	[sflag:s13] =	ssyncadd.s32 $0xFFFFE000  }
0x26: {  	[hbm4b:s31+s14] =	stream.strided.scatter [tilespmem:s11], [sflag:$0x2], $0x2000, s10, s14, $0x38;
	[tilespmem:$0x8200] =	vst v63  }
0x27: {  	s23 =	simm.s32 @!p0 $0x3;
	s22 =	sadd.s32 $0x8, s31  }
0x28: {  	[hbm4b:s22+s14] =	stream.strided.scatter [tilespmem:s12], [sflag:$0x2], $0x2000, s10, s14, $0x38;
	[tilespmem:$0x8200] =	vst v63  }
0x29: {  	_ =	swait.ge @!p0 [sflag:s23], $0x2000  }
0x2a: {  	[sflag:s23] =	ssyncset.done @!p0 $0x0  }
0x2b: {  	[sflag:s23] =	ssyncadd.s32 @!p0 $0xFFFFE000  }
0x2c: {  	_ =	swait.ge @!p0 [sflag:s23], $0x2000  }
0x2d: {  	[sflag:s23] =	ssyncset.done @!p0 $0x0  }
0x2e: {  	[sflag:s23] =	ssyncadd.s32 @!p0 $0xFFFFE000  }
0x2f: {  	[tilespmem:s15], [sflag:$0x4] =	stream.linear.gather [hbm4b:s8+s2], $0x100, $0x38;
	[tilespmem:$0x8200] =	vst v63  }
0x30: {  	_ =	swait.ge [sflag:s9], $0x100  }
0x31: {  	[sflag:s9] =	ssyncset.done $0x0  }
0x32: {  	[sflag:s9] =	ssyncadd.s32 $0xFFFFFF00  }
0x33: {  	[tilespmem:s16], [sflag:$0x1] =	stream.indirect.gather [hbm4b:s3+s10], $0x40, s15, s10, $0xb8;
	[tilespmem:$0x8200] =	vst v63  }
0x34: {  	_ = 	snop  }
0x35: {  	[tilespmem:s18], [sflag:$0x1] =	stream.indirect.gather [hbm4b:s3+s10], $0x40, s17, s10, $0xb8;
	[tilespmem:$0x8200] =	vst v63  }
0x36: {  	_ =	swait.ge [sflag:s13], $0x2000  }
0x37: {  	[sflag:s13] =	ssyncset.done $0x0  }
0x38: {  	s25 =	simm.s32 $0x2000;
	[sflag:s13] =	ssyncadd.s32 $0xFFFFE000  }
0x39: {  	s26 =	sadd.s32 $0x0, s7;
	s24 =	sadd.s32 $0x40, s6;
	_ =	swait.ge [sflag:s13], $0x2000  }
0x3a: {  	s28 =	sadd.s32 $0x8, s26;
	s22 =	simm.s32 $0x1000;
	[sflag:s13] =	ssyncset.done $0x0  }
0x3b: {  	s23 =	sadd.s32 $0x40, s8;
	p0 =	por $0x0, $0x0;
	[sflag:s13] =	ssyncadd.s32 $0xFFFFE000  }
.LBB2_2:
0x3c: {  	[hbm4b:s26+s14] =	stream.strided.scatter [tilespmem:s16], [sflag:$0x3], $0x2000, s10, s14, $0x38;
	[tilespmem:$0x8200] =	vst v63  }
0x3d: {  	s26 =	smov.u32 s22;
	s22 =	smov.u32 s25  }
0x3e: {  	s25 =	sadd.s32 $0x1000, s25;
	s29 =	simm.s32 @!p0 $0x2  }
0x3f: {  	[hbm4b:s28+s14] =	stream.strided.scatter [tilespmem:s18], [sflag:$0x3], $0x2000, s10, s14, $0x38;
	[tilespmem:$0x8200] =	vst v63  }
0x40: {  	p1 =	sne.s32 s25, $0x19000;
	_ =	swait.ge @!p0 [sflag:s29], $0x2000  }
0x41: {  	[sflag:s29] =	ssyncset.done @!p0 $0x0  }
0x42: {  	[sflag:s29] =	ssyncadd.s32 @!p0 $0xFFFFE000  }
0x43: {  	_ =	swait.ge @!p0 [sflag:s29], $0x2000  }
0x44: {  	[sflag:s29] =	ssyncset.done @!p0 $0x0  }
0x45: {  	[sflag:s29] =	ssyncadd.s32 @!p0 $0xFFFFE000  }
0x46: {  	[tilespmem:s2], [sflag:$0x4] =	stream.linear.gather [hbm4b:s24+s2], $0x100, $0x38;
	[tilespmem:$0x8200] =	vst v63  }
0x47: {  	_ =	swait.ge [sflag:s9], $0x100  }
0x48: {  	[sflag:s9] =	ssyncset.done $0x0  }
0x49: {  	[sflag:s9] =	ssyncadd.s32 $0xFFFFFF00  }
0x4a: {  	[tilespmem:s11], [sflag:$0x1] =	stream.indirect.gather [hbm4b:s3+s10], $0x40, s2, s10, $0xb8;
	[tilespmem:$0x8200] =	vst v63  }
0x4b: {  	_ = 	snop  }
0x4c: {  	[tilespmem:s12], [sflag:$0x1] =	stream.indirect.gather [hbm4b:s3+s10], $0x40, s10, s10, $0xb8;
	[tilespmem:$0x8200] =	vst v63  }
0x4d: {  	_ =	swait.ge [sflag:s13], $0x2000  }
0x4e: {  	[sflag:s13] =	ssyncset.done $0x0  }
0x4f: {  	[sflag:s13] =	ssyncadd.s32 $0xFFFFE000  }
0x50: {  	_ =	swait.ge [sflag:s13], $0x2000  }
0x51: {  	s28 =	sadd.s32 s26, s5;
	[sflag:s13] =	ssyncset.done $0x0  }
0x52: {  	[sflag:s13] =	ssyncadd.s32 $0xFFFFE000  }
0x53: {  	[hbm4b:s28+s14] =	stream.strided.scatter [tilespmem:s11], [sflag:$0x2], $0x2000, s10, s14, $0x38;
	[tilespmem:$0x8200] =	vst v63  }
0x54: {  	s29 =	simm.s32 @!p0 $0x3;
	s28 =	sadd.s32 $0x8, s28  }
0x55: {  	[hbm4b:s28+s14] =	stream.strided.scatter [tilespmem:s12], [sflag:$0x2], $0x2000, s10, s14, $0x38;
	[tilespmem:$0x8200] =	vst v63  }
0x56: {  	_ =	swait.ge @!p0 [sflag:s29], $0x2000  }
0x57: {  	[sflag:s29] =	ssyncset.done @!p0 $0x0  }
0x58: {  	[sflag:s29] =	ssyncadd.s32 @!p0 $0xFFFFE000  }
0x59: {  	_ =	swait.ge @!p0 [sflag:s29], $0x2000  }
0x5a: {  	[sflag:s29] =	ssyncset.done @!p0 $0x0  }
0x5b: {  	[sflag:s29] =	ssyncadd.s32 @!p0 $0xFFFFE000  }
0x5c: {  	[tilespmem:s15], [sflag:$0x4] =	stream.linear.gather [hbm4b:s23+s2], $0x100, $0x38;
	[tilespmem:$0x8200] =	vst v63  }
0x5d: {  	_ =	swait.ge [sflag:s9], $0x100  }
0x5e: {  	[sflag:s9] =	ssyncset.done $0x0  }
0x5f: {  	[sflag:s9] =	ssyncadd.s32 $0xFFFFFF00  }
0x60: {  	[tilespmem:s16], [sflag:$0x1] =	stream.indirect.gather [hbm4b:s3+s10], $0x40, s15, s10, $0xb8;
	[tilespmem:$0x8200] =	vst v63  }
0x61: {  	_ = 	snop  }
0x62: {  	[tilespmem:s18], [sflag:$0x1] =	stream.indirect.gather [hbm4b:s3+s10], $0x40, s17, s10, $0xb8;
	[tilespmem:$0x8200] =	vst v63  }
0x63: {  	_ =	swait.ge [sflag:s13], $0x2000  }
.Ltmp0:
0x64: {  	[sflag:s13] =	ssyncset.done $0x0;
	(pc) =	sbr.rel @p1 .LBB2_2-.Ltmp0, $4  }
0x65: {  	[sflag:s13] =	ssyncadd.s32 $0xFFFFE000  }
0x66: {  	s23 =	sadd.s32 $0x40, s23;
	_ =	swait.ge [sflag:s13], $0x2000  }
0x67: {  	s26 =	sadd.s32 s26, s7;
	p0 =	seq.s32 s22, $0x0;
	[sflag:s13] =	ssyncset.done $0x0  }
0x68: {  	s24 =	sadd.s32 $0x40, s24;
	s28 =	sadd.s32 $0x8, s26;
	[sflag:s13] =	ssyncadd.s32 $0xFFFFE000  }
0x69: {  	[hbm4b:s26+s14] =	stream.strided.scatter [tilespmem:s16], [sflag:$0x3], $0x2000, s10, s14, $0x38;
	[tilespmem:$0x8200] =	vst v63  }
0x6a: {  	s25 =	simm.s32 @!p0 $0x2  }
0x6b: {  	[hbm4b:s28+s14] =	stream.strided.scatter [tilespmem:s18], [sflag:$0x3], $0x2000, s10, s14, $0x38;
	[tilespmem:$0x8200] =	vst v63  }
0x6c: {  	_ =	swait.ge @!p0 [sflag:s25], $0x2000  }
0x6d: {  	[sflag:s25] =	ssyncset.done @!p0 $0x0  }
0x6e: {  	[sflag:s25] =	ssyncadd.s32 @!p0 $0xFFFFE000  }
0x6f: {  	_ =	swait.ge @!p0 [sflag:s25], $0x2000  }
0x70: {  	[sflag:s25] =	ssyncset.done @!p0 $0x0  }
0x71: {  	[sflag:s25] =	ssyncadd.s32 @!p0 $0xFFFFE000  }
0x72: {  	[tilespmem:s2], [sflag:$0x4] =	stream.linear.gather [hbm4b:s24+s2], $0x100, $0x38;
	[tilespmem:$0x8200] =	vst v63  }
0x73: {  	_ =	swait.ge [sflag:s9], $0x100  }
0x74: {  	[sflag:s9] =	ssyncset.done $0x0  }
0x75: {  	[sflag:s9] =	ssyncadd.s32 $0xFFFFFF00  }
0x76: {  	[tilespmem:s11], [sflag:$0x1] =	stream.indirect.gather [hbm4b:s3+s10], $0x40, s2, s10, $0xb8;
	[tilespmem:$0x8200] =	vst v63  }
0x77: {  	_ = 	snop  }
0x78: {  	[tilespmem:s12], [sflag:$0x1] =	stream.indirect.gather [hbm4b:s3+s10], $0x40, s10, s10, $0xb8;
	[tilespmem:$0x8200] =	vst v63  }
0x79: {  	_ =	swait.ge [sflag:s13], $0x2000  }
0x7a: {  	[sflag:s13] =	ssyncset.done $0x0  }
0x7b: {  	[sflag:s13] =	ssyncadd.s32 $0xFFFFE000  }
0x7c: {  	_ =	swait.ge [sflag:s13], $0x2000  }
0x7d: {  	[sflag:s13] =	ssyncset.done $0x0  }
0x7e: {  	s30 =	sadd.s32 s22, s5;
	[sflag:s13] =	ssyncadd.s32 $0xFFFFE000  }
0x7f: {  	[hbm4b:s30+s14] =	stream.strided.scatter [tilespmem:s11], [sflag:$0x2], $0x2000, s10, s14, $0x38;
	[tilespmem:$0x8200] =	vst v63  }
0x80: {  	s25 =	simm.s32 @!p0 $0x3;
	s24 =	sadd.s32 $0x8, s30  }
0x81: {  	[hbm4b:s24+s14] =	stream.strided.scatter [tilespmem:s12], [sflag:$0x2], $0x2000, s10, s14, $0x38;
	[tilespmem:$0x8200] =	vst v63  }
0x82: {  	_ =	swait.ge @!p0 [sflag:s25], $0x2000  }
0x83: {  	[sflag:s25] =	ssyncset.done @!p0 $0x0  }
0x84: {  	[sflag:s25] =	ssyncadd.s32 @!p0 $0xFFFFE000  }
0x85: {  	_ =	swait.ge @!p0 [sflag:s25], $0x2000  }
0x86: {  	[sflag:s25] =	ssyncset.done @!p0 $0x0  }
0x87: {  	[sflag:s25] =	ssyncadd.s32 @!p0 $0xFFFFE000  }
0x88: {  	[tilespmem:s15], [sflag:$0x4] =	stream.linear.gather [hbm4b:s23+s2], $0x100, $0x38;
	[tilespmem:$0x8200] =	vst v63  }
0x89: {  	_ =	swait.ge [sflag:s9], $0x100  }
0x8a: {  	[sflag:s9] =	ssyncset.done $0x0  }
0x8b: {  	[sflag:s9] =	ssyncadd.s32 $0xFFFFFF00  }
0x8c: {  	[tilespmem:s16], [sflag:$0x1] =	stream.indirect.gather [hbm4b:s3+s10], $0x40, s15, s10, $0xb8;
	[tilespmem:$0x8200] =	vst v63  }
0x8d: {  	_ = 	snop  }
0x8e: {  	[tilespmem:s18], [sflag:$0x1] =	stream.indirect.gather [hbm4b:s3+s10], $0x40, s17, s10, $0xb8;
	[tilespmem:$0x8200] =	vst v63  }
0x8f: {  	_ =	swait.ge [sflag:s13], $0x2000  }
0x90: {  	[sflag:s13] =	ssyncset.done $0x0  }
0x91: {  	[sflag:s13] =	ssyncadd.s32 $0xFFFFE000  }
0x92: {  	_ =	swait.ge [sflag:s13], $0x2000  }
0x93: {  	[sflag:s13] =	ssyncset.done $0x0  }
0x94: {  	s31 =	sadd.s32 s22, s7;
	[sflag:s13] =	ssyncadd.s32 $0xFFFFE000  }
0x95: {  	[hbm4b:s31+s14] =	stream.strided.scatter [tilespmem:s16], [sflag:$0x3], $0x2000, s10, s14, $0x38;
	[tilespmem:$0x8200] =	vst v63  }
0x96: {  	s22 =	sadd.s32 $0x8, s31  }
0x97: {  	[hbm4b:s22+s14] =	stream.strided.scatter [tilespmem:s18], [sflag:$0x3], $0x2000, s10, s14, $0x38;
	[tilespmem:$0x8200] =	vst v63  }
0x98: {  	_ =	swait.ge [sflag:s19], $0x2000  }
0x99: {  	[sflag:s19] =	ssyncset.done $0x0  }
0x9a: {  	[sflag:s19] =	ssyncadd.s32 $0xFFFFE000  }
0x9b: {  	_ =	swait.ge [sflag:s19], $0x2000  }
0x9c: {  	[sflag:s19] =	ssyncset.done $0x0  }
0x9d: {  	s21 =	sadd.s32 $0x1, s21;
	[sflag:s19] =	ssyncadd.s32 $0xFFFFE000  }
0x9e: {  	p0 =	sne.s32 s21, s4;
	_ =	swait.ge [sflag:s20], $0x2000  }
.Ltmp1:
0x9f: {  	[sflag:s20] =	ssyncset.done $0x0;
	(pc) =	sbr.rel @p0 .LBB2_1-.Ltmp1, $4  }
0xa0: {  	[sflag:s20] =	ssyncadd.s32 $0xFFFFE000  }
0xa1: {  	_ =	swait.ge [sflag:s20], $0x2000  }
0xa2: {  	[sflag:s20] =	ssyncset.done $0x0  }
0xa3: {  	[sflag:s20] =	ssyncadd.s32 $0xFFFFE000  }
0xa4: {  	_ =	sfence.sel $0x180000  }
0xa5: {  	[bflag:$0x0] =	sbarrier.arrive $0xFFFF  }
0xa6: {  	p0 =	sne.s32 s1, $0x0;
	_ =	strace $0x90000047  }
0xa7: {  	s0 =	sadd.s32 @!p0 $0x100000, s0;
	[bflag:$0x2] =	sbarrier.arrive $0xFFFF  }
0xa8: {  	[sflag:s0] =	ssyncadd.tile.s32 @!p0 $0x1;
	_ =	shalt  }
.Lfunc_end2:
_tile_overlayer_lowered:
.L_overlay_start_2:
0xa9: {  	(tag) =	ssettag $0x2  }
0xaa: {  	s0 =	rddreg [dreg:$0x0];
	s2 =	stileid.u32  }
0xab: {  	s1 =	rddreg [dreg:$0x1];
	p0 =	sne.s32 s2, $0x0  }
0xac: {  	s3 =	rddreg [dreg:$0x2];
	[bflag:$0x3] =	sbarrier.arrive $0xFFFF;
	s2 =	simm.s32 @!p0 $0x1C04  }
0xad: {  	[timem:s3], [sflag:s2] =	dma.local @!p0 [hbm:s0], s1  }
0xae: {  	s0 =	simm.s32 @!p0 $0x4  }
0xaf: {  	_ =	swait.ge @!p0 [sflag:s0], s1  }
0xb0: {  	s1 =	ssub.s32 @!p0 $0x0, s1;
	[sflag:s0] =	ssyncset.done @!p0 $0x0  }
0xb1: {  	[sflag:s0] =	ssyncadd.s32 @!p0 s1  }
0xb2: {  	[bflag:$0x3] =	sbarrier.arrive $0xFFFF  }
0xb3: {  	_ =	shalt  }

</sc_bundles>
